<compile_context>
chip_gen: v7x
topology: tpu7x:2x2x1
jax: 0.10.2.dev20260603
libtpu: 0.0.44.dev20260713+nightly
codegen_flags: <defaults>
</compile_context>

<pallas_src>
import dataclasses

import jax
import jax.numpy as jnp
from jax import lax
from jax.experimental import pallas as pl
from jax.experimental.pallas import tpu as pltpu
from jax.experimental.pallas import tpu_sc as plsc

N = 10000
D = 128
E = 320000
C = 112
NT = 16
NCHUNK = 180
EPAD = NT * NCHUNK * C
WCH = EPAD // (32 * C)
NG = C // 16
SB = 624
SREM = N - SB * NT

_mesh = plsc.VectorSubcoreMesh(core_axis_name="c", subcore_axis_name="s")
_f32 = jnp.float32
_i32 = jnp.int32
_u32 = jnp.uint32
_bf16 = jnp.bfloat16

_sc_params = dataclasses.replace(
    pltpu.CompilerParams(),
    needs_layout_passes=False,
    use_tc_tiling_on_sc=False,
)


def _deg_body(dstd, ewd, zeros1, degp, dstb, ewb, degb, acc, sem):
    c = lax.axis_index("c")
    s = lax.axis_index("s")
    w = s * 2 + c
    pltpu.sync_copy(dstd.at[w], dstb)
    pltpu.sync_copy(ewd.at[w], ewb)

    @pl.when(s == 0)
    def _():
        pltpu.sync_copy(zeros1, degb)
        pltpu.sync_copy(degb, acc)

    plsc.subcore_barrier()

    @pl.loop(0, WCH)
    def _(j):
        pltpu.async_copy(ewb.at[j], acc.at[dstb.at[j]], sem, add=True)

    @pl.loop(0, WCH)
    def _(j):
        pltpu.make_async_copy(ewb.at[0], acc.at[dstb.at[0]], sem).wait()

    plsc.subcore_barrier()

    @pl.when(s == 0)
    def _():
        pltpu.sync_copy(acc, degb)
        pltpu.sync_copy(degb, degp.at[pl.ds(c * N, N)])


_deg_call = pl.kernel(
    _deg_body,
    out_type=jax.ShapeDtypeStruct((2 * N,), _f32),
    mesh=_mesh,
    scratch_types=[
        pltpu.VMEM((WCH, C), _i32),
        pltpu.VMEM((WCH, C), _f32),
        pltpu.VMEM((N,), _f32),
        pltpu.VMEM_SHARED((N,), _f32),
        pltpu.SemaphoreType.DMA,
    ],
    compiler_params=_sc_params,
)


def _mm_body(x_ref, w_ref, h_ref):
    h_ref[...] = jnp.dot(x_ref[...], w_ref[0],
                         preferred_element_type=_f32).astype(_bf16)


_MMB = 2000


def _mm_call(x, ws):
    return pl.pallas_call(
        _mm_body,
        grid=(2, N // _MMB),
        in_specs=[
            pl.BlockSpec((_MMB, D), lambda q, i: (i, 0)),
            pl.BlockSpec((1, D, D), lambda q, i: (q, 0, 0)),
        ],
        out_specs=pl.BlockSpec((_MMB, D), lambda q, i: (q * (N // _MMB) + i, 0)),
        out_shape=jax.ShapeDtypeStruct((2 * N, D), _bf16),
    )(x, ws)


def _dinv_body(deg_ref, dinv_ref):
    dsum = deg_ref[0, :] + deg_ref[1, :]
    dinv_ref[...] = lax.rsqrt(jnp.clip(dsum, 1e-6, None)).reshape(1, -1)


def _dinv_call(deg2):
    return pl.pallas_call(
        _dinv_body,
        grid=(1,),
        in_specs=[pl.BlockSpec((2, N), lambda i: (0, 0))],
        out_specs=pl.BlockSpec((1, N), lambda i: (0, 0)),
        out_shape=jax.ShapeDtypeStruct((1, N), _f32),
    )(deg2)


def _norm_body(srcd, dstd, ewd, dinv, pstack, normd, pidxd,
               srcb, dstb, ewb, p1o, p2o, dinvb, p1b, p2b):
    c = lax.axis_index("c")
    s = lax.axis_index("s")
    w = s * 2 + c
    pltpu.sync_copy(srcd.at[w], srcb)
    pltpu.sync_copy(dstd.at[w], dstb)
    pltpu.sync_copy(ewd.at[w], ewb)
    pltpu.sync_copy(dinv, dinvb)
    pltpu.sync_copy(pstack.at[0], p1b)
    pltpu.sync_copy(pstack.at[1], p2b)

    @pl.loop(0, WCH)
    def _(j):
        for g in range(NG):
            sl = pl.ds(g * 16, 16)
            s16 = srcb[j, sl]
            d16 = dstb[j, sl]
            w16 = ewb[j, sl]
            ewb[j, sl] = (w16 * plsc.load_gather(dinvb, [s16])
                          * plsc.load_gather(dinvb, [d16]))
            p1o[j, sl] = plsc.load_gather(p1b, [s16])
            p2o[j, sl] = plsc.load_gather(p2b, [s16])

    pltpu.sync_copy(ewb, normd.at[w])
    pltpu.sync_copy(p1o, pidxd.at[w])
    pltpu.sync_copy(p2o, pidxd.at[32 + w])


_norm_call = pl.kernel(
    _norm_body,
    out_type=[
        jax.ShapeDtypeStruct((32, WCH, C), _f32),
        jax.ShapeDtypeStruct((64, WCH, C), _i32),
    ],
    mesh=_mesh,
    scratch_types=[
        pltpu.VMEM((WCH, C), _i32),
        pltpu.VMEM((WCH, C), _i32),
        pltpu.VMEM((WCH, C), _f32),
        pltpu.VMEM((WCH, C), _i32),
        pltpu.VMEM((WCH, C), _i32),
        pltpu.VMEM((N,), _f32),
        pltpu.VMEM((N,), _i32),
        pltpu.VMEM((N,), _i32),
    ],
    compiler_params=_sc_params,
)


def _conv_body(srcd, dstd, nrmd, pidxd, tab, zeros2,
               zA, zB,
               ra0, ra1, gb0, gb1,
               sw0, sw1, sw2, sw3, dw0, dw1, dw2, dw3,
               nw0, nw1, nw2, nw3,
               acc, gsem0, gsem1, ssem0, ssem1,
               wsem0, wsem1, wsem2, wsem3):
    c = lax.axis_index("c")
    s = lax.axis_index("s")
    off = c * N
    ra = (ra0, ra1)
    gb = (gb0, gb1)
    sw = (sw0, sw1, sw2, sw3)
    dw = (dw0, dw1, dw2, dw3)
    nw = (nw0, nw1, nw2, nw3)
    gsem = (gsem0, gsem1)
    ssem = (ssem0, ssem1)
    wsem = (wsem0, wsem1, wsem2, wsem3)
    ecol = jnp.arange(16, dtype=_i32) * 2
    himask = jnp.full((16,), 0xFFFF0000, _u32)

    def zero_acc():
        pltpu.sync_copy(zeros2.at[pl.ds(s * SB, SB)],
                        acc.at[pl.ds(s * SB, SB)])

        @pl.when(s == NT - 1)
        def _():
            pltpu.sync_copy(zeros2.at[pl.ds(SB * NT, SREM)],
                            acc.at[pl.ds(SB * NT, SREM)])

    def stripe_out(o):
        pltpu.sync_copy(acc.at[pl.ds(s * SB, SB)],
                        o.at[pl.ds(c * N + s * SB, SB)])

        @pl.when(s == NT - 1)
        def _():
            pltpu.sync_copy(acc.at[pl.ds(SB * NT, SREM)],
                            o.at[pl.ds(c * N + SB * NT, SREM)])

    def scale(jn, b, wi):
        @pl.loop(0, C)
        def _(r):
            rv = jnp.full((16,), r, _i32)
            nb = plsc.load_gather(nw[wi], [rv])
            for q in range(4):
                pairs = gb[b][r, pl.ds(q * 16, 16)]
                lo = plsc.bitcast(pairs << 16, _f32) * nb
                hi = plsc.bitcast(pairs & himask, _f32) * nb
                colb = ecol + (q * 32)
                plsc.store_scatter(ra[b], [rv, colb], lo)
                plsc.store_scatter(ra[b], [rv, colb + 1], hi)

    def make_pass(permuted, out):
        idxsrc = pidxd if permuted else srcd
        slab = (c * NT + s) if permuted else s

        def issue_windows(jn, wi):
            pltpu.async_copy(idxsrc.at[slab, jn], sw[wi], wsem[wi])
            pltpu.async_copy(dstd.at[s, jn], dw[wi], wsem[wi])
            pltpu.async_copy(nrmd.at[s, jn], nw[wi], wsem[wi])

        def wait_windows(wi):
            pltpu.make_async_copy(idxsrc.at[slab, 0], sw[wi], wsem[wi]).wait()
            pltpu.make_async_copy(dstd.at[s, 0], dw[wi], wsem[wi]).wait()
            pltpu.make_async_copy(nrmd.at[s, 0], nw[wi], wsem[wi]).wait()

        def add_off(wi):
            for g in range(NG):
                sl = pl.ds(g * 16, 16)
                sw[wi][sl] = sw[wi][sl] + off

        def issue_gather(b, wi):
            pltpu.async_copy(tab.at[sw[wi]], gb[b], gsem[b])

        def wait_gather(b, wi):
            pltpu.make_async_copy(tab.at[sw[wi]], gb[b], gsem[b]).wait()

        def issue_scatter(b, wi):
            pltpu.async_copy(ra[b], acc.at[dw[wi]], ssem[b], add=True)

        def wait_scatter(b):
            pltpu.make_async_copy(ra[b], acc.at[dw[0]], ssem[b]).wait()

        issue_windows(0, 0)
        issue_windows(1, 1)
        wait_windows(0)
        add_off(0)
        issue_gather(0, 0)

        @pl.loop(0, NCHUNK, step=4)
        def _(j0):
            for u in range(4):
                j = j0 + u
                b = u % 2
                b1 = (u + 1) % 2
                w4 = u
                w41 = (u + 1) % 4
                w42 = (u + 2) % 4
                wait_gather(b, w4)

                @pl.when(j + 1 < NCHUNK)
                def _():
                    @pl.when(j > 0)
                    def _():
                        wait_scatter(b1)

                    wait_windows(w41)
                    add_off(w41)
                    issue_gather(b1, w41)

                @pl.when(j + 2 < NCHUNK)
                def _():
                    issue_windows(j + 2, w42)

                scale(j, b, w4)
                issue_scatter(b, w4)

        wait_scatter(1)
        plsc.subcore_barrier()
        stripe_out(out)

    zero_acc()
    plsc.subcore_barrier()
    make_pass(False, zA)
    zero_acc()
    plsc.subcore_barrier()
    make_pass(True, zB)


_conv_call = pl.kernel(
    _conv_body,
    out_type=[jax.ShapeDtypeStruct((2 * N, D), _f32) for _ in range(2)],
    mesh=_mesh,
    scratch_types=(
        [pltpu.VMEM((C, D), _f32) for _ in range(2)]
        + [pltpu.VMEM((C, D // 2), _u32) for _ in range(2)]
        + [pltpu.VMEM((C,), _i32) for _ in range(8)]
        + [pltpu.VMEM((C,), _f32) for _ in range(4)]
        + [pltpu.VMEM_SHARED((N, D), _f32)]
        + [pltpu.SemaphoreType.DMA for _ in range(8)]
    ),
    compiler_params=_sc_params,
)


_FB = 2000
_FSTEPS = N // _FB


def _fin_body(zA_ref, zB_ref, wp_ref, bp_ref,
              o1, o2, og1, og2, o1n, o2n, s1, s2):
    i = pl.program_id(0)

    blkA = zA_ref[...]
    blkB = zB_ref[...]
    r1 = jnp.maximum(blkA[0], 0.0)
    r2 = jnp.maximum(blkA[1], 0.0)
    o1[...] = r1
    o2[...] = r2
    o1n[...] = jnp.maximum(blkB[0], 0.0)
    o2n[...] = jnp.maximum(blkB[1], 0.0)

    prev1 = jnp.where(i == 0, jnp.zeros_like(s1[...]), s1[...])
    prev2 = jnp.where(i == 0, jnp.zeros_like(s2[...]), s2[...])
    s1[...] = prev1 + jnp.sum(r1, axis=0, keepdims=True)
    s2[...] = prev2 + jnp.sum(r2, axis=0, keepdims=True)

    @pl.when(i == _FSTEPS - 1)
    def _():
        wp_t = wp_ref[...].T
        og1[...] = jax.nn.sigmoid(s1[...] / N) @ wp_t + bp_ref[...]
        og2[...] = jax.nn.sigmoid(s2[...] / N) @ wp_t + bp_ref[...]


def _fin_call(zA, zB, wp, bp2):
    zspec = pl.BlockSpec((2, _FB, D), lambda i: (0, i, 0))
    ospec = pl.BlockSpec((_FB, D), lambda i: (i, 0))
    gspec = pl.BlockSpec((1, D), lambda i: (0, 0))
    return pl.pallas_call(
        _fin_body,
        grid=(_FSTEPS,),
        in_specs=[zspec, zspec,
                  pl.BlockSpec((D, D), lambda i: (0, 0)),
                  pl.BlockSpec((1, D), lambda i: (0, 0))],
        out_specs=[ospec, ospec, gspec, gspec, ospec, ospec],
        out_shape=[
            jax.ShapeDtypeStruct((N, D), _f32),
            jax.ShapeDtypeStruct((N, D), _f32),
            jax.ShapeDtypeStruct((1, D), _f32),
            jax.ShapeDtypeStruct((1, D), _f32),
            jax.ShapeDtypeStruct((N, D), _f32),
            jax.ShapeDtypeStruct((N, D), _f32),
        ],
        scratch_shapes=[pltpu.VMEM((1, D), _f32), pltpu.VMEM((1, D), _f32)],
    )(zA, zB, wp, bp2)


def kernel(x, edge_index, edge_weight, W1, W2, Wp, bp, perm1, perm2):
    src = edge_index[0].astype(_i32)
    dst = edge_index[1].astype(_i32)
    ew = edge_weight.astype(_f32)
    pad_idx = (jnp.arange(EPAD - E, dtype=_i32) * 37) % N
    src_p = jnp.concatenate([src, pad_idx])
    dst_p = jnp.concatenate([dst, pad_idx])
    ew_p = jnp.concatenate([ew, jnp.zeros((EPAD - E,), _f32)])
    srcd32 = src_p.reshape(32, WCH, C)
    dstd32 = dst_p.reshape(32, WCH, C)
    ewd32 = ew_p.reshape(32, WCH, C)

    degp = _deg_call(dstd32, ewd32, jnp.zeros((N,), _f32))
    hb = _mm_call(x, jnp.stack([W1, W2]))
    tab = jax.lax.bitcast_convert_type(
        hb.reshape(2 * N, D // 2, 2), _u32)
    dinv = _dinv_call(degp.reshape(2, N)).reshape(N)

    pstack = jnp.stack([perm1.astype(_i32), perm2.astype(_i32)])
    normd, pidxd = _norm_call(srcd32, dstd32, ewd32, dinv, pstack)

    zA, zB = _conv_call(
        src_p.reshape(NT, NCHUNK, C), dst_p.reshape(NT, NCHUNK, C),
        normd.reshape(NT, NCHUNK, C), pidxd.reshape(2 * NT, NCHUNK, C),
        tab, jnp.zeros((N, D), _f32))

    z1, z2, g1, g2, z1n, z2n = _fin_call(
        zA.reshape(2, N, D), zB.reshape(2, N, D), Wp, bp.reshape(1, D))
    return z1, z2, g1, g2, z1n, z2n

# --- scband reference (transcript-rebuilt; emitter-appended) ---
"""Pipeline reference for scband-encoder-68032281968798 (READ-ONLY COPY).

The authoritative reference and input builder live on the scoring server;
editing this copy changes nothing except your own understanding.
"""

import jax, jax.numpy as jnp
import numpy as np

N = 10000
E = 320000
D = 128


def setup_inputs(seed: int = 0) -> dict:
    key = jax.random.key(seed)
    ks = jax.random.split(key, 10)
    x = jax.random.normal(ks[0], (N, D), dtype=jnp.float32)
    edge_index = jax.random.randint(ks[1], (2, E), 0, N, dtype=jnp.int32)
    edge_weight = jax.random.uniform(ks[2], (E,), dtype=jnp.float32)
    s = 1.0 / np.sqrt(D)
    W1 = jax.random.normal(ks[3], (D, D), dtype=jnp.float32) * s
    W2 = jax.random.normal(ks[4], (D, D), dtype=jnp.float32) * s
    Wp = jax.random.normal(ks[5], (D, D), dtype=jnp.float32) * s
    bp = jnp.zeros((D,), dtype=jnp.float32)
    perm1 = jax.random.permutation(ks[6], N)
    perm2 = jax.random.permutation(ks[7], N)
    return {"x": x, "edge_index": edge_index, "edge_weight": edge_weight,
            "W1": W1, "W2": W2, "Wp": Wp, "bp": bp,
            "perm1": perm1, "perm2": perm2}


def _gcn_conv(x, edge_index, edge_weight, W):
    # Symmetric-normalized GCN conv with scatter-add aggregation (SparseCore-friendly).
    src = edge_index[0]
    dst = edge_index[1]
    deg = jax.ops.segment_sum(edge_weight, dst, num_segments=N)
    dinv = jax.lax.rsqrt(jnp.clip(deg, 1e-6, None))
    norm = edge_weight * dinv[src] * dinv[dst]
    h = x @ W
    msg = h[src] * norm[:, None]
    out = jax.ops.segment_sum(msg, dst, num_segments=N)
    return jax.nn.relu(out)


def reference(x, edge_index, edge_weight, W1, W2, Wp, bp, perm1, perm2):
    # identity augmentors: x1 = x2 = x, same edge_index/edge_weight
    z1 = _gcn_conv(x, edge_index, edge_weight, W1)
    z2 = _gcn_conv(x, edge_index, edge_weight, W2)
    g1 = jax.nn.sigmoid(jnp.mean(z1, axis=0, keepdims=True)) @ Wp.T + bp
    g2 = jax.nn.sigmoid(jnp.mean(z2, axis=0, keepdims=True)) @ Wp.T + bp
    # corruption: row-permuted features (randperm materialized as constant indices)
    z1n = _gcn_conv(x[perm1], edge_index, edge_weight, W1)
    z2n = _gcn_conv(x[perm2], edge_index, edge_weight, W2)
    return (z1, z2, g1, g2, z1n, z2n)

if __name__ == "__main__":
    import jax
    _d = setup_inputs()
    print(jax.jit(kernel)(*tuple(_d.values())))

</pallas_src>

<mosaic_0001>
#map = affine_map<(d0, d1) -> (0, 0, 0)>
#map1 = affine_map<(d0, d1) -> (0)>
module attributes {stable_mosaic.version = 14 : i64} {
  func.func @_deg_body(%arg0: i32, %arg1: i32, %arg2: memref<32x90x112xi32, #tpu.memory_space<hbm>>, %arg3: memref<32x90x112xf32, #tpu.memory_space<hbm>>, %arg4: memref<10000xf32, #tpu.memory_space<hbm>>, %arg5: memref<20000xf32, #tpu.memory_space<hbm>>, %arg6: memref<90x112xi32, #tpu.memory_space<vmem>>, %arg7: memref<90x112xf32, #tpu.memory_space<vmem>>, %arg8: memref<10000xf32, #tpu.memory_space<vmem>>, %arg9: memref<10000xf32, #tpu.memory_space<vmem_shared>>, %arg10: memref<!tpu.dma_semaphore, #tpu.memory_space<semaphore_mem>>) attributes {dimension_semantics = [#tpu.dimension_semantics<core_parallel>, #tpu.dimension_semantics<subcore_parallel>], iteration_bounds = array<i64: 2, 16>, scalar_prefetch = 0 : i64, scratch_operands = 5 : i64, tpu.core_type = #tpu.core_type<sc_vector_subcore>, window_params = [{transform_indices = #map}, {transform_indices = #map}, {transform_indices = #map1}, {transform_indices = #map1}]} {
    %mul3A = arith.constant 2 : i32
    %mul3A_0 = arith.muli %arg1, %mul3A : i32
    %add3A = arith.addi %mul3A_0, %arg0 : i32
    "tpu.region"() ({
      %run_scoped3A = tpu.sem_alloc : memref<!tpu.dma_semaphore, #tpu.memory_space<semaphore_mem>>
      %dma_start3A = arith.constant 0 : i32
      %dma_start3A_18 = arith.constant 0 : i32
      %dma_start3A_19 = tpu.memref_slice %arg2[%add3A, %dma_start3A, %dma_start3A_18] : memref<32x90x112xi32, #tpu.memory_space<hbm>> -> memref<1x90x112xi32, #tpu.memory_space<hbm>>
      %dma_start3A_20 = tpu.memref_squeeze %dma_start3A_19 : memref<1x90x112xi32, #tpu.memory_space<hbm>> -> memref<90x112xi32, #tpu.memory_space<hbm>>
      %dma_start3A_21 = arith.constant 0 : i32
      %dma_start3A_22 = arith.constant 0 : i32
      %dma_start3A_23 = tpu.memref_slice %arg2[%add3A, %dma_start3A_21, %dma_start3A_22] : memref<32x90x112xi32, #tpu.memory_space<hbm>> -> memref<1x90x112xi32, #tpu.memory_space<hbm>>
      %dma_start3A_24 = tpu.memref_squeeze %dma_start3A_23 : memref<1x90x112xi32, #tpu.memory_space<hbm>> -> memref<90x112xi32, #tpu.memory_space<hbm>>
      tpu.enqueue_dma source(%dma_start3A_24 : memref<90x112xi32, #tpu.memory_space<hbm>>) target(%arg6 : memref<90x112xi32, #tpu.memory_space<vmem>>) target_semaphore(%run_scoped3A : memref<!tpu.dma_semaphore, #tpu.memory_space<semaphore_mem>>)
      %dma_wait3A = arith.constant 0 : i32
      %dma_wait3A_25 = arith.constant 0 : i32
      %dma_wait3A_26 = tpu.memref_slice %arg2[%add3A, %dma_wait3A, %dma_wait3A_25] : memref<32x90x112xi32, #tpu.memory_space<hbm>> -> memref<1x90x112xi32, #tpu.memory_space<hbm>>
      %dma_wait3A_27 = tpu.memref_squeeze %dma_wait3A_26 : memref<1x90x112xi32, #tpu.memory_space<hbm>> -> memref<90x112xi32, #tpu.memory_space<hbm>>
      %dma_wait3A_28 = arith.constant 0 : i32
      %dma_wait3A_29 = arith.constant 0 : i32
      %dma_wait3A_30 = tpu.memref_slice %arg2[%add3A, %dma_wait3A_28, %dma_wait3A_29] : memref<32x90x112xi32, #tpu.memory_space<hbm>> -> memref<1x90x112xi32, #tpu.memory_space<hbm>>
      %dma_wait3A_31 = tpu.memref_squeeze %dma_wait3A_30 : memref<1x90x112xi32, #tpu.memory_space<hbm>> -> memref<90x112xi32, #tpu.memory_space<hbm>>
      tpu.wait_dma2 semaphore(%run_scoped3A : memref<!tpu.dma_semaphore, #tpu.memory_space<semaphore_mem>>) src(%dma_wait3A_31 : memref<90x112xi32, #tpu.memory_space<hbm>>) dst(%arg6 : memref<90x112xi32, #tpu.memory_space<vmem>>)
      tpu.yield
    }) : () -> ()
    "tpu.region"() ({
      %run_scoped3A = tpu.sem_alloc : memref<!tpu.dma_semaphore, #tpu.memory_space<semaphore_mem>>
      %dma_start3A = arith.constant 0 : i32
      %dma_start3A_18 = arith.constant 0 : i32
      %dma_start3A_19 = tpu.memref_slice %arg3[%add3A, %dma_start3A, %dma_start3A_18] : memref<32x90x112xf32, #tpu.memory_space<hbm>> -> memref<1x90x112xf32, #tpu.memory_space<hbm>>
      %dma_start3A_20 = tpu.memref_squeeze %dma_start3A_19 : memref<1x90x112xf32, #tpu.memory_space<hbm>> -> memref<90x112xf32, #tpu.memory_space<hbm>>
      %dma_start3A_21 = arith.constant 0 : i32
      %dma_start3A_22 = arith.constant 0 : i32
      %dma_start3A_23 = tpu.memref_slice %arg3[%add3A, %dma_start3A_21, %dma_start3A_22] : memref<32x90x112xf32, #tpu.memory_space<hbm>> -> memref<1x90x112xf32, #tpu.memory_space<hbm>>
      %dma_start3A_24 = tpu.memref_squeeze %dma_start3A_23 : memref<1x90x112xf32, #tpu.memory_space<hbm>> -> memref<90x112xf32, #tpu.memory_space<hbm>>
      tpu.enqueue_dma source(%dma_start3A_24 : memref<90x112xf32, #tpu.memory_space<hbm>>) target(%arg7 : memref<90x112xf32, #tpu.memory_space<vmem>>) target_semaphore(%run_scoped3A : memref<!tpu.dma_semaphore, #tpu.memory_space<semaphore_mem>>)
      %dma_wait3A = arith.constant 0 : i32
      %dma_wait3A_25 = arith.constant 0 : i32
      %dma_wait3A_26 = tpu.memref_slice %arg3[%add3A, %dma_wait3A, %dma_wait3A_25] : memref<32x90x112xf32, #tpu.memory_space<hbm>> -> memref<1x90x112xf32, #tpu.memory_space<hbm>>
      %dma_wait3A_27 = tpu.memref_squeeze %dma_wait3A_26 : memref<1x90x112xf32, #tpu.memory_space<hbm>> -> memref<90x112xf32, #tpu.memory_space<hbm>>
      %dma_wait3A_28 = arith.constant 0 : i32
      %dma_wait3A_29 = arith.constant 0 : i32
      %dma_wait3A_30 = tpu.memref_slice %arg3[%add3A, %dma_wait3A_28, %dma_wait3A_29] : memref<32x90x112xf32, #tpu.memory_space<hbm>> -> memref<1x90x112xf32, #tpu.memory_space<hbm>>
      %dma_wait3A_31 = tpu.memref_squeeze %dma_wait3A_30 : memref<1x90x112xf32, #tpu.memory_space<hbm>> -> memref<90x112xf32, #tpu.memory_space<hbm>>
      tpu.wait_dma2 semaphore(%run_scoped3A : memref<!tpu.dma_semaphore, #tpu.memory_space<semaphore_mem>>) src(%dma_wait3A_31 : memref<90x112xf32, #tpu.memory_space<hbm>>) dst(%arg7 : memref<90x112xf32, #tpu.memory_space<vmem>>)
      tpu.yield
    }) : () -> ()
    %eq3A = arith.constant 0 : i32
    %eq3A_1 = arith.cmpi eq, %arg1, %eq3A : i32
    %convert_element_type3A = arith.extui %eq3A_1 : i1 to i32
    %cond3A = arith.constant 0 : i32
    %cond3A_2 = arith.cmpi ne, %convert_element_type3A, %cond3A : i32
    scf.if %cond3A_2 {
      "tpu.region"() ({
        %run_scoped3A = tpu.sem_alloc : memref<!tpu.dma_semaphore, #tpu.memory_space<semaphore_mem>>
        tpu.enqueue_dma source(%arg4 : memref<10000xf32, #tpu.memory_space<hbm>>) target(%arg8 : memref<10000xf32, #tpu.memory_space<vmem>>) target_semaphore(%run_scoped3A : memref<!tpu.dma_semaphore, #tpu.memory_space<semaphore_mem>>)
        tpu.wait_dma2 semaphore(%run_scoped3A : memref<!tpu.dma_semaphore, #tpu.memory_space<semaphore_mem>>) src(%arg4 : memref<10000xf32, #tpu.memory_space<hbm>>) dst(%arg8 : memref<10000xf32, #tpu.memory_space<vmem>>)
        tpu.yield
      }) : () -> ()
      "tpu.region"() ({
        %run_scoped3A = tpu.sem_alloc : memref<!tpu.dma_semaphore, #tpu.memory_space<semaphore_mem>>
        tpu.enqueue_dma source(%arg8 : memref<10000xf32, #tpu.memory_space<vmem>>) target(%arg9 : memref<10000xf32, #tpu.memory_space<vmem_shared>>) target_semaphore(%run_scoped3A : memref<!tpu.dma_semaphore, #tpu.memory_space<semaphore_mem>>)
        tpu.wait_dma2 semaphore(%run_scoped3A : memref<!tpu.dma_semaphore, #tpu.memory_space<semaphore_mem>>) src(%arg8 : memref<10000xf32, #tpu.memory_space<vmem>>) dst(%arg9 : memref<10000xf32, #tpu.memory_space<vmem_shared>>)
        tpu.yield
      }) : () -> ()
    } else {
    }
    %barrier3A = arith.constant 0 : index
    tpu.barrier barrier_id(%barrier3A)
    %scan3A = arith.constant 0 : i32
    %scan3A_3 = arith.constant 90 : i32
    %scan3A_4 = arith.addi %scan3A, %scan3A_3 : i32
    %scan3A_5 = arith.constant 1 : i32
    scf.for %scan3A_18 = %scan3A to %scan3A_4 step %scan3A_5  : i32 {
      %mul3A_19 = arith.constant 1 : i32
      %mul3A_20 = arith.muli %scan3A_18, %mul3A_19 : i32
      %add3A_21 = arith.constant 0 : i32
      %add3A_22 = arith.addi %add3A_21, %mul3A_20 : i32
      %dma_start3A = arith.constant 0 : i32
      %dma_start3A_23 = tpu.memref_slice %arg7[%add3A_22, %dma_start3A] : memref<90x112xf32, #tpu.memory_space<vmem>> -> memref<1x112xf32, #tpu.memory_space<vmem>>
      %dma_start3A_24 = tpu.memref_squeeze %dma_start3A_23 : memref<1x112xf32, #tpu.memory_space<vmem>> -> memref<112xf32, #tpu.memory_space<vmem>>
      %dma_start3A_25 = arith.constant 0 : i32
      %dma_start3A_26 = tpu.memref_slice %arg6[%add3A_22, %dma_start3A_25] : memref<90x112xi32, #tpu.memory_space<vmem>> -> memref<1x112xi32, #tpu.memory_space<vmem>>
      %dma_start3A_27 = tpu.memref_squeeze %dma_start3A_26 : memref<1x112xi32, #tpu.memory_space<vmem>> -> memref<112xi32, #tpu.memory_space<vmem>>
      %dma_start3A_28 = arith.constant 0 : i32
      %dma_start3A_29 = tpu.memref_slice %arg9[%dma_start3A_28] : memref<10000xf32, #tpu.memory_space<vmem_shared>> -> memref<10000xf32, #tpu.memory_space<vmem_shared>>
      tpu.enqueue_indirect_dma source(%dma_start3A_24 : memref<112xf32, #tpu.memory_space<vmem>>) target(%dma_start3A_29 : memref<10000xf32, #tpu.memory_space<vmem_shared>>) offsets(%dma_start3A_27 : memref<112xi32, #tpu.memory_space<vmem>>) semaphore(%arg10 : memref<!tpu.dma_semaphore, #tpu.memory_space<semaphore_mem>>) {add = true}
    }
    %scan3A_6 = arith.constant 90 : i32
    %scan3A_7 = arith.constant 0 : i32
    %scan3A_8 = arith.constant 90 : i32
    %scan3A_9 = arith.addi %scan3A_7, %scan3A_8 : i32
    %scan3A_10 = arith.constant 1 : i32
    scf.for %scan3A_18 = %scan3A_7 to %scan3A_9 step %scan3A_10  : i32 {
      %mul3A_19 = arith.constant 1 : i32
      %mul3A_20 = arith.muli %scan3A_18, %mul3A_19 : i32
      %add3A_21 = arith.constant 0 : i32
      %add3A_22 = arith.addi %add3A_21, %mul3A_20 : i32
      %dma_wait3A = arith.constant 0 : i32
      %dma_wait3A_23 = arith.constant 0 : i32
      %dma_wait3A_24 = arith.constant 0 : i32
      %dma_wait3A_25 = tpu.memref_slice %arg7[%dma_wait3A, %dma_wait3A_24] : memref<90x112xf32, #tpu.memory_space<vmem>> -> memref<1x112xf32, #tpu.memory_space<vmem>>
      %dma_wait3A_26 = tpu.memref_squeeze %dma_wait3A_25 : memref<1x112xf32, #tpu.memory_space<vmem>> -> memref<112xf32, #tpu.memory_space<vmem>>
      %dma_wait3A_27 = arith.constant 0 : i32
      %dma_wait3A_28 = tpu.memref_slice %arg6[%dma_wait3A_23, %dma_wait3A_27] : memref<90x112xi32, #tpu.memory_space<vmem>> -> memref<1x112xi32, #tpu.memory_space<vmem>>
      %dma_wait3A_29 = tpu.memref_squeeze %dma_wait3A_28 : memref<1x112xi32, #tpu.memory_space<vmem>> -> memref<112xi32, #tpu.memory_space<vmem>>
      %dma_wait3A_30 = arith.constant 0 : i32
      %dma_wait3A_31 = tpu.memref_slice %arg9[%dma_wait3A_30] : memref<10000xf32, #tpu.memory_space<vmem_shared>> -> memref<10000xf32, #tpu.memory_space<vmem_shared>>
      tpu.wait_indirect_dma semaphore(%arg10 : memref<!tpu.dma_semaphore, #tpu.memory_space<semaphore_mem>>) src(%dma_wait3A_26 : memref<112xf32, #tpu.memory_space<vmem>>) dst(%dma_wait3A_31 : memref<10000xf32, #tpu.memory_space<vmem_shared>>)
    }
    %scan3A_11 = arith.constant 90 : i32
    %barrier3A_12 = arith.constant 0 : index
    tpu.barrier barrier_id(%barrier3A_12)
    %eq3A_13 = arith.constant 0 : i32
    %eq3A_14 = arith.cmpi eq, %arg1, %eq3A_13 : i32
    %convert_element_type3A_15 = arith.extui %eq3A_14 : i1 to i32
    %cond3A_16 = arith.constant 0 : i32
    %cond3A_17 = arith.cmpi ne, %convert_element_type3A_15, %cond3A_16 : i32
    scf.if %cond3A_17 {
      "tpu.region"() ({
        %run_scoped3A = tpu.sem_alloc : memref<!tpu.dma_semaphore, #tpu.memory_space<semaphore_mem>>
        tpu.enqueue_dma source(%arg9 : memref<10000xf32, #tpu.memory_space<vmem_shared>>) target(%arg8 : memref<10000xf32, #tpu.memory_space<vmem>>) target_semaphore(%run_scoped3A : memref<!tpu.dma_semaphore, #tpu.memory_space<semaphore_mem>>)
        tpu.wait_dma2 semaphore(%run_scoped3A : memref<!tpu.dma_semaphore, #tpu.memory_space<semaphore_mem>>) src(%arg9 : memref<10000xf32, #tpu.memory_space<vmem_shared>>) dst(%arg8 : memref<10000xf32, #tpu.memory_space<vmem>>)
        tpu.yield
      }) : () -> ()
      %mul3A_18 = arith.constant 10000 : i32
      %mul3A_19 = arith.muli %arg0, %mul3A_18 : i32
      "tpu.region"() ({
        %run_scoped3A = tpu.sem_alloc : memref<!tpu.dma_semaphore, #tpu.memory_space<semaphore_mem>>
        %dma_start3A = tpu.memref_slice %arg5[%mul3A_19] : memref<20000xf32, #tpu.memory_space<hbm>> -> memref<10000xf32, #tpu.memory_space<hbm>>
        %dma_start3A_20 = tpu.memref_slice %arg5[%mul3A_19] : memref<20000xf32, #tpu.memory_space<hbm>> -> memref<10000xf32, #tpu.memory_space<hbm>>
        tpu.enqueue_dma source(%arg8 : memref<10000xf32, #tpu.memory_space<vmem>>) target(%dma_start3A_20 : memref<10000xf32, #tpu.memory_space<hbm>>) target_semaphore(%run_scoped3A : memref<!tpu.dma_semaphore, #tpu.memory_space<semaphore_mem>>)
        %dma_wait3A = tpu.memref_slice %arg5[%mul3A_19] : memref<20000xf32, #tpu.memory_space<hbm>> -> memref<10000xf32, #tpu.memory_space<hbm>>
        %dma_wait3A_21 = tpu.memref_slice %arg5[%mul3A_19] : memref<20000xf32, #tpu.memory_space<hbm>> -> memref<10000xf32, #tpu.memory_space<hbm>>
        tpu.wait_dma2 semaphore(%run_scoped3A : memref<!tpu.dma_semaphore, #tpu.memory_space<semaphore_mem>>) src(%arg8 : memref<10000xf32, #tpu.memory_space<vmem>>) dst(%dma_wait3A_21 : memref<10000xf32, #tpu.memory_space<hbm>>)
        tpu.yield
      }) : () -> ()
    } else {
    }
    return
  }
}

#map = affine_map<(d0, d1) -> (0, 0, 0)>
#map1 = affine_map<(d0, d1) -> (0, 0)>
module attributes {stable_mosaic.version = 14 : i64} {
  func.func @_conv_body(%arg0: i32, %arg1: i32, %arg2: memref<16x180x112xi32, #tpu.memory_space<hbm>>, %arg3: memref<16x180x112xi32, #tpu.memory_space<hbm>>, %arg4: memref<16x180x112xf32, #tpu.memory_space<hbm>>, %arg5: memref<32x180x112xi32, #tpu.memory_space<hbm>>, %arg6: memref<20000x64xi32, #tpu.memory_space<hbm>>, %arg7: memref<10000x128xf32, #tpu.memory_space<hbm>>, %arg8: memref<20000x128xf32, #tpu.memory_space<hbm>>, %arg9: memref<20000x128xf32, #tpu.memory_space<hbm>>, %arg10: memref<112x128xf32, #tpu.memory_space<vmem>>, %arg11: memref<112x128xf32, #tpu.memory_space<vmem>>, %arg12: memref<112x64xi32, #tpu.memory_space<vmem>>, %arg13: memref<112x64xi32, #tpu.memory_space<vmem>>, %arg14: memref<112xi32, #tpu.memory_space<vmem>>, %arg15: memref<112xi32, #tpu.memory_space<vmem>>, %arg16: memref<112xi32, #tpu.memory_space<vmem>>, %arg17: memref<112xi32, #tpu.memory_space<vmem>>, %arg18: memref<112xi32, #tpu.memory_space<vmem>>, %arg19: memref<112xi32, #tpu.memory_space<vmem>>, %arg20: memref<112xi32, #tpu.memory_space<vmem>>, %arg21: memref<112xi32, #tpu.memory_space<vmem>>, %arg22: memref<112xf32, #tpu.memory_space<vmem>>, %arg23: memref<112xf32, #tpu.memory_space<vmem>>, %arg24: memref<112xf32, #tpu.memory_space<vmem>>, %arg25: memref<112xf32, #tpu.memory_space<vmem>>, %arg26: memref<10000x128xf32, #tpu.memory_space<vmem_shared>>, %arg27: memref<!tpu.dma_semaphore, #tpu.memory_space<semaphore_mem>>, %arg28: memref<!tpu.dma_semaphore, #tpu.memory_space<semaphore_mem>>, %arg29: memref<!tpu.dma_semaphore, #tpu.memory_space<semaphore_mem>>, %arg30: memref<!tpu.dma_semaphore, #tpu.memory_space<semaphore_mem>>, %arg31: memref<!tpu.dma_semaphore, #tpu.memory_space<semaphore_mem>>, %arg32: memref<!tpu.dma_semaphore, #tpu.memory_space<semaphore_mem>>, %arg33: memref<!tpu.dma_semaphore, #tpu.memory_space<semaphore_mem>>, %arg34: memref<!tpu.dma_semaphore, #tpu.memory_space<semaphore_mem>>) attributes {dimension_semantics = [#tpu.dimension_semantics<core_parallel>, #tpu.dimension_semantics<subcore_parallel>], iteration_bounds = array<i64: 2, 16>, scalar_prefetch = 0 : i64, scratch_operands = 25 : i64, tpu.core_type = #tpu.core_type<sc_vector_subcore>, window_params = [{transform_indices = #map}, {transform_indices = #map}, {transform_indices = #map}, {transform_indices = #map}, {transform_indices = #map1}, {transform_indices = #map1}, {transform_indices = #map1}, {transform_indices = #map1}]} {
    %mul3A = arith.constant 10000 : i32
    %mul3A_0 = arith.muli %arg0, %mul3A : i32
    %iota3A = tpu.iota {dimensions = array<i32: 0>} : vector<16xi32>
    %mul3A_1 = arith.constant 2 : i32
    %mul3A_2 = vector.broadcast %mul3A_1 : i32 to vector<16xi32>
    %mul3A_3 = arith.muli %iota3A, %mul3A_2 : vector<16xi32>
    %broadcast_in_dim3A = arith.constant -65536 : i32
    %broadcast_in_dim3A_4 = vector.broadcast %broadcast_in_dim3A : i32 to vector<16xi32>
    %mul3A_5 = arith.constant 624 : i32
    %mul3A_6 = arith.muli %arg1, %mul3A_5 : i32
    %mul3A_7 = arith.constant 624 : i32
    %mul3A_8 = arith.muli %arg1, %mul3A_7 : i32
    "tpu.region"() ({
      %run_scoped3A = tpu.sem_alloc : memref<!tpu.dma_semaphore, #tpu.memory_space<semaphore_mem>>
      %dma_start3A_276 = arith.constant 0 : i32
      %dma_start3A_277 = tpu.memref_slice %arg26[%mul3A_8, %dma_start3A_276] : memref<10000x128xf32, #tpu.memory_space<vmem_shared>> -> memref<624x128xf32, #tpu.memory_space<vmem_shared>>
      %dma_start3A_278 = arith.constant 0 : i32
      %dma_start3A_279 = tpu.memref_slice %arg7[%mul3A_6, %dma_start3A_278] : memref<10000x128xf32, #tpu.memory_space<hbm>> -> memref<624x128xf32, #tpu.memory_space<hbm>>
      tpu.enqueue_dma source(%dma_start3A_279 : memref<624x128xf32, #tpu.memory_space<hbm>>) target(%dma_start3A_277 : memref<624x128xf32, #tpu.memory_space<vmem_shared>>) target_semaphore(%run_scoped3A : memref<!tpu.dma_semaphore, #tpu.memory_space<semaphore_mem>>)
      %dma_wait3A_280 = arith.constant 0 : i32
      %dma_wait3A_281 = tpu.memref_slice %arg26[%mul3A_8, %dma_wait3A_280] : memref<10000x128xf32, #tpu.memory_space<vmem_shared>> -> memref<624x128xf32, #tpu.memory_space<vmem_shared>>
      %dma_wait3A_282 = arith.constant 0 : i32
      %dma_wait3A_283 = tpu.memref_slice %arg7[%mul3A_6, %dma_wait3A_282] : memref<10000x128xf32, #tpu.memory_space<hbm>> -> memref<624x128xf32, #tpu.memory_space<hbm>>
      tpu.wait_dma2 semaphore(%run_scoped3A : memref<!tpu.dma_semaphore, #tpu.memory_space<semaphore_mem>>) src(%dma_wait3A_283 : memref<624x128xf32, #tpu.memory_space<hbm>>) dst(%dma_wait3A_281 : memref<624x128xf32, #tpu.memory_space<vmem_shared>>)
      tpu.yield
    }) : () -> ()
    %eq3A = arith.constant 15 : i32
    %eq3A_9 = arith.cmpi eq, %arg1, %eq3A : i32
    %convert_element_type3A = arith.extui %eq3A_9 : i1 to i32
    %cond3A = arith.constant 0 : i32
    %cond3A_10 = arith.cmpi ne, %convert_element_type3A, %cond3A : i32
    scf.if %cond3A_10 {
      "tpu.region"() ({
        %run_scoped3A = tpu.sem_alloc : memref<!tpu.dma_semaphore, #tpu.memory_space<semaphore_mem>>
        %dma_start3A_276 = arith.constant 9984 : i32
        %dma_start3A_277 = arith.constant 0 : i32
        %dma_start3A_278 = tpu.memref_slice %arg26[%dma_start3A_276, %dma_start3A_277] : memref<10000x128xf32, #tpu.memory_space<vmem_shared>> -> memref<16x128xf32, #tpu.memory_space<vmem_shared>>
        %dma_start3A_279 = arith.constant 9984 : i32
        %dma_start3A_280 = arith.constant 0 : i32
        %dma_start3A_281 = tpu.memref_slice %arg7[%dma_start3A_279, %dma_start3A_280] : memref<10000x128xf32, #tpu.memory_space<hbm>> -> memref<16x128xf32, #tpu.memory_space<hbm>>
        tpu.enqueue_dma source(%dma_start3A_281 : memref<16x128xf32, #tpu.memory_space<hbm>>) target(%dma_start3A_278 : memref<16x128xf32, #tpu.memory_space<vmem_shared>>) target_semaphore(%run_scoped3A : memref<!tpu.dma_semaphore, #tpu.memory_space<semaphore_mem>>)
        %dma_wait3A_282 = arith.constant 9984 : i32
        %dma_wait3A_283 = arith.constant 0 : i32
        %dma_wait3A_284 = tpu.memref_slice %arg26[%dma_wait3A_282, %dma_wait3A_283] : memref<10000x128xf32, #tpu.memory_space<vmem_shared>> -> memref<16x128xf32, #tpu.memory_space<vmem_shared>>
        %dma_wait3A_285 = arith.constant 9984 : i32
        %dma_wait3A_286 = arith.constant 0 : i32
        %dma_wait3A_287 = tpu.memref_slice %arg7[%dma_wait3A_285, %dma_wait3A_286] : memref<10000x128xf32, #tpu.memory_space<hbm>> -> memref<16x128xf32, #tpu.memory_space<hbm>>
        tpu.wait_dma2 semaphore(%run_scoped3A : memref<!tpu.dma_semaphore, #tpu.memory_space<semaphore_mem>>) src(%dma_wait3A_287 : memref<16x128xf32, #tpu.memory_space<hbm>>) dst(%dma_wait3A_284 : memref<16x128xf32, #tpu.memory_space<vmem_shared>>)
        tpu.yield
      }) : () -> ()
    } else {
    }
    %barrier3A = arith.constant 0 : index
    tpu.barrier barrier_id(%barrier3A)
    %dma_start3A = arith.constant 0 : i32
    %dma_start3A_11 = arith.constant 0 : i32
    %dma_start3A_12 = tpu.memref_slice %arg2[%arg1, %dma_start3A, %dma_start3A_11] : memref<16x180x112xi32, #tpu.memory_space<hbm>> -> memref<1x1x112xi32, #tpu.memory_space<hbm>>
    %dma_start3A_13 = tpu.memref_squeeze %dma_start3A_12 : memref<1x1x112xi32, #tpu.memory_space<hbm>> -> memref<112xi32, #tpu.memory_space<hbm>>
    %dma_start3A_14 = arith.constant 0 : i32
    %dma_start3A_15 = tpu.memref_slice %arg2[%arg1, %dma_start3A, %dma_start3A_14] : memref<16x180x112xi32, #tpu.memory_space<hbm>> -> memref<1x1x112xi32, #tpu.memory_space<hbm>>
    %dma_start3A_16 = tpu.memref_squeeze %dma_start3A_15 : memref<1x1x112xi32, #tpu.memory_space<hbm>> -> memref<112xi32, #tpu.memory_space<hbm>>
    tpu.enqueue_dma source(%dma_start3A_16 : memref<112xi32, #tpu.memory_space<hbm>>) target(%arg14 : memref<112xi32, #tpu.memory_space<vmem>>) target_semaphore(%arg31 : memref<!tpu.dma_semaphore, #tpu.memory_space<semaphore_mem>>)
    %dma_start3A_17 = arith.constant 0 : i32
    %dma_start3A_18 = arith.constant 0 : i32
    %dma_start3A_19 = tpu.memref_slice %arg3[%arg1, %dma_start3A_17, %dma_start3A_18] : memref<16x180x112xi32, #tpu.memory_space<hbm>> -> memref<1x1x112xi32, #tpu.memory_space<hbm>>
    %dma_start3A_20 = tpu.memref_squeeze %dma_start3A_19 : memref<1x1x112xi32, #tpu.memory_space<hbm>> -> memref<112xi32, #tpu.memory_space<hbm>>
    %dma_start3A_21 = arith.constant 0 : i32
    %dma_start3A_22 = tpu.memref_slice %arg3[%arg1, %dma_start3A_17, %dma_start3A_21] : memref<16x180x112xi32, #tpu.memory_space<hbm>> -> memref<1x1x112xi32, #tpu.memory_space<hbm>>
    %dma_start3A_23 = tpu.memref_squeeze %dma_start3A_22 : memref<1x1x112xi32, #tpu.memory_space<hbm>> -> memref<112xi32, #tpu.memory_space<hbm>>
    tpu.enqueue_dma source(%dma_start3A_23 : memref<112xi32, #tpu.memory_space<hbm>>) target(%arg18 : memref<112xi32, #tpu.memory_space<vmem>>) target_semaphore(%arg31 : memref<!tpu.dma_semaphore, #tpu.memory_space<semaphore_mem>>)
    %dma_start3A_24 = arith.constant 0 : i32
    %dma_start3A_25 = arith.constant 0 : i32
    %dma_start3A_26 = tpu.memref_slice %arg4[%arg1, %dma_start3A_24, %dma_start3A_25] : memref<16x180x112xf32, #tpu.memory_space<hbm>> -> memref<1x1x112xf32, #tpu.memory_space<hbm>>
    %dma_start3A_27 = tpu.memref_squeeze %dma_start3A_26 : memref<1x1x112xf32, #tpu.memory_space<hbm>> -> memref<112xf32, #tpu.memory_space<hbm>>
    %dma_start3A_28 = arith.constant 0 : i32
    %dma_start3A_29 = tpu.memref_slice %arg4[%arg1, %dma_start3A_24, %dma_start3A_28] : memref<16x180x112xf32, #tpu.memory_space<hbm>> -> memref<1x1x112xf32, #tpu.memory_space<hbm>>
    %dma_start3A_30 = tpu.memref_squeeze %dma_start3A_29 : memref<1x1x112xf32, #tpu.memory_space<hbm>> -> memref<112xf32, #tpu.memory_space<hbm>>
    tpu.enqueue_dma source(%dma_start3A_30 : memref<112xf32, #tpu.memory_space<hbm>>) target(%arg22 : memref<112xf32, #tpu.memory_space<vmem>>) target_semaphore(%arg31 : memref<!tpu.dma_semaphore, #tpu.memory_space<semaphore_mem>>)
    %dma_start3A_31 = arith.constant 1 : i32
    %dma_start3A_32 = arith.constant 0 : i32
    %dma_start3A_33 = tpu.memref_slice %arg2[%arg1, %dma_start3A_31, %dma_start3A_32] : memref<16x180x112xi32, #tpu.memory_space<hbm>> -> memref<1x1x112xi32, #tpu.memory_space<hbm>>
    %dma_start3A_34 = tpu.memref_squeeze %dma_start3A_33 : memref<1x1x112xi32, #tpu.memory_space<hbm>> -> memref<112xi32, #tpu.memory_space<hbm>>
    %dma_start3A_35 = arith.constant 0 : i32
    %dma_start3A_36 = tpu.memref_slice %arg2[%arg1, %dma_start3A_31, %dma_start3A_35] : memref<16x180x112xi32, #tpu.memory_space<hbm>> -> memref<1x1x112xi32, #tpu.memory_space<hbm>>
    %dma_start3A_37 = tpu.memref_squeeze %dma_start3A_36 : memref<1x1x112xi32, #tpu.memory_space<hbm>> -> memref<112xi32, #tpu.memory_space<hbm>>
    tpu.enqueue_dma source(%dma_start3A_37 : memref<112xi32, #tpu.memory_space<hbm>>) target(%arg15 : memref<112xi32, #tpu.memory_space<vmem>>) target_semaphore(%arg32 : memref<!tpu.dma_semaphore, #tpu.memory_space<semaphore_mem>>)
    %dma_start3A_38 = arith.constant 1 : i32
    %dma_start3A_39 = arith.constant 0 : i32
    %dma_start3A_40 = tpu.memref_slice %arg3[%arg1, %dma_start3A_38, %dma_start3A_39] : memref<16x180x112xi32, #tpu.memory_space<hbm>> -> memref<1x1x112xi32, #tpu.memory_space<hbm>>
    %dma_start3A_41 = tpu.memref_squeeze %dma_start3A_40 : memref<1x1x112xi32, #tpu.memory_space<hbm>> -> memref<112xi32, #tpu.memory_space<hbm>>
    %dma_start3A_42 = arith.constant 0 : i32
    %dma_start3A_43 = tpu.memref_slice %arg3[%arg1, %dma_start3A_38, %dma_start3A_42] : memref<16x180x112xi32, #tpu.memory_space<hbm>> -> memref<1x1x112xi32, #tpu.memory_space<hbm>>
    %dma_start3A_44 = tpu.memref_squeeze %dma_start3A_43 : memref<1x1x112xi32, #tpu.memory_space<hbm>> -> memref<112xi32, #tpu.memory_space<hbm>>
    tpu.enqueue_dma source(%dma_start3A_44 : memref<112xi32, #tpu.memory_space<hbm>>) target(%arg19 : memref<112xi32, #tpu.memory_space<vmem>>) target_semaphore(%arg32 : memref<!tpu.dma_semaphore, #tpu.memory_space<semaphore_mem>>)
    %dma_start3A_45 = arith.constant 1 : i32
    %dma_start3A_46 = arith.constant 0 : i32
    %dma_start3A_47 = tpu.memref_slice %arg4[%arg1, %dma_start3A_45, %dma_start3A_46] : memref<16x180x112xf32, #tpu.memory_space<hbm>> -> memref<1x1x112xf32, #tpu.memory_space<hbm>>
    %dma_start3A_48 = tpu.memref_squeeze %dma_start3A_47 : memref<1x1x112xf32, #tpu.memory_space<hbm>> -> memref<112xf32, #tpu.memory_space<hbm>>
    %dma_start3A_49 = arith.constant 0 : i32
    %dma_start3A_50 = tpu.memref_slice %arg4[%arg1, %dma_start3A_45, %dma_start3A_49] : memref<16x180x112xf32, #tpu.memory_space<hbm>> -> memref<1x1x112xf32, #tpu.memory_space<hbm>>
    %dma_start3A_51 = tpu.memref_squeeze %dma_start3A_50 : memref<1x1x112xf32, #tpu.memory_space<hbm>> -> memref<112xf32, #tpu.memory_space<hbm>>
    tpu.enqueue_dma source(%dma_start3A_51 : memref<112xf32, #tpu.memory_space<hbm>>) target(%arg23 : memref<112xf32, #tpu.memory_space<vmem>>) target_semaphore(%arg32 : memref<!tpu.dma_semaphore, #tpu.memory_space<semaphore_mem>>)
    %dma_wait3A = arith.constant 0 : i32
    %dma_wait3A_52 = arith.constant 0 : i32
    %dma_wait3A_53 = tpu.memref_slice %arg2[%arg1, %dma_wait3A, %dma_wait3A_52] : memref<16x180x112xi32, #tpu.memory_space<hbm>> -> memref<1x1x112xi32, #tpu.memory_space<hbm>>
    %dma_wait3A_54 = tpu.memref_squeeze %dma_wait3A_53 : memref<1x1x112xi32, #tpu.memory_space<hbm>> -> memref<112xi32, #tpu.memory_space<hbm>>
    %dma_wait3A_55 = arith.constant 0 : i32
    %dma_wait3A_56 = tpu.memref_slice %arg2[%arg1, %dma_wait3A, %dma_wait3A_55] : memref<16x180x112xi32, #tpu.memory_space<hbm>> -> memref<1x1x112xi32, #tpu.memory_space<hbm>>
    %dma_wait3A_57 = tpu.memref_squeeze %dma_wait3A_56 : memref<1x1x112xi32, #tpu.memory_space<hbm>> -> memref<112xi32, #tpu.memory_space<hbm>>
    tpu.wait_dma2 semaphore(%arg31 : memref<!tpu.dma_semaphore, #tpu.memory_space<semaphore_mem>>) src(%dma_wait3A_57 : memref<112xi32, #tpu.memory_space<hbm>>) dst(%arg14 : memref<112xi32, #tpu.memory_space<vmem>>)
    %dma_wait3A_58 = arith.constant 0 : i32
    %dma_wait3A_59 = arith.constant 0 : i32
    %dma_wait3A_60 = tpu.memref_slice %arg3[%arg1, %dma_wait3A_58, %dma_wait3A_59] : memref<16x180x112xi32, #tpu.memory_space<hbm>> -> memref<1x1x112xi32, #tpu.memory_space<hbm>>
    %dma_wait3A_61 = tpu.memref_squeeze %dma_wait3A_60 : memref<1x1x112xi32, #tpu.memory_space<hbm>> -> memref<112xi32, #tpu.memory_space<hbm>>
    %dma_wait3A_62 = arith.constant 0 : i32
    %dma_wait3A_63 = tpu.memref_slice %arg3[%arg1, %dma_wait3A_58, %dma_wait3A_62] : memref<16x180x112xi32, #tpu.memory_space<hbm>> -> memref<1x1x112xi32, #tpu.memory_space<hbm>>
    %dma_wait3A_64 = tpu.memref_squeeze %dma_wait3A_63 : memref<1x1x112xi32, #tpu.memory_space<hbm>> -> memref<112xi32, #tpu.memory_space<hbm>>
    tpu.wait_dma2 semaphore(%arg31 : memref<!tpu.dma_semaphore, #tpu.memory_space<semaphore_mem>>) src(%dma_wait3A_64 : memref<112xi32, #tpu.memory_space<hbm>>) dst(%arg18 : memref<112xi32, #tpu.memory_space<vmem>>)
    %dma_wait3A_65 = arith.constant 0 : i32
    %dma_wait3A_66 = arith.constant 0 : i32
    %dma_wait3A_67 = tpu.memref_slice %arg4[%arg1, %dma_wait3A_65, %dma_wait3A_66] : memref<16x180x112xf32, #tpu.memory_space<hbm>> -> memref<1x1x112xf32, #tpu.memory_space<hbm>>
    %dma_wait3A_68 = tpu.memref_squeeze %dma_wait3A_67 : memref<1x1x112xf32, #tpu.memory_space<hbm>> -> memref<112xf32, #tpu.memory_space<hbm>>
    %dma_wait3A_69 = arith.constant 0 : i32
    %dma_wait3A_70 = tpu.memref_slice %arg4[%arg1, %dma_wait3A_65, %dma_wait3A_69] : memref<16x180x112xf32, #tpu.memory_space<hbm>> -> memref<1x1x112xf32, #tpu.memory_space<hbm>>
    %dma_wait3A_71 = tpu.memref_squeeze %dma_wait3A_70 : memref<1x1x112xf32, #tpu.memory_space<hbm>> -> memref<112xf32, #tpu.memory_space<hbm>>
    tpu.wait_dma2 semaphore(%arg31 : memref<!tpu.dma_semaphore, #tpu.memory_space<semaphore_mem>>) src(%dma_wait3A_71 : memref<112xf32, #tpu.memory_space<hbm>>) dst(%arg22 : memref<112xf32, #tpu.memory_space<vmem>>)
    %get3A = arith.constant 0 : index
    %get3A_72 = tpu.vector_load %arg14[%get3A] {strides = array<i32>} : memref<112xi32, #tpu.memory_space<vmem>>, vector<16xi32>,
    %add3A = vector.broadcast %mul3A_0 : i32 to vector<16xi32>
    %add3A_73 = arith.addi %get3A_72, %add3A : vector<16xi32>
    %swap3A = arith.constant 0 : index
    %swap3A_74 = tpu.vector_load %arg14[%swap3A] {strides = array<i32>} : memref<112xi32, #tpu.memory_space<vmem>>, vector<16xi32>,
    tpu.vector_store %arg14[%swap3A], %add3A_73 {strides = array<i32>} : memref<112xi32, #tpu.memory_space<vmem>>, vector<16xi32>,
    %get3A_75 = arith.constant 16 : index
    %get3A_76 = tpu.vector_load %arg14[%get3A_75] {strides = array<i32>} : memref<112xi32, #tpu.memory_space<vmem>>, vector<16xi32>,
    %add3A_77 = vector.broadcast %mul3A_0 : i32 to vector<16xi32>
    %add3A_78 = arith.addi %get3A_76, %add3A_77 : vector<16xi32>
    %swap3A_79 = arith.constant 16 : index
    %swap3A_80 = tpu.vector_load %arg14[%swap3A_79] {strides = array<i32>} : memref<112xi32, #tpu.memory_space<vmem>>, vector<16xi32>,
    tpu.vector_store %arg14[%swap3A_79], %add3A_78 {strides = array<i32>} : memref<112xi32, #tpu.memory_space<vmem>>, vector<16xi32>,
    %get3A_81 = arith.constant 32 : index
    %get3A_82 = tpu.vector_load %arg14[%get3A_81] {strides = array<i32>} : memref<112xi32, #tpu.memory_space<vmem>>, vector<16xi32>,
    %add3A_83 = vector.broadcast %mul3A_0 : i32 to vector<16xi32>
    %add3A_84 = arith.addi %get3A_82, %add3A_83 : vector<16xi32>
    %swap3A_85 = arith.constant 32 : index
    %swap3A_86 = tpu.vector_load %arg14[%swap3A_85] {strides = array<i32>} : memref<112xi32, #tpu.memory_space<vmem>>, vector<16xi32>,
    tpu.vector_store %arg14[%swap3A_85], %add3A_84 {strides = array<i32>} : memref<112xi32, #tpu.memory_space<vmem>>, vector<16xi32>,
    %get3A_87 = arith.constant 48 : index
    %get3A_88 = tpu.vector_load %arg14[%get3A_87] {strides = array<i32>} : memref<112xi32, #tpu.memory_space<vmem>>, vector<16xi32>,
    %add3A_89 = vector.broadcast %mul3A_0 : i32 to vector<16xi32>
    %add3A_90 = arith.addi %get3A_88, %add3A_89 : vector<16xi32>
    %swap3A_91 = arith.constant 48 : index
    %swap3A_92 = tpu.vector_load %arg14[%swap3A_91] {strides = array<i32>} : memref<112xi32, #tpu.memory_space<vmem>>, vector<16xi32>,
    tpu.vector_store %arg14[%swap3A_91], %add3A_90 {strides = array<i32>} : memref<112xi32, #tpu.memory_space<vmem>>, vector<16xi32>,
    %get3A_93 = arith.constant 64 : index
    %get3A_94 = tpu.vector_load %arg14[%get3A_93] {strides = array<i32>} : memref<112xi32, #tpu.memory_space<vmem>>, vector<16xi32>,
    %add3A_95 = vector.broadcast %mul3A_0 : i32 to vector<16xi32>
    %add3A_96 = arith.addi %get3A_94, %add3A_95 : vector<16xi32>
    %swap3A_97 = arith.constant 64 : index
    %swap3A_98 = tpu.vector_load %arg14[%swap3A_97] {strides = array<i32>} : memref<112xi32, #tpu.memory_space<vmem>>, vector<16xi32>,
    tpu.vector_store %arg14[%swap3A_97], %add3A_96 {strides = array<i32>} : memref<112xi32, #tpu.memory_space<vmem>>, vector<16xi32>,
    %get3A_99 = arith.constant 80 : index
    %get3A_100 = tpu.vector_load %arg14[%get3A_99] {strides = array<i32>} : memref<112xi32, #tpu.memory_space<vmem>>, vector<16xi32>,
    %add3A_101 = vector.broadcast %mul3A_0 : i32 to vector<16xi32>
    %add3A_102 = arith.addi %get3A_100, %add3A_101 : vector<16xi32>
    %swap3A_103 = arith.constant 80 : index
    %swap3A_104 = tpu.vector_load %arg14[%swap3A_103] {strides = array<i32>} : memref<112xi32, #tpu.memory_space<vmem>>, vector<16xi32>,
    tpu.vector_store %arg14[%swap3A_103], %add3A_102 {strides = array<i32>} : memref<112xi32, #tpu.memory_space<vmem>>, vector<16xi32>,
    %get3A_105 = arith.constant 96 : index
    %get3A_106 = tpu.vector_load %arg14[%get3A_105] {strides = array<i32>} : memref<112xi32, #tpu.memory_space<vmem>>, vector<16xi32>,
    %add3A_107 = vector.broadcast %mul3A_0 : i32 to vector<16xi32>
    %add3A_108 = arith.addi %get3A_106, %add3A_107 : vector<16xi32>
    %swap3A_109 = arith.constant 96 : index
    %swap3A_110 = tpu.vector_load %arg14[%swap3A_109] {strides = array<i32>} : memref<112xi32, #tpu.memory_space<vmem>>, vector<16xi32>,
    tpu.vector_store %arg14[%swap3A_109], %add3A_108 {strides = array<i32>} : memref<112xi32, #tpu.memory_space<vmem>>, vector<16xi32>,
    %dma_start3A_111 = arith.constant 0 : i32
    %dma_start3A_112 = arith.constant 0 : i32
    %dma_start3A_113 = tpu.memref_slice %arg6[%dma_start3A_111, %dma_start3A_112] : memref<20000x64xi32, #tpu.memory_space<hbm>> -> memref<20000x64xi32, #tpu.memory_space<hbm>>
    tpu.enqueue_indirect_dma source(%dma_start3A_113 : memref<20000x64xi32, #tpu.memory_space<hbm>>) target(%arg12 : memref<112x64xi32, #tpu.memory_space<vmem>>) offsets(%arg14 : memref<112xi32, #tpu.memory_space<vmem>>) semaphore(%arg27 : memref<!tpu.dma_semaphore, #tpu.memory_space<semaphore_mem>>)
    %scan3A = arith.constant 0 : i32
    %scan3A_114 = arith.constant 45 : i32
    %scan3A_115 = arith.addi %scan3A, %scan3A_114 : i32
    %scan3A_116 = arith.constant 1 : i32
    scf.for %scan3A_276 = %scan3A to %scan3A_115 step %scan3A_116  : i32 {
      %mul3A_277 = arith.constant 4 : i32
      %mul3A_278 = arith.muli %scan3A_276, %mul3A_277 : i32
      %add3A_279 = arith.constant 0 : i32
      %add3A_280 = arith.addi %add3A_279, %mul3A_278 : i32
      %add3A_281 = arith.constant 0 : i32
      %add3A_282 = arith.addi %add3A_280, %add3A_281 : i32
      %dma_wait3A_283 = arith.constant 0 : i32
      %dma_wait3A_284 = arith.constant 0 : i32
      %dma_wait3A_285 = tpu.memref_slice %arg6[%dma_wait3A_283, %dma_wait3A_284] : memref<20000x64xi32, #tpu.memory_space<hbm>> -> memref<20000x64xi32, #tpu.memory_space<hbm>>
      tpu.wait_indirect_dma semaphore(%arg27 : memref<!tpu.dma_semaphore, #tpu.memory_space<semaphore_mem>>) src(%dma_wait3A_285 : memref<20000x64xi32, #tpu.memory_space<hbm>>) dst(%arg12 : memref<112x64xi32, #tpu.memory_space<vmem>>)
      %add3A_286 = arith.constant 1 : i32
      %add3A_287 = arith.addi %add3A_282, %add3A_286 : i32
      %lt3A = arith.constant 180 : i32
      %lt3A_288 = arith.cmpi slt, %add3A_287, %lt3A : i32
      %convert_element_type3A_289 = arith.extui %lt3A_288 : i1 to i32
      %cond3A_290 = arith.constant 0 : i32
      %cond3A_291 = arith.cmpi ne, %convert_element_type3A_289, %cond3A_290 : i32
      scf.if %cond3A_291 {
        %gt3A = arith.constant 0 : i32
        %gt3A_388 = arith.cmpi sgt, %add3A_282, %gt3A : i32
        %convert_element_type3A_389 = arith.extui %gt3A_388 : i1 to i32
        %cond3A_390 = arith.constant 0 : i32
        %cond3A_391 = arith.cmpi ne, %convert_element_type3A_389, %cond3A_390 : i32
        scf.if %cond3A_391 {
          %dma_wait3A_458 = arith.constant 0 : i32
          %dma_wait3A_459 = arith.constant 0 : i32
          %dma_wait3A_460 = tpu.memref_slice %arg26[%dma_wait3A_458, %dma_wait3A_459] : memref<10000x128xf32, #tpu.memory_space<vmem_shared>> -> memref<10000x128xf32, #tpu.memory_space<vmem_shared>>
          tpu.wait_indirect_dma semaphore(%arg30 : memref<!tpu.dma_semaphore, #tpu.memory_space<semaphore_mem>>) src(%arg11 : memref<112x128xf32, #tpu.memory_space<vmem>>) dst(%dma_wait3A_460 : memref<10000x128xf32, #tpu.memory_space<vmem_shared>>)
        } else {
        }
        %dma_wait3A_392 = arith.constant 0 : i32
        %dma_wait3A_393 = arith.constant 0 : i32
        %dma_wait3A_394 = tpu.memref_slice %arg2[%arg1, %dma_wait3A_392, %dma_wait3A_393] : memref<16x180x112xi32, #tpu.memory_space<hbm>> -> memref<1x1x112xi32, #tpu.memory_space<hbm>>
        %dma_wait3A_395 = tpu.memref_squeeze %dma_wait3A_394 : memref<1x1x112xi32, #tpu.memory_space<hbm>> -> memref<112xi32, #tpu.memory_space<hbm>>
        %dma_wait3A_396 = arith.constant 0 : i32
        %dma_wait3A_397 = tpu.memref_slice %arg2[%arg1, %dma_wait3A_392, %dma_wait3A_396] : memref<16x180x112xi32, #tpu.memory_space<hbm>> -> memref<1x1x112xi32, #tpu.memory_space<hbm>>
        %dma_wait3A_398 = tpu.memref_squeeze %dma_wait3A_397 : memref<1x1x112xi32, #tpu.memory_space<hbm>> -> memref<112xi32, #tpu.memory_space<hbm>>
        tpu.wait_dma2 semaphore(%arg32 : memref<!tpu.dma_semaphore, #tpu.memory_space<semaphore_mem>>) src(%dma_wait3A_398 : memref<112xi32, #tpu.memory_space<hbm>>) dst(%arg15 : memref<112xi32, #tpu.memory_space<vmem>>)
        %dma_wait3A_399 = arith.constant 0 : i32
        %dma_wait3A_400 = arith.constant 0 : i32
        %dma_wait3A_401 = tpu.memref_slice %arg3[%arg1, %dma_wait3A_399, %dma_wait3A_400] : memref<16x180x112xi32, #tpu.memory_space<hbm>> -> memref<1x1x112xi32, #tpu.memory_space<hbm>>
        %dma_wait3A_402 = tpu.memref_squeeze %dma_wait3A_401 : memref<1x1x112xi32, #tpu.memory_space<hbm>> -> memref<112xi32, #tpu.memory_space<hbm>>
        %dma_wait3A_403 = arith.constant 0 : i32
        %dma_wait3A_404 = tpu.memref_slice %arg3[%arg1, %dma_wait3A_399, %dma_wait3A_403] : memref<16x180x112xi32, #tpu.memory_space<hbm>> -> memref<1x1x112xi32, #tpu.memory_space<hbm>>
        %dma_wait3A_405 = tpu.memref_squeeze %dma_wait3A_404 : memref<1x1x112xi32, #tpu.memory_space<hbm>> -> memref<112xi32, #tpu.memory_space<hbm>>
        tpu.wait_dma2 semaphore(%arg32 : memref<!tpu.dma_semaphore, #tpu.memory_space<semaphore_mem>>) src(%dma_wait3A_405 : memref<112xi32, #tpu.memory_space<hbm>>) dst(%arg19 : memref<112xi32, #tpu.memory_space<vmem>>)
        %dma_wait3A_406 = arith.constant 0 : i32
        %dma_wait3A_407 = arith.constant 0 : i32
        %dma_wait3A_408 = tpu.memref_slice %arg4[%arg1, %dma_wait3A_406, %dma_wait3A_407] : memref<16x180x112xf32, #tpu.memory_space<hbm>> -> memref<1x1x112xf32, #tpu.memory_space<hbm>>
        %dma_wait3A_409 = tpu.memref_squeeze %dma_wait3A_408 : memref<1x1x112xf32, #tpu.memory_space<hbm>> -> memref<112xf32, #tpu.memory_space<hbm>>
        %dma_wait3A_410 = arith.constant 0 : i32
        %dma_wait3A_411 = tpu.memref_slice %arg4[%arg1, %dma_wait3A_406, %dma_wait3A_410] : memref<16x180x112xf32, #tpu.memory_space<hbm>> -> memref<1x1x112xf32, #tpu.memory_space<hbm>>
        %dma_wait3A_412 = tpu.memref_squeeze %dma_wait3A_411 : memref<1x1x112xf32, #tpu.memory_space<hbm>> -> memref<112xf32, #tpu.memory_space<hbm>>
        tpu.wait_dma2 semaphore(%arg32 : memref<!tpu.dma_semaphore, #tpu.memory_space<semaphore_mem>>) src(%dma_wait3A_412 : memref<112xf32, #tpu.memory_space<hbm>>) dst(%arg23 : memref<112xf32, #tpu.memory_space<vmem>>)
        %get3A_413 = arith.constant 0 : index
        %get3A_414 = tpu.vector_load %arg15[%get3A_413] {strides = array<i32>} : memref<112xi32, #tpu.memory_space<vmem>>, vector<16xi32>,
        %add3A_415 = vector.broadcast %mul3A_0 : i32 to vector<16xi32>
        %add3A_416 = arith.addi %get3A_414, %add3A_415 : vector<16xi32>
        %swap3A_417 = arith.constant 0 : index
        %swap3A_418 = tpu.vector_load %arg15[%swap3A_417] {strides = array<i32>} : memref<112xi32, #tpu.memory_space<vmem>>, vector<16xi32>,
        tpu.vector_store %arg15[%swap3A_417], %add3A_416 {strides = array<i32>} : memref<112xi32, #tpu.memory_space<vmem>>, vector<16xi32>,
        %get3A_419 = arith.constant 16 : index
        %get3A_420 = tpu.vector_load %arg15[%get3A_419] {strides = array<i32>} : memref<112xi32, #tpu.memory_space<vmem>>, vector<16xi32>,
        %add3A_421 = vector.broadcast %mul3A_0 : i32 to vector<16xi32>
        %add3A_422 = arith.addi %get3A_420, %add3A_421 : vector<16xi32>
        %swap3A_423 = arith.constant 16 : index
        %swap3A_424 = tpu.vector_load %arg15[%swap3A_423] {strides = array<i32>} : memref<112xi32, #tpu.memory_space<vmem>>, vector<16xi32>,
        tpu.vector_store %arg15[%swap3A_423], %add3A_422 {strides = array<i32>} : memref<112xi32, #tpu.memory_space<vmem>>, vector<16xi32>,
        %get3A_425 = arith.constant 32 : index
        %get3A_426 = tpu.vector_load %arg15[%get3A_425] {strides = array<i32>} : memref<112xi32, #tpu.memory_space<vmem>>, vector<16xi32>,
        %add3A_427 = vector.broadcast %mul3A_0 : i32 to vector<16xi32>
        %add3A_428 = arith.addi %get3A_426, %add3A_427 : vector<16xi32>
        %swap3A_429 = arith.constant 32 : index
        %swap3A_430 = tpu.vector_load %arg15[%swap3A_429] {strides = array<i32>} : memref<112xi32, #tpu.memory_space<vmem>>, vector<16xi32>,
        tpu.vector_store %arg15[%swap3A_429], %add3A_428 {strides = array<i32>} : memref<112xi32, #tpu.memory_space<vmem>>, vector<16xi32>,
        %get3A_431 = arith.constant 48 : index
        %get3A_432 = tpu.vector_load %arg15[%get3A_431] {strides = array<i32>} : memref<112xi32, #tpu.memory_space<vmem>>, vector<16xi32>,
        %add3A_433 = vector.broadcast %mul3A_0 : i32 to vector<16xi32>
        %add3A_434 = arith.addi %get3A_432, %add3A_433 : vector<16xi32>
        %swap3A_435 = arith.constant 48 : index
        %swap3A_436 = tpu.vector_load %arg15[%swap3A_435] {strides = array<i32>} : memref<112xi32, #tpu.memory_space<vmem>>, vector<16xi32>,
        tpu.vector_store %arg15[%swap3A_435], %add3A_434 {strides = array<i32>} : memref<112xi32, #tpu.memory_space<vmem>>, vector<16xi32>,
        %get3A_437 = arith.constant 64 : index
        %get3A_438 = tpu.vector_load %arg15[%get3A_437] {strides = array<i32>} : memref<112xi32, #tpu.memory_space<vmem>>, vector<16xi32>,
        %add3A_439 = vector.broadcast %mul3A_0 : i32 to vector<16xi32>
        %add3A_440 = arith.addi %get3A_438, %add3A_439 : vector<16xi32>
        %swap3A_441 = arith.constant 64 : index
        %swap3A_442 = tpu.vector_load %arg15[%swap3A_441] {strides = array<i32>} : memref<112xi32, #tpu.memory_space<vmem>>, vector<16xi32>,
        tpu.vector_store %arg15[%swap3A_441], %add3A_440 {strides = array<i32>} : memref<112xi32, #tpu.memory_space<vmem>>, vector<16xi32>,
        %get3A_443 = arith.constant 80 : index
        %get3A_444 = tpu.vector_load %arg15[%get3A_443] {strides = array<i32>} : memref<112xi32, #tpu.memory_space<vmem>>, vector<16xi32>,
        %add3A_445 = vector.broadcast %mul3A_0 : i32 to vector<16xi32>
        %add3A_446 = arith.addi %get3A_444, %add3A_445 : vector<16xi32>
        %swap3A_447 = arith.constant 80 : index
        %swap3A_448 = tpu.vector_load %arg15[%swap3A_447] {strides = array<i32>} : memref<112xi32, #tpu.memory_space<vmem>>, vector<16xi32>,
        tpu.vector_store %arg15[%swap3A_447], %add3A_446 {strides = array<i32>} : memref<112xi32, #tpu.memory_space<vmem>>, vector<16xi32>,
        %get3A_449 = arith.constant 96 : index
        %get3A_450 = tpu.vector_load %arg15[%get3A_449] {strides = array<i32>} : memref<112xi32, #tpu.memory_space<vmem>>, vector<16xi32>,
        %add3A_451 = vector.broadcast %mul3A_0 : i32 to vector<16xi32>
        %add3A_452 = arith.addi %get3A_450, %add3A_451 : vector<16xi32>
        %swap3A_453 = arith.constant 96 : index
        %swap3A_454 = tpu.vector_load %arg15[%swap3A_453] {strides = array<i32>} : memref<112xi32, #tpu.memory_space<vmem>>, vector<16xi32>,
        tpu.vector_store %arg15[%swap3A_453], %add3A_452 {strides = array<i32>} : memref<112xi32, #tpu.memory_space<vmem>>, vector<16xi32>,
        %dma_start3A_455 = arith.constant 0 : i32
        %dma_start3A_456 = arith.constant 0 : i32
        %dma_start3A_457 = tpu.memref_slice %arg6[%dma_start3A_455, %dma_start3A_456] : memref<20000x64xi32, #tpu.memory_space<hbm>> -> memref<20000x64xi32, #tpu.memory_space<hbm>>
        tpu.enqueue_indirect_dma source(%dma_start3A_457 : memref<20000x64xi32, #tpu.memory_space<hbm>>) target(%arg13 : memref<112x64xi32, #tpu.memory_space<vmem>>) offsets(%arg15 : memref<112xi32, #tpu.memory_space<vmem>>) semaphore(%arg28 : memref<!tpu.dma_semaphore, #tpu.memory_space<semaphore_mem>>)
      } else {
      }
      %add3A_292 = arith.constant 2 : i32
      %add3A_293 = arith.addi %add3A_282, %add3A_292 : i32
      %lt3A_294 = arith.constant 180 : i32
      %lt3A_295 = arith.cmpi slt, %add3A_293, %lt3A_294 : i32
      %convert_element_type3A_296 = arith.extui %lt3A_295 : i1 to i32
      %cond3A_297 = arith.constant 0 : i32
      %cond3A_298 = arith.cmpi ne, %convert_element_type3A_296, %cond3A_297 : i32
      scf.if %cond3A_298 {
        %add3A_388 = arith.constant 2 : i32
        %add3A_389 = arith.addi %add3A_282, %add3A_388 : i32
        %dma_start3A_390 = arith.constant 0 : i32
        %dma_start3A_391 = tpu.memref_slice %arg2[%arg1, %add3A_389, %dma_start3A_390] : memref<16x180x112xi32, #tpu.memory_space<hbm>> -> memref<1x1x112xi32, #tpu.memory_space<hbm>>
        %dma_start3A_392 = tpu.memref_squeeze %dma_start3A_391 : memref<1x1x112xi32, #tpu.memory_space<hbm>> -> memref<112xi32, #tpu.memory_space<hbm>>
        %dma_start3A_393 = arith.constant 0 : i32
        %dma_start3A_394 = tpu.memref_slice %arg2[%arg1, %add3A_389, %dma_start3A_393] : memref<16x180x112xi32, #tpu.memory_space<hbm>> -> memref<1x1x112xi32, #tpu.memory_space<hbm>>
        %dma_start3A_395 = tpu.memref_squeeze %dma_start3A_394 : memref<1x1x112xi32, #tpu.memory_space<hbm>> -> memref<112xi32, #tpu.memory_space<hbm>>
        tpu.enqueue_dma source(%dma_start3A_395 : memref<112xi32, #tpu.memory_space<hbm>>) target(%arg16 : memref<112xi32, #tpu.memory_space<vmem>>) target_semaphore(%arg33 : memref<!tpu.dma_semaphore, #tpu.memory_space<semaphore_mem>>)
        %dma_start3A_396 = arith.constant 0 : i32
        %dma_start3A_397 = tpu.memref_slice %arg3[%arg1, %add3A_389, %dma_start3A_396] : memref<16x180x112xi32, #tpu.memory_space<hbm>> -> memref<1x1x112xi32, #tpu.memory_space<hbm>>
        %dma_start3A_398 = tpu.memref_squeeze %dma_start3A_397 : memref<1x1x112xi32, #tpu.memory_space<hbm>> -> memref<112xi32, #tpu.memory_space<hbm>>
        %dma_start3A_399 = arith.constant 0 : i32
        %dma_start3A_400 = tpu.memref_slice %arg3[%arg1, %add3A_389, %dma_start3A_399] : memref<16x180x112xi32, #tpu.memory_space<hbm>> -> memref<1x1x112xi32, #tpu.memory_space<hbm>>
        %dma_start3A_401 = tpu.memref_squeeze %dma_start3A_400 : memref<1x1x112xi32, #tpu.memory_space<hbm>> -> memref<112xi32, #tpu.memory_space<hbm>>
        tpu.enqueue_dma source(%dma_start3A_401 : memref<112xi32, #tpu.memory_space<hbm>>) target(%arg20 : memref<112xi32, #tpu.memory_space<vmem>>) target_semaphore(%arg33 : memref<!tpu.dma_semaphore, #tpu.memory_space<semaphore_mem>>)
        %dma_start3A_402 = arith.constant 0 : i32
        %dma_start3A_403 = tpu.memref_slice %arg4[%arg1, %add3A_389, %dma_start3A_402] : memref<16x180x112xf32, #tpu.memory_space<hbm>> -> memref<1x1x112xf32, #tpu.memory_space<hbm>>
        %dma_start3A_404 = tpu.memref_squeeze %dma_start3A_403 : memref<1x1x112xf32, #tpu.memory_space<hbm>> -> memref<112xf32, #tpu.memory_space<hbm>>
        %dma_start3A_405 = arith.constant 0 : i32
        %dma_start3A_406 = tpu.memref_slice %arg4[%arg1, %add3A_389, %dma_start3A_405] : memref<16x180x112xf32, #tpu.memory_space<hbm>> -> memref<1x1x112xf32, #tpu.memory_space<hbm>>
        %dma_start3A_407 = tpu.memref_squeeze %dma_start3A_406 : memref<1x1x112xf32, #tpu.memory_space<hbm>> -> memref<112xf32, #tpu.memory_space<hbm>>
        tpu.enqueue_dma source(%dma_start3A_407 : memref<112xf32, #tpu.memory_space<hbm>>) target(%arg24 : memref<112xf32, #tpu.memory_space<vmem>>) target_semaphore(%arg33 : memref<!tpu.dma_semaphore, #tpu.memory_space<semaphore_mem>>)
      } else {
      }
      %scan3A_299 = arith.constant 0 : i32
      %scan3A_300 = arith.constant 112 : i32
      %scan3A_301 = arith.addi %scan3A_299, %scan3A_300 : i32
      %scan3A_302 = arith.constant 1 : i32
      scf.for %scan3A_388 = %scan3A_299 to %scan3A_301 step %scan3A_302  : i32 {
        %mul3A_389 = arith.constant 1 : i32
        %mul3A_390 = arith.muli %scan3A_388, %mul3A_389 : i32
        %add3A_391 = arith.constant 0 : i32
        %add3A_392 = arith.addi %add3A_391, %mul3A_390 : i32
        %broadcast_in_dim3A_393 = vector.broadcast %add3A_392 : i32 to vector<16xi32>
        %gather3A = tpu.vector_load_idx %arg22[%broadcast_in_dim3A_393] : memref<112xf32, #tpu.memory_space<vmem>>[vector<16xi32>], vector<16xf32>,
        %get3A_394 = arith.index_cast %add3A_392 : i32 to index
        %get3A_395 = arith.constant 0 : index
        %get3A_396 = tpu.vector_load %arg12[%get3A_394, %get3A_395] {strides = array<i32>} : memref<112x64xi32, #tpu.memory_space<vmem>>, vector<16xi32>,
        %shift_left3A = arith.constant 16 : i32
        %shift_left3A_397 = vector.broadcast %shift_left3A : i32 to vector<16xi32>
        %shift_left3A_398 = arith.shli %get3A_396, %shift_left3A_397 : vector<16xi32>
        %bitcast3A = vector.bitcast %shift_left3A_398 : vector<16xi32> to vector<16xf32>
        %mul3A_399 = arith.mulf %bitcast3A, %gather3A : vector<16xf32>
        %and3A = arith.andi %get3A_396, %broadcast_in_dim3A_4 : vector<16xi32>
        %bitcast3A_400 = vector.bitcast %and3A : vector<16xi32> to vector<16xf32>
        %mul3A_401 = arith.mulf %bitcast3A_400, %gather3A : vector<16xf32>
        %add3A_402 = arith.constant 0 : i32
        %add3A_403 = vector.broadcast %add3A_402 : i32 to vector<16xi32>
        %add3A_404 = arith.addi %mul3A_3, %add3A_403 : vector<16xi32>
        tpu.vector_store_idx %arg10[%broadcast_in_dim3A_393, %add3A_404], %mul3A_399 : memref<112x128xf32, #tpu.memory_space<vmem>>[vector<16xi32>, vector<16xi32>], vector<16xf32>,
        %add3A_405 = arith.constant 1 : i32
        %add3A_406 = vector.broadcast %add3A_405 : i32 to vector<16xi32>
        %add3A_407 = arith.addi %add3A_404, %add3A_406 : vector<16xi32>
        tpu.vector_store_idx %arg10[%broadcast_in_dim3A_393, %add3A_407], %mul3A_401 : memref<112x128xf32, #tpu.memory_space<vmem>>[vector<16xi32>, vector<16xi32>], vector<16xf32>,
        %get3A_408 = arith.index_cast %add3A_392 : i32 to index
        %get3A_409 = arith.constant 16 : index
        %get3A_410 = tpu.vector_load %arg12[%get3A_408, %get3A_409] {strides = array<i32>} : memref<112x64xi32, #tpu.memory_space<vmem>>, vector<16xi32>,
        %shift_left3A_411 = arith.constant 16 : i32
        %shift_left3A_412 = vector.broadcast %shift_left3A_411 : i32 to vector<16xi32>
        %shift_left3A_413 = arith.shli %get3A_410, %shift_left3A_412 : vector<16xi32>
        %bitcast3A_414 = vector.bitcast %shift_left3A_413 : vector<16xi32> to vector<16xf32>
        %mul3A_415 = arith.mulf %bitcast3A_414, %gather3A : vector<16xf32>
        %and3A_416 = arith.andi %get3A_410, %broadcast_in_dim3A_4 : vector<16xi32>
        %bitcast3A_417 = vector.bitcast %and3A_416 : vector<16xi32> to vector<16xf32>
        %mul3A_418 = arith.mulf %bitcast3A_417, %gather3A : vector<16xf32>
        %add3A_419 = arith.constant 32 : i32
        %add3A_420 = vector.broadcast %add3A_419 : i32 to vector<16xi32>
        %add3A_421 = arith.addi %mul3A_3, %add3A_420 : vector<16xi32>
        tpu.vector_store_idx %arg10[%broadcast_in_dim3A_393, %add3A_421], %mul3A_415 : memref<112x128xf32, #tpu.memory_space<vmem>>[vector<16xi32>, vector<16xi32>], vector<16xf32>,
        %add3A_422 = arith.constant 1 : i32
        %add3A_423 = vector.broadcast %add3A_422 : i32 to vector<16xi32>
        %add3A_424 = arith.addi %add3A_421, %add3A_423 : vector<16xi32>
        tpu.vector_store_idx %arg10[%broadcast_in_dim3A_393, %add3A_424], %mul3A_418 : memref<112x128xf32, #tpu.memory_space<vmem>>[vector<16xi32>, vector<16xi32>], vector<16xf32>,
        %get3A_425 = arith.index_cast %add3A_392 : i32 to index
        %get3A_426 = arith.constant 32 : index
        %get3A_427 = tpu.vector_load %arg12[%get3A_425, %get3A_426] {strides = array<i32>} : memref<112x64xi32, #tpu.memory_space<vmem>>, vector<16xi32>,
        %shift_left3A_428 = arith.constant 16 : i32
        %shift_left3A_429 = vector.broadcast %shift_left3A_428 : i32 to vector<16xi32>
        %shift_left3A_430 = arith.shli %get3A_427, %shift_left3A_429 : vector<16xi32>
        %bitcast3A_431 = vector.bitcast %shift_left3A_430 : vector<16xi32> to vector<16xf32>
        %mul3A_432 = arith.mulf %bitcast3A_431, %gather3A : vector<16xf32>
        %and3A_433 = arith.andi %get3A_427, %broadcast_in_dim3A_4 : vector<16xi32>
        %bitcast3A_434 = vector.bitcast %and3A_433 : vector<16xi32> to vector<16xf32>
        %mul3A_435 = arith.mulf %bitcast3A_434, %gather3A : vector<16xf32>
        %add3A_436 = arith.constant 64 : i32
        %add3A_437 = vector.broadcast %add3A_436 : i32 to vector<16xi32>
        %add3A_438 = arith.addi %mul3A_3, %add3A_437 : vector<16xi32>
        tpu.vector_store_idx %arg10[%broadcast_in_dim3A_393, %add3A_438], %mul3A_432 : memref<112x128xf32, #tpu.memory_space<vmem>>[vector<16xi32>, vector<16xi32>], vector<16xf32>,
        %add3A_439 = arith.constant 1 : i32
        %add3A_440 = vector.broadcast %add3A_439 : i32 to vector<16xi32>
        %add3A_441 = arith.addi %add3A_438, %add3A_440 : vector<16xi32>
        tpu.vector_store_idx %arg10[%broadcast_in_dim3A_393, %add3A_441], %mul3A_435 : memref<112x128xf32, #tpu.memory_space<vmem>>[vector<16xi32>, vector<16xi32>], vector<16xf32>,
        %get3A_442 = arith.index_cast %add3A_392 : i32 to index
        %get3A_443 = arith.constant 48 : index
        %get3A_444 = tpu.vector_load %arg12[%get3A_442, %get3A_443] {strides = array<i32>} : memref<112x64xi32, #tpu.memory_space<vmem>>, vector<16xi32>,
        %shift_left3A_445 = arith.constant 16 : i32
        %shift_left3A_446 = vector.broadcast %shift_left3A_445 : i32 to vector<16xi32>
        %shift_left3A_447 = arith.shli %get3A_444, %shift_left3A_446 : vector<16xi32>
        %bitcast3A_448 = vector.bitcast %shift_left3A_447 : vector<16xi32> to vector<16xf32>
        %mul3A_449 = arith.mulf %bitcast3A_448, %gather3A : vector<16xf32>
        %and3A_450 = arith.andi %get3A_444, %broadcast_in_dim3A_4 : vector<16xi32>
        %bitcast3A_451 = vector.bitcast %and3A_450 : vector<16xi32> to vector<16xf32>
        %mul3A_452 = arith.mulf %bitcast3A_451, %gather3A : vector<16xf32>
        %add3A_453 = arith.constant 96 : i32
        %add3A_454 = vector.broadcast %add3A_453 : i32 to vector<16xi32>
        %add3A_455 = arith.addi %mul3A_3, %add3A_454 : vector<16xi32>
        tpu.vector_store_idx %arg10[%broadcast_in_dim3A_393, %add3A_455], %mul3A_449 : memref<112x128xf32, #tpu.memory_space<vmem>>[vector<16xi32>, vector<16xi32>], vector<16xf32>,
        %add3A_456 = arith.constant 1 : i32
        %add3A_457 = vector.broadcast %add3A_456 : i32 to vector<16xi32>
        %add3A_458 = arith.addi %add3A_455, %add3A_457 : vector<16xi32>
        tpu.vector_store_idx %arg10[%broadcast_in_dim3A_393, %add3A_458], %mul3A_452 : memref<112x128xf32, #tpu.memory_space<vmem>>[vector<16xi32>, vector<16xi32>], vector<16xf32>,
      }
      %scan3A_303 = arith.constant 112 : i32
      %dma_start3A_304 = arith.constant 0 : i32
      %dma_start3A_305 = arith.constant 0 : i32
      %dma_start3A_306 = tpu.memref_slice %arg26[%dma_start3A_304, %dma_start3A_305] : memref<10000x128xf32, #tpu.memory_space<vmem_shared>> -> memref<10000x128xf32, #tpu.memory_space<vmem_shared>>
      tpu.enqueue_indirect_dma source(%arg10 : memref<112x128xf32, #tpu.memory_space<vmem>>) target(%dma_start3A_306 : memref<10000x128xf32, #tpu.memory_space<vmem_shared>>) offsets(%arg18 : memref<112xi32, #tpu.memory_space<vmem>>) semaphore(%arg29 : memref<!tpu.dma_semaphore, #tpu.memory_space<semaphore_mem>>) {add = true}
      %add3A_307 = arith.constant 1 : i32
      %add3A_308 = arith.addi %add3A_280, %add3A_307 : i32
      %dma_wait3A_309 = arith.constant 0 : i32
      %dma_wait3A_310 = arith.constant 0 : i32
      %dma_wait3A_311 = tpu.memref_slice %arg6[%dma_wait3A_309, %dma_wait3A_310] : memref<20000x64xi32, #tpu.memory_space<hbm>> -> memref<20000x64xi32, #tpu.memory_space<hbm>>
      tpu.wait_indirect_dma semaphore(%arg28 : memref<!tpu.dma_semaphore, #tpu.memory_space<semaphore_mem>>) src(%dma_wait3A_311 : memref<20000x64xi32, #tpu.memory_space<hbm>>) dst(%arg13 : memref<112x64xi32, #tpu.memory_space<vmem>>)
      %add3A_312 = arith.constant 1 : i32
      %add3A_313 = arith.addi %add3A_308, %add3A_312 : i32
      %lt3A_314 = arith.constant 180 : i32
      %lt3A_315 = arith.cmpi slt, %add3A_313, %lt3A_314 : i32
      %convert_element_type3A_316 = arith.extui %lt3A_315 : i1 to i32
      %cond3A_317 = arith.constant 0 : i32
      %cond3A_318 = arith.cmpi ne, %convert_element_type3A_316, %cond3A_317 : i32
      scf.if %cond3A_318 {
        %gt3A = arith.constant 0 : i32
        %gt3A_388 = arith.cmpi sgt, %add3A_308, %gt3A : i32
        %convert_element_type3A_389 = arith.extui %gt3A_388 : i1 to i32
        %cond3A_390 = arith.constant 0 : i32
        %cond3A_391 = arith.cmpi ne, %convert_element_type3A_389, %cond3A_390 : i32
        scf.if %cond3A_391 {
          %dma_wait3A_458 = arith.constant 0 : i32
          %dma_wait3A_459 = arith.constant 0 : i32
          %dma_wait3A_460 = tpu.memref_slice %arg26[%dma_wait3A_458, %dma_wait3A_459] : memref<10000x128xf32, #tpu.memory_space<vmem_shared>> -> memref<10000x128xf32, #tpu.memory_space<vmem_shared>>
          tpu.wait_indirect_dma semaphore(%arg29 : memref<!tpu.dma_semaphore, #tpu.memory_space<semaphore_mem>>) src(%arg10 : memref<112x128xf32, #tpu.memory_space<vmem>>) dst(%dma_wait3A_460 : memref<10000x128xf32, #tpu.memory_space<vmem_shared>>)
        } else {
        }
        %dma_wait3A_392 = arith.constant 0 : i32
        %dma_wait3A_393 = arith.constant 0 : i32
        %dma_wait3A_394 = tpu.memref_slice %arg2[%arg1, %dma_wait3A_392, %dma_wait3A_393] : memref<16x180x112xi32, #tpu.memory_space<hbm>> -> memref<1x1x112xi32, #tpu.memory_space<hbm>>
        %dma_wait3A_395 = tpu.memref_squeeze %dma_wait3A_394 : memref<1x1x112xi32, #tpu.memory_space<hbm>> -> memref<112xi32, #tpu.memory_space<hbm>>
        %dma_wait3A_396 = arith.constant 0 : i32
        %dma_wait3A_397 = tpu.memref_slice %arg2[%arg1, %dma_wait3A_392, %dma_wait3A_396] : memref<16x180x112xi32, #tpu.memory_space<hbm>> -> memref<1x1x112xi32, #tpu.memory_space<hbm>>
        %dma_wait3A_398 = tpu.memref_squeeze %dma_wait3A_397 : memref<1x1x112xi32, #tpu.memory_space<hbm>> -> memref<112xi32, #tpu.memory_space<hbm>>
        tpu.wait_dma2 semaphore(%arg33 : memref<!tpu.dma_semaphore, #tpu.memory_space<semaphore_mem>>) src(%dma_wait3A_398 : memref<112xi32, #tpu.memory_space<hbm>>) dst(%arg16 : memref<112xi32, #tpu.memory_space<vmem>>)
        %dma_wait3A_399 = arith.constant 0 : i32
        %dma_wait3A_400 = arith.constant 0 : i32
        %dma_wait3A_401 = tpu.memref_slice %arg3[%arg1, %dma_wait3A_399, %dma_wait3A_400] : memref<16x180x112xi32, #tpu.memory_space<hbm>> -> memref<1x1x112xi32, #tpu.memory_space<hbm>>
        %dma_wait3A_402 = tpu.memref_squeeze %dma_wait3A_401 : memref<1x1x112xi32, #tpu.memory_space<hbm>> -> memref<112xi32, #tpu.memory_space<hbm>>
        %dma_wait3A_403 = arith.constant 0 : i32
        %dma_wait3A_404 = tpu.memref_slice %arg3[%arg1, %dma_wait3A_399, %dma_wait3A_403] : memref<16x180x112xi32, #tpu.memory_space<hbm>> -> memref<1x1x112xi32, #tpu.memory_space<hbm>>
        %dma_wait3A_405 = tpu.memref_squeeze %dma_wait3A_404 : memref<1x1x112xi32, #tpu.memory_space<hbm>> -> memref<112xi32, #tpu.memory_space<hbm>>
        tpu.wait_dma2 semaphore(%arg33 : memref<!tpu.dma_semaphore, #tpu.memory_space<semaphore_mem>>) src(%dma_wait3A_405 : memref<112xi32, #tpu.memory_space<hbm>>) dst(%arg20 : memref<112xi32, #tpu.memory_space<vmem>>)
        %dma_wait3A_406 = arith.constant 0 : i32
        %dma_wait3A_407 = arith.constant 0 : i32
        %dma_wait3A_408 = tpu.memref_slice %arg4[%arg1, %dma_wait3A_406, %dma_wait3A_407] : memref<16x180x112xf32, #tpu.memory_space<hbm>> -> memref<1x1x112xf32, #tpu.memory_space<hbm>>
        %dma_wait3A_409 = tpu.memref_squeeze %dma_wait3A_408 : memref<1x1x112xf32, #tpu.memory_space<hbm>> -> memref<112xf32, #tpu.memory_space<hbm>>
        %dma_wait3A_410 = arith.constant 0 : i32
        %dma_wait3A_411 = tpu.memref_slice %arg4[%arg1, %dma_wait3A_406, %dma_wait3A_410] : memref<16x180x112xf32, #tpu.memory_space<hbm>> -> memref<1x1x112xf32, #tpu.memory_space<hbm>>
        %dma_wait3A_412 = tpu.memref_squeeze %dma_wait3A_411 : memref<1x1x112xf32, #tpu.memory_space<hbm>> -> memref<112xf32, #tpu.memory_space<hbm>>
        tpu.wait_dma2 semaphore(%arg33 : memref<!tpu.dma_semaphore, #tpu.memory_space<semaphore_mem>>) src(%dma_wait3A_412 : memref<112xf32, #tpu.memory_space<hbm>>) dst(%arg24 : memref<112xf32, #tpu.memory_space<vmem>>)
        %get3A_413 = arith.constant 0 : index
        %get3A_414 = tpu.vector_load %arg16[%get3A_413] {strides = array<i32>} : memref<112xi32, #tpu.memory_space<vmem>>, vector<16xi32>,
        %add3A_415 = vector.broadcast %mul3A_0 : i32 to vector<16xi32>
        %add3A_416 = arith.addi %get3A_414, %add3A_415 : vector<16xi32>
        %swap3A_417 = arith.constant 0 : index
        %swap3A_418 = tpu.vector_load %arg16[%swap3A_417] {strides = array<i32>} : memref<112xi32, #tpu.memory_space<vmem>>, vector<16xi32>,
        tpu.vector_store %arg16[%swap3A_417], %add3A_416 {strides = array<i32>} : memref<112xi32, #tpu.memory_space<vmem>>, vector<16xi32>,
        %get3A_419 = arith.constant 16 : index
        %get3A_420 = tpu.vector_load %arg16[%get3A_419] {strides = array<i32>} : memref<112xi32, #tpu.memory_space<vmem>>, vector<16xi32>,
        %add3A_421 = vector.broadcast %mul3A_0 : i32 to vector<16xi32>
        %add3A_422 = arith.addi %get3A_420, %add3A_421 : vector<16xi32>
        %swap3A_423 = arith.constant 16 : index
        %swap3A_424 = tpu.vector_load %arg16[%swap3A_423] {strides = array<i32>} : memref<112xi32, #tpu.memory_space<vmem>>, vector<16xi32>,
        tpu.vector_store %arg16[%swap3A_423], %add3A_422 {strides = array<i32>} : memref<112xi32, #tpu.memory_space<vmem>>, vector<16xi32>,
        %get3A_425 = arith.constant 32 : index
        %get3A_426 = tpu.vector_load %arg16[%get3A_425] {strides = array<i32>} : memref<112xi32, #tpu.memory_space<vmem>>, vector<16xi32>,
        %add3A_427 = vector.broadcast %mul3A_0 : i32 to vector<16xi32>
        %add3A_428 = arith.addi %get3A_426, %add3A_427 : vector<16xi32>
        %swap3A_429 = arith.constant 32 : index
        %swap3A_430 = tpu.vector_load %arg16[%swap3A_429] {strides = array<i32>} : memref<112xi32, #tpu.memory_space<vmem>>, vector<16xi32>,
        tpu.vector_store %arg16[%swap3A_429], %add3A_428 {strides = array<i32>} : memref<112xi32, #tpu.memory_space<vmem>>, vector<16xi32>,
        %get3A_431 = arith.constant 48 : index
        %get3A_432 = tpu.vector_load %arg16[%get3A_431] {strides = array<i32>} : memref<112xi32, #tpu.memory_space<vmem>>, vector<16xi32>,
        %add3A_433 = vector.broadcast %mul3A_0 : i32 to vector<16xi32>
        %add3A_434 = arith.addi %get3A_432, %add3A_433 : vector<16xi32>
        %swap3A_435 = arith.constant 48 : index
        %swap3A_436 = tpu.vector_load %arg16[%swap3A_435] {strides = array<i32>} : memref<112xi32, #tpu.memory_space<vmem>>, vector<16xi32>,
        tpu.vector_store %arg16[%swap3A_435], %add3A_434 {strides = array<i32>} : memref<112xi32, #tpu.memory_space<vmem>>, vector<16xi32>,
        %get3A_437 = arith.constant 64 : index
        %get3A_438 = tpu.vector_load %arg16[%get3A_437] {strides = array<i32>} : memref<112xi32, #tpu.memory_space<vmem>>, vector<16xi32>,
        %add3A_439 = vector.broadcast %mul3A_0 : i32 to vector<16xi32>
        %add3A_440 = arith.addi %get3A_438, %add3A_439 : vector<16xi32>
        %swap3A_441 = arith.constant 64 : index
        %swap3A_442 = tpu.vector_load %arg16[%swap3A_441] {strides = array<i32>} : memref<112xi32, #tpu.memory_space<vmem>>, vector<16xi32>,
        tpu.vector_store %arg16[%swap3A_441], %add3A_440 {strides = array<i32>} : memref<112xi32, #tpu.memory_space<vmem>>, vector<16xi32>,
        %get3A_443 = arith.constant 80 : index
        %get3A_444 = tpu.vector_load %arg16[%get3A_443] {strides = array<i32>} : memref<112xi32, #tpu.memory_space<vmem>>, vector<16xi32>,
        %add3A_445 = vector.broadcast %mul3A_0 : i32 to vector<16xi32>
        %add3A_446 = arith.addi %get3A_444, %add3A_445 : vector<16xi32>
        %swap3A_447 = arith.constant 80 : index
        %swap3A_448 = tpu.vector_load %arg16[%swap3A_447] {strides = array<i32>} : memref<112xi32, #tpu.memory_space<vmem>>, vector<16xi32>,
        tpu.vector_store %arg16[%swap3A_447], %add3A_446 {strides = array<i32>} : memref<112xi32, #tpu.memory_space<vmem>>, vector<16xi32>,
        %get3A_449 = arith.constant 96 : index
        %get3A_450 = tpu.vector_load %arg16[%get3A_449] {strides = array<i32>} : memref<112xi32, #tpu.memory_space<vmem>>, vector<16xi32>,
        %add3A_451 = vector.broadcast %mul3A_0 : i32 to vector<16xi32>
        %add3A_452 = arith.addi %get3A_450, %add3A_451 : vector<16xi32>
        %swap3A_453 = arith.constant 96 : index
        %swap3A_454 = tpu.vector_load %arg16[%swap3A_453] {strides = array<i32>} : memref<112xi32, #tpu.memory_space<vmem>>, vector<16xi32>,
        tpu.vector_store %arg16[%swap3A_453], %add3A_452 {strides = array<i32>} : memref<112xi32, #tpu.memory_space<vmem>>, vector<16xi32>,
        %dma_start3A_455 = arith.constant 0 : i32
        %dma_start3A_456 = arith.constant 0 : i32
        %dma_start3A_457 = tpu.memref_slice %arg6[%dma_start3A_455, %dma_start3A_456] : memref<20000x64xi32, #tpu.memory_space<hbm>> -> memref<20000x64xi32, #tpu.memory_space<hbm>>
        tpu.enqueue_indirect_dma source(%dma_start3A_457 : memref<20000x64xi32, #tpu.memory_space<hbm>>) target(%arg12 : memref<112x64xi32, #tpu.memory_space<vmem>>) offsets(%arg16 : memref<112xi32, #tpu.memory_space<vmem>>) semaphore(%arg27 : memref<!tpu.dma_semaphore, #tpu.memory_space<semaphore_mem>>)
      } else {
      }
      %add3A_319 = arith.constant 2 : i32
      %add3A_320 = arith.addi %add3A_308, %add3A_319 : i32
      %lt3A_321 = arith.constant 180 : i32
      %lt3A_322 = arith.cmpi slt, %add3A_320, %lt3A_321 : i32
      %convert_element_type3A_323 = arith.extui %lt3A_322 : i1 to i32
      %cond3A_324 = arith.constant 0 : i32
      %cond3A_325 = arith.cmpi ne, %convert_element_type3A_323, %cond3A_324 : i32
      scf.if %cond3A_325 {
        %add3A_388 = arith.constant 2 : i32
        %add3A_389 = arith.addi %add3A_308, %add3A_388 : i32
        %dma_start3A_390 = arith.constant 0 : i32
        %dma_start3A_391 = tpu.memref_slice %arg2[%arg1, %add3A_389, %dma_start3A_390] : memref<16x180x112xi32, #tpu.memory_space<hbm>> -> memref<1x1x112xi32, #tpu.memory_space<hbm>>
        %dma_start3A_392 = tpu.memref_squeeze %dma_start3A_391 : memref<1x1x112xi32, #tpu.memory_space<hbm>> -> memref<112xi32, #tpu.memory_space<hbm>>
        %dma_start3A_393 = arith.constant 0 : i32
        %dma_start3A_394 = tpu.memref_slice %arg2[%arg1, %add3A_389, %dma_start3A_393] : memref<16x180x112xi32, #tpu.memory_space<hbm>> -> memref<1x1x112xi32, #tpu.memory_space<hbm>>
        %dma_start3A_395 = tpu.memref_squeeze %dma_start3A_394 : memref<1x1x112xi32, #tpu.memory_space<hbm>> -> memref<112xi32, #tpu.memory_space<hbm>>
        tpu.enqueue_dma source(%dma_start3A_395 : memref<112xi32, #tpu.memory_space<hbm>>) target(%arg17 : memref<112xi32, #tpu.memory_space<vmem>>) target_semaphore(%arg34 : memref<!tpu.dma_semaphore, #tpu.memory_space<semaphore_mem>>)
        %dma_start3A_396 = arith.constant 0 : i32
        %dma_start3A_397 = tpu.memref_slice %arg3[%arg1, %add3A_389, %dma_start3A_396] : memref<16x180x112xi32, #tpu.memory_space<hbm>> -> memref<1x1x112xi32, #tpu.memory_space<hbm>>
        %dma_start3A_398 = tpu.memref_squeeze %dma_start3A_397 : memref<1x1x112xi32, #tpu.memory_space<hbm>> -> memref<112xi32, #tpu.memory_space<hbm>>
        %dma_start3A_399 = arith.constant 0 : i32
        %dma_start3A_400 = tpu.memref_slice %arg3[%arg1, %add3A_389, %dma_start3A_399] : memref<16x180x112xi32, #tpu.memory_space<hbm>> -> memref<1x1x112xi32, #tpu.memory_space<hbm>>
        %dma_start3A_401 = tpu.memref_squeeze %dma_start3A_400 : memref<1x1x112xi32, #tpu.memory_space<hbm>> -> memref<112xi32, #tpu.memory_space<hbm>>
        tpu.enqueue_dma source(%dma_start3A_401 : memref<112xi32, #tpu.memory_space<hbm>>) target(%arg21 : memref<112xi32, #tpu.memory_space<vmem>>) target_semaphore(%arg34 : memref<!tpu.dma_semaphore, #tpu.memory_space<semaphore_mem>>)
        %dma_start3A_402 = arith.constant 0 : i32
        %dma_start3A_403 = tpu.memref_slice %arg4[%arg1, %add3A_389, %dma_start3A_402] : memref<16x180x112xf32, #tpu.memory_space<hbm>> -> memref<1x1x112xf32, #tpu.memory_space<hbm>>
        %dma_start3A_404 = tpu.memref_squeeze %dma_start3A_403 : memref<1x1x112xf32, #tpu.memory_space<hbm>> -> memref<112xf32, #tpu.memory_space<hbm>>
        %dma_start3A_405 = arith.constant 0 : i32
        %dma_start3A_406 = tpu.memref_slice %arg4[%arg1, %add3A_389, %dma_start3A_405] : memref<16x180x112xf32, #tpu.memory_space<hbm>> -> memref<1x1x112xf32, #tpu.memory_space<hbm>>
        %dma_start3A_407 = tpu.memref_squeeze %dma_start3A_406 : memref<1x1x112xf32, #tpu.memory_space<hbm>> -> memref<112xf32, #tpu.memory_space<hbm>>
        tpu.enqueue_dma source(%dma_start3A_407 : memref<112xf32, #tpu.memory_space<hbm>>) target(%arg25 : memref<112xf32, #tpu.memory_space<vmem>>) target_semaphore(%arg34 : memref<!tpu.dma_semaphore, #tpu.memory_space<semaphore_mem>>)
      } else {
      }
      %scan3A_326 = arith.constant 0 : i32
      %scan3A_327 = arith.constant 112 : i32
      %scan3A_328 = arith.addi %scan3A_326, %scan3A_327 : i32
      %scan3A_329 = arith.constant 1 : i32
      scf.for %scan3A_388 = %scan3A_326 to %scan3A_328 step %scan3A_329  : i32 {
        %mul3A_389 = arith.constant 1 : i32
        %mul3A_390 = arith.muli %scan3A_388, %mul3A_389 : i32
        %add3A_391 = arith.constant 0 : i32
        %add3A_392 = arith.addi %add3A_391, %mul3A_390 : i32
        %broadcast_in_dim3A_393 = vector.broadcast %add3A_392 : i32 to vector<16xi32>
        %gather3A = tpu.vector_load_idx %arg23[%broadcast_in_dim3A_393] : memref<112xf32, #tpu.memory_space<vmem>>[vector<16xi32>], vector<16xf32>,
        %get3A_394 = arith.index_cast %add3A_392 : i32 to index
        %get3A_395 = arith.constant 0 : index
        %get3A_396 = tpu.vector_load %arg13[%get3A_394, %get3A_395] {strides = array<i32>} : memref<112x64xi32, #tpu.memory_space<vmem>>, vector<16xi32>,
        %shift_left3A = arith.constant 16 : i32
        %shift_left3A_397 = vector.broadcast %shift_left3A : i32 to vector<16xi32>
        %shift_left3A_398 = arith.shli %get3A_396, %shift_left3A_397 : vector<16xi32>
        %bitcast3A = vector.bitcast %shift_left3A_398 : vector<16xi32> to vector<16xf32>
        %mul3A_399 = arith.mulf %bitcast3A, %gather3A : vector<16xf32>
        %and3A = arith.andi %get3A_396, %broadcast_in_dim3A_4 : vector<16xi32>
        %bitcast3A_400 = vector.bitcast %and3A : vector<16xi32> to vector<16xf32>
        %mul3A_401 = arith.mulf %bitcast3A_400, %gather3A : vector<16xf32>
        %add3A_402 = arith.constant 0 : i32
        %add3A_403 = vector.broadcast %add3A_402 : i32 to vector<16xi32>
        %add3A_404 = arith.addi %mul3A_3, %add3A_403 : vector<16xi32>
        tpu.vector_store_idx %arg11[%broadcast_in_dim3A_393, %add3A_404], %mul3A_399 : memref<112x128xf32, #tpu.memory_space<vmem>>[vector<16xi32>, vector<16xi32>], vector<16xf32>,
        %add3A_405 = arith.constant 1 : i32
        %add3A_406 = vector.broadcast %add3A_405 : i32 to vector<16xi32>
        %add3A_407 = arith.addi %add3A_404, %add3A_406 : vector<16xi32>
        tpu.vector_store_idx %arg11[%broadcast_in_dim3A_393, %add3A_407], %mul3A_401 : memref<112x128xf32, #tpu.memory_space<vmem>>[vector<16xi32>, vector<16xi32>], vector<16xf32>,
        %get3A_408 = arith.index_cast %add3A_392 : i32 to index
        %get3A_409 = arith.constant 16 : index
        %get3A_410 = tpu.vector_load %arg13[%get3A_408, %get3A_409] {strides = array<i32>} : memref<112x64xi32, #tpu.memory_space<vmem>>, vector<16xi32>,
        %shift_left3A_411 = arith.constant 16 : i32
        %shift_left3A_412 = vector.broadcast %shift_left3A_411 : i32 to vector<16xi32>
        %shift_left3A_413 = arith.shli %get3A_410, %shift_left3A_412 : vector<16xi32>
        %bitcast3A_414 = vector.bitcast %shift_left3A_413 : vector<16xi32> to vector<16xf32>
        %mul3A_415 = arith.mulf %bitcast3A_414, %gather3A : vector<16xf32>
        %and3A_416 = arith.andi %get3A_410, %broadcast_in_dim3A_4 : vector<16xi32>
        %bitcast3A_417 = vector.bitcast %and3A_416 : vector<16xi32> to vector<16xf32>
        %mul3A_418 = arith.mulf %bitcast3A_417, %gather3A : vector<16xf32>
        %add3A_419 = arith.constant 32 : i32
        %add3A_420 = vector.broadcast %add3A_419 : i32 to vector<16xi32>
        %add3A_421 = arith.addi %mul3A_3, %add3A_420 : vector<16xi32>
        tpu.vector_store_idx %arg11[%broadcast_in_dim3A_393, %add3A_421], %mul3A_415 : memref<112x128xf32, #tpu.memory_space<vmem>>[vector<16xi32>, vector<16xi32>], vector<16xf32>,
        %add3A_422 = arith.constant 1 : i32
        %add3A_423 = vector.broadcast %add3A_422 : i32 to vector<16xi32>
        %add3A_424 = arith.addi %add3A_421, %add3A_423 : vector<16xi32>
        tpu.vector_store_idx %arg11[%broadcast_in_dim3A_393, %add3A_424], %mul3A_418 : memref<112x128xf32, #tpu.memory_space<vmem>>[vector<16xi32>, vector<16xi32>], vector<16xf32>,
        %get3A_425 = arith.index_cast %add3A_392 : i32 to index
        %get3A_426 = arith.constant 32 : index
        %get3A_427 = tpu.vector_load %arg13[%get3A_425, %get3A_426] {strides = array<i32>} : memref<112x64xi32, #tpu.memory_space<vmem>>, vector<16xi32>,
        %shift_left3A_428 = arith.constant 16 : i32
        %shift_left3A_429 = vector.broadcast %shift_left3A_428 : i32 to vector<16xi32>
        %shift_left3A_430 = arith.shli %get3A_427, %shift_left3A_429 : vector<16xi32>
        %bitcast3A_431 = vector.bitcast %shift_left3A_430 : vector<16xi32> to vector<16xf32>
        %mul3A_432 = arith.mulf %bitcast3A_431, %gather3A : vector<16xf32>
        %and3A_433 = arith.andi %get3A_427, %broadcast_in_dim3A_4 : vector<16xi32>
        %bitcast3A_434 = vector.bitcast %and3A_433 : vector<16xi32> to vector<16xf32>
        %mul3A_435 = arith.mulf %bitcast3A_434, %gather3A : vector<16xf32>
        %add3A_436 = arith.constant 64 : i32
        %add3A_437 = vector.broadcast %add3A_436 : i32 to vector<16xi32>
        %add3A_438 = arith.addi %mul3A_3, %add3A_437 : vector<16xi32>
        tpu.vector_store_idx %arg11[%broadcast_in_dim3A_393, %add3A_438], %mul3A_432 : memref<112x128xf32, #tpu.memory_space<vmem>>[vector<16xi32>, vector<16xi32>], vector<16xf32>,
        %add3A_439 = arith.constant 1 : i32
        %add3A_440 = vector.broadcast %add3A_439 : i32 to vector<16xi32>
        %add3A_441 = arith.addi %add3A_438, %add3A_440 : vector<16xi32>
        tpu.vector_store_idx %arg11[%broadcast_in_dim3A_393, %add3A_441], %mul3A_435 : memref<112x128xf32, #tpu.memory_space<vmem>>[vector<16xi32>, vector<16xi32>], vector<16xf32>,
        %get3A_442 = arith.index_cast %add3A_392 : i32 to index
        %get3A_443 = arith.constant 48 : index
        %get3A_444 = tpu.vector_load %arg13[%get3A_442, %get3A_443] {strides = array<i32>} : memref<112x64xi32, #tpu.memory_space<vmem>>, vector<16xi32>,
        %shift_left3A_445 = arith.constant 16 : i32
        %shift_left3A_446 = vector.broadcast %shift_left3A_445 : i32 to vector<16xi32>
        %shift_left3A_447 = arith.shli %get3A_444, %shift_left3A_446 : vector<16xi32>
        %bitcast3A_448 = vector.bitcast %shift_left3A_447 : vector<16xi32> to vector<16xf32>
        %mul3A_449 = arith.mulf %bitcast3A_448, %gather3A : vector<16xf32>
        %and3A_450 = arith.andi %get3A_444, %broadcast_in_dim3A_4 : vector<16xi32>
        %bitcast3A_451 = vector.bitcast %and3A_450 : vector<16xi32> to vector<16xf32>
        %mul3A_452 = arith.mulf %bitcast3A_451, %gather3A : vector<16xf32>
        %add3A_453 = arith.constant 96 : i32
        %add3A_454 = vector.broadcast %add3A_453 : i32 to vector<16xi32>
        %add3A_455 = arith.addi %mul3A_3, %add3A_454 : vector<16xi32>
        tpu.vector_store_idx %arg11[%broadcast_in_dim3A_393, %add3A_455], %mul3A_449 : memref<112x128xf32, #tpu.memory_space<vmem>>[vector<16xi32>, vector<16xi32>], vector<16xf32>,
        %add3A_456 = arith.constant 1 : i32
        %add3A_457 = vector.broadcast %add3A_456 : i32 to vector<16xi32>
        %add3A_458 = arith.addi %add3A_455, %add3A_457 : vector<16xi32>
        tpu.vector_store_idx %arg11[%broadcast_in_dim3A_393, %add3A_458], %mul3A_452 : memref<112x128xf32, #tpu.memory_space<vmem>>[vector<16xi32>, vector<16xi32>], vector<16xf32>,
      }
      %scan3A_330 = arith.constant 112 : i32
      %dma_start3A_331 = arith.constant 0 : i32
      %dma_start3A_332 = arith.constant 0 : i32
      %dma_start3A_333 = tpu.memref_slice %arg26[%dma_start3A_331, %dma_start3A_332] : memref<10000x128xf32, #tpu.memory_space<vmem_shared>> -> memref<10000x128xf32, #tpu.memory_space<vmem_shared>>
      tpu.enqueue_indirect_dma source(%arg11 : memref<112x128xf32, #tpu.memory_space<vmem>>) target(%dma_start3A_333 : memref<10000x128xf32, #tpu.memory_space<vmem_shared>>) offsets(%arg19 : memref<112xi32, #tpu.memory_space<vmem>>) semaphore(%arg30 : memref<!tpu.dma_semaphore, #tpu.memory_space<semaphore_mem>>) {add = true}
      %add3A_334 = arith.constant 2 : i32
      %add3A_335 = arith.addi %add3A_280, %add3A_334 : i32
      %dma_wait3A_336 = arith.constant 0 : i32
      %dma_wait3A_337 = arith.constant 0 : i32
      %dma_wait3A_338 = tpu.memref_slice %arg6[%dma_wait3A_336, %dma_wait3A_337] : memref<20000x64xi32, #tpu.memory_space<hbm>> -> memref<20000x64xi32, #tpu.memory_space<hbm>>
      tpu.wait_indirect_dma semaphore(%arg27 : memref<!tpu.dma_semaphore, #tpu.memory_space<semaphore_mem>>) src(%dma_wait3A_338 : memref<20000x64xi32, #tpu.memory_space<hbm>>) dst(%arg12 : memref<112x64xi32, #tpu.memory_space<vmem>>)
      %add3A_339 = arith.constant 1 : i32
      %add3A_340 = arith.addi %add3A_335, %add3A_339 : i32
      %lt3A_341 = arith.constant 180 : i32
      %lt3A_342 = arith.cmpi slt, %add3A_340, %lt3A_341 : i32
      %convert_element_type3A_343 = arith.extui %lt3A_342 : i1 to i32
      %cond3A_344 = arith.constant 0 : i32
      %cond3A_345 = arith.cmpi ne, %convert_element_type3A_343, %cond3A_344 : i32
      scf.if %cond3A_345 {
        %gt3A = arith.constant 0 : i32
        %gt3A_388 = arith.cmpi sgt, %add3A_335, %gt3A : i32
        %convert_element_type3A_389 = arith.extui %gt3A_388 : i1 to i32
        %cond3A_390 = arith.constant 0 : i32
        %cond3A_391 = arith.cmpi ne, %convert_element_type3A_389, %cond3A_390 : i32
        scf.if %cond3A_391 {
          %dma_wait3A_458 = arith.constant 0 : i32
          %dma_wait3A_459 = arith.constant 0 : i32
          %dma_wait3A_460 = tpu.memref_slice %arg26[%dma_wait3A_458, %dma_wait3A_459] : memref<10000x128xf32, #tpu.memory_space<vmem_shared>> -> memref<10000x128xf32, #tpu.memory_space<vmem_shared>>
          tpu.wait_indirect_dma semaphore(%arg30 : memref<!tpu.dma_semaphore, #tpu.memory_space<semaphore_mem>>) src(%arg11 : memref<112x128xf32, #tpu.memory_space<vmem>>) dst(%dma_wait3A_460 : memref<10000x128xf32, #tpu.memory_space<vmem_shared>>)
        } else {
        }
        %dma_wait3A_392 = arith.constant 0 : i32
        %dma_wait3A_393 = arith.constant 0 : i32
        %dma_wait3A_394 = tpu.memref_slice %arg2[%arg1, %dma_wait3A_392, %dma_wait3A_393] : memref<16x180x112xi32, #tpu.memory_space<hbm>> -> memref<1x1x112xi32, #tpu.memory_space<hbm>>
        %dma_wait3A_395 = tpu.memref_squeeze %dma_wait3A_394 : memref<1x1x112xi32, #tpu.memory_space<hbm>> -> memref<112xi32, #tpu.memory_space<hbm>>
        %dma_wait3A_396 = arith.constant 0 : i32
        %dma_wait3A_397 = tpu.memref_slice %arg2[%arg1, %dma_wait3A_392, %dma_wait3A_396] : memref<16x180x112xi32, #tpu.memory_space<hbm>> -> memref<1x1x112xi32, #tpu.memory_space<hbm>>
        %dma_wait3A_398 = tpu.memref_squeeze %dma_wait3A_397 : memref<1x1x112xi32, #tpu.memory_space<hbm>> -> memref<112xi32, #tpu.memory_space<hbm>>
        tpu.wait_dma2 semaphore(%arg34 : memref<!tpu.dma_semaphore, #tpu.memory_space<semaphore_mem>>) src(%dma_wait3A_398 : memref<112xi32, #tpu.memory_space<hbm>>) dst(%arg17 : memref<112xi32, #tpu.memory_space<vmem>>)
        %dma_wait3A_399 = arith.constant 0 : i32
        %dma_wait3A_400 = arith.constant 0 : i32
        %dma_wait3A_401 = tpu.memref_slice %arg3[%arg1, %dma_wait3A_399, %dma_wait3A_400] : memref<16x180x112xi32, #tpu.memory_space<hbm>> -> memref<1x1x112xi32, #tpu.memory_space<hbm>>
        %dma_wait3A_402 = tpu.memref_squeeze %dma_wait3A_401 : memref<1x1x112xi32, #tpu.memory_space<hbm>> -> memref<112xi32, #tpu.memory_space<hbm>>
        %dma_wait3A_403 = arith.constant 0 : i32
        %dma_wait3A_404 = tpu.memref_slice %arg3[%arg1, %dma_wait3A_399, %dma_wait3A_403] : memref<16x180x112xi32, #tpu.memory_space<hbm>> -> memref<1x1x112xi32, #tpu.memory_space<hbm>>
        %dma_wait3A_405 = tpu.memref_squeeze %dma_wait3A_404 : memref<1x1x112xi32, #tpu.memory_space<hbm>> -> memref<112xi32, #tpu.memory_space<hbm>>
        tpu.wait_dma2 semaphore(%arg34 : memref<!tpu.dma_semaphore, #tpu.memory_space<semaphore_mem>>) src(%dma_wait3A_405 : memref<112xi32, #tpu.memory_space<hbm>>) dst(%arg21 : memref<112xi32, #tpu.memory_space<vmem>>)
        %dma_wait3A_406 = arith.constant 0 : i32
        %dma_wait3A_407 = arith.constant 0 : i32
        %dma_wait3A_408 = tpu.memref_slice %arg4[%arg1, %dma_wait3A_406, %dma_wait3A_407] : memref<16x180x112xf32, #tpu.memory_space<hbm>> -> memref<1x1x112xf32, #tpu.memory_space<hbm>>
        %dma_wait3A_409 = tpu.memref_squeeze %dma_wait3A_408 : memref<1x1x112xf32, #tpu.memory_space<hbm>> -> memref<112xf32, #tpu.memory_space<hbm>>
        %dma_wait3A_410 = arith.constant 0 : i32
        %dma_wait3A_411 = tpu.memref_slice %arg4[%arg1, %dma_wait3A_406, %dma_wait3A_410] : memref<16x180x112xf32, #tpu.memory_space<hbm>> -> memref<1x1x112xf32, #tpu.memory_space<hbm>>
        %dma_wait3A_412 = tpu.memref_squeeze %dma_wait3A_411 : memref<1x1x112xf32, #tpu.memory_space<hbm>> -> memref<112xf32, #tpu.memory_space<hbm>>
        tpu.wait_dma2 semaphore(%arg34 : memref<!tpu.dma_semaphore, #tpu.memory_space<semaphore_mem>>) src(%dma_wait3A_412 : memref<112xf32, #tpu.memory_space<hbm>>) dst(%arg25 : memref<112xf32, #tpu.memory_space<vmem>>)
        %get3A_413 = arith.constant 0 : index
        %get3A_414 = tpu.vector_load %arg17[%get3A_413] {strides = array<i32>} : memref<112xi32, #tpu.memory_space<vmem>>, vector<16xi32>,
        %add3A_415 = vector.broadcast %mul3A_0 : i32 to vector<16xi32>
        %add3A_416 = arith.addi %get3A_414, %add3A_415 : vector<16xi32>
        %swap3A_417 = arith.constant 0 : index
        %swap3A_418 = tpu.vector_load %arg17[%swap3A_417] {strides = array<i32>} : memref<112xi32, #tpu.memory_space<vmem>>, vector<16xi32>,
        tpu.vector_store %arg17[%swap3A_417], %add3A_416 {strides = array<i32>} : memref<112xi32, #tpu.memory_space<vmem>>, vector<16xi32>,
        %get3A_419 = arith.constant 16 : index
        %get3A_420 = tpu.vector_load %arg17[%get3A_419] {strides = array<i32>} : memref<112xi32, #tpu.memory_space<vmem>>, vector<16xi32>,
        %add3A_421 = vector.broadcast %mul3A_0 : i32 to vector<16xi32>
        %add3A_422 = arith.addi %get3A_420, %add3A_421 : vector<16xi32>
        %swap3A_423 = arith.constant 16 : index
        %swap3A_424 = tpu.vector_load %arg17[%swap3A_423] {strides = array<i32>} : memref<112xi32, #tpu.memory_space<vmem>>, vector<16xi32>,
        tpu.vector_store %arg17[%swap3A_423], %add3A_422 {strides = array<i32>} : memref<112xi32, #tpu.memory_space<vmem>>, vector<16xi32>,
        %get3A_425 = arith.constant 32 : index
        %get3A_426 = tpu.vector_load %arg17[%get3A_425] {strides = array<i32>} : memref<112xi32, #tpu.memory_space<vmem>>, vector<16xi32>,
        %add3A_427 = vector.broadcast %mul3A_0 : i32 to vector<16xi32>
        %add3A_428 = arith.addi %get3A_426, %add3A_427 : vector<16xi32>
        %swap3A_429 = arith.constant 32 : index
        %swap3A_430 = tpu.vector_load %arg17[%swap3A_429] {strides = array<i32>} : memref<112xi32, #tpu.memory_space<vmem>>, vector<16xi32>,
        tpu.vector_store %arg17[%swap3A_429], %add3A_428 {strides = array<i32>} : memref<112xi32, #tpu.memory_space<vmem>>, vector<16xi32>,
        %get3A_431 = arith.constant 48 : index
        %get3A_432 = tpu.vector_load %arg17[%get3A_431] {strides = array<i32>} : memref<112xi32, #tpu.memory_space<vmem>>, vector<16xi32>,
        %add3A_433 = vector.broadcast %mul3A_0 : i32 to vector<16xi32>
        %add3A_434 = arith.addi %get3A_432, %add3A_433 : vector<16xi32>
        %swap3A_435 = arith.constant 48 : index
        %swap3A_436 = tpu.vector_load %arg17[%swap3A_435] {strides = array<i32>} : memref<112xi32, #tpu.memory_space<vmem>>, vector<16xi32>,
        tpu.vector_store %arg17[%swap3A_435], %add3A_434 {strides = array<i32>} : memref<112xi32, #tpu.memory_space<vmem>>, vector<16xi32>,
        %get3A_437 = arith.constant 64 : index
        %get3A_438 = tpu.vector_load %arg17[%get3A_437] {strides = array<i32>} : memref<112xi32, #tpu.memory_space<vmem>>, vector<16xi32>,
        %add3A_439 = vector.broadcast %mul3A_0 : i32 to vector<16xi32>
        %add3A_440 = arith.addi %get3A_438, %add3A_439 : vector<16xi32>
        %swap3A_441 = arith.constant 64 : index
        %swap3A_442 = tpu.vector_load %arg17[%swap3A_441] {strides = array<i32>} : memref<112xi32, #tpu.memory_space<vmem>>, vector<16xi32>,
        tpu.vector_store %arg17[%swap3A_441], %add3A_440 {strides = array<i32>} : memref<112xi32, #tpu.memory_space<vmem>>, vector<16xi32>,
        %get3A_443 = arith.constant 80 : index
        %get3A_444 = tpu.vector_load %arg17[%get3A_443] {strides = array<i32>} : memref<112xi32, #tpu.memory_space<vmem>>, vector<16xi32>,
        %add3A_445 = vector.broadcast %mul3A_0 : i32 to vector<16xi32>
        %add3A_446 = arith.addi %get3A_444, %add3A_445 : vector<16xi32>
        %swap3A_447 = arith.constant 80 : index
        %swap3A_448 = tpu.vector_load %arg17[%swap3A_447] {strides = array<i32>} : memref<112xi32, #tpu.memory_space<vmem>>, vector<16xi32>,
        tpu.vector_store %arg17[%swap3A_447], %add3A_446 {strides = array<i32>} : memref<112xi32, #tpu.memory_space<vmem>>, vector<16xi32>,
        %get3A_449 = arith.constant 96 : index
        %get3A_450 = tpu.vector_load %arg17[%get3A_449] {strides = array<i32>} : memref<112xi32, #tpu.memory_space<vmem>>, vector<16xi32>,
        %add3A_451 = vector.broadcast %mul3A_0 : i32 to vector<16xi32>
        %add3A_452 = arith.addi %get3A_450, %add3A_451 : vector<16xi32>
        %swap3A_453 = arith.constant 96 : index
        %swap3A_454 = tpu.vector_load %arg17[%swap3A_453] {strides = array<i32>} : memref<112xi32, #tpu.memory_space<vmem>>, vector<16xi32>,
        tpu.vector_store %arg17[%swap3A_453], %add3A_452 {strides = array<i32>} : memref<112xi32, #tpu.memory_space<vmem>>, vector<16xi32>,
        %dma_start3A_455 = arith.constant 0 : i32
        %dma_start3A_456 = arith.constant 0 : i32
        %dma_start3A_457 = tpu.memref_slice %arg6[%dma_start3A_455, %dma_start3A_456] : memref<20000x64xi32, #tpu.memory_space<hbm>> -> memref<20000x64xi32, #tpu.memory_space<hbm>>
        tpu.enqueue_indirect_dma source(%dma_start3A_457 : memref<20000x64xi32, #tpu.memory_space<hbm>>) target(%arg13 : memref<112x64xi32, #tpu.memory_space<vmem>>) offsets(%arg17 : memref<112xi32, #tpu.memory_space<vmem>>) semaphore(%arg28 : memref<!tpu.dma_semaphore, #tpu.memory_space<semaphore_mem>>)
      } else {
      }
      %add3A_346 = arith.constant 2 : i32
      %add3A_347 = arith.addi %add3A_335, %add3A_346 : i32
      %lt3A_348 = arith.constant 180 : i32
      %lt3A_349 = arith.cmpi slt, %add3A_347, %lt3A_348 : i32
      %convert_element_type3A_350 = arith.extui %lt3A_349 : i1 to i32
      %cond3A_351 = arith.constant 0 : i32
      %cond3A_352 = arith.cmpi ne, %convert_element_type3A_350, %cond3A_351 : i32
      scf.if %cond3A_352 {
        %add3A_388 = arith.constant 2 : i32
        %add3A_389 = arith.addi %add3A_335, %add3A_388 : i32
        %dma_start3A_390 = arith.constant 0 : i32
        %dma_start3A_391 = tpu.memref_slice %arg2[%arg1, %add3A_389, %dma_start3A_390] : memref<16x180x112xi32, #tpu.memory_space<hbm>> -> memref<1x1x112xi32, #tpu.memory_space<hbm>>
        %dma_start3A_392 = tpu.memref_squeeze %dma_start3A_391 : memref<1x1x112xi32, #tpu.memory_space<hbm>> -> memref<112xi32, #tpu.memory_space<hbm>>
        %dma_start3A_393 = arith.constant 0 : i32
        %dma_start3A_394 = tpu.memref_slice %arg2[%arg1, %add3A_389, %dma_start3A_393] : memref<16x180x112xi32, #tpu.memory_space<hbm>> -> memref<1x1x112xi32, #tpu.memory_space<hbm>>
        %dma_start3A_395 = tpu.memref_squeeze %dma_start3A_394 : memref<1x1x112xi32, #tpu.memory_space<hbm>> -> memref<112xi32, #tpu.memory_space<hbm>>
        tpu.enqueue_dma source(%dma_start3A_395 : memref<112xi32, #tpu.memory_space<hbm>>) target(%arg14 : memref<112xi32, #tpu.memory_space<vmem>>) target_semaphore(%arg31 : memref<!tpu.dma_semaphore, #tpu.memory_space<semaphore_mem>>)
        %dma_start3A_396 = arith.constant 0 : i32
        %dma_start3A_397 = tpu.memref_slice %arg3[%arg1, %add3A_389, %dma_start3A_396] : memref<16x180x112xi32, #tpu.memory_space<hbm>> -> memref<1x1x112xi32, #tpu.memory_space<hbm>>
        %dma_start3A_398 = tpu.memref_squeeze %dma_start3A_397 : memref<1x1x112xi32, #tpu.memory_space<hbm>> -> memref<112xi32, #tpu.memory_space<hbm>>
        %dma_start3A_399 = arith.constant 0 : i32
        %dma_start3A_400 = tpu.memref_slice %arg3[%arg1, %add3A_389, %dma_start3A_399] : memref<16x180x112xi32, #tpu.memory_space<hbm>> -> memref<1x1x112xi32, #tpu.memory_space<hbm>>
        %dma_start3A_401 = tpu.memref_squeeze %dma_start3A_400 : memref<1x1x112xi32, #tpu.memory_space<hbm>> -> memref<112xi32, #tpu.memory_space<hbm>>
        tpu.enqueue_dma source(%dma_start3A_401 : memref<112xi32, #tpu.memory_space<hbm>>) target(%arg18 : memref<112xi32, #tpu.memory_space<vmem>>) target_semaphore(%arg31 : memref<!tpu.dma_semaphore, #tpu.memory_space<semaphore_mem>>)
        %dma_start3A_402 = arith.constant 0 : i32
        %dma_start3A_403 = tpu.memref_slice %arg4[%arg1, %add3A_389, %dma_start3A_402] : memref<16x180x112xf32, #tpu.memory_space<hbm>> -> memref<1x1x112xf32, #tpu.memory_space<hbm>>
        %dma_start3A_404 = tpu.memref_squeeze %dma_start3A_403 : memref<1x1x112xf32, #tpu.memory_space<hbm>> -> memref<112xf32, #tpu.memory_space<hbm>>
        %dma_start3A_405 = arith.constant 0 : i32
        %dma_start3A_406 = tpu.memref_slice %arg4[%arg1, %add3A_389, %dma_start3A_405] : memref<16x180x112xf32, #tpu.memory_space<hbm>> -> memref<1x1x112xf32, #tpu.memory_space<hbm>>
        %dma_start3A_407 = tpu.memref_squeeze %dma_start3A_406 : memref<1x1x112xf32, #tpu.memory_space<hbm>> -> memref<112xf32, #tpu.memory_space<hbm>>
        tpu.enqueue_dma source(%dma_start3A_407 : memref<112xf32, #tpu.memory_space<hbm>>) target(%arg22 : memref<112xf32, #tpu.memory_space<vmem>>) target_semaphore(%arg31 : memref<!tpu.dma_semaphore, #tpu.memory_space<semaphore_mem>>)
      } else {
      }
      %scan3A_353 = arith.constant 0 : i32
      %scan3A_354 = arith.constant 112 : i32
      %scan3A_355 = arith.addi %scan3A_353, %scan3A_354 : i32
      %scan3A_356 = arith.constant 1 : i32
      scf.for %scan3A_388 = %scan3A_353 to %scan3A_355 step %scan3A_356  : i32 {
        %mul3A_389 = arith.constant 1 : i32
        %mul3A_390 = arith.muli %scan3A_388, %mul3A_389 : i32
        %add3A_391 = arith.constant 0 : i32
        %add3A_392 = arith.addi %add3A_391, %mul3A_390 : i32
        %broadcast_in_dim3A_393 = vector.broadcast %add3A_392 : i32 to vector<16xi32>
        %gather3A = tpu.vector_load_idx %arg24[%broadcast_in_dim3A_393] : memref<112xf32, #tpu.memory_space<vmem>>[vector<16xi32>], vector<16xf32>,
        %get3A_394 = arith.index_cast %add3A_392 : i32 to index
        %get3A_395 = arith.constant 0 : index
        %get3A_396 = tpu.vector_load %arg12[%get3A_394, %get3A_395] {strides = array<i32>} : memref<112x64xi32, #tpu.memory_space<vmem>>, vector<16xi32>,
        %shift_left3A = arith.constant 16 : i32
        %shift_left3A_397 = vector.broadcast %shift_left3A : i32 to vector<16xi32>
        %shift_left3A_398 = arith.shli %get3A_396, %shift_left3A_397 : vector<16xi32>
        %bitcast3A = vector.bitcast %shift_left3A_398 : vector<16xi32> to vector<16xf32>
        %mul3A_399 = arith.mulf %bitcast3A, %gather3A : vector<16xf32>
        %and3A = arith.andi %get3A_396, %broadcast_in_dim3A_4 : vector<16xi32>
        %bitcast3A_400 = vector.bitcast %and3A : vector<16xi32> to vector<16xf32>
        %mul3A_401 = arith.mulf %bitcast3A_400, %gather3A : vector<16xf32>
        %add3A_402 = arith.constant 0 : i32
        %add3A_403 = vector.broadcast %add3A_402 : i32 to vector<16xi32>
        %add3A_404 = arith.addi %mul3A_3, %add3A_403 : vector<16xi32>
        tpu.vector_store_idx %arg10[%broadcast_in_dim3A_393, %add3A_404], %mul3A_399 : memref<112x128xf32, #tpu.memory_space<vmem>>[vector<16xi32>, vector<16xi32>], vector<16xf32>,
        %add3A_405 = arith.constant 1 : i32
        %add3A_406 = vector.broadcast %add3A_405 : i32 to vector<16xi32>
        %add3A_407 = arith.addi %add3A_404, %add3A_406 : vector<16xi32>
        tpu.vector_store_idx %arg10[%broadcast_in_dim3A_393, %add3A_407], %mul3A_401 : memref<112x128xf32, #tpu.memory_space<vmem>>[vector<16xi32>, vector<16xi32>], vector<16xf32>,
        %get3A_408 = arith.index_cast %add3A_392 : i32 to index
        %get3A_409 = arith.constant 16 : index
        %get3A_410 = tpu.vector_load %arg12[%get3A_408, %get3A_409] {strides = array<i32>} : memref<112x64xi32, #tpu.memory_space<vmem>>, vector<16xi32>,
        %shift_left3A_411 = arith.constant 16 : i32
        %shift_left3A_412 = vector.broadcast %shift_left3A_411 : i32 to vector<16xi32>
        %shift_left3A_413 = arith.shli %get3A_410, %shift_left3A_412 : vector<16xi32>
        %bitcast3A_414 = vector.bitcast %shift_left3A_413 : vector<16xi32> to vector<16xf32>
        %mul3A_415 = arith.mulf %bitcast3A_414, %gather3A : vector<16xf32>
        %and3A_416 = arith.andi %get3A_410, %broadcast_in_dim3A_4 : vector<16xi32>
        %bitcast3A_417 = vector.bitcast %and3A_416 : vector<16xi32> to vector<16xf32>
        %mul3A_418 = arith.mulf %bitcast3A_417, %gather3A : vector<16xf32>
        %add3A_419 = arith.constant 32 : i32
        %add3A_420 = vector.broadcast %add3A_419 : i32 to vector<16xi32>
        %add3A_421 = arith.addi %mul3A_3, %add3A_420 : vector<16xi32>
        tpu.vector_store_idx %arg10[%broadcast_in_dim3A_393, %add3A_421], %mul3A_415 : memref<112x128xf32, #tpu.memory_space<vmem>>[vector<16xi32>, vector<16xi32>], vector<16xf32>,
        %add3A_422 = arith.constant 1 : i32
        %add3A_423 = vector.broadcast %add3A_422 : i32 to vector<16xi32>
        %add3A_424 = arith.addi %add3A_421, %add3A_423 : vector<16xi32>
        tpu.vector_store_idx %arg10[%broadcast_in_dim3A_393, %add3A_424], %mul3A_418 : memref<112x128xf32, #tpu.memory_space<vmem>>[vector<16xi32>, vector<16xi32>], vector<16xf32>,
        %get3A_425 = arith.index_cast %add3A_392 : i32 to index
        %get3A_426 = arith.constant 32 : index
        %get3A_427 = tpu.vector_load %arg12[%get3A_425, %get3A_426] {strides = array<i32>} : memref<112x64xi32, #tpu.memory_space<vmem>>, vector<16xi32>,
        %shift_left3A_428 = arith.constant 16 : i32
        %shift_left3A_429 = vector.broadcast %shift_left3A_428 : i32 to vector<16xi32>
        %shift_left3A_430 = arith.shli %get3A_427, %shift_left3A_429 : vector<16xi32>
        %bitcast3A_431 = vector.bitcast %shift_left3A_430 : vector<16xi32> to vector<16xf32>
        %mul3A_432 = arith.mulf %bitcast3A_431, %gather3A : vector<16xf32>
        %and3A_433 = arith.andi %get3A_427, %broadcast_in_dim3A_4 : vector<16xi32>
        %bitcast3A_434 = vector.bitcast %and3A_433 : vector<16xi32> to vector<16xf32>
        %mul3A_435 = arith.mulf %bitcast3A_434, %gather3A : vector<16xf32>
        %add3A_436 = arith.constant 64 : i32
        %add3A_437 = vector.broadcast %add3A_436 : i32 to vector<16xi32>
        %add3A_438 = arith.addi %mul3A_3, %add3A_437 : vector<16xi32>
        tpu.vector_store_idx %arg10[%broadcast_in_dim3A_393, %add3A_438], %mul3A_432 : memref<112x128xf32, #tpu.memory_space<vmem>>[vector<16xi32>, vector<16xi32>], vector<16xf32>,
        %add3A_439 = arith.constant 1 : i32
        %add3A_440 = vector.broadcast %add3A_439 : i32 to vector<16xi32>
        %add3A_441 = arith.addi %add3A_438, %add3A_440 : vector<16xi32>
        tpu.vector_store_idx %arg10[%broadcast_in_dim3A_393, %add3A_441], %mul3A_435 : memref<112x128xf32, #tpu.memory_space<vmem>>[vector<16xi32>, vector<16xi32>], vector<16xf32>,
        %get3A_442 = arith.index_cast %add3A_392 : i32 to index
        %get3A_443 = arith.constant 48 : index
        %get3A_444 = tpu.vector_load %arg12[%get3A_442, %get3A_443] {strides = array<i32>} : memref<112x64xi32, #tpu.memory_space<vmem>>, vector<16xi32>,
        %shift_left3A_445 = arith.constant 16 : i32
        %shift_left3A_446 = vector.broadcast %shift_left3A_445 : i32 to vector<16xi32>
        %shift_left3A_447 = arith.shli %get3A_444, %shift_left3A_446 : vector<16xi32>
        %bitcast3A_448 = vector.bitcast %shift_left3A_447 : vector<16xi32> to vector<16xf32>
        %mul3A_449 = arith.mulf %bitcast3A_448, %gather3A : vector<16xf32>
        %and3A_450 = arith.andi %get3A_444, %broadcast_in_dim3A_4 : vector<16xi32>
        %bitcast3A_451 = vector.bitcast %and3A_450 : vector<16xi32> to vector<16xf32>
        %mul3A_452 = arith.mulf %bitcast3A_451, %gather3A : vector<16xf32>
        %add3A_453 = arith.constant 96 : i32
        %add3A_454 = vector.broadcast %add3A_453 : i32 to vector<16xi32>
        %add3A_455 = arith.addi %mul3A_3, %add3A_454 : vector<16xi32>
        tpu.vector_store_idx %arg10[%broadcast_in_dim3A_393, %add3A_455], %mul3A_449 : memref<112x128xf32, #tpu.memory_space<vmem>>[vector<16xi32>, vector<16xi32>], vector<16xf32>,
        %add3A_456 = arith.constant 1 : i32
        %add3A_457 = vector.broadcast %add3A_456 : i32 to vector<16xi32>
        %add3A_458 = arith.addi %add3A_455, %add3A_457 : vector<16xi32>
        tpu.vector_store_idx %arg10[%broadcast_in_dim3A_393, %add3A_458], %mul3A_452 : memref<112x128xf32, #tpu.memory_space<vmem>>[vector<16xi32>, vector<16xi32>], vector<16xf32>,
      }
      %scan3A_357 = arith.constant 112 : i32
      %dma_start3A_358 = arith.constant 0 : i32
      %dma_start3A_359 = arith.constant 0 : i32
      %dma_start3A_360 = tpu.memref_slice %arg26[%dma_start3A_358, %dma_start3A_359] : memref<10000x128xf32, #tpu.memory_space<vmem_shared>> -> memref<10000x128xf32, #tpu.memory_space<vmem_shared>>
      tpu.enqueue_indirect_dma source(%arg10 : memref<112x128xf32, #tpu.memory_space<vmem>>) target(%dma_start3A_360 : memref<10000x128xf32, #tpu.memory_space<vmem_shared>>) offsets(%arg20 : memref<112xi32, #tpu.memory_space<vmem>>) semaphore(%arg29 : memref<!tpu.dma_semaphore, #tpu.memory_space<semaphore_mem>>) {add = true}
      %add3A_361 = arith.constant 3 : i32
      %add3A_362 = arith.addi %add3A_280, %add3A_361 : i32
      %dma_wait3A_363 = arith.constant 0 : i32
      %dma_wait3A_364 = arith.constant 0 : i32
      %dma_wait3A_365 = tpu.memref_slice %arg6[%dma_wait3A_363, %dma_wait3A_364] : memref<20000x64xi32, #tpu.memory_space<hbm>> -> memref<20000x64xi32, #tpu.memory_space<hbm>>
      tpu.wait_indirect_dma semaphore(%arg28 : memref<!tpu.dma_semaphore, #tpu.memory_space<semaphore_mem>>) src(%dma_wait3A_365 : memref<20000x64xi32, #tpu.memory_space<hbm>>) dst(%arg13 : memref<112x64xi32, #tpu.memory_space<vmem>>)
      %add3A_366 = arith.constant 1 : i32
      %add3A_367 = arith.addi %add3A_362, %add3A_366 : i32
      %lt3A_368 = arith.constant 180 : i32
      %lt3A_369 = arith.cmpi slt, %add3A_367, %lt3A_368 : i32
      %convert_element_type3A_370 = arith.extui %lt3A_369 : i1 to i32
      %cond3A_371 = arith.constant 0 : i32
      %cond3A_372 = arith.cmpi ne, %convert_element_type3A_370, %cond3A_371 : i32
      scf.if %cond3A_372 {
        %gt3A = arith.constant 0 : i32
        %gt3A_388 = arith.cmpi sgt, %add3A_362, %gt3A : i32
        %convert_element_type3A_389 = arith.extui %gt3A_388 : i1 to i32
        %cond3A_390 = arith.constant 0 : i32
        %cond3A_391 = arith.cmpi ne, %convert_element_type3A_389, %cond3A_390 : i32
        scf.if %cond3A_391 {
          %dma_wait3A_458 = arith.constant 0 : i32
          %dma_wait3A_459 = arith.constant 0 : i32
          %dma_wait3A_460 = tpu.memref_slice %arg26[%dma_wait3A_458, %dma_wait3A_459] : memref<10000x128xf32, #tpu.memory_space<vmem_shared>> -> memref<10000x128xf32, #tpu.memory_space<vmem_shared>>
          tpu.wait_indirect_dma semaphore(%arg29 : memref<!tpu.dma_semaphore, #tpu.memory_space<semaphore_mem>>) src(%arg10 : memref<112x128xf32, #tpu.memory_space<vmem>>) dst(%dma_wait3A_460 : memref<10000x128xf32, #tpu.memory_space<vmem_shared>>)
        } else {
        }
        %dma_wait3A_392 = arith.constant 0 : i32
        %dma_wait3A_393 = arith.constant 0 : i32
        %dma_wait3A_394 = tpu.memref_slice %arg2[%arg1, %dma_wait3A_392, %dma_wait3A_393] : memref<16x180x112xi32, #tpu.memory_space<hbm>> -> memref<1x1x112xi32, #tpu.memory_space<hbm>>
        %dma_wait3A_395 = tpu.memref_squeeze %dma_wait3A_394 : memref<1x1x112xi32, #tpu.memory_space<hbm>> -> memref<112xi32, #tpu.memory_space<hbm>>
        %dma_wait3A_396 = arith.constant 0 : i32
        %dma_wait3A_397 = tpu.memref_slice %arg2[%arg1, %dma_wait3A_392, %dma_wait3A_396] : memref<16x180x112xi32, #tpu.memory_space<hbm>> -> memref<1x1x112xi32, #tpu.memory_space<hbm>>
        %dma_wait3A_398 = tpu.memref_squeeze %dma_wait3A_397 : memref<1x1x112xi32, #tpu.memory_space<hbm>> -> memref<112xi32, #tpu.memory_space<hbm>>
        tpu.wait_dma2 semaphore(%arg31 : memref<!tpu.dma_semaphore, #tpu.memory_space<semaphore_mem>>) src(%dma_wait3A_398 : memref<112xi32, #tpu.memory_space<hbm>>) dst(%arg14 : memref<112xi32, #tpu.memory_space<vmem>>)
        %dma_wait3A_399 = arith.constant 0 : i32
        %dma_wait3A_400 = arith.constant 0 : i32
        %dma_wait3A_401 = tpu.memref_slice %arg3[%arg1, %dma_wait3A_399, %dma_wait3A_400] : memref<16x180x112xi32, #tpu.memory_space<hbm>> -> memref<1x1x112xi32, #tpu.memory_space<hbm>>
        %dma_wait3A_402 = tpu.memref_squeeze %dma_wait3A_401 : memref<1x1x112xi32, #tpu.memory_space<hbm>> -> memref<112xi32, #tpu.memory_space<hbm>>
        %dma_wait3A_403 = arith.constant 0 : i32
        %dma_wait3A_404 = tpu.memref_slice %arg3[%arg1, %dma_wait3A_399, %dma_wait3A_403] : memref<16x180x112xi32, #tpu.memory_space<hbm>> -> memref<1x1x112xi32, #tpu.memory_space<hbm>>
        %dma_wait3A_405 = tpu.memref_squeeze %dma_wait3A_404 : memref<1x1x112xi32, #tpu.memory_space<hbm>> -> memref<112xi32, #tpu.memory_space<hbm>>
        tpu.wait_dma2 semaphore(%arg31 : memref<!tpu.dma_semaphore, #tpu.memory_space<semaphore_mem>>) src(%dma_wait3A_405 : memref<112xi32, #tpu.memory_space<hbm>>) dst(%arg18 : memref<112xi32, #tpu.memory_space<vmem>>)
        %dma_wait3A_406 = arith.constant 0 : i32
        %dma_wait3A_407 = arith.constant 0 : i32
        %dma_wait3A_408 = tpu.memref_slice %arg4[%arg1, %dma_wait3A_406, %dma_wait3A_407] : memref<16x180x112xf32, #tpu.memory_space<hbm>> -> memref<1x1x112xf32, #tpu.memory_space<hbm>>
        %dma_wait3A_409 = tpu.memref_squeeze %dma_wait3A_408 : memref<1x1x112xf32, #tpu.memory_space<hbm>> -> memref<112xf32, #tpu.memory_space<hbm>>
        %dma_wait3A_410 = arith.constant 0 : i32
        %dma_wait3A_411 = tpu.memref_slice %arg4[%arg1, %dma_wait3A_406, %dma_wait3A_410] : memref<16x180x112xf32, #tpu.memory_space<hbm>> -> memref<1x1x112xf32, #tpu.memory_space<hbm>>
        %dma_wait3A_412 = tpu.memref_squeeze %dma_wait3A_411 : memref<1x1x112xf32, #tpu.memory_space<hbm>> -> memref<112xf32, #tpu.memory_space<hbm>>
        tpu.wait_dma2 semaphore(%arg31 : memref<!tpu.dma_semaphore, #tpu.memory_space<semaphore_mem>>) src(%dma_wait3A_412 : memref<112xf32, #tpu.memory_space<hbm>>) dst(%arg22 : memref<112xf32, #tpu.memory_space<vmem>>)
        %get3A_413 = arith.constant 0 : index
        %get3A_414 = tpu.vector_load %arg14[%get3A_413] {strides = array<i32>} : memref<112xi32, #tpu.memory_space<vmem>>, vector<16xi32>,
        %add3A_415 = vector.broadcast %mul3A_0 : i32 to vector<16xi32>
        %add3A_416 = arith.addi %get3A_414, %add3A_415 : vector<16xi32>
        %swap3A_417 = arith.constant 0 : index
        %swap3A_418 = tpu.vector_load %arg14[%swap3A_417] {strides = array<i32>} : memref<112xi32, #tpu.memory_space<vmem>>, vector<16xi32>,
        tpu.vector_store %arg14[%swap3A_417], %add3A_416 {strides = array<i32>} : memref<112xi32, #tpu.memory_space<vmem>>, vector<16xi32>,
        %get3A_419 = arith.constant 16 : index
        %get3A_420 = tpu.vector_load %arg14[%get3A_419] {strides = array<i32>} : memref<112xi32, #tpu.memory_space<vmem>>, vector<16xi32>,
        %add3A_421 = vector.broadcast %mul3A_0 : i32 to vector<16xi32>
        %add3A_422 = arith.addi %get3A_420, %add3A_421 : vector<16xi32>
        %swap3A_423 = arith.constant 16 : index
        %swap3A_424 = tpu.vector_load %arg14[%swap3A_423] {strides = array<i32>} : memref<112xi32, #tpu.memory_space<vmem>>, vector<16xi32>,
        tpu.vector_store %arg14[%swap3A_423], %add3A_422 {strides = array<i32>} : memref<112xi32, #tpu.memory_space<vmem>>, vector<16xi32>,
        %get3A_425 = arith.constant 32 : index
        %get3A_426 = tpu.vector_load %arg14[%get3A_425] {strides = array<i32>} : memref<112xi32, #tpu.memory_space<vmem>>, vector<16xi32>,
        %add3A_427 = vector.broadcast %mul3A_0 : i32 to vector<16xi32>
        %add3A_428 = arith.addi %get3A_426, %add3A_427 : vector<16xi32>
        %swap3A_429 = arith.constant 32 : index
        %swap3A_430 = tpu.vector_load %arg14[%swap3A_429] {strides = array<i32>} : memref<112xi32, #tpu.memory_space<vmem>>, vector<16xi32>,
        tpu.vector_store %arg14[%swap3A_429], %add3A_428 {strides = array<i32>} : memref<112xi32, #tpu.memory_space<vmem>>, vector<16xi32>,
        %get3A_431 = arith.constant 48 : index
        %get3A_432 = tpu.vector_load %arg14[%get3A_431] {strides = array<i32>} : memref<112xi32, #tpu.memory_space<vmem>>, vector<16xi32>,
        %add3A_433 = vector.broadcast %mul3A_0 : i32 to vector<16xi32>
        %add3A_434 = arith.addi %get3A_432, %add3A_433 : vector<16xi32>
        %swap3A_435 = arith.constant 48 : index
        %swap3A_436 = tpu.vector_load %arg14[%swap3A_435] {strides = array<i32>} : memref<112xi32, #tpu.memory_space<vmem>>, vector<16xi32>,
        tpu.vector_store %arg14[%swap3A_435], %add3A_434 {strides = array<i32>} : memref<112xi32, #tpu.memory_space<vmem>>, vector<16xi32>,
        %get3A_437 = arith.constant 64 : index
        %get3A_438 = tpu.vector_load %arg14[%get3A_437] {strides = array<i32>} : memref<112xi32, #tpu.memory_space<vmem>>, vector<16xi32>,
        %add3A_439 = vector.broadcast %mul3A_0 : i32 to vector<16xi32>
        %add3A_440 = arith.addi %get3A_438, %add3A_439 : vector<16xi32>
        %swap3A_441 = arith.constant 64 : index
        %swap3A_442 = tpu.vector_load %arg14[%swap3A_441] {strides = array<i32>} : memref<112xi32, #tpu.memory_space<vmem>>, vector<16xi32>,
        tpu.vector_store %arg14[%swap3A_441], %add3A_440 {strides = array<i32>} : memref<112xi32, #tpu.memory_space<vmem>>, vector<16xi32>,
        %get3A_443 = arith.constant 80 : index
        %get3A_444 = tpu.vector_load %arg14[%get3A_443] {strides = array<i32>} : memref<112xi32, #tpu.memory_space<vmem>>, vector<16xi32>,
        %add3A_445 = vector.broadcast %mul3A_0 : i32 to vector<16xi32>
        %add3A_446 = arith.addi %get3A_444, %add3A_445 : vector<16xi32>
        %swap3A_447 = arith.constant 80 : index
        %swap3A_448 = tpu.vector_load %arg14[%swap3A_447] {strides = array<i32>} : memref<112xi32, #tpu.memory_space<vmem>>, vector<16xi32>,
        tpu.vector_store %arg14[%swap3A_447], %add3A_446 {strides = array<i32>} : memref<112xi32, #tpu.memory_space<vmem>>, vector<16xi32>,
        %get3A_449 = arith.constant 96 : index
        %get3A_450 = tpu.vector_load %arg14[%get3A_449] {strides = array<i32>} : memref<112xi32, #tpu.memory_space<vmem>>, vector<16xi32>,
        %add3A_451 = vector.broadcast %mul3A_0 : i32 to vector<16xi32>
        %add3A_452 = arith.addi %get3A_450, %add3A_451 : vector<16xi32>
        %swap3A_453 = arith.constant 96 : index
        %swap3A_454 = tpu.vector_load %arg14[%swap3A_453] {strides = array<i32>} : memref<112xi32, #tpu.memory_space<vmem>>, vector<16xi32>,
        tpu.vector_store %arg14[%swap3A_453], %add3A_452 {strides = array<i32>} : memref<112xi32, #tpu.memory_space<vmem>>, vector<16xi32>,
        %dma_start3A_455 = arith.constant 0 : i32
        %dma_start3A_456 = arith.constant 0 : i32
        %dma_start3A_457 = tpu.memref_slice %arg6[%dma_start3A_455, %dma_start3A_456] : memref<20000x64xi32, #tpu.memory_space<hbm>> -> memref<20000x64xi32, #tpu.memory_space<hbm>>
        tpu.enqueue_indirect_dma source(%dma_start3A_457 : memref<20000x64xi32, #tpu.memory_space<hbm>>) target(%arg12 : memref<112x64xi32, #tpu.memory_space<vmem>>) offsets(%arg14 : memref<112xi32, #tpu.memory_space<vmem>>) semaphore(%arg27 : memref<!tpu.dma_semaphore, #tpu.memory_space<semaphore_mem>>)
      } else {
      }
      %add3A_373 = arith.constant 2 : i32
      %add3A_374 = arith.addi %add3A_362, %add3A_373 : i32
      %lt3A_375 = arith.constant 180 : i32
      %lt3A_376 = arith.cmpi slt, %add3A_374, %lt3A_375 : i32
      %convert_element_type3A_377 = arith.extui %lt3A_376 : i1 to i32
      %cond3A_378 = arith.constant 0 : i32
      %cond3A_379 = arith.cmpi ne, %convert_element_type3A_377, %cond3A_378 : i32
      scf.if %cond3A_379 {
        %add3A_388 = arith.constant 2 : i32
        %add3A_389 = arith.addi %add3A_362, %add3A_388 : i32
        %dma_start3A_390 = arith.constant 0 : i32
        %dma_start3A_391 = tpu.memref_slice %arg2[%arg1, %add3A_389, %dma_start3A_390] : memref<16x180x112xi32, #tpu.memory_space<hbm>> -> memref<1x1x112xi32, #tpu.memory_space<hbm>>
        %dma_start3A_392 = tpu.memref_squeeze %dma_start3A_391 : memref<1x1x112xi32, #tpu.memory_space<hbm>> -> memref<112xi32, #tpu.memory_space<hbm>>
        %dma_start3A_393 = arith.constant 0 : i32
        %dma_start3A_394 = tpu.memref_slice %arg2[%arg1, %add3A_389, %dma_start3A_393] : memref<16x180x112xi32, #tpu.memory_space<hbm>> -> memref<1x1x112xi32, #tpu.memory_space<hbm>>
        %dma_start3A_395 = tpu.memref_squeeze %dma_start3A_394 : memref<1x1x112xi32, #tpu.memory_space<hbm>> -> memref<112xi32, #tpu.memory_space<hbm>>
        tpu.enqueue_dma source(%dma_start3A_395 : memref<112xi32, #tpu.memory_space<hbm>>) target(%arg15 : memref<112xi32, #tpu.memory_space<vmem>>) target_semaphore(%arg32 : memref<!tpu.dma_semaphore, #tpu.memory_space<semaphore_mem>>)
        %dma_start3A_396 = arith.constant 0 : i32
        %dma_start3A_397 = tpu.memref_slice %arg3[%arg1, %add3A_389, %dma_start3A_396] : memref<16x180x112xi32, #tpu.memory_space<hbm>> -> memref<1x1x112xi32, #tpu.memory_space<hbm>>
        %dma_start3A_398 = tpu.memref_squeeze %dma_start3A_397 : memref<1x1x112xi32, #tpu.memory_space<hbm>> -> memref<112xi32, #tpu.memory_space<hbm>>
        %dma_start3A_399 = arith.constant 0 : i32
        %dma_start3A_400 = tpu.memref_slice %arg3[%arg1, %add3A_389, %dma_start3A_399] : memref<16x180x112xi32, #tpu.memory_space<hbm>> -> memref<1x1x112xi32, #tpu.memory_space<hbm>>
        %dma_start3A_401 = tpu.memref_squeeze %dma_start3A_400 : memref<1x1x112xi32, #tpu.memory_space<hbm>> -> memref<112xi32, #tpu.memory_space<hbm>>
        tpu.enqueue_dma source(%dma_start3A_401 : memref<112xi32, #tpu.memory_space<hbm>>) target(%arg19 : memref<112xi32, #tpu.memory_space<vmem>>) target_semaphore(%arg32 : memref<!tpu.dma_semaphore, #tpu.memory_space<semaphore_mem>>)
        %dma_start3A_402 = arith.constant 0 : i32
        %dma_start3A_403 = tpu.memref_slice %arg4[%arg1, %add3A_389, %dma_start3A_402] : memref<16x180x112xf32, #tpu.memory_space<hbm>> -> memref<1x1x112xf32, #tpu.memory_space<hbm>>
        %dma_start3A_404 = tpu.memref_squeeze %dma_start3A_403 : memref<1x1x112xf32, #tpu.memory_space<hbm>> -> memref<112xf32, #tpu.memory_space<hbm>>
        %dma_start3A_405 = arith.constant 0 : i32
        %dma_start3A_406 = tpu.memref_slice %arg4[%arg1, %add3A_389, %dma_start3A_405] : memref<16x180x112xf32, #tpu.memory_space<hbm>> -> memref<1x1x112xf32, #tpu.memory_space<hbm>>
        %dma_start3A_407 = tpu.memref_squeeze %dma_start3A_406 : memref<1x1x112xf32, #tpu.memory_space<hbm>> -> memref<112xf32, #tpu.memory_space<hbm>>
        tpu.enqueue_dma source(%dma_start3A_407 : memref<112xf32, #tpu.memory_space<hbm>>) target(%arg23 : memref<112xf32, #tpu.memory_space<vmem>>) target_semaphore(%arg32 : memref<!tpu.dma_semaphore, #tpu.memory_space<semaphore_mem>>)
      } else {
      }
      %scan3A_380 = arith.constant 0 : i32
      %scan3A_381 = arith.constant 112 : i32
      %scan3A_382 = arith.addi %scan3A_380, %scan3A_381 : i32
      %scan3A_383 = arith.constant 1 : i32
      scf.for %scan3A_388 = %scan3A_380 to %scan3A_382 step %scan3A_383  : i32 {
        %mul3A_389 = arith.constant 1 : i32
        %mul3A_390 = arith.muli %scan3A_388, %mul3A_389 : i32
        %add3A_391 = arith.constant 0 : i32
        %add3A_392 = arith.addi %add3A_391, %mul3A_390 : i32
        %broadcast_in_dim3A_393 = vector.broadcast %add3A_392 : i32 to vector<16xi32>
        %gather3A = tpu.vector_load_idx %arg25[%broadcast_in_dim3A_393] : memref<112xf32, #tpu.memory_space<vmem>>[vector<16xi32>], vector<16xf32>,
        %get3A_394 = arith.index_cast %add3A_392 : i32 to index
        %get3A_395 = arith.constant 0 : index
        %get3A_396 = tpu.vector_load %arg13[%get3A_394, %get3A_395] {strides = array<i32>} : memref<112x64xi32, #tpu.memory_space<vmem>>, vector<16xi32>,
        %shift_left3A = arith.constant 16 : i32
        %shift_left3A_397 = vector.broadcast %shift_left3A : i32 to vector<16xi32>
        %shift_left3A_398 = arith.shli %get3A_396, %shift_left3A_397 : vector<16xi32>
        %bitcast3A = vector.bitcast %shift_left3A_398 : vector<16xi32> to vector<16xf32>
        %mul3A_399 = arith.mulf %bitcast3A, %gather3A : vector<16xf32>
        %and3A = arith.andi %get3A_396, %broadcast_in_dim3A_4 : vector<16xi32>
        %bitcast3A_400 = vector.bitcast %and3A : vector<16xi32> to vector<16xf32>
        %mul3A_401 = arith.mulf %bitcast3A_400, %gather3A : vector<16xf32>
        %add3A_402 = arith.constant 0 : i32
        %add3A_403 = vector.broadcast %add3A_402 : i32 to vector<16xi32>
        %add3A_404 = arith.addi %mul3A_3, %add3A_403 : vector<16xi32>
        tpu.vector_store_idx %arg11[%broadcast_in_dim3A_393, %add3A_404], %mul3A_399 : memref<112x128xf32, #tpu.memory_space<vmem>>[vector<16xi32>, vector<16xi32>], vector<16xf32>,
        %add3A_405 = arith.constant 1 : i32
        %add3A_406 = vector.broadcast %add3A_405 : i32 to vector<16xi32>
        %add3A_407 = arith.addi %add3A_404, %add3A_406 : vector<16xi32>
        tpu.vector_store_idx %arg11[%broadcast_in_dim3A_393, %add3A_407], %mul3A_401 : memref<112x128xf32, #tpu.memory_space<vmem>>[vector<16xi32>, vector<16xi32>], vector<16xf32>,
        %get3A_408 = arith.index_cast %add3A_392 : i32 to index
        %get3A_409 = arith.constant 16 : index
        %get3A_410 = tpu.vector_load %arg13[%get3A_408, %get3A_409] {strides = array<i32>} : memref<112x64xi32, #tpu.memory_space<vmem>>, vector<16xi32>,
        %shift_left3A_411 = arith.constant 16 : i32
        %shift_left3A_412 = vector.broadcast %shift_left3A_411 : i32 to vector<16xi32>
        %shift_left3A_413 = arith.shli %get3A_410, %shift_left3A_412 : vector<16xi32>
        %bitcast3A_414 = vector.bitcast %shift_left3A_413 : vector<16xi32> to vector<16xf32>
        %mul3A_415 = arith.mulf %bitcast3A_414, %gather3A : vector<16xf32>
        %and3A_416 = arith.andi %get3A_410, %broadcast_in_dim3A_4 : vector<16xi32>
        %bitcast3A_417 = vector.bitcast %and3A_416 : vector<16xi32> to vector<16xf32>
        %mul3A_418 = arith.mulf %bitcast3A_417, %gather3A : vector<16xf32>
        %add3A_419 = arith.constant 32 : i32
        %add3A_420 = vector.broadcast %add3A_419 : i32 to vector<16xi32>
        %add3A_421 = arith.addi %mul3A_3, %add3A_420 : vector<16xi32>
        tpu.vector_store_idx %arg11[%broadcast_in_dim3A_393, %add3A_421], %mul3A_415 : memref<112x128xf32, #tpu.memory_space<vmem>>[vector<16xi32>, vector<16xi32>], vector<16xf32>,
        %add3A_422 = arith.constant 1 : i32
        %add3A_423 = vector.broadcast %add3A_422 : i32 to vector<16xi32>
        %add3A_424 = arith.addi %add3A_421, %add3A_423 : vector<16xi32>
        tpu.vector_store_idx %arg11[%broadcast_in_dim3A_393, %add3A_424], %mul3A_418 : memref<112x128xf32, #tpu.memory_space<vmem>>[vector<16xi32>, vector<16xi32>], vector<16xf32>,
        %get3A_425 = arith.index_cast %add3A_392 : i32 to index
        %get3A_426 = arith.constant 32 : index
        %get3A_427 = tpu.vector_load %arg13[%get3A_425, %get3A_426] {strides = array<i32>} : memref<112x64xi32, #tpu.memory_space<vmem>>, vector<16xi32>,
        %shift_left3A_428 = arith.constant 16 : i32
        %shift_left3A_429 = vector.broadcast %shift_left3A_428 : i32 to vector<16xi32>
        %shift_left3A_430 = arith.shli %get3A_427, %shift_left3A_429 : vector<16xi32>
        %bitcast3A_431 = vector.bitcast %shift_left3A_430 : vector<16xi32> to vector<16xf32>
        %mul3A_432 = arith.mulf %bitcast3A_431, %gather3A : vector<16xf32>
        %and3A_433 = arith.andi %get3A_427, %broadcast_in_dim3A_4 : vector<16xi32>
        %bitcast3A_434 = vector.bitcast %and3A_433 : vector<16xi32> to vector<16xf32>
        %mul3A_435 = arith.mulf %bitcast3A_434, %gather3A : vector<16xf32>
        %add3A_436 = arith.constant 64 : i32
        %add3A_437 = vector.broadcast %add3A_436 : i32 to vector<16xi32>
        %add3A_438 = arith.addi %mul3A_3, %add3A_437 : vector<16xi32>
        tpu.vector_store_idx %arg11[%broadcast_in_dim3A_393, %add3A_438], %mul3A_432 : memref<112x128xf32, #tpu.memory_space<vmem>>[vector<16xi32>, vector<16xi32>], vector<16xf32>,
        %add3A_439 = arith.constant 1 : i32
        %add3A_440 = vector.broadcast %add3A_439 : i32 to vector<16xi32>
        %add3A_441 = arith.addi %add3A_438, %add3A_440 : vector<16xi32>
        tpu.vector_store_idx %arg11[%broadcast_in_dim3A_393, %add3A_441], %mul3A_435 : memref<112x128xf32, #tpu.memory_space<vmem>>[vector<16xi32>, vector<16xi32>], vector<16xf32>,
        %get3A_442 = arith.index_cast %add3A_392 : i32 to index
        %get3A_443 = arith.constant 48 : index
        %get3A_444 = tpu.vector_load %arg13[%get3A_442, %get3A_443] {strides = array<i32>} : memref<112x64xi32, #tpu.memory_space<vmem>>, vector<16xi32>,
        %shift_left3A_445 = arith.constant 16 : i32
        %shift_left3A_446 = vector.broadcast %shift_left3A_445 : i32 to vector<16xi32>
        %shift_left3A_447 = arith.shli %get3A_444, %shift_left3A_446 : vector<16xi32>
        %bitcast3A_448 = vector.bitcast %shift_left3A_447 : vector<16xi32> to vector<16xf32>
        %mul3A_449 = arith.mulf %bitcast3A_448, %gather3A : vector<16xf32>
        %and3A_450 = arith.andi %get3A_444, %broadcast_in_dim3A_4 : vector<16xi32>
        %bitcast3A_451 = vector.bitcast %and3A_450 : vector<16xi32> to vector<16xf32>
        %mul3A_452 = arith.mulf %bitcast3A_451, %gather3A : vector<16xf32>
        %add3A_453 = arith.constant 96 : i32
        %add3A_454 = vector.broadcast %add3A_453 : i32 to vector<16xi32>
        %add3A_455 = arith.addi %mul3A_3, %add3A_454 : vector<16xi32>
        tpu.vector_store_idx %arg11[%broadcast_in_dim3A_393, %add3A_455], %mul3A_449 : memref<112x128xf32, #tpu.memory_space<vmem>>[vector<16xi32>, vector<16xi32>], vector<16xf32>,
        %add3A_456 = arith.constant 1 : i32
        %add3A_457 = vector.broadcast %add3A_456 : i32 to vector<16xi32>
        %add3A_458 = arith.addi %add3A_455, %add3A_457 : vector<16xi32>
        tpu.vector_store_idx %arg11[%broadcast_in_dim3A_393, %add3A_458], %mul3A_452 : memref<112x128xf32, #tpu.memory_space<vmem>>[vector<16xi32>, vector<16xi32>], vector<16xf32>,
      }
      %scan3A_384 = arith.constant 112 : i32
      %dma_start3A_385 = arith.constant 0 : i32
      %dma_start3A_386 = arith.constant 0 : i32
      %dma_start3A_387 = tpu.memref_slice %arg26[%dma_start3A_385, %dma_start3A_386] : memref<10000x128xf32, #tpu.memory_space<vmem_shared>> -> memref<10000x128xf32, #tpu.memory_space<vmem_shared>>
      tpu.enqueue_indirect_dma source(%arg11 : memref<112x128xf32, #tpu.memory_space<vmem>>) target(%dma_start3A_387 : memref<10000x128xf32, #tpu.memory_space<vmem_shared>>) offsets(%arg21 : memref<112xi32, #tpu.memory_space<vmem>>) semaphore(%arg30 : memref<!tpu.dma_semaphore, #tpu.memory_space<semaphore_mem>>) {add = true}
    }
    %scan3A_117 = arith.constant 45 : i32
    %dma_wait3A_118 = arith.constant 0 : i32
    %dma_wait3A_119 = arith.constant 0 : i32
    %dma_wait3A_120 = tpu.memref_slice %arg26[%dma_wait3A_118, %dma_wait3A_119] : memref<10000x128xf32, #tpu.memory_space<vmem_shared>> -> memref<10000x128xf32, #tpu.memory_space<vmem_shared>>
    tpu.wait_indirect_dma semaphore(%arg30 : memref<!tpu.dma_semaphore, #tpu.memory_space<semaphore_mem>>) src(%arg11 : memref<112x128xf32, #tpu.memory_space<vmem>>) dst(%dma_wait3A_120 : memref<10000x128xf32, #tpu.memory_space<vmem_shared>>)
    %barrier3A_121 = arith.constant 0 : index
    tpu.barrier barrier_id(%barrier3A_121)
    %mul3A_122 = arith.constant 624 : i32
    %mul3A_123 = arith.muli %arg1, %mul3A_122 : i32
    %mul3A_124 = arith.constant 10000 : i32
    %mul3A_125 = arith.muli %arg0, %mul3A_124 : i32
    %mul3A_126 = arith.constant 624 : i32
    %mul3A_127 = arith.muli %arg1, %mul3A_126 : i32
    %add3A_128 = arith.addi %mul3A_125, %mul3A_127 : i32
    "tpu.region"() ({
      %run_scoped3A = tpu.sem_alloc : memref<!tpu.dma_semaphore, #tpu.memory_space<semaphore_mem>>
      %dma_start3A_276 = arith.constant 0 : i32
      %dma_start3A_277 = tpu.memref_slice %arg8[%add3A_128, %dma_start3A_276] : memref<20000x128xf32, #tpu.memory_space<hbm>> -> memref<624x128xf32, #tpu.memory_space<hbm>>
      %dma_start3A_278 = arith.constant 0 : i32
      %dma_start3A_279 = tpu.memref_slice %arg26[%mul3A_123, %dma_start3A_278] : memref<10000x128xf32, #tpu.memory_space<vmem_shared>> -> memref<624x128xf32, #tpu.memory_space<vmem_shared>>
      tpu.enqueue_dma source(%dma_start3A_279 : memref<624x128xf32, #tpu.memory_space<vmem_shared>>) target(%dma_start3A_277 : memref<624x128xf32, #tpu.memory_space<hbm>>) target_semaphore(%run_scoped3A : memref<!tpu.dma_semaphore, #tpu.memory_space<semaphore_mem>>)
      %dma_wait3A_280 = arith.constant 0 : i32
      %dma_wait3A_281 = tpu.memref_slice %arg8[%add3A_128, %dma_wait3A_280] : memref<20000x128xf32, #tpu.memory_space<hbm>> -> memref<624x128xf32, #tpu.memory_space<hbm>>
      %dma_wait3A_282 = arith.constant 0 : i32
      %dma_wait3A_283 = tpu.memref_slice %arg26[%mul3A_123, %dma_wait3A_282] : memref<10000x128xf32, #tpu.memory_space<vmem_shared>> -> memref<624x128xf32, #tpu.memory_space<vmem_shared>>
      tpu.wait_dma2 semaphore(%run_scoped3A : memref<!tpu.dma_semaphore, #tpu.memory_space<semaphore_mem>>) src(%dma_wait3A_283 : memref<624x128xf32, #tpu.memory_space<vmem_shared>>) dst(%dma_wait3A_281 : memref<624x128xf32, #tpu.memory_space<hbm>>)
      tpu.yield
    }) : () -> ()
    %eq3A_129 = arith.constant 15 : i32
    %eq3A_130 = arith.cmpi eq, %arg1, %eq3A_129 : i32
    %convert_element_type3A_131 = arith.extui %eq3A_130 : i1 to i32
    %cond3A_132 = arith.constant 0 : i32
    %cond3A_133 = arith.cmpi ne, %convert_element_type3A_131, %cond3A_132 : i32
    scf.if %cond3A_133 {
      %mul3A_276 = arith.constant 10000 : i32
      %mul3A_277 = arith.muli %arg0, %mul3A_276 : i32
      %add3A_278 = arith.constant 9984 : i32
      %add3A_279 = arith.addi %mul3A_277, %add3A_278 : i32
      "tpu.region"() ({
        %run_scoped3A = tpu.sem_alloc : memref<!tpu.dma_semaphore, #tpu.memory_space<semaphore_mem>>
        %dma_start3A_280 = arith.constant 0 : i32
        %dma_start3A_281 = tpu.memref_slice %arg8[%add3A_279, %dma_start3A_280] : memref<20000x128xf32, #tpu.memory_space<hbm>> -> memref<16x128xf32, #tpu.memory_space<hbm>>
        %dma_start3A_282 = arith.constant 9984 : i32
        %dma_start3A_283 = arith.constant 0 : i32
        %dma_start3A_284 = tpu.memref_slice %arg26[%dma_start3A_282, %dma_start3A_283] : memref<10000x128xf32, #tpu.memory_space<vmem_shared>> -> memref<16x128xf32, #tpu.memory_space<vmem_shared>>
        tpu.enqueue_dma source(%dma_start3A_284 : memref<16x128xf32, #tpu.memory_space<vmem_shared>>) target(%dma_start3A_281 : memref<16x128xf32, #tpu.memory_space<hbm>>) target_semaphore(%run_scoped3A : memref<!tpu.dma_semaphore, #tpu.memory_space<semaphore_mem>>)
        %dma_wait3A_285 = arith.constant 0 : i32
        %dma_wait3A_286 = tpu.memref_slice %arg8[%add3A_279, %dma_wait3A_285] : memref<20000x128xf32, #tpu.memory_space<hbm>> -> memref<16x128xf32, #tpu.memory_space<hbm>>
        %dma_wait3A_287 = arith.constant 9984 : i32
        %dma_wait3A_288 = arith.constant 0 : i32
        %dma_wait3A_289 = tpu.memref_slice %arg26[%dma_wait3A_287, %dma_wait3A_288] : memref<10000x128xf32, #tpu.memory_space<vmem_shared>> -> memref<16x128xf32, #tpu.memory_space<vmem_shared>>
        tpu.wait_dma2 semaphore(%run_scoped3A : memref<!tpu.dma_semaphore, #tpu.memory_space<semaphore_mem>>) src(%dma_wait3A_289 : memref<16x128xf32, #tpu.memory_space<vmem_shared>>) dst(%dma_wait3A_286 : memref<16x128xf32, #tpu.memory_space<hbm>>)
        tpu.yield
      }) : () -> ()
    } else {
    }
    %mul3A_134 = arith.constant 624 : i32
    %mul3A_135 = arith.muli %arg1, %mul3A_134 : i32
    %mul3A_136 = arith.constant 624 : i32
    %mul3A_137 = arith.muli %arg1, %mul3A_136 : i32
    "tpu.region"() ({
      %run_scoped3A = tpu.sem_alloc : memref<!tpu.dma_semaphore, #tpu.memory_space<semaphore_mem>>
      %dma_start3A_276 = arith.constant 0 : i32
      %dma_start3A_277 = tpu.memref_slice %arg26[%mul3A_137, %dma_start3A_276] : memref<10000x128xf32, #tpu.memory_space<vmem_shared>> -> memref<624x128xf32, #tpu.memory_space<vmem_shared>>
      %dma_start3A_278 = arith.constant 0 : i32
      %dma_start3A_279 = tpu.memref_slice %arg7[%mul3A_135, %dma_start3A_278] : memref<10000x128xf32, #tpu.memory_space<hbm>> -> memref<624x128xf32, #tpu.memory_space<hbm>>
      tpu.enqueue_dma source(%dma_start3A_279 : memref<624x128xf32, #tpu.memory_space<hbm>>) target(%dma_start3A_277 : memref<624x128xf32, #tpu.memory_space<vmem_shared>>) target_semaphore(%run_scoped3A : memref<!tpu.dma_semaphore, #tpu.memory_space<semaphore_mem>>)
      %dma_wait3A_280 = arith.constant 0 : i32
      %dma_wait3A_281 = tpu.memref_slice %arg26[%mul3A_137, %dma_wait3A_280] : memref<10000x128xf32, #tpu.memory_space<vmem_shared>> -> memref<624x128xf32, #tpu.memory_space<vmem_shared>>
      %dma_wait3A_282 = arith.constant 0 : i32
      %dma_wait3A_283 = tpu.memref_slice %arg7[%mul3A_135, %dma_wait3A_282] : memref<10000x128xf32, #tpu.memory_space<hbm>> -> memref<624x128xf32, #tpu.memory_space<hbm>>
      tpu.wait_dma2 semaphore(%run_scoped3A : memref<!tpu.dma_semaphore, #tpu.memory_space<semaphore_mem>>) src(%dma_wait3A_283 : memref<624x128xf32, #tpu.memory_space<hbm>>) dst(%dma_wait3A_281 : memref<624x128xf32, #tpu.memory_space<vmem_shared>>)
      tpu.yield
    }) : () -> ()
    %eq3A_138 = arith.constant 15 : i32
    %eq3A_139 = arith.cmpi eq, %arg1, %eq3A_138 : i32
    %convert_element_type3A_140 = arith.extui %eq3A_139 : i1 to i32
    %cond3A_141 = arith.constant 0 : i32
    %cond3A_142 = arith.cmpi ne, %convert_element_type3A_140, %cond3A_141 : i32
    scf.if %cond3A_142 {
      "tpu.region"() ({
        %run_scoped3A = tpu.sem_alloc : memref<!tpu.dma_semaphore, #tpu.memory_space<semaphore_mem>>
        %dma_start3A_276 = arith.constant 9984 : i32
        %dma_start3A_277 = arith.constant 0 : i32
        %dma_start3A_278 = tpu.memref_slice %arg26[%dma_start3A_276, %dma_start3A_277] : memref<10000x128xf32, #tpu.memory_space<vmem_shared>> -> memref<16x128xf32, #tpu.memory_space<vmem_shared>>
        %dma_start3A_279 = arith.constant 9984 : i32
        %dma_start3A_280 = arith.constant 0 : i32
        %dma_start3A_281 = tpu.memref_slice %arg7[%dma_start3A_279, %dma_start3A_280] : memref<10000x128xf32, #tpu.memory_space<hbm>> -> memref<16x128xf32, #tpu.memory_space<hbm>>
        tpu.enqueue_dma source(%dma_start3A_281 : memref<16x128xf32, #tpu.memory_space<hbm>>) target(%dma_start3A_278 : memref<16x128xf32, #tpu.memory_space<vmem_shared>>) target_semaphore(%run_scoped3A : memref<!tpu.dma_semaphore, #tpu.memory_space<semaphore_mem>>)
        %dma_wait3A_282 = arith.constant 9984 : i32
        %dma_wait3A_283 = arith.constant 0 : i32
        %dma_wait3A_284 = tpu.memref_slice %arg26[%dma_wait3A_282, %dma_wait3A_283] : memref<10000x128xf32, #tpu.memory_space<vmem_shared>> -> memref<16x128xf32, #tpu.memory_space<vmem_shared>>
        %dma_wait3A_285 = arith.constant 9984 : i32
        %dma_wait3A_286 = arith.constant 0 : i32
        %dma_wait3A_287 = tpu.memref_slice %arg7[%dma_wait3A_285, %dma_wait3A_286] : memref<10000x128xf32, #tpu.memory_space<hbm>> -> memref<16x128xf32, #tpu.memory_space<hbm>>
        tpu.wait_dma2 semaphore(%run_scoped3A : memref<!tpu.dma_semaphore, #tpu.memory_space<semaphore_mem>>) src(%dma_wait3A_287 : memref<16x128xf32, #tpu.memory_space<hbm>>) dst(%dma_wait3A_284 : memref<16x128xf32, #tpu.memory_space<vmem_shared>>)
        tpu.yield
      }) : () -> ()
    } else {
    }
    %barrier3A_143 = arith.constant 0 : index
    tpu.barrier barrier_id(%barrier3A_143)
    %mul3A_144 = arith.constant 16 : i32
    %mul3A_145 = arith.muli %arg0, %mul3A_144 : i32
    %add3A_146 = arith.addi %mul3A_145, %arg1 : i32
    %dma_start3A_147 = arith.constant 0 : i32
    %dma_start3A_148 = arith.constant 0 : i32
    %dma_start3A_149 = tpu.memref_slice %arg5[%add3A_146, %dma_start3A_147, %dma_start3A_148] : memref<32x180x112xi32, #tpu.memory_space<hbm>> -> memref<1x1x112xi32, #tpu.memory_space<hbm>>
    %dma_start3A_150 = tpu.memref_squeeze %dma_start3A_149 : memref<1x1x112xi32, #tpu.memory_space<hbm>> -> memref<112xi32, #tpu.memory_space<hbm>>
    %dma_start3A_151 = arith.constant 0 : i32
    %dma_start3A_152 = tpu.memref_slice %arg5[%add3A_146, %dma_start3A_147, %dma_start3A_151] : memref<32x180x112xi32, #tpu.memory_space<hbm>> -> memref<1x1x112xi32, #tpu.memory_space<hbm>>
    %dma_start3A_153 = tpu.memref_squeeze %dma_start3A_152 : memref<1x1x112xi32, #tpu.memory_space<hbm>> -> memref<112xi32, #tpu.memory_space<hbm>>
    tpu.enqueue_dma source(%dma_start3A_153 : memref<112xi32, #tpu.memory_space<hbm>>) target(%arg14 : memref<112xi32, #tpu.memory_space<vmem>>) target_semaphore(%arg31 : memref<!tpu.dma_semaphore, #tpu.memory_space<semaphore_mem>>)
    %dma_start3A_154 = arith.constant 0 : i32
    %dma_start3A_155 = arith.constant 0 : i32
    %dma_start3A_156 = tpu.memref_slice %arg3[%arg1, %dma_start3A_154, %dma_start3A_155] : memref<16x180x112xi32, #tpu.memory_space<hbm>> -> memref<1x1x112xi32, #tpu.memory_space<hbm>>
    %dma_start3A_157 = tpu.memref_squeeze %dma_start3A_156 : memref<1x1x112xi32, #tpu.memory_space<hbm>> -> memref<112xi32, #tpu.memory_space<hbm>>
    %dma_start3A_158 = arith.constant 0 : i32
    %dma_start3A_159 = tpu.memref_slice %arg3[%arg1, %dma_start3A_154, %dma_start3A_158] : memref<16x180x112xi32, #tpu.memory_space<hbm>> -> memref<1x1x112xi32, #tpu.memory_space<hbm>>
    %dma_start3A_160 = tpu.memref_squeeze %dma_start3A_159 : memref<1x1x112xi32, #tpu.memory_space<hbm>> -> memref<112xi32, #tpu.memory_space<hbm>>
    tpu.enqueue_dma source(%dma_start3A_160 : memref<112xi32, #tpu.memory_space<hbm>>) target(%arg18 : memref<112xi32, #tpu.memory_space<vmem>>) target_semaphore(%arg31 : memref<!tpu.dma_semaphore, #tpu.memory_space<semaphore_mem>>)
    %dma_start3A_161 = arith.constant 0 : i32
    %dma_start3A_162 = arith.constant 0 : i32
    %dma_start3A_163 = tpu.memref_slice %arg4[%arg1, %dma_start3A_161, %dma_start3A_162] : memref<16x180x112xf32, #tpu.memory_space<hbm>> -> memref<1x1x112xf32, #tpu.memory_space<hbm>>
    %dma_start3A_164 = tpu.memref_squeeze %dma_start3A_163 : memref<1x1x112xf32, #tpu.memory_space<hbm>> -> memref<112xf32, #tpu.memory_space<hbm>>
    %dma_start3A_165 = arith.constant 0 : i32
    %dma_start3A_166 = tpu.memref_slice %arg4[%arg1, %dma_start3A_161, %dma_start3A_165] : memref<16x180x112xf32, #tpu.memory_space<hbm>> -> memref<1x1x112xf32, #tpu.memory_space<hbm>>
    %dma_start3A_167 = tpu.memref_squeeze %dma_start3A_166 : memref<1x1x112xf32, #tpu.memory_space<hbm>> -> memref<112xf32, #tpu.memory_space<hbm>>
    tpu.enqueue_dma source(%dma_start3A_167 : memref<112xf32, #tpu.memory_space<hbm>>) target(%arg22 : memref<112xf32, #tpu.memory_space<vmem>>) target_semaphore(%arg31 : memref<!tpu.dma_semaphore, #tpu.memory_space<semaphore_mem>>)
    %dma_start3A_168 = arith.constant 1 : i32
    %dma_start3A_169 = arith.constant 0 : i32
    %dma_start3A_170 = tpu.memref_slice %arg5[%add3A_146, %dma_start3A_168, %dma_start3A_169] : memref<32x180x112xi32, #tpu.memory_space<hbm>> -> memref<1x1x112xi32, #tpu.memory_space<hbm>>
    %dma_start3A_171 = tpu.memref_squeeze %dma_start3A_170 : memref<1x1x112xi32, #tpu.memory_space<hbm>> -> memref<112xi32, #tpu.memory_space<hbm>>
    %dma_start3A_172 = arith.constant 0 : i32
    %dma_start3A_173 = tpu.memref_slice %arg5[%add3A_146, %dma_start3A_168, %dma_start3A_172] : memref<32x180x112xi32, #tpu.memory_space<hbm>> -> memref<1x1x112xi32, #tpu.memory_space<hbm>>
    %dma_start3A_174 = tpu.memref_squeeze %dma_start3A_173 : memref<1x1x112xi32, #tpu.memory_space<hbm>> -> memref<112xi32, #tpu.memory_space<hbm>>
    tpu.enqueue_dma source(%dma_start3A_174 : memref<112xi32, #tpu.memory_space<hbm>>) target(%arg15 : memref<112xi32, #tpu.memory_space<vmem>>) target_semaphore(%arg32 : memref<!tpu.dma_semaphore, #tpu.memory_space<semaphore_mem>>)
    %dma_start3A_175 = arith.constant 1 : i32
    %dma_start3A_176 = arith.constant 0 : i32
    %dma_start3A_177 = tpu.memref_slice %arg3[%arg1, %dma_start3A_175, %dma_start3A_176] : memref<16x180x112xi32, #tpu.memory_space<hbm>> -> memref<1x1x112xi32, #tpu.memory_space<hbm>>
    %dma_start3A_178 = tpu.memref_squeeze %dma_start3A_177 : memref<1x1x112xi32, #tpu.memory_space<hbm>> -> memref<112xi32, #tpu.memory_space<hbm>>
    %dma_start3A_179 = arith.constant 0 : i32
    %dma_start3A_180 = tpu.memref_slice %arg3[%arg1, %dma_start3A_175, %dma_start3A_179] : memref<16x180x112xi32, #tpu.memory_space<hbm>> -> memref<1x1x112xi32, #tpu.memory_space<hbm>>
    %dma_start3A_181 = tpu.memref_squeeze %dma_start3A_180 : memref<1x1x112xi32, #tpu.memory_space<hbm>> -> memref<112xi32, #tpu.memory_space<hbm>>
    tpu.enqueue_dma source(%dma_start3A_181 : memref<112xi32, #tpu.memory_space<hbm>>) target(%arg19 : memref<112xi32, #tpu.memory_space<vmem>>) target_semaphore(%arg32 : memref<!tpu.dma_semaphore, #tpu.memory_space<semaphore_mem>>)
    %dma_start3A_182 = arith.constant 1 : i32
    %dma_start3A_183 = arith.constant 0 : i32
    %dma_start3A_184 = tpu.memref_slice %arg4[%arg1, %dma_start3A_182, %dma_start3A_183] : memref<16x180x112xf32, #tpu.memory_space<hbm>> -> memref<1x1x112xf32, #tpu.memory_space<hbm>>
    %dma_start3A_185 = tpu.memref_squeeze %dma_start3A_184 : memref<1x1x112xf32, #tpu.memory_space<hbm>> -> memref<112xf32, #tpu.memory_space<hbm>>
    %dma_start3A_186 = arith.constant 0 : i32
    %dma_start3A_187 = tpu.memref_slice %arg4[%arg1, %dma_start3A_182, %dma_start3A_186] : memref<16x180x112xf32, #tpu.memory_space<hbm>> -> memref<1x1x112xf32, #tpu.memory_space<hbm>>
    %dma_start3A_188 = tpu.memref_squeeze %dma_start3A_187 : memref<1x1x112xf32, #tpu.memory_space<hbm>> -> memref<112xf32, #tpu.memory_space<hbm>>
    tpu.enqueue_dma source(%dma_start3A_188 : memref<112xf32, #tpu.memory_space<hbm>>) target(%arg23 : memref<112xf32, #tpu.memory_space<vmem>>) target_semaphore(%arg32 : memref<!tpu.dma_semaphore, #tpu.memory_space<semaphore_mem>>)
    %dma_wait3A_189 = arith.constant 0 : i32
    %dma_wait3A_190 = arith.constant 0 : i32
    %dma_wait3A_191 = tpu.memref_slice %arg5[%add3A_146, %dma_wait3A_189, %dma_wait3A_190] : memref<32x180x112xi32, #tpu.memory_space<hbm>> -> memref<1x1x112xi32, #tpu.memory_space<hbm>>
    %dma_wait3A_192 = tpu.memref_squeeze %dma_wait3A_191 : memref<1x1x112xi32, #tpu.memory_space<hbm>> -> memref<112xi32, #tpu.memory_space<hbm>>
    %dma_wait3A_193 = arith.constant 0 : i32
    %dma_wait3A_194 = tpu.memref_slice %arg5[%add3A_146, %dma_wait3A_189, %dma_wait3A_193] : memref<32x180x112xi32, #tpu.memory_space<hbm>> -> memref<1x1x112xi32, #tpu.memory_space<hbm>>
    %dma_wait3A_195 = tpu.memref_squeeze %dma_wait3A_194 : memref<1x1x112xi32, #tpu.memory_space<hbm>> -> memref<112xi32, #tpu.memory_space<hbm>>
    tpu.wait_dma2 semaphore(%arg31 : memref<!tpu.dma_semaphore, #tpu.memory_space<semaphore_mem>>) src(%dma_wait3A_195 : memref<112xi32, #tpu.memory_space<hbm>>) dst(%arg14 : memref<112xi32, #tpu.memory_space<vmem>>)
    %dma_wait3A_196 = arith.constant 0 : i32
    %dma_wait3A_197 = arith.constant 0 : i32
    %dma_wait3A_198 = tpu.memref_slice %arg3[%arg1, %dma_wait3A_196, %dma_wait3A_197] : memref<16x180x112xi32, #tpu.memory_space<hbm>> -> memref<1x1x112xi32, #tpu.memory_space<hbm>>
    %dma_wait3A_199 = tpu.memref_squeeze %dma_wait3A_198 : memref<1x1x112xi32, #tpu.memory_space<hbm>> -> memref<112xi32, #tpu.memory_space<hbm>>
    %dma_wait3A_200 = arith.constant 0 : i32
    %dma_wait3A_201 = tpu.memref_slice %arg3[%arg1, %dma_wait3A_196, %dma_wait3A_200] : memref<16x180x112xi32, #tpu.memory_space<hbm>> -> memref<1x1x112xi32, #tpu.memory_space<hbm>>
    %dma_wait3A_202 = tpu.memref_squeeze %dma_wait3A_201 : memref<1x1x112xi32, #tpu.memory_space<hbm>> -> memref<112xi32, #tpu.memory_space<hbm>>
    tpu.wait_dma2 semaphore(%arg31 : memref<!tpu.dma_semaphore, #tpu.memory_space<semaphore_mem>>) src(%dma_wait3A_202 : memref<112xi32, #tpu.memory_space<hbm>>) dst(%arg18 : memref<112xi32, #tpu.memory_space<vmem>>)
    %dma_wait3A_203 = arith.constant 0 : i32
    %dma_wait3A_204 = arith.constant 0 : i32
    %dma_wait3A_205 = tpu.memref_slice %arg4[%arg1, %dma_wait3A_203, %dma_wait3A_204] : memref<16x180x112xf32, #tpu.memory_space<hbm>> -> memref<1x1x112xf32, #tpu.memory_space<hbm>>
    %dma_wait3A_206 = tpu.memref_squeeze %dma_wait3A_205 : memref<1x1x112xf32, #tpu.memory_space<hbm>> -> memref<112xf32, #tpu.memory_space<hbm>>
    %dma_wait3A_207 = arith.constant 0 : i32
    %dma_wait3A_208 = tpu.memref_slice %arg4[%arg1, %dma_wait3A_203, %dma_wait3A_207] : memref<16x180x112xf32, #tpu.memory_space<hbm>> -> memref<1x1x112xf32, #tpu.memory_space<hbm>>
    %dma_wait3A_209 = tpu.memref_squeeze %dma_wait3A_208 : memref<1x1x112xf32, #tpu.memory_space<hbm>> -> memref<112xf32, #tpu.memory_space<hbm>>
    tpu.wait_dma2 semaphore(%arg31 : memref<!tpu.dma_semaphore, #tpu.memory_space<semaphore_mem>>) src(%dma_wait3A_209 : memref<112xf32, #tpu.memory_space<hbm>>) dst(%arg22 : memref<112xf32, #tpu.memory_space<vmem>>)
    %get3A_210 = arith.constant 0 : index
    %get3A_211 = tpu.vector_load %arg14[%get3A_210] {strides = array<i32>} : memref<112xi32, #tpu.memory_space<vmem>>, vector<16xi32>,
    %add3A_212 = vector.broadcast %mul3A_0 : i32 to vector<16xi32>
    %add3A_213 = arith.addi %get3A_211, %add3A_212 : vector<16xi32>
    %swap3A_214 = arith.constant 0 : index
    %swap3A_215 = tpu.vector_load %arg14[%swap3A_214] {strides = array<i32>} : memref<112xi32, #tpu.memory_space<vmem>>, vector<16xi32>,
    tpu.vector_store %arg14[%swap3A_214], %add3A_213 {strides = array<i32>} : memref<112xi32, #tpu.memory_space<vmem>>, vector<16xi32>,
    %get3A_216 = arith.constant 16 : index
    %get3A_217 = tpu.vector_load %arg14[%get3A_216] {strides = array<i32>} : memref<112xi32, #tpu.memory_space<vmem>>, vector<16xi32>,
    %add3A_218 = vector.broadcast %mul3A_0 : i32 to vector<16xi32>
    %add3A_219 = arith.addi %get3A_217, %add3A_218 : vector<16xi32>
    %swap3A_220 = arith.constant 16 : index
    %swap3A_221 = tpu.vector_load %arg14[%swap3A_220] {strides = array<i32>} : memref<112xi32, #tpu.memory_space<vmem>>, vector<16xi32>,
    tpu.vector_store %arg14[%swap3A_220], %add3A_219 {strides = array<i32>} : memref<112xi32, #tpu.memory_space<vmem>>, vector<16xi32>,
    %get3A_222 = arith.constant 32 : index
    %get3A_223 = tpu.vector_load %arg14[%get3A_222] {strides = array<i32>} : memref<112xi32, #tpu.memory_space<vmem>>, vector<16xi32>,
    %add3A_224 = vector.broadcast %mul3A_0 : i32 to vector<16xi32>
    %add3A_225 = arith.addi %get3A_223, %add3A_224 : vector<16xi32>
    %swap3A_226 = arith.constant 32 : index
    %swap3A_227 = tpu.vector_load %arg14[%swap3A_226] {strides = array<i32>} : memref<112xi32, #tpu.memory_space<vmem>>, vector<16xi32>,
    tpu.vector_store %arg14[%swap3A_226], %add3A_225 {strides = array<i32>} : memref<112xi32, #tpu.memory_space<vmem>>, vector<16xi32>,
    %get3A_228 = arith.constant 48 : index
    %get3A_229 = tpu.vector_load %arg14[%get3A_228] {strides = array<i32>} : memref<112xi32, #tpu.memory_space<vmem>>, vector<16xi32>,
    %add3A_230 = vector.broadcast %mul3A_0 : i32 to vector<16xi32>
    %add3A_231 = arith.addi %get3A_229, %add3A_230 : vector<16xi32>
    %swap3A_232 = arith.constant 48 : index
    %swap3A_233 = tpu.vector_load %arg14[%swap3A_232] {strides = array<i32>} : memref<112xi32, #tpu.memory_space<vmem>>, vector<16xi32>,
    tpu.vector_store %arg14[%swap3A_232], %add3A_231 {strides = array<i32>} : memref<112xi32, #tpu.memory_space<vmem>>, vector<16xi32>,
    %get3A_234 = arith.constant 64 : index
    %get3A_235 = tpu.vector_load %arg14[%get3A_234] {strides = array<i32>} : memref<112xi32, #tpu.memory_space<vmem>>, vector<16xi32>,
    %add3A_236 = vector.broadcast %mul3A_0 : i32 to vector<16xi32>
    %add3A_237 = arith.addi %get3A_235, %add3A_236 : vector<16xi32>
    %swap3A_238 = arith.constant 64 : index
    %swap3A_239 = tpu.vector_load %arg14[%swap3A_238] {strides = array<i32>} : memref<112xi32, #tpu.memory_space<vmem>>, vector<16xi32>,
    tpu.vector_store %arg14[%swap3A_238], %add3A_237 {strides = array<i32>} : memref<112xi32, #tpu.memory_space<vmem>>, vector<16xi32>,
    %get3A_240 = arith.constant 80 : index
    %get3A_241 = tpu.vector_load %arg14[%get3A_240] {strides = array<i32>} : memref<112xi32, #tpu.memory_space<vmem>>, vector<16xi32>,
    %add3A_242 = vector.broadcast %mul3A_0 : i32 to vector<16xi32>
    %add3A_243 = arith.addi %get3A_241, %add3A_242 : vector<16xi32>
    %swap3A_244 = arith.constant 80 : index
    %swap3A_245 = tpu.vector_load %arg14[%swap3A_244] {strides = array<i32>} : memref<112xi32, #tpu.memory_space<vmem>>, vector<16xi32>,
    tpu.vector_store %arg14[%swap3A_244], %add3A_243 {strides = array<i32>} : memref<112xi32, #tpu.memory_space<vmem>>, vector<16xi32>,
    %get3A_246 = arith.constant 96 : index
    %get3A_247 = tpu.vector_load %arg14[%get3A_246] {strides = array<i32>} : memref<112xi32, #tpu.memory_space<vmem>>, vector<16xi32>,
    %add3A_248 = vector.broadcast %mul3A_0 : i32 to vector<16xi32>
    %add3A_249 = arith.addi %get3A_247, %add3A_248 : vector<16xi32>
    %swap3A_250 = arith.constant 96 : index
    %swap3A_251 = tpu.vector_load %arg14[%swap3A_250] {strides = array<i32>} : memref<112xi32, #tpu.memory_space<vmem>>, vector<16xi32>,
    tpu.vector_store %arg14[%swap3A_250], %add3A_249 {strides = array<i32>} : memref<112xi32, #tpu.memory_space<vmem>>, vector<16xi32>,
    %dma_start3A_252 = arith.constant 0 : i32
    %dma_start3A_253 = arith.constant 0 : i32
    %dma_start3A_254 = tpu.memref_slice %arg6[%dma_start3A_252, %dma_start3A_253] : memref<20000x64xi32, #tpu.memory_space<hbm>> -> memref<20000x64xi32, #tpu.memory_space<hbm>>
    tpu.enqueue_indirect_dma source(%dma_start3A_254 : memref<20000x64xi32, #tpu.memory_space<hbm>>) target(%arg12 : memref<112x64xi32, #tpu.memory_space<vmem>>) offsets(%arg14 : memref<112xi32, #tpu.memory_space<vmem>>) semaphore(%arg27 : memref<!tpu.dma_semaphore, #tpu.memory_space<semaphore_mem>>)
    %scan3A_255 = arith.constant 0 : i32
    %scan3A_256 = arith.constant 45 : i32
    %scan3A_257 = arith.addi %scan3A_255, %scan3A_256 : i32
    %scan3A_258 = arith.constant 1 : i32
    scf.for %scan3A_276 = %scan3A_255 to %scan3A_257 step %scan3A_258  : i32 {
      %mul3A_277 = arith.constant 4 : i32
      %mul3A_278 = arith.muli %scan3A_276, %mul3A_277 : i32
      %add3A_279 = arith.constant 0 : i32
      %add3A_280 = arith.addi %add3A_279, %mul3A_278 : i32
      %add3A_281 = arith.constant 0 : i32
      %add3A_282 = arith.addi %add3A_280, %add3A_281 : i32
      %dma_wait3A_283 = arith.constant 0 : i32
      %dma_wait3A_284 = arith.constant 0 : i32
      %dma_wait3A_285 = tpu.memref_slice %arg6[%dma_wait3A_283, %dma_wait3A_284] : memref<20000x64xi32, #tpu.memory_space<hbm>> -> memref<20000x64xi32, #tpu.memory_space<hbm>>
      tpu.wait_indirect_dma semaphore(%arg27 : memref<!tpu.dma_semaphore, #tpu.memory_space<semaphore_mem>>) src(%dma_wait3A_285 : memref<20000x64xi32, #tpu.memory_space<hbm>>) dst(%arg12 : memref<112x64xi32, #tpu.memory_space<vmem>>)
      %add3A_286 = arith.constant 1 : i32
      %add3A_287 = arith.addi %add3A_282, %add3A_286 : i32
      %lt3A = arith.constant 180 : i32
      %lt3A_288 = arith.cmpi slt, %add3A_287, %lt3A : i32
      %convert_element_type3A_289 = arith.extui %lt3A_288 : i1 to i32
      %cond3A_290 = arith.constant 0 : i32
      %cond3A_291 = arith.cmpi ne, %convert_element_type3A_289, %cond3A_290 : i32
      scf.if %cond3A_291 {
        %gt3A = arith.constant 0 : i32
        %gt3A_388 = arith.cmpi sgt, %add3A_282, %gt3A : i32
        %convert_element_type3A_389 = arith.extui %gt3A_388 : i1 to i32
        %cond3A_390 = arith.constant 0 : i32
        %cond3A_391 = arith.cmpi ne, %convert_element_type3A_389, %cond3A_390 : i32
        scf.if %cond3A_391 {
          %dma_wait3A_458 = arith.constant 0 : i32
          %dma_wait3A_459 = arith.constant 0 : i32
          %dma_wait3A_460 = tpu.memref_slice %arg26[%dma_wait3A_458, %dma_wait3A_459] : memref<10000x128xf32, #tpu.memory_space<vmem_shared>> -> memref<10000x128xf32, #tpu.memory_space<vmem_shared>>
          tpu.wait_indirect_dma semaphore(%arg30 : memref<!tpu.dma_semaphore, #tpu.memory_space<semaphore_mem>>) src(%arg11 : memref<112x128xf32, #tpu.memory_space<vmem>>) dst(%dma_wait3A_460 : memref<10000x128xf32, #tpu.memory_space<vmem_shared>>)
        } else {
        }
        %dma_wait3A_392 = arith.constant 0 : i32
        %dma_wait3A_393 = arith.constant 0 : i32
        %dma_wait3A_394 = tpu.memref_slice %arg5[%add3A_146, %dma_wait3A_392, %dma_wait3A_393] : memref<32x180x112xi32, #tpu.memory_space<hbm>> -> memref<1x1x112xi32, #tpu.memory_space<hbm>>
        %dma_wait3A_395 = tpu.memref_squeeze %dma_wait3A_394 : memref<1x1x112xi32, #tpu.memory_space<hbm>> -> memref<112xi32, #tpu.memory_space<hbm>>
        %dma_wait3A_396 = arith.constant 0 : i32
        %dma_wait3A_397 = tpu.memref_slice %arg5[%add3A_146, %dma_wait3A_392, %dma_wait3A_396] : memref<32x180x112xi32, #tpu.memory_space<hbm>> -> memref<1x1x112xi32, #tpu.memory_space<hbm>>
        %dma_wait3A_398 = tpu.memref_squeeze %dma_wait3A_397 : memref<1x1x112xi32, #tpu.memory_space<hbm>> -> memref<112xi32, #tpu.memory_space<hbm>>
        tpu.wait_dma2 semaphore(%arg32 : memref<!tpu.dma_semaphore, #tpu.memory_space<semaphore_mem>>) src(%dma_wait3A_398 : memref<112xi32, #tpu.memory_space<hbm>>) dst(%arg15 : memref<112xi32, #tpu.memory_space<vmem>>)
        %dma_wait3A_399 = arith.constant 0 : i32
        %dma_wait3A_400 = arith.constant 0 : i32
        %dma_wait3A_401 = tpu.memref_slice %arg3[%arg1, %dma_wait3A_399, %dma_wait3A_400] : memref<16x180x112xi32, #tpu.memory_space<hbm>> -> memref<1x1x112xi32, #tpu.memory_space<hbm>>
        %dma_wait3A_402 = tpu.memref_squeeze %dma_wait3A_401 : memref<1x1x112xi32, #tpu.memory_space<hbm>> -> memref<112xi32, #tpu.memory_space<hbm>>
        %dma_wait3A_403 = arith.constant 0 : i32
        %dma_wait3A_404 = tpu.memref_slice %arg3[%arg1, %dma_wait3A_399, %dma_wait3A_403] : memref<16x180x112xi32, #tpu.memory_space<hbm>> -> memref<1x1x112xi32, #tpu.memory_space<hbm>>
        %dma_wait3A_405 = tpu.memref_squeeze %dma_wait3A_404 : memref<1x1x112xi32, #tpu.memory_space<hbm>> -> memref<112xi32, #tpu.memory_space<hbm>>
        tpu.wait_dma2 semaphore(%arg32 : memref<!tpu.dma_semaphore, #tpu.memory_space<semaphore_mem>>) src(%dma_wait3A_405 : memref<112xi32, #tpu.memory_space<hbm>>) dst(%arg19 : memref<112xi32, #tpu.memory_space<vmem>>)
        %dma_wait3A_406 = arith.constant 0 : i32
        %dma_wait3A_407 = arith.constant 0 : i32
        %dma_wait3A_408 = tpu.memref_slice %arg4[%arg1, %dma_wait3A_406, %dma_wait3A_407] : memref<16x180x112xf32, #tpu.memory_space<hbm>> -> memref<1x1x112xf32, #tpu.memory_space<hbm>>
        %dma_wait3A_409 = tpu.memref_squeeze %dma_wait3A_408 : memref<1x1x112xf32, #tpu.memory_space<hbm>> -> memref<112xf32, #tpu.memory_space<hbm>>
        %dma_wait3A_410 = arith.constant 0 : i32
        %dma_wait3A_411 = tpu.memref_slice %arg4[%arg1, %dma_wait3A_406, %dma_wait3A_410] : memref<16x180x112xf32, #tpu.memory_space<hbm>> -> memref<1x1x112xf32, #tpu.memory_space<hbm>>
        %dma_wait3A_412 = tpu.memref_squeeze %dma_wait3A_411 : memref<1x1x112xf32, #tpu.memory_space<hbm>> -> memref<112xf32, #tpu.memory_space<hbm>>
        tpu.wait_dma2 semaphore(%arg32 : memref<!tpu.dma_semaphore, #tpu.memory_space<semaphore_mem>>) src(%dma_wait3A_412 : memref<112xf32, #tpu.memory_space<hbm>>) dst(%arg23 : memref<112xf32, #tpu.memory_space<vmem>>)
        %get3A_413 = arith.constant 0 : index
        %get3A_414 = tpu.vector_load %arg15[%get3A_413] {strides = array<i32>} : memref<112xi32, #tpu.memory_space<vmem>>, vector<16xi32>,
        %add3A_415 = vector.broadcast %mul3A_0 : i32 to vector<16xi32>
        %add3A_416 = arith.addi %get3A_414, %add3A_415 : vector<16xi32>
        %swap3A_417 = arith.constant 0 : index
        %swap3A_418 = tpu.vector_load %arg15[%swap3A_417] {strides = array<i32>} : memref<112xi32, #tpu.memory_space<vmem>>, vector<16xi32>,
        tpu.vector_store %arg15[%swap3A_417], %add3A_416 {strides = array<i32>} : memref<112xi32, #tpu.memory_space<vmem>>, vector<16xi32>,
        %get3A_419 = arith.constant 16 : index
        %get3A_420 = tpu.vector_load %arg15[%get3A_419] {strides = array<i32>} : memref<112xi32, #tpu.memory_space<vmem>>, vector<16xi32>,
        %add3A_421 = vector.broadcast %mul3A_0 : i32 to vector<16xi32>
        %add3A_422 = arith.addi %get3A_420, %add3A_421 : vector<16xi32>
        %swap3A_423 = arith.constant 16 : index
        %swap3A_424 = tpu.vector_load %arg15[%swap3A_423] {strides = array<i32>} : memref<112xi32, #tpu.memory_space<vmem>>, vector<16xi32>,
        tpu.vector_store %arg15[%swap3A_423], %add3A_422 {strides = array<i32>} : memref<112xi32, #tpu.memory_space<vmem>>, vector<16xi32>,
        %get3A_425 = arith.constant 32 : index
        %get3A_426 = tpu.vector_load %arg15[%get3A_425] {strides = array<i32>} : memref<112xi32, #tpu.memory_space<vmem>>, vector<16xi32>,
        %add3A_427 = vector.broadcast %mul3A_0 : i32 to vector<16xi32>
        %add3A_428 = arith.addi %get3A_426, %add3A_427 : vector<16xi32>
        %swap3A_429 = arith.constant 32 : index
        %swap3A_430 = tpu.vector_load %arg15[%swap3A_429] {strides = array<i32>} : memref<112xi32, #tpu.memory_space<vmem>>, vector<16xi32>,
        tpu.vector_store %arg15[%swap3A_429], %add3A_428 {strides = array<i32>} : memref<112xi32, #tpu.memory_space<vmem>>, vector<16xi32>,
        %get3A_431 = arith.constant 48 : index
        %get3A_432 = tpu.vector_load %arg15[%get3A_431] {strides = array<i32>} : memref<112xi32, #tpu.memory_space<vmem>>, vector<16xi32>,
        %add3A_433 = vector.broadcast %mul3A_0 : i32 to vector<16xi32>
        %add3A_434 = arith.addi %get3A_432, %add3A_433 : vector<16xi32>
        %swap3A_435 = arith.constant 48 : index
        %swap3A_436 = tpu.vector_load %arg15[%swap3A_435] {strides = array<i32>} : memref<112xi32, #tpu.memory_space<vmem>>, vector<16xi32>,
        tpu.vector_store %arg15[%swap3A_435], %add3A_434 {strides = array<i32>} : memref<112xi32, #tpu.memory_space<vmem>>, vector<16xi32>,
        %get3A_437 = arith.constant 64 : index
        %get3A_438 = tpu.vector_load %arg15[%get3A_437] {strides = array<i32>} : memref<112xi32, #tpu.memory_space<vmem>>, vector<16xi32>,
        %add3A_439 = vector.broadcast %mul3A_0 : i32 to vector<16xi32>
        %add3A_440 = arith.addi %get3A_438, %add3A_439 : vector<16xi32>
        %swap3A_441 = arith.constant 64 : index
        %swap3A_442 = tpu.vector_load %arg15[%swap3A_441] {strides = array<i32>} : memref<112xi32, #tpu.memory_space<vmem>>, vector<16xi32>,
        tpu.vector_store %arg15[%swap3A_441], %add3A_440 {strides = array<i32>} : memref<112xi32, #tpu.memory_space<vmem>>, vector<16xi32>,
        %get3A_443 = arith.constant 80 : index
        %get3A_444 = tpu.vector_load %arg15[%get3A_443] {strides = array<i32>} : memref<112xi32, #tpu.memory_space<vmem>>, vector<16xi32>,
        %add3A_445 = vector.broadcast %mul3A_0 : i32 to vector<16xi32>
        %add3A_446 = arith.addi %get3A_444, %add3A_445 : vector<16xi32>
        %swap3A_447 = arith.constant 80 : index
        %swap3A_448 = tpu.vector_load %arg15[%swap3A_447] {strides = array<i32>} : memref<112xi32, #tpu.memory_space<vmem>>, vector<16xi32>,
        tpu.vector_store %arg15[%swap3A_447], %add3A_446 {strides = array<i32>} : memref<112xi32, #tpu.memory_space<vmem>>, vector<16xi32>,
        %get3A_449 = arith.constant 96 : index
        %get3A_450 = tpu.vector_load %arg15[%get3A_449] {strides = array<i32>} : memref<112xi32, #tpu.memory_space<vmem>>, vector<16xi32>,
        %add3A_451 = vector.broadcast %mul3A_0 : i32 to vector<16xi32>
        %add3A_452 = arith.addi %get3A_450, %add3A_451 : vector<16xi32>
        %swap3A_453 = arith.constant 96 : index
        %swap3A_454 = tpu.vector_load %arg15[%swap3A_453] {strides = array<i32>} : memref<112xi32, #tpu.memory_space<vmem>>, vector<16xi32>,
        tpu.vector_store %arg15[%swap3A_453], %add3A_452 {strides = array<i32>} : memref<112xi32, #tpu.memory_space<vmem>>, vector<16xi32>,
        %dma_start3A_455 = arith.constant 0 : i32
        %dma_start3A_456 = arith.constant 0 : i32
        %dma_start3A_457 = tpu.memref_slice %arg6[%dma_start3A_455, %dma_start3A_456] : memref<20000x64xi32, #tpu.memory_space<hbm>> -> memref<20000x64xi32, #tpu.memory_space<hbm>>
        tpu.enqueue_indirect_dma source(%dma_start3A_457 : memref<20000x64xi32, #tpu.memory_space<hbm>>) target(%arg13 : memref<112x64xi32, #tpu.memory_space<vmem>>) offsets(%arg15 : memref<112xi32, #tpu.memory_space<vmem>>) semaphore(%arg28 : memref<!tpu.dma_semaphore, #tpu.memory_space<semaphore_mem>>)
      } else {
      }
      %add3A_292 = arith.constant 2 : i32
      %add3A_293 = arith.addi %add3A_282, %add3A_292 : i32
      %lt3A_294 = arith.constant 180 : i32
      %lt3A_295 = arith.cmpi slt, %add3A_293, %lt3A_294 : i32
      %convert_element_type3A_296 = arith.extui %lt3A_295 : i1 to i32
      %cond3A_297 = arith.constant 0 : i32
      %cond3A_298 = arith.cmpi ne, %convert_element_type3A_296, %cond3A_297 : i32
      scf.if %cond3A_298 {
        %add3A_388 = arith.constant 2 : i32
        %add3A_389 = arith.addi %add3A_282, %add3A_388 : i32
        %dma_start3A_390 = arith.constant 0 : i32
        %dma_start3A_391 = tpu.memref_slice %arg5[%add3A_146, %add3A_389, %dma_start3A_390] : memref<32x180x112xi32, #tpu.memory_space<hbm>> -> memref<1x1x112xi32, #tpu.memory_space<hbm>>
        %dma_start3A_392 = tpu.memref_squeeze %dma_start3A_391 : memref<1x1x112xi32, #tpu.memory_space<hbm>> -> memref<112xi32, #tpu.memory_space<hbm>>
        %dma_start3A_393 = arith.constant 0 : i32
        %dma_start3A_394 = tpu.memref_slice %arg5[%add3A_146, %add3A_389, %dma_start3A_393] : memref<32x180x112xi32, #tpu.memory_space<hbm>> -> memref<1x1x112xi32, #tpu.memory_space<hbm>>
        %dma_start3A_395 = tpu.memref_squeeze %dma_start3A_394 : memref<1x1x112xi32, #tpu.memory_space<hbm>> -> memref<112xi32, #tpu.memory_space<hbm>>
        tpu.enqueue_dma source(%dma_start3A_395 : memref<112xi32, #tpu.memory_space<hbm>>) target(%arg16 : memref<112xi32, #tpu.memory_space<vmem>>) target_semaphore(%arg33 : memref<!tpu.dma_semaphore, #tpu.memory_space<semaphore_mem>>)
        %dma_start3A_396 = arith.constant 0 : i32
        %dma_start3A_397 = tpu.memref_slice %arg3[%arg1, %add3A_389, %dma_start3A_396] : memref<16x180x112xi32, #tpu.memory_space<hbm>> -> memref<1x1x112xi32, #tpu.memory_space<hbm>>
        %dma_start3A_398 = tpu.memref_squeeze %dma_start3A_397 : memref<1x1x112xi32, #tpu.memory_space<hbm>> -> memref<112xi32, #tpu.memory_space<hbm>>
        %dma_start3A_399 = arith.constant 0 : i32
        %dma_start3A_400 = tpu.memref_slice %arg3[%arg1, %add3A_389, %dma_start3A_399] : memref<16x180x112xi32, #tpu.memory_space<hbm>> -> memref<1x1x112xi32, #tpu.memory_space<hbm>>
        %dma_start3A_401 = tpu.memref_squeeze %dma_start3A_400 : memref<1x1x112xi32, #tpu.memory_space<hbm>> -> memref<112xi32, #tpu.memory_space<hbm>>
        tpu.enqueue_dma source(%dma_start3A_401 : memref<112xi32, #tpu.memory_space<hbm>>) target(%arg20 : memref<112xi32, #tpu.memory_space<vmem>>) target_semaphore(%arg33 : memref<!tpu.dma_semaphore, #tpu.memory_space<semaphore_mem>>)
        %dma_start3A_402 = arith.constant 0 : i32
        %dma_start3A_403 = tpu.memref_slice %arg4[%arg1, %add3A_389, %dma_start3A_402] : memref<16x180x112xf32, #tpu.memory_space<hbm>> -> memref<1x1x112xf32, #tpu.memory_space<hbm>>
        %dma_start3A_404 = tpu.memref_squeeze %dma_start3A_403 : memref<1x1x112xf32, #tpu.memory_space<hbm>> -> memref<112xf32, #tpu.memory_space<hbm>>
        %dma_start3A_405 = arith.constant 0 : i32
        %dma_start3A_406 = tpu.memref_slice %arg4[%arg1, %add3A_389, %dma_start3A_405] : memref<16x180x112xf32, #tpu.memory_space<hbm>> -> memref<1x1x112xf32, #tpu.memory_space<hbm>>
        %dma_start3A_407 = tpu.memref_squeeze %dma_start3A_406 : memref<1x1x112xf32, #tpu.memory_space<hbm>> -> memref<112xf32, #tpu.memory_space<hbm>>
        tpu.enqueue_dma source(%dma_start3A_407 : memref<112xf32, #tpu.memory_space<hbm>>) target(%arg24 : memref<112xf32, #tpu.memory_space<vmem>>) target_semaphore(%arg33 : memref<!tpu.dma_semaphore, #tpu.memory_space<semaphore_mem>>)
      } else {
      }
      %scan3A_299 = arith.constant 0 : i32
      %scan3A_300 = arith.constant 112 : i32
      %scan3A_301 = arith.addi %scan3A_299, %scan3A_300 : i32
      %scan3A_302 = arith.constant 1 : i32
      scf.for %scan3A_388 = %scan3A_299 to %scan3A_301 step %scan3A_302  : i32 {
        %mul3A_389 = arith.constant 1 : i32
        %mul3A_390 = arith.muli %scan3A_388, %mul3A_389 : i32
        %add3A_391 = arith.constant 0 : i32
        %add3A_392 = arith.addi %add3A_391, %mul3A_390 : i32
        %broadcast_in_dim3A_393 = vector.broadcast %add3A_392 : i32 to vector<16xi32>
        %gather3A = tpu.vector_load_idx %arg22[%broadcast_in_dim3A_393] : memref<112xf32, #tpu.memory_space<vmem>>[vector<16xi32>], vector<16xf32>,
        %get3A_394 = arith.index_cast %add3A_392 : i32 to index
        %get3A_395 = arith.constant 0 : index
        %get3A_396 = tpu.vector_load %arg12[%get3A_394, %get3A_395] {strides = array<i32>} : memref<112x64xi32, #tpu.memory_space<vmem>>, vector<16xi32>,
        %shift_left3A = arith.constant 16 : i32
        %shift_left3A_397 = vector.broadcast %shift_left3A : i32 to vector<16xi32>
        %shift_left3A_398 = arith.shli %get3A_396, %shift_left3A_397 : vector<16xi32>
        %bitcast3A = vector.bitcast %shift_left3A_398 : vector<16xi32> to vector<16xf32>
        %mul3A_399 = arith.mulf %bitcast3A, %gather3A : vector<16xf32>
        %and3A = arith.andi %get3A_396, %broadcast_in_dim3A_4 : vector<16xi32>
        %bitcast3A_400 = vector.bitcast %and3A : vector<16xi32> to vector<16xf32>
        %mul3A_401 = arith.mulf %bitcast3A_400, %gather3A : vector<16xf32>
        %add3A_402 = arith.constant 0 : i32
        %add3A_403 = vector.broadcast %add3A_402 : i32 to vector<16xi32>
        %add3A_404 = arith.addi %mul3A_3, %add3A_403 : vector<16xi32>
        tpu.vector_store_idx %arg10[%broadcast_in_dim3A_393, %add3A_404], %mul3A_399 : memref<112x128xf32, #tpu.memory_space<vmem>>[vector<16xi32>, vector<16xi32>], vector<16xf32>,
        %add3A_405 = arith.constant 1 : i32
        %add3A_406 = vector.broadcast %add3A_405 : i32 to vector<16xi32>
        %add3A_407 = arith.addi %add3A_404, %add3A_406 : vector<16xi32>
        tpu.vector_store_idx %arg10[%broadcast_in_dim3A_393, %add3A_407], %mul3A_401 : memref<112x128xf32, #tpu.memory_space<vmem>>[vector<16xi32>, vector<16xi32>], vector<16xf32>,
        %get3A_408 = arith.index_cast %add3A_392 : i32 to index
        %get3A_409 = arith.constant 16 : index
        %get3A_410 = tpu.vector_load %arg12[%get3A_408, %get3A_409] {strides = array<i32>} : memref<112x64xi32, #tpu.memory_space<vmem>>, vector<16xi32>,
        %shift_left3A_411 = arith.constant 16 : i32
        %shift_left3A_412 = vector.broadcast %shift_left3A_411 : i32 to vector<16xi32>
        %shift_left3A_413 = arith.shli %get3A_410, %shift_left3A_412 : vector<16xi32>
        %bitcast3A_414 = vector.bitcast %shift_left3A_413 : vector<16xi32> to vector<16xf32>
        %mul3A_415 = arith.mulf %bitcast3A_414, %gather3A : vector<16xf32>
        %and3A_416 = arith.andi %get3A_410, %broadcast_in_dim3A_4 : vector<16xi32>
        %bitcast3A_417 = vector.bitcast %and3A_416 : vector<16xi32> to vector<16xf32>
        %mul3A_418 = arith.mulf %bitcast3A_417, %gather3A : vector<16xf32>
        %add3A_419 = arith.constant 32 : i32
        %add3A_420 = vector.broadcast %add3A_419 : i32 to vector<16xi32>
        %add3A_421 = arith.addi %mul3A_3, %add3A_420 : vector<16xi32>
        tpu.vector_store_idx %arg10[%broadcast_in_dim3A_393, %add3A_421], %mul3A_415 : memref<112x128xf32, #tpu.memory_space<vmem>>[vector<16xi32>, vector<16xi32>], vector<16xf32>,
        %add3A_422 = arith.constant 1 : i32
        %add3A_423 = vector.broadcast %add3A_422 : i32 to vector<16xi32>
        %add3A_424 = arith.addi %add3A_421, %add3A_423 : vector<16xi32>
        tpu.vector_store_idx %arg10[%broadcast_in_dim3A_393, %add3A_424], %mul3A_418 : memref<112x128xf32, #tpu.memory_space<vmem>>[vector<16xi32>, vector<16xi32>], vector<16xf32>,
        %get3A_425 = arith.index_cast %add3A_392 : i32 to index
        %get3A_426 = arith.constant 32 : index
        %get3A_427 = tpu.vector_load %arg12[%get3A_425, %get3A_426] {strides = array<i32>} : memref<112x64xi32, #tpu.memory_space<vmem>>, vector<16xi32>,
        %shift_left3A_428 = arith.constant 16 : i32
        %shift_left3A_429 = vector.broadcast %shift_left3A_428 : i32 to vector<16xi32>
        %shift_left3A_430 = arith.shli %get3A_427, %shift_left3A_429 : vector<16xi32>
        %bitcast3A_431 = vector.bitcast %shift_left3A_430 : vector<16xi32> to vector<16xf32>
        %mul3A_432 = arith.mulf %bitcast3A_431, %gather3A : vector<16xf32>
        %and3A_433 = arith.andi %get3A_427, %broadcast_in_dim3A_4 : vector<16xi32>
        %bitcast3A_434 = vector.bitcast %and3A_433 : vector<16xi32> to vector<16xf32>
        %mul3A_435 = arith.mulf %bitcast3A_434, %gather3A : vector<16xf32>
        %add3A_436 = arith.constant 64 : i32
        %add3A_437 = vector.broadcast %add3A_436 : i32 to vector<16xi32>
        %add3A_438 = arith.addi %mul3A_3, %add3A_437 : vector<16xi32>
        tpu.vector_store_idx %arg10[%broadcast_in_dim3A_393, %add3A_438], %mul3A_432 : memref<112x128xf32, #tpu.memory_space<vmem>>[vector<16xi32>, vector<16xi32>], vector<16xf32>,
        %add3A_439 = arith.constant 1 : i32
        %add3A_440 = vector.broadcast %add3A_439 : i32 to vector<16xi32>
        %add3A_441 = arith.addi %add3A_438, %add3A_440 : vector<16xi32>
        tpu.vector_store_idx %arg10[%broadcast_in_dim3A_393, %add3A_441], %mul3A_435 : memref<112x128xf32, #tpu.memory_space<vmem>>[vector<16xi32>, vector<16xi32>], vector<16xf32>,
        %get3A_442 = arith.index_cast %add3A_392 : i32 to index
        %get3A_443 = arith.constant 48 : index
        %get3A_444 = tpu.vector_load %arg12[%get3A_442, %get3A_443] {strides = array<i32>} : memref<112x64xi32, #tpu.memory_space<vmem>>, vector<16xi32>,
        %shift_left3A_445 = arith.constant 16 : i32
        %shift_left3A_446 = vector.broadcast %shift_left3A_445 : i32 to vector<16xi32>
        %shift_left3A_447 = arith.shli %get3A_444, %shift_left3A_446 : vector<16xi32>
        %bitcast3A_448 = vector.bitcast %shift_left3A_447 : vector<16xi32> to vector<16xf32>
        %mul3A_449 = arith.mulf %bitcast3A_448, %gather3A : vector<16xf32>
        %and3A_450 = arith.andi %get3A_444, %broadcast_in_dim3A_4 : vector<16xi32>
        %bitcast3A_451 = vector.bitcast %and3A_450 : vector<16xi32> to vector<16xf32>
        %mul3A_452 = arith.mulf %bitcast3A_451, %gather3A : vector<16xf32>
        %add3A_453 = arith.constant 96 : i32
        %add3A_454 = vector.broadcast %add3A_453 : i32 to vector<16xi32>
        %add3A_455 = arith.addi %mul3A_3, %add3A_454 : vector<16xi32>
        tpu.vector_store_idx %arg10[%broadcast_in_dim3A_393, %add3A_455], %mul3A_449 : memref<112x128xf32, #tpu.memory_space<vmem>>[vector<16xi32>, vector<16xi32>], vector<16xf32>,
        %add3A_456 = arith.constant 1 : i32
        %add3A_457 = vector.broadcast %add3A_456 : i32 to vector<16xi32>
        %add3A_458 = arith.addi %add3A_455, %add3A_457 : vector<16xi32>
        tpu.vector_store_idx %arg10[%broadcast_in_dim3A_393, %add3A_458], %mul3A_452 : memref<112x128xf32, #tpu.memory_space<vmem>>[vector<16xi32>, vector<16xi32>], vector<16xf32>,
      }
      %scan3A_303 = arith.constant 112 : i32
      %dma_start3A_304 = arith.constant 0 : i32
      %dma_start3A_305 = arith.constant 0 : i32
      %dma_start3A_306 = tpu.memref_slice %arg26[%dma_start3A_304, %dma_start3A_305] : memref<10000x128xf32, #tpu.memory_space<vmem_shared>> -> memref<10000x128xf32, #tpu.memory_space<vmem_shared>>
      tpu.enqueue_indirect_dma source(%arg10 : memref<112x128xf32, #tpu.memory_space<vmem>>) target(%dma_start3A_306 : memref<10000x128xf32, #tpu.memory_space<vmem_shared>>) offsets(%arg18 : memref<112xi32, #tpu.memory_space<vmem>>) semaphore(%arg29 : memref<!tpu.dma_semaphore, #tpu.memory_space<semaphore_mem>>) {add = true}
      %add3A_307 = arith.constant 1 : i32
      %add3A_308 = arith.addi %add3A_280, %add3A_307 : i32
      %dma_wait3A_309 = arith.constant 0 : i32
      %dma_wait3A_310 = arith.constant 0 : i32
      %dma_wait3A_311 = tpu.memref_slice %arg6[%dma_wait3A_309, %dma_wait3A_310] : memref<20000x64xi32, #tpu.memory_space<hbm>> -> memref<20000x64xi32, #tpu.memory_space<hbm>>
      tpu.wait_indirect_dma semaphore(%arg28 : memref<!tpu.dma_semaphore, #tpu.memory_space<semaphore_mem>>) src(%dma_wait3A_311 : memref<20000x64xi32, #tpu.memory_space<hbm>>) dst(%arg13 : memref<112x64xi32, #tpu.memory_space<vmem>>)
      %add3A_312 = arith.constant 1 : i32
      %add3A_313 = arith.addi %add3A_308, %add3A_312 : i32
      %lt3A_314 = arith.constant 180 : i32
      %lt3A_315 = arith.cmpi slt, %add3A_313, %lt3A_314 : i32
      %convert_element_type3A_316 = arith.extui %lt3A_315 : i1 to i32
      %cond3A_317 = arith.constant 0 : i32
      %cond3A_318 = arith.cmpi ne, %convert_element_type3A_316, %cond3A_317 : i32
      scf.if %cond3A_318 {
        %gt3A = arith.constant 0 : i32
        %gt3A_388 = arith.cmpi sgt, %add3A_308, %gt3A : i32
        %convert_element_type3A_389 = arith.extui %gt3A_388 : i1 to i32
        %cond3A_390 = arith.constant 0 : i32
        %cond3A_391 = arith.cmpi ne, %convert_element_type3A_389, %cond3A_390 : i32
        scf.if %cond3A_391 {
          %dma_wait3A_458 = arith.constant 0 : i32
          %dma_wait3A_459 = arith.constant 0 : i32
          %dma_wait3A_460 = tpu.memref_slice %arg26[%dma_wait3A_458, %dma_wait3A_459] : memref<10000x128xf32, #tpu.memory_space<vmem_shared>> -> memref<10000x128xf32, #tpu.memory_space<vmem_shared>>
          tpu.wait_indirect_dma semaphore(%arg29 : memref<!tpu.dma_semaphore, #tpu.memory_space<semaphore_mem>>) src(%arg10 : memref<112x128xf32, #tpu.memory_space<vmem>>) dst(%dma_wait3A_460 : memref<10000x128xf32, #tpu.memory_space<vmem_shared>>)
        } else {
        }
        %dma_wait3A_392 = arith.constant 0 : i32
        %dma_wait3A_393 = arith.constant 0 : i32
        %dma_wait3A_394 = tpu.memref_slice %arg5[%add3A_146, %dma_wait3A_392, %dma_wait3A_393] : memref<32x180x112xi32, #tpu.memory_space<hbm>> -> memref<1x1x112xi32, #tpu.memory_space<hbm>>
        %dma_wait3A_395 = tpu.memref_squeeze %dma_wait3A_394 : memref<1x1x112xi32, #tpu.memory_space<hbm>> -> memref<112xi32, #tpu.memory_space<hbm>>
        %dma_wait3A_396 = arith.constant 0 : i32
        %dma_wait3A_397 = tpu.memref_slice %arg5[%add3A_146, %dma_wait3A_392, %dma_wait3A_396] : memref<32x180x112xi32, #tpu.memory_space<hbm>> -> memref<1x1x112xi32, #tpu.memory_space<hbm>>
        %dma_wait3A_398 = tpu.memref_squeeze %dma_wait3A_397 : memref<1x1x112xi32, #tpu.memory_space<hbm>> -> memref<112xi32, #tpu.memory_space<hbm>>
        tpu.wait_dma2 semaphore(%arg33 : memref<!tpu.dma_semaphore, #tpu.memory_space<semaphore_mem>>) src(%dma_wait3A_398 : memref<112xi32, #tpu.memory_space<hbm>>) dst(%arg16 : memref<112xi32, #tpu.memory_space<vmem>>)
        %dma_wait3A_399 = arith.constant 0 : i32
        %dma_wait3A_400 = arith.constant 0 : i32
        %dma_wait3A_401 = tpu.memref_slice %arg3[%arg1, %dma_wait3A_399, %dma_wait3A_400] : memref<16x180x112xi32, #tpu.memory_space<hbm>> -> memref<1x1x112xi32, #tpu.memory_space<hbm>>
        %dma_wait3A_402 = tpu.memref_squeeze %dma_wait3A_401 : memref<1x1x112xi32, #tpu.memory_space<hbm>> -> memref<112xi32, #tpu.memory_space<hbm>>
        %dma_wait3A_403 = arith.constant 0 : i32
        %dma_wait3A_404 = tpu.memref_slice %arg3[%arg1, %dma_wait3A_399, %dma_wait3A_403] : memref<16x180x112xi32, #tpu.memory_space<hbm>> -> memref<1x1x112xi32, #tpu.memory_space<hbm>>
        %dma_wait3A_405 = tpu.memref_squeeze %dma_wait3A_404 : memref<1x1x112xi32, #tpu.memory_space<hbm>> -> memref<112xi32, #tpu.memory_space<hbm>>
        tpu.wait_dma2 semaphore(%arg33 : memref<!tpu.dma_semaphore, #tpu.memory_space<semaphore_mem>>) src(%dma_wait3A_405 : memref<112xi32, #tpu.memory_space<hbm>>) dst(%arg20 : memref<112xi32, #tpu.memory_space<vmem>>)
        %dma_wait3A_406 = arith.constant 0 : i32
        %dma_wait3A_407 = arith.constant 0 : i32
        %dma_wait3A_408 = tpu.memref_slice %arg4[%arg1, %dma_wait3A_406, %dma_wait3A_407] : memref<16x180x112xf32, #tpu.memory_space<hbm>> -> memref<1x1x112xf32, #tpu.memory_space<hbm>>
        %dma_wait3A_409 = tpu.memref_squeeze %dma_wait3A_408 : memref<1x1x112xf32, #tpu.memory_space<hbm>> -> memref<112xf32, #tpu.memory_space<hbm>>
        %dma_wait3A_410 = arith.constant 0 : i32
        %dma_wait3A_411 = tpu.memref_slice %arg4[%arg1, %dma_wait3A_406, %dma_wait3A_410] : memref<16x180x112xf32, #tpu.memory_space<hbm>> -> memref<1x1x112xf32, #tpu.memory_space<hbm>>
        %dma_wait3A_412 = tpu.memref_squeeze %dma_wait3A_411 : memref<1x1x112xf32, #tpu.memory_space<hbm>> -> memref<112xf32, #tpu.memory_space<hbm>>
        tpu.wait_dma2 semaphore(%arg33 : memref<!tpu.dma_semaphore, #tpu.memory_space<semaphore_mem>>) src(%dma_wait3A_412 : memref<112xf32, #tpu.memory_space<hbm>>) dst(%arg24 : memref<112xf32, #tpu.memory_space<vmem>>)
        %get3A_413 = arith.constant 0 : index
        %get3A_414 = tpu.vector_load %arg16[%get3A_413] {strides = array<i32>} : memref<112xi32, #tpu.memory_space<vmem>>, vector<16xi32>,
        %add3A_415 = vector.broadcast %mul3A_0 : i32 to vector<16xi32>
        %add3A_416 = arith.addi %get3A_414, %add3A_415 : vector<16xi32>
        %swap3A_417 = arith.constant 0 : index
        %swap3A_418 = tpu.vector_load %arg16[%swap3A_417] {strides = array<i32>} : memref<112xi32, #tpu.memory_space<vmem>>, vector<16xi32>,
        tpu.vector_store %arg16[%swap3A_417], %add3A_416 {strides = array<i32>} : memref<112xi32, #tpu.memory_space<vmem>>, vector<16xi32>,
        %get3A_419 = arith.constant 16 : index
        %get3A_420 = tpu.vector_load %arg16[%get3A_419] {strides = array<i32>} : memref<112xi32, #tpu.memory_space<vmem>>, vector<16xi32>,
        %add3A_421 = vector.broadcast %mul3A_0 : i32 to vector<16xi32>
        %add3A_422 = arith.addi %get3A_420, %add3A_421 : vector<16xi32>
        %swap3A_423 = arith.constant 16 : index
        %swap3A_424 = tpu.vector_load %arg16[%swap3A_423] {strides = array<i32>} : memref<112xi32, #tpu.memory_space<vmem>>, vector<16xi32>,
        tpu.vector_store %arg16[%swap3A_423], %add3A_422 {strides = array<i32>} : memref<112xi32, #tpu.memory_space<vmem>>, vector<16xi32>,
        %get3A_425 = arith.constant 32 : index
        %get3A_426 = tpu.vector_load %arg16[%get3A_425] {strides = array<i32>} : memref<112xi32, #tpu.memory_space<vmem>>, vector<16xi32>,
        %add3A_427 = vector.broadcast %mul3A_0 : i32 to vector<16xi32>
        %add3A_428 = arith.addi %get3A_426, %add3A_427 : vector<16xi32>
        %swap3A_429 = arith.constant 32 : index
        %swap3A_430 = tpu.vector_load %arg16[%swap3A_429] {strides = array<i32>} : memref<112xi32, #tpu.memory_space<vmem>>, vector<16xi32>,
        tpu.vector_store %arg16[%swap3A_429], %add3A_428 {strides = array<i32>} : memref<112xi32, #tpu.memory_space<vmem>>, vector<16xi32>,
        %get3A_431 = arith.constant 48 : index
        %get3A_432 = tpu.vector_load %arg16[%get3A_431] {strides = array<i32>} : memref<112xi32, #tpu.memory_space<vmem>>, vector<16xi32>,
        %add3A_433 = vector.broadcast %mul3A_0 : i32 to vector<16xi32>
        %add3A_434 = arith.addi %get3A_432, %add3A_433 : vector<16xi32>
        %swap3A_435 = arith.constant 48 : index
        %swap3A_436 = tpu.vector_load %arg16[%swap3A_435] {strides = array<i32>} : memref<112xi32, #tpu.memory_space<vmem>>, vector<16xi32>,
        tpu.vector_store %arg16[%swap3A_435], %add3A_434 {strides = array<i32>} : memref<112xi32, #tpu.memory_space<vmem>>, vector<16xi32>,
        %get3A_437 = arith.constant 64 : index
        %get3A_438 = tpu.vector_load %arg16[%get3A_437] {strides = array<i32>} : memref<112xi32, #tpu.memory_space<vmem>>, vector<16xi32>,
        %add3A_439 = vector.broadcast %mul3A_0 : i32 to vector<16xi32>
        %add3A_440 = arith.addi %get3A_438, %add3A_439 : vector<16xi32>
        %swap3A_441 = arith.constant 64 : index
        %swap3A_442 = tpu.vector_load %arg16[%swap3A_441] {strides = array<i32>} : memref<112xi32, #tpu.memory_space<vmem>>, vector<16xi32>,
        tpu.vector_store %arg16[%swap3A_441], %add3A_440 {strides = array<i32>} : memref<112xi32, #tpu.memory_space<vmem>>, vector<16xi32>,
        %get3A_443 = arith.constant 80 : index
        %get3A_444 = tpu.vector_load %arg16[%get3A_443] {strides = array<i32>} : memref<112xi32, #tpu.memory_space<vmem>>, vector<16xi32>,
        %add3A_445 = vector.broadcast %mul3A_0 : i32 to vector<16xi32>
        %add3A_446 = arith.addi %get3A_444, %add3A_445 : vector<16xi32>
        %swap3A_447 = arith.constant 80 : index
        %swap3A_448 = tpu.vector_load %arg16[%swap3A_447] {strides = array<i32>} : memref<112xi32, #tpu.memory_space<vmem>>, vector<16xi32>,
        tpu.vector_store %arg16[%swap3A_447], %add3A_446 {strides = array<i32>} : memref<112xi32, #tpu.memory_space<vmem>>, vector<16xi32>,
        %get3A_449 = arith.constant 96 : index
        %get3A_450 = tpu.vector_load %arg16[%get3A_449] {strides = array<i32>} : memref<112xi32, #tpu.memory_space<vmem>>, vector<16xi32>,
        %add3A_451 = vector.broadcast %mul3A_0 : i32 to vector<16xi32>
        %add3A_452 = arith.addi %get3A_450, %add3A_451 : vector<16xi32>
        %swap3A_453 = arith.constant 96 : index
        %swap3A_454 = tpu.vector_load %arg16[%swap3A_453] {strides = array<i32>} : memref<112xi32, #tpu.memory_space<vmem>>, vector<16xi32>,
        tpu.vector_store %arg16[%swap3A_453], %add3A_452 {strides = array<i32>} : memref<112xi32, #tpu.memory_space<vmem>>, vector<16xi32>,
        %dma_start3A_455 = arith.constant 0 : i32
        %dma_start3A_456 = arith.constant 0 : i32
        %dma_start3A_457 = tpu.memref_slice %arg6[%dma_start3A_455, %dma_start3A_456] : memref<20000x64xi32, #tpu.memory_space<hbm>> -> memref<20000x64xi32, #tpu.memory_space<hbm>>
        tpu.enqueue_indirect_dma source(%dma_start3A_457 : memref<20000x64xi32, #tpu.memory_space<hbm>>) target(%arg12 : memref<112x64xi32, #tpu.memory_space<vmem>>) offsets(%arg16 : memref<112xi32, #tpu.memory_space<vmem>>) semaphore(%arg27 : memref<!tpu.dma_semaphore, #tpu.memory_space<semaphore_mem>>)
      } else {
      }
      %add3A_319 = arith.constant 2 : i32
      %add3A_320 = arith.addi %add3A_308, %add3A_319 : i32
      %lt3A_321 = arith.constant 180 : i32
      %lt3A_322 = arith.cmpi slt, %add3A_320, %lt3A_321 : i32
      %convert_element_type3A_323 = arith.extui %lt3A_322 : i1 to i32
      %cond3A_324 = arith.constant 0 : i32
      %cond3A_325 = arith.cmpi ne, %convert_element_type3A_323, %cond3A_324 : i32
      scf.if %cond3A_325 {
        %add3A_388 = arith.constant 2 : i32
        %add3A_389 = arith.addi %add3A_308, %add3A_388 : i32
        %dma_start3A_390 = arith.constant 0 : i32
        %dma_start3A_391 = tpu.memref_slice %arg5[%add3A_146, %add3A_389, %dma_start3A_390] : memref<32x180x112xi32, #tpu.memory_space<hbm>> -> memref<1x1x112xi32, #tpu.memory_space<hbm>>
        %dma_start3A_392 = tpu.memref_squeeze %dma_start3A_391 : memref<1x1x112xi32, #tpu.memory_space<hbm>> -> memref<112xi32, #tpu.memory_space<hbm>>
        %dma_start3A_393 = arith.constant 0 : i32
        %dma_start3A_394 = tpu.memref_slice %arg5[%add3A_146, %add3A_389, %dma_start3A_393] : memref<32x180x112xi32, #tpu.memory_space<hbm>> -> memref<1x1x112xi32, #tpu.memory_space<hbm>>
        %dma_start3A_395 = tpu.memref_squeeze %dma_start3A_394 : memref<1x1x112xi32, #tpu.memory_space<hbm>> -> memref<112xi32, #tpu.memory_space<hbm>>
        tpu.enqueue_dma source(%dma_start3A_395 : memref<112xi32, #tpu.memory_space<hbm>>) target(%arg17 : memref<112xi32, #tpu.memory_space<vmem>>) target_semaphore(%arg34 : memref<!tpu.dma_semaphore, #tpu.memory_space<semaphore_mem>>)
        %dma_start3A_396 = arith.constant 0 : i32
        %dma_start3A_397 = tpu.memref_slice %arg3[%arg1, %add3A_389, %dma_start3A_396] : memref<16x180x112xi32, #tpu.memory_space<hbm>> -> memref<1x1x112xi32, #tpu.memory_space<hbm>>
        %dma_start3A_398 = tpu.memref_squeeze %dma_start3A_397 : memref<1x1x112xi32, #tpu.memory_space<hbm>> -> memref<112xi32, #tpu.memory_space<hbm>>
        %dma_start3A_399 = arith.constant 0 : i32
        %dma_start3A_400 = tpu.memref_slice %arg3[%arg1, %add3A_389, %dma_start3A_399] : memref<16x180x112xi32, #tpu.memory_space<hbm>> -> memref<1x1x112xi32, #tpu.memory_space<hbm>>
        %dma_start3A_401 = tpu.memref_squeeze %dma_start3A_400 : memref<1x1x112xi32, #tpu.memory_space<hbm>> -> memref<112xi32, #tpu.memory_space<hbm>>
        tpu.enqueue_dma source(%dma_start3A_401 : memref<112xi32, #tpu.memory_space<hbm>>) target(%arg21 : memref<112xi32, #tpu.memory_space<vmem>>) target_semaphore(%arg34 : memref<!tpu.dma_semaphore, #tpu.memory_space<semaphore_mem>>)
        %dma_start3A_402 = arith.constant 0 : i32
        %dma_start3A_403 = tpu.memref_slice %arg4[%arg1, %add3A_389, %dma_start3A_402] : memref<16x180x112xf32, #tpu.memory_space<hbm>> -> memref<1x1x112xf32, #tpu.memory_space<hbm>>
        %dma_start3A_404 = tpu.memref_squeeze %dma_start3A_403 : memref<1x1x112xf32, #tpu.memory_space<hbm>> -> memref<112xf32, #tpu.memory_space<hbm>>
        %dma_start3A_405 = arith.constant 0 : i32
        %dma_start3A_406 = tpu.memref_slice %arg4[%arg1, %add3A_389, %dma_start3A_405] : memref<16x180x112xf32, #tpu.memory_space<hbm>> -> memref<1x1x112xf32, #tpu.memory_space<hbm>>
        %dma_start3A_407 = tpu.memref_squeeze %dma_start3A_406 : memref<1x1x112xf32, #tpu.memory_space<hbm>> -> memref<112xf32, #tpu.memory_space<hbm>>
        tpu.enqueue_dma source(%dma_start3A_407 : memref<112xf32, #tpu.memory_space<hbm>>) target(%arg25 : memref<112xf32, #tpu.memory_space<vmem>>) target_semaphore(%arg34 : memref<!tpu.dma_semaphore, #tpu.memory_space<semaphore_mem>>)
      } else {
      }
      %scan3A_326 = arith.constant 0 : i32
      %scan3A_327 = arith.constant 112 : i32
      %scan3A_328 = arith.addi %scan3A_326, %scan3A_327 : i32
      %scan3A_329 = arith.constant 1 : i32
      scf.for %scan3A_388 = %scan3A_326 to %scan3A_328 step %scan3A_329  : i32 {
        %mul3A_389 = arith.constant 1 : i32
        %mul3A_390 = arith.muli %scan3A_388, %mul3A_389 : i32
        %add3A_391 = arith.constant 0 : i32
        %add3A_392 = arith.addi %add3A_391, %mul3A_390 : i32
        %broadcast_in_dim3A_393 = vector.broadcast %add3A_392 : i32 to vector<16xi32>
        %gather3A = tpu.vector_load_idx %arg23[%broadcast_in_dim3A_393] : memref<112xf32, #tpu.memory_space<vmem>>[vector<16xi32>], vector<16xf32>,
        %get3A_394 = arith.index_cast %add3A_392 : i32 to index
        %get3A_395 = arith.constant 0 : index
        %get3A_396 = tpu.vector_load %arg13[%get3A_394, %get3A_395] {strides = array<i32>} : memref<112x64xi32, #tpu.memory_space<vmem>>, vector<16xi32>,
        %shift_left3A = arith.constant 16 : i32
        %shift_left3A_397 = vector.broadcast %shift_left3A : i32 to vector<16xi32>
        %shift_left3A_398 = arith.shli %get3A_396, %shift_left3A_397 : vector<16xi32>
        %bitcast3A = vector.bitcast %shift_left3A_398 : vector<16xi32> to vector<16xf32>
        %mul3A_399 = arith.mulf %bitcast3A, %gather3A : vector<16xf32>
        %and3A = arith.andi %get3A_396, %broadcast_in_dim3A_4 : vector<16xi32>
        %bitcast3A_400 = vector.bitcast %and3A : vector<16xi32> to vector<16xf32>
        %mul3A_401 = arith.mulf %bitcast3A_400, %gather3A : vector<16xf32>
        %add3A_402 = arith.constant 0 : i32
        %add3A_403 = vector.broadcast %add3A_402 : i32 to vector<16xi32>
        %add3A_404 = arith.addi %mul3A_3, %add3A_403 : vector<16xi32>
        tpu.vector_store_idx %arg11[%broadcast_in_dim3A_393, %add3A_404], %mul3A_399 : memref<112x128xf32, #tpu.memory_space<vmem>>[vector<16xi32>, vector<16xi32>], vector<16xf32>,
        %add3A_405 = arith.constant 1 : i32
        %add3A_406 = vector.broadcast %add3A_405 : i32 to vector<16xi32>
        %add3A_407 = arith.addi %add3A_404, %add3A_406 : vector<16xi32>
        tpu.vector_store_idx %arg11[%broadcast_in_dim3A_393, %add3A_407], %mul3A_401 : memref<112x128xf32, #tpu.memory_space<vmem>>[vector<16xi32>, vector<16xi32>], vector<16xf32>,
        %get3A_408 = arith.index_cast %add3A_392 : i32 to index
        %get3A_409 = arith.constant 16 : index
        %get3A_410 = tpu.vector_load %arg13[%get3A_408, %get3A_409] {strides = array<i32>} : memref<112x64xi32, #tpu.memory_space<vmem>>, vector<16xi32>,
        %shift_left3A_411 = arith.constant 16 : i32
        %shift_left3A_412 = vector.broadcast %shift_left3A_411 : i32 to vector<16xi32>
        %shift_left3A_413 = arith.shli %get3A_410, %shift_left3A_412 : vector<16xi32>
        %bitcast3A_414 = vector.bitcast %shift_left3A_413 : vector<16xi32> to vector<16xf32>
        %mul3A_415 = arith.mulf %bitcast3A_414, %gather3A : vector<16xf32>
        %and3A_416 = arith.andi %get3A_410, %broadcast_in_dim3A_4 : vector<16xi32>
        %bitcast3A_417 = vector.bitcast %and3A_416 : vector<16xi32> to vector<16xf32>
        %mul3A_418 = arith.mulf %bitcast3A_417, %gather3A : vector<16xf32>
        %add3A_419 = arith.constant 32 : i32
        %add3A_420 = vector.broadcast %add3A_419 : i32 to vector<16xi32>
        %add3A_421 = arith.addi %mul3A_3, %add3A_420 : vector<16xi32>
        tpu.vector_store_idx %arg11[%broadcast_in_dim3A_393, %add3A_421], %mul3A_415 : memref<112x128xf32, #tpu.memory_space<vmem>>[vector<16xi32>, vector<16xi32>], vector<16xf32>,
        %add3A_422 = arith.constant 1 : i32
        %add3A_423 = vector.broadcast %add3A_422 : i32 to vector<16xi32>
        %add3A_424 = arith.addi %add3A_421, %add3A_423 : vector<16xi32>
        tpu.vector_store_idx %arg11[%broadcast_in_dim3A_393, %add3A_424], %mul3A_418 : memref<112x128xf32, #tpu.memory_space<vmem>>[vector<16xi32>, vector<16xi32>], vector<16xf32>,
        %get3A_425 = arith.index_cast %add3A_392 : i32 to index
        %get3A_426 = arith.constant 32 : index
        %get3A_427 = tpu.vector_load %arg13[%get3A_425, %get3A_426] {strides = array<i32>} : memref<112x64xi32, #tpu.memory_space<vmem>>, vector<16xi32>,
        %shift_left3A_428 = arith.constant 16 : i32
        %shift_left3A_429 = vector.broadcast %shift_left3A_428 : i32 to vector<16xi32>
        %shift_left3A_430 = arith.shli %get3A_427, %shift_left3A_429 : vector<16xi32>
        %bitcast3A_431 = vector.bitcast %shift_left3A_430 : vector<16xi32> to vector<16xf32>
        %mul3A_432 = arith.mulf %bitcast3A_431, %gather3A : vector<16xf32>
        %and3A_433 = arith.andi %get3A_427, %broadcast_in_dim3A_4 : vector<16xi32>
        %bitcast3A_434 = vector.bitcast %and3A_433 : vector<16xi32> to vector<16xf32>
        %mul3A_435 = arith.mulf %bitcast3A_434, %gather3A : vector<16xf32>
        %add3A_436 = arith.constant 64 : i32
        %add3A_437 = vector.broadcast %add3A_436 : i32 to vector<16xi32>
        %add3A_438 = arith.addi %mul3A_3, %add3A_437 : vector<16xi32>
        tpu.vector_store_idx %arg11[%broadcast_in_dim3A_393, %add3A_438], %mul3A_432 : memref<112x128xf32, #tpu.memory_space<vmem>>[vector<16xi32>, vector<16xi32>], vector<16xf32>,
        %add3A_439 = arith.constant 1 : i32
        %add3A_440 = vector.broadcast %add3A_439 : i32 to vector<16xi32>
        %add3A_441 = arith.addi %add3A_438, %add3A_440 : vector<16xi32>
        tpu.vector_store_idx %arg11[%broadcast_in_dim3A_393, %add3A_441], %mul3A_435 : memref<112x128xf32, #tpu.memory_space<vmem>>[vector<16xi32>, vector<16xi32>], vector<16xf32>,
        %get3A_442 = arith.index_cast %add3A_392 : i32 to index
        %get3A_443 = arith.constant 48 : index
        %get3A_444 = tpu.vector_load %arg13[%get3A_442, %get3A_443] {strides = array<i32>} : memref<112x64xi32, #tpu.memory_space<vmem>>, vector<16xi32>,
        %shift_left3A_445 = arith.constant 16 : i32
        %shift_left3A_446 = vector.broadcast %shift_left3A_445 : i32 to vector<16xi32>
        %shift_left3A_447 = arith.shli %get3A_444, %shift_left3A_446 : vector<16xi32>
        %bitcast3A_448 = vector.bitcast %shift_left3A_447 : vector<16xi32> to vector<16xf32>
        %mul3A_449 = arith.mulf %bitcast3A_448, %gather3A : vector<16xf32>
        %and3A_450 = arith.andi %get3A_444, %broadcast_in_dim3A_4 : vector<16xi32>
        %bitcast3A_451 = vector.bitcast %and3A_450 : vector<16xi32> to vector<16xf32>
        %mul3A_452 = arith.mulf %bitcast3A_451, %gather3A : vector<16xf32>
        %add3A_453 = arith.constant 96 : i32
        %add3A_454 = vector.broadcast %add3A_453 : i32 to vector<16xi32>
        %add3A_455 = arith.addi %mul3A_3, %add3A_454 : vector<16xi32>
        tpu.vector_store_idx %arg11[%broadcast_in_dim3A_393, %add3A_455], %mul3A_449 : memref<112x128xf32, #tpu.memory_space<vmem>>[vector<16xi32>, vector<16xi32>], vector<16xf32>,
        %add3A_456 = arith.constant 1 : i32
        %add3A_457 = vector.broadcast %add3A_456 : i32 to vector<16xi32>
        %add3A_458 = arith.addi %add3A_455, %add3A_457 : vector<16xi32>
        tpu.vector_store_idx %arg11[%broadcast_in_dim3A_393, %add3A_458], %mul3A_452 : memref<112x128xf32, #tpu.memory_space<vmem>>[vector<16xi32>, vector<16xi32>], vector<16xf32>,
      }
      %scan3A_330 = arith.constant 112 : i32
      %dma_start3A_331 = arith.constant 0 : i32
      %dma_start3A_332 = arith.constant 0 : i32
      %dma_start3A_333 = tpu.memref_slice %arg26[%dma_start3A_331, %dma_start3A_332] : memref<10000x128xf32, #tpu.memory_space<vmem_shared>> -> memref<10000x128xf32, #tpu.memory_space<vmem_shared>>
      tpu.enqueue_indirect_dma source(%arg11 : memref<112x128xf32, #tpu.memory_space<vmem>>) target(%dma_start3A_333 : memref<10000x128xf32, #tpu.memory_space<vmem_shared>>) offsets(%arg19 : memref<112xi32, #tpu.memory_space<vmem>>) semaphore(%arg30 : memref<!tpu.dma_semaphore, #tpu.memory_space<semaphore_mem>>) {add = true}
      %add3A_334 = arith.constant 2 : i32
      %add3A_335 = arith.addi %add3A_280, %add3A_334 : i32
      %dma_wait3A_336 = arith.constant 0 : i32
      %dma_wait3A_337 = arith.constant 0 : i32
      %dma_wait3A_338 = tpu.memref_slice %arg6[%dma_wait3A_336, %dma_wait3A_337] : memref<20000x64xi32, #tpu.memory_space<hbm>> -> memref<20000x64xi32, #tpu.memory_space<hbm>>
      tpu.wait_indirect_dma semaphore(%arg27 : memref<!tpu.dma_semaphore, #tpu.memory_space<semaphore_mem>>) src(%dma_wait3A_338 : memref<20000x64xi32, #tpu.memory_space<hbm>>) dst(%arg12 : memref<112x64xi32, #tpu.memory_space<vmem>>)
      %add3A_339 = arith.constant 1 : i32
      %add3A_340 = arith.addi %add3A_335, %add3A_339 : i32
      %lt3A_341 = arith.constant 180 : i32
      %lt3A_342 = arith.cmpi slt, %add3A_340, %lt3A_341 : i32
      %convert_element_type3A_343 = arith.extui %lt3A_342 : i1 to i32
      %cond3A_344 = arith.constant 0 : i32
      %cond3A_345 = arith.cmpi ne, %convert_element_type3A_343, %cond3A_344 : i32
      scf.if %cond3A_345 {
        %gt3A = arith.constant 0 : i32
        %gt3A_388 = arith.cmpi sgt, %add3A_335, %gt3A : i32
        %convert_element_type3A_389 = arith.extui %gt3A_388 : i1 to i32
        %cond3A_390 = arith.constant 0 : i32
        %cond3A_391 = arith.cmpi ne, %convert_element_type3A_389, %cond3A_390 : i32
        scf.if %cond3A_391 {
          %dma_wait3A_458 = arith.constant 0 : i32
          %dma_wait3A_459 = arith.constant 0 : i32
          %dma_wait3A_460 = tpu.memref_slice %arg26[%dma_wait3A_458, %dma_wait3A_459] : memref<10000x128xf32, #tpu.memory_space<vmem_shared>> -> memref<10000x128xf32, #tpu.memory_space<vmem_shared>>
          tpu.wait_indirect_dma semaphore(%arg30 : memref<!tpu.dma_semaphore, #tpu.memory_space<semaphore_mem>>) src(%arg11 : memref<112x128xf32, #tpu.memory_space<vmem>>) dst(%dma_wait3A_460 : memref<10000x128xf32, #tpu.memory_space<vmem_shared>>)
        } else {
        }
        %dma_wait3A_392 = arith.constant 0 : i32
        %dma_wait3A_393 = arith.constant 0 : i32
        %dma_wait3A_394 = tpu.memref_slice %arg5[%add3A_146, %dma_wait3A_392, %dma_wait3A_393] : memref<32x180x112xi32, #tpu.memory_space<hbm>> -> memref<1x1x112xi32, #tpu.memory_space<hbm>>
        %dma_wait3A_395 = tpu.memref_squeeze %dma_wait3A_394 : memref<1x1x112xi32, #tpu.memory_space<hbm>> -> memref<112xi32, #tpu.memory_space<hbm>>
        %dma_wait3A_396 = arith.constant 0 : i32
        %dma_wait3A_397 = tpu.memref_slice %arg5[%add3A_146, %dma_wait3A_392, %dma_wait3A_396] : memref<32x180x112xi32, #tpu.memory_space<hbm>> -> memref<1x1x112xi32, #tpu.memory_space<hbm>>
        %dma_wait3A_398 = tpu.memref_squeeze %dma_wait3A_397 : memref<1x1x112xi32, #tpu.memory_space<hbm>> -> memref<112xi32, #tpu.memory_space<hbm>>
        tpu.wait_dma2 semaphore(%arg34 : memref<!tpu.dma_semaphore, #tpu.memory_space<semaphore_mem>>) src(%dma_wait3A_398 : memref<112xi32, #tpu.memory_space<hbm>>) dst(%arg17 : memref<112xi32, #tpu.memory_space<vmem>>)
        %dma_wait3A_399 = arith.constant 0 : i32
        %dma_wait3A_400 = arith.constant 0 : i32
        %dma_wait3A_401 = tpu.memref_slice %arg3[%arg1, %dma_wait3A_399, %dma_wait3A_400] : memref<16x180x112xi32, #tpu.memory_space<hbm>> -> memref<1x1x112xi32, #tpu.memory_space<hbm>>
        %dma_wait3A_402 = tpu.memref_squeeze %dma_wait3A_401 : memref<1x1x112xi32, #tpu.memory_space<hbm>> -> memref<112xi32, #tpu.memory_space<hbm>>
        %dma_wait3A_403 = arith.constant 0 : i32
        %dma_wait3A_404 = tpu.memref_slice %arg3[%arg1, %dma_wait3A_399, %dma_wait3A_403] : memref<16x180x112xi32, #tpu.memory_space<hbm>> -> memref<1x1x112xi32, #tpu.memory_space<hbm>>
        %dma_wait3A_405 = tpu.memref_squeeze %dma_wait3A_404 : memref<1x1x112xi32, #tpu.memory_space<hbm>> -> memref<112xi32, #tpu.memory_space<hbm>>
        tpu.wait_dma2 semaphore(%arg34 : memref<!tpu.dma_semaphore, #tpu.memory_space<semaphore_mem>>) src(%dma_wait3A_405 : memref<112xi32, #tpu.memory_space<hbm>>) dst(%arg21 : memref<112xi32, #tpu.memory_space<vmem>>)
        %dma_wait3A_406 = arith.constant 0 : i32
        %dma_wait3A_407 = arith.constant 0 : i32
        %dma_wait3A_408 = tpu.memref_slice %arg4[%arg1, %dma_wait3A_406, %dma_wait3A_407] : memref<16x180x112xf32, #tpu.memory_space<hbm>> -> memref<1x1x112xf32, #tpu.memory_space<hbm>>
        %dma_wait3A_409 = tpu.memref_squeeze %dma_wait3A_408 : memref<1x1x112xf32, #tpu.memory_space<hbm>> -> memref<112xf32, #tpu.memory_space<hbm>>
        %dma_wait3A_410 = arith.constant 0 : i32
        %dma_wait3A_411 = tpu.memref_slice %arg4[%arg1, %dma_wait3A_406, %dma_wait3A_410] : memref<16x180x112xf32, #tpu.memory_space<hbm>> -> memref<1x1x112xf32, #tpu.memory_space<hbm>>
        %dma_wait3A_412 = tpu.memref_squeeze %dma_wait3A_411 : memref<1x1x112xf32, #tpu.memory_space<hbm>> -> memref<112xf32, #tpu.memory_space<hbm>>
        tpu.wait_dma2 semaphore(%arg34 : memref<!tpu.dma_semaphore, #tpu.memory_space<semaphore_mem>>) src(%dma_wait3A_412 : memref<112xf32, #tpu.memory_space<hbm>>) dst(%arg25 : memref<112xf32, #tpu.memory_space<vmem>>)
        %get3A_413 = arith.constant 0 : index
        %get3A_414 = tpu.vector_load %arg17[%get3A_413] {strides = array<i32>} : memref<112xi32, #tpu.memory_space<vmem>>, vector<16xi32>,
        %add3A_415 = vector.broadcast %mul3A_0 : i32 to vector<16xi32>
        %add3A_416 = arith.addi %get3A_414, %add3A_415 : vector<16xi32>
        %swap3A_417 = arith.constant 0 : index
        %swap3A_418 = tpu.vector_load %arg17[%swap3A_417] {strides = array<i32>} : memref<112xi32, #tpu.memory_space<vmem>>, vector<16xi32>,
        tpu.vector_store %arg17[%swap3A_417], %add3A_416 {strides = array<i32>} : memref<112xi32, #tpu.memory_space<vmem>>, vector<16xi32>,
        %get3A_419 = arith.constant 16 : index
        %get3A_420 = tpu.vector_load %arg17[%get3A_419] {strides = array<i32>} : memref<112xi32, #tpu.memory_space<vmem>>, vector<16xi32>,
        %add3A_421 = vector.broadcast %mul3A_0 : i32 to vector<16xi32>
        %add3A_422 = arith.addi %get3A_420, %add3A_421 : vector<16xi32>
        %swap3A_423 = arith.constant 16 : index
        %swap3A_424 = tpu.vector_load %arg17[%swap3A_423] {strides = array<i32>} : memref<112xi32, #tpu.memory_space<vmem>>, vector<16xi32>,
        tpu.vector_store %arg17[%swap3A_423], %add3A_422 {strides = array<i32>} : memref<112xi32, #tpu.memory_space<vmem>>, vector<16xi32>,
        %get3A_425 = arith.constant 32 : index
        %get3A_426 = tpu.vector_load %arg17[%get3A_425] {strides = array<i32>} : memref<112xi32, #tpu.memory_space<vmem>>, vector<16xi32>,
        %add3A_427 = vector.broadcast %mul3A_0 : i32 to vector<16xi32>
        %add3A_428 = arith.addi %get3A_426, %add3A_427 : vector<16xi32>
        %swap3A_429 = arith.constant 32 : index
        %swap3A_430 = tpu.vector_load %arg17[%swap3A_429] {strides = array<i32>} : memref<112xi32, #tpu.memory_space<vmem>>, vector<16xi32>,
        tpu.vector_store %arg17[%swap3A_429], %add3A_428 {strides = array<i32>} : memref<112xi32, #tpu.memory_space<vmem>>, vector<16xi32>,
        %get3A_431 = arith.constant 48 : index
        %get3A_432 = tpu.vector_load %arg17[%get3A_431] {strides = array<i32>} : memref<112xi32, #tpu.memory_space<vmem>>, vector<16xi32>,
        %add3A_433 = vector.broadcast %mul3A_0 : i32 to vector<16xi32>
        %add3A_434 = arith.addi %get3A_432, %add3A_433 : vector<16xi32>
        %swap3A_435 = arith.constant 48 : index
        %swap3A_436 = tpu.vector_load %arg17[%swap3A_435] {strides = array<i32>} : memref<112xi32, #tpu.memory_space<vmem>>, vector<16xi32>,
        tpu.vector_store %arg17[%swap3A_435], %add3A_434 {strides = array<i32>} : memref<112xi32, #tpu.memory_space<vmem>>, vector<16xi32>,
        %get3A_437 = arith.constant 64 : index
        %get3A_438 = tpu.vector_load %arg17[%get3A_437] {strides = array<i32>} : memref<112xi32, #tpu.memory_space<vmem>>, vector<16xi32>,
        %add3A_439 = vector.broadcast %mul3A_0 : i32 to vector<16xi32>
        %add3A_440 = arith.addi %get3A_438, %add3A_439 : vector<16xi32>
        %swap3A_441 = arith.constant 64 : index
        %swap3A_442 = tpu.vector_load %arg17[%swap3A_441] {strides = array<i32>} : memref<112xi32, #tpu.memory_space<vmem>>, vector<16xi32>,
        tpu.vector_store %arg17[%swap3A_441], %add3A_440 {strides = array<i32>} : memref<112xi32, #tpu.memory_space<vmem>>, vector<16xi32>,
        %get3A_443 = arith.constant 80 : index
        %get3A_444 = tpu.vector_load %arg17[%get3A_443] {strides = array<i32>} : memref<112xi32, #tpu.memory_space<vmem>>, vector<16xi32>,
        %add3A_445 = vector.broadcast %mul3A_0 : i32 to vector<16xi32>
        %add3A_446 = arith.addi %get3A_444, %add3A_445 : vector<16xi32>
        %swap3A_447 = arith.constant 80 : index
        %swap3A_448 = tpu.vector_load %arg17[%swap3A_447] {strides = array<i32>} : memref<112xi32, #tpu.memory_space<vmem>>, vector<16xi32>,
        tpu.vector_store %arg17[%swap3A_447], %add3A_446 {strides = array<i32>} : memref<112xi32, #tpu.memory_space<vmem>>, vector<16xi32>,
        %get3A_449 = arith.constant 96 : index
        %get3A_450 = tpu.vector_load %arg17[%get3A_449] {strides = array<i32>} : memref<112xi32, #tpu.memory_space<vmem>>, vector<16xi32>,
        %add3A_451 = vector.broadcast %mul3A_0 : i32 to vector<16xi32>
        %add3A_452 = arith.addi %get3A_450, %add3A_451 : vector<16xi32>
        %swap3A_453 = arith.constant 96 : index
        %swap3A_454 = tpu.vector_load %arg17[%swap3A_453] {strides = array<i32>} : memref<112xi32, #tpu.memory_space<vmem>>, vector<16xi32>,
        tpu.vector_store %arg17[%swap3A_453], %add3A_452 {strides = array<i32>} : memref<112xi32, #tpu.memory_space<vmem>>, vector<16xi32>,
        %dma_start3A_455 = arith.constant 0 : i32
        %dma_start3A_456 = arith.constant 0 : i32
        %dma_start3A_457 = tpu.memref_slice %arg6[%dma_start3A_455, %dma_start3A_456] : memref<20000x64xi32, #tpu.memory_space<hbm>> -> memref<20000x64xi32, #tpu.memory_space<hbm>>
        tpu.enqueue_indirect_dma source(%dma_start3A_457 : memref<20000x64xi32, #tpu.memory_space<hbm>>) target(%arg13 : memref<112x64xi32, #tpu.memory_space<vmem>>) offsets(%arg17 : memref<112xi32, #tpu.memory_space<vmem>>) semaphore(%arg28 : memref<!tpu.dma_semaphore, #tpu.memory_space<semaphore_mem>>)
      } else {
      }
      %add3A_346 = arith.constant 2 : i32
      %add3A_347 = arith.addi %add3A_335, %add3A_346 : i32
      %lt3A_348 = arith.constant 180 : i32
      %lt3A_349 = arith.cmpi slt, %add3A_347, %lt3A_348 : i32
      %convert_element_type3A_350 = arith.extui %lt3A_349 : i1 to i32
      %cond3A_351 = arith.constant 0 : i32
      %cond3A_352 = arith.cmpi ne, %convert_element_type3A_350, %cond3A_351 : i32
      scf.if %cond3A_352 {
        %add3A_388 = arith.constant 2 : i32
        %add3A_389 = arith.addi %add3A_335, %add3A_388 : i32
        %dma_start3A_390 = arith.constant 0 : i32
        %dma_start3A_391 = tpu.memref_slice %arg5[%add3A_146, %add3A_389, %dma_start3A_390] : memref<32x180x112xi32, #tpu.memory_space<hbm>> -> memref<1x1x112xi32, #tpu.memory_space<hbm>>
        %dma_start3A_392 = tpu.memref_squeeze %dma_start3A_391 : memref<1x1x112xi32, #tpu.memory_space<hbm>> -> memref<112xi32, #tpu.memory_space<hbm>>
        %dma_start3A_393 = arith.constant 0 : i32
        %dma_start3A_394 = tpu.memref_slice %arg5[%add3A_146, %add3A_389, %dma_start3A_393] : memref<32x180x112xi32, #tpu.memory_space<hbm>> -> memref<1x1x112xi32, #tpu.memory_space<hbm>>
        %dma_start3A_395 = tpu.memref_squeeze %dma_start3A_394 : memref<1x1x112xi32, #tpu.memory_space<hbm>> -> memref<112xi32, #tpu.memory_space<hbm>>
        tpu.enqueue_dma source(%dma_start3A_395 : memref<112xi32, #tpu.memory_space<hbm>>) target(%arg14 : memref<112xi32, #tpu.memory_space<vmem>>) target_semaphore(%arg31 : memref<!tpu.dma_semaphore, #tpu.memory_space<semaphore_mem>>)
        %dma_start3A_396 = arith.constant 0 : i32
        %dma_start3A_397 = tpu.memref_slice %arg3[%arg1, %add3A_389, %dma_start3A_396] : memref<16x180x112xi32, #tpu.memory_space<hbm>> -> memref<1x1x112xi32, #tpu.memory_space<hbm>>
        %dma_start3A_398 = tpu.memref_squeeze %dma_start3A_397 : memref<1x1x112xi32, #tpu.memory_space<hbm>> -> memref<112xi32, #tpu.memory_space<hbm>>
        %dma_start3A_399 = arith.constant 0 : i32
        %dma_start3A_400 = tpu.memref_slice %arg3[%arg1, %add3A_389, %dma_start3A_399] : memref<16x180x112xi32, #tpu.memory_space<hbm>> -> memref<1x1x112xi32, #tpu.memory_space<hbm>>
        %dma_start3A_401 = tpu.memref_squeeze %dma_start3A_400 : memref<1x1x112xi32, #tpu.memory_space<hbm>> -> memref<112xi32, #tpu.memory_space<hbm>>
        tpu.enqueue_dma source(%dma_start3A_401 : memref<112xi32, #tpu.memory_space<hbm>>) target(%arg18 : memref<112xi32, #tpu.memory_space<vmem>>) target_semaphore(%arg31 : memref<!tpu.dma_semaphore, #tpu.memory_space<semaphore_mem>>)
        %dma_start3A_402 = arith.constant 0 : i32
        %dma_start3A_403 = tpu.memref_slice %arg4[%arg1, %add3A_389, %dma_start3A_402] : memref<16x180x112xf32, #tpu.memory_space<hbm>> -> memref<1x1x112xf32, #tpu.memory_space<hbm>>
        %dma_start3A_404 = tpu.memref_squeeze %dma_start3A_403 : memref<1x1x112xf32, #tpu.memory_space<hbm>> -> memref<112xf32, #tpu.memory_space<hbm>>
        %dma_start3A_405 = arith.constant 0 : i32
        %dma_start3A_406 = tpu.memref_slice %arg4[%arg1, %add3A_389, %dma_start3A_405] : memref<16x180x112xf32, #tpu.memory_space<hbm>> -> memref<1x1x112xf32, #tpu.memory_space<hbm>>
        %dma_start3A_407 = tpu.memref_squeeze %dma_start3A_406 : memref<1x1x112xf32, #tpu.memory_space<hbm>> -> memref<112xf32, #tpu.memory_space<hbm>>
        tpu.enqueue_dma source(%dma_start3A_407 : memref<112xf32, #tpu.memory_space<hbm>>) target(%arg22 : memref<112xf32, #tpu.memory_space<vmem>>) target_semaphore(%arg31 : memref<!tpu.dma_semaphore, #tpu.memory_space<semaphore_mem>>)
      } else {
      }
      %scan3A_353 = arith.constant 0 : i32
      %scan3A_354 = arith.constant 112 : i32
      %scan3A_355 = arith.addi %scan3A_353, %scan3A_354 : i32
      %scan3A_356 = arith.constant 1 : i32
      scf.for %scan3A_388 = %scan3A_353 to %scan3A_355 step %scan3A_356  : i32 {
        %mul3A_389 = arith.constant 1 : i32
        %mul3A_390 = arith.muli %scan3A_388, %mul3A_389 : i32
        %add3A_391 = arith.constant 0 : i32
        %add3A_392 = arith.addi %add3A_391, %mul3A_390 : i32
        %broadcast_in_dim3A_393 = vector.broadcast %add3A_392 : i32 to vector<16xi32>
        %gather3A = tpu.vector_load_idx %arg24[%broadcast_in_dim3A_393] : memref<112xf32, #tpu.memory_space<vmem>>[vector<16xi32>], vector<16xf32>,
        %get3A_394 = arith.index_cast %add3A_392 : i32 to index
        %get3A_395 = arith.constant 0 : index
        %get3A_396 = tpu.vector_load %arg12[%get3A_394, %get3A_395] {strides = array<i32>} : memref<112x64xi32, #tpu.memory_space<vmem>>, vector<16xi32>,
        %shift_left3A = arith.constant 16 : i32
        %shift_left3A_397 = vector.broadcast %shift_left3A : i32 to vector<16xi32>
        %shift_left3A_398 = arith.shli %get3A_396, %shift_left3A_397 : vector<16xi32>
        %bitcast3A = vector.bitcast %shift_left3A_398 : vector<16xi32> to vector<16xf32>
        %mul3A_399 = arith.mulf %bitcast3A, %gather3A : vector<16xf32>
        %and3A = arith.andi %get3A_396, %broadcast_in_dim3A_4 : vector<16xi32>
        %bitcast3A_400 = vector.bitcast %and3A : vector<16xi32> to vector<16xf32>
        %mul3A_401 = arith.mulf %bitcast3A_400, %gather3A : vector<16xf32>
        %add3A_402 = arith.constant 0 : i32
        %add3A_403 = vector.broadcast %add3A_402 : i32 to vector<16xi32>
        %add3A_404 = arith.addi %mul3A_3, %add3A_403 : vector<16xi32>
        tpu.vector_store_idx %arg10[%broadcast_in_dim3A_393, %add3A_404], %mul3A_399 : memref<112x128xf32, #tpu.memory_space<vmem>>[vector<16xi32>, vector<16xi32>], vector<16xf32>,
        %add3A_405 = arith.constant 1 : i32
        %add3A_406 = vector.broadcast %add3A_405 : i32 to vector<16xi32>
        %add3A_407 = arith.addi %add3A_404, %add3A_406 : vector<16xi32>
        tpu.vector_store_idx %arg10[%broadcast_in_dim3A_393, %add3A_407], %mul3A_401 : memref<112x128xf32, #tpu.memory_space<vmem>>[vector<16xi32>, vector<16xi32>], vector<16xf32>,
        %get3A_408 = arith.index_cast %add3A_392 : i32 to index
        %get3A_409 = arith.constant 16 : index
        %get3A_410 = tpu.vector_load %arg12[%get3A_408, %get3A_409] {strides = array<i32>} : memref<112x64xi32, #tpu.memory_space<vmem>>, vector<16xi32>,
        %shift_left3A_411 = arith.constant 16 : i32
        %shift_left3A_412 = vector.broadcast %shift_left3A_411 : i32 to vector<16xi32>
        %shift_left3A_413 = arith.shli %get3A_410, %shift_left3A_412 : vector<16xi32>
        %bitcast3A_414 = vector.bitcast %shift_left3A_413 : vector<16xi32> to vector<16xf32>
        %mul3A_415 = arith.mulf %bitcast3A_414, %gather3A : vector<16xf32>
        %and3A_416 = arith.andi %get3A_410, %broadcast_in_dim3A_4 : vector<16xi32>
        %bitcast3A_417 = vector.bitcast %and3A_416 : vector<16xi32> to vector<16xf32>
        %mul3A_418 = arith.mulf %bitcast3A_417, %gather3A : vector<16xf32>
        %add3A_419 = arith.constant 32 : i32
        %add3A_420 = vector.broadcast %add3A_419 : i32 to vector<16xi32>
        %add3A_421 = arith.addi %mul3A_3, %add3A_420 : vector<16xi32>
        tpu.vector_store_idx %arg10[%broadcast_in_dim3A_393, %add3A_421], %mul3A_415 : memref<112x128xf32, #tpu.memory_space<vmem>>[vector<16xi32>, vector<16xi32>], vector<16xf32>,
        %add3A_422 = arith.constant 1 : i32
        %add3A_423 = vector.broadcast %add3A_422 : i32 to vector<16xi32>
        %add3A_424 = arith.addi %add3A_421, %add3A_423 : vector<16xi32>
        tpu.vector_store_idx %arg10[%broadcast_in_dim3A_393, %add3A_424], %mul3A_418 : memref<112x128xf32, #tpu.memory_space<vmem>>[vector<16xi32>, vector<16xi32>], vector<16xf32>,
        %get3A_425 = arith.index_cast %add3A_392 : i32 to index
        %get3A_426 = arith.constant 32 : index
        %get3A_427 = tpu.vector_load %arg12[%get3A_425, %get3A_426] {strides = array<i32>} : memref<112x64xi32, #tpu.memory_space<vmem>>, vector<16xi32>,
        %shift_left3A_428 = arith.constant 16 : i32
        %shift_left3A_429 = vector.broadcast %shift_left3A_428 : i32 to vector<16xi32>
        %shift_left3A_430 = arith.shli %get3A_427, %shift_left3A_429 : vector<16xi32>
        %bitcast3A_431 = vector.bitcast %shift_left3A_430 : vector<16xi32> to vector<16xf32>
        %mul3A_432 = arith.mulf %bitcast3A_431, %gather3A : vector<16xf32>
        %and3A_433 = arith.andi %get3A_427, %broadcast_in_dim3A_4 : vector<16xi32>
        %bitcast3A_434 = vector.bitcast %and3A_433 : vector<16xi32> to vector<16xf32>
        %mul3A_435 = arith.mulf %bitcast3A_434, %gather3A : vector<16xf32>
        %add3A_436 = arith.constant 64 : i32
        %add3A_437 = vector.broadcast %add3A_436 : i32 to vector<16xi32>
        %add3A_438 = arith.addi %mul3A_3, %add3A_437 : vector<16xi32>
        tpu.vector_store_idx %arg10[%broadcast_in_dim3A_393, %add3A_438], %mul3A_432 : memref<112x128xf32, #tpu.memory_space<vmem>>[vector<16xi32>, vector<16xi32>], vector<16xf32>,
        %add3A_439 = arith.constant 1 : i32
        %add3A_440 = vector.broadcast %add3A_439 : i32 to vector<16xi32>
        %add3A_441 = arith.addi %add3A_438, %add3A_440 : vector<16xi32>
        tpu.vector_store_idx %arg10[%broadcast_in_dim3A_393, %add3A_441], %mul3A_435 : memref<112x128xf32, #tpu.memory_space<vmem>>[vector<16xi32>, vector<16xi32>], vector<16xf32>,
        %get3A_442 = arith.index_cast %add3A_392 : i32 to index
        %get3A_443 = arith.constant 48 : index
        %get3A_444 = tpu.vector_load %arg12[%get3A_442, %get3A_443] {strides = array<i32>} : memref<112x64xi32, #tpu.memory_space<vmem>>, vector<16xi32>,
        %shift_left3A_445 = arith.constant 16 : i32
        %shift_left3A_446 = vector.broadcast %shift_left3A_445 : i32 to vector<16xi32>
        %shift_left3A_447 = arith.shli %get3A_444, %shift_left3A_446 : vector<16xi32>
        %bitcast3A_448 = vector.bitcast %shift_left3A_447 : vector<16xi32> to vector<16xf32>
        %mul3A_449 = arith.mulf %bitcast3A_448, %gather3A : vector<16xf32>
        %and3A_450 = arith.andi %get3A_444, %broadcast_in_dim3A_4 : vector<16xi32>
        %bitcast3A_451 = vector.bitcast %and3A_450 : vector<16xi32> to vector<16xf32>
        %mul3A_452 = arith.mulf %bitcast3A_451, %gather3A : vector<16xf32>
        %add3A_453 = arith.constant 96 : i32
        %add3A_454 = vector.broadcast %add3A_453 : i32 to vector<16xi32>
        %add3A_455 = arith.addi %mul3A_3, %add3A_454 : vector<16xi32>
        tpu.vector_store_idx %arg10[%broadcast_in_dim3A_393, %add3A_455], %mul3A_449 : memref<112x128xf32, #tpu.memory_space<vmem>>[vector<16xi32>, vector<16xi32>], vector<16xf32>,
        %add3A_456 = arith.constant 1 : i32
        %add3A_457 = vector.broadcast %add3A_456 : i32 to vector<16xi32>
        %add3A_458 = arith.addi %add3A_455, %add3A_457 : vector<16xi32>
        tpu.vector_store_idx %arg10[%broadcast_in_dim3A_393, %add3A_458], %mul3A_452 : memref<112x128xf32, #tpu.memory_space<vmem>>[vector<16xi32>, vector<16xi32>], vector<16xf32>,
      }
      %scan3A_357 = arith.constant 112 : i32
      %dma_start3A_358 = arith.constant 0 : i32
      %dma_start3A_359 = arith.constant 0 : i32
      %dma_start3A_360 = tpu.memref_slice %arg26[%dma_start3A_358, %dma_start3A_359] : memref<10000x128xf32, #tpu.memory_space<vmem_shared>> -> memref<10000x128xf32, #tpu.memory_space<vmem_shared>>
      tpu.enqueue_indirect_dma source(%arg10 : memref<112x128xf32, #tpu.memory_space<vmem>>) target(%dma_start3A_360 : memref<10000x128xf32, #tpu.memory_space<vmem_shared>>) offsets(%arg20 : memref<112xi32, #tpu.memory_space<vmem>>) semaphore(%arg29 : memref<!tpu.dma_semaphore, #tpu.memory_space<semaphore_mem>>) {add = true}
      %add3A_361 = arith.constant 3 : i32
      %add3A_362 = arith.addi %add3A_280, %add3A_361 : i32
      %dma_wait3A_363 = arith.constant 0 : i32
      %dma_wait3A_364 = arith.constant 0 : i32
      %dma_wait3A_365 = tpu.memref_slice %arg6[%dma_wait3A_363, %dma_wait3A_364] : memref<20000x64xi32, #tpu.memory_space<hbm>> -> memref<20000x64xi32, #tpu.memory_space<hbm>>
      tpu.wait_indirect_dma semaphore(%arg28 : memref<!tpu.dma_semaphore, #tpu.memory_space<semaphore_mem>>) src(%dma_wait3A_365 : memref<20000x64xi32, #tpu.memory_space<hbm>>) dst(%arg13 : memref<112x64xi32, #tpu.memory_space<vmem>>)
      %add3A_366 = arith.constant 1 : i32
      %add3A_367 = arith.addi %add3A_362, %add3A_366 : i32
      %lt3A_368 = arith.constant 180 : i32
      %lt3A_369 = arith.cmpi slt, %add3A_367, %lt3A_368 : i32
      %convert_element_type3A_370 = arith.extui %lt3A_369 : i1 to i32
      %cond3A_371 = arith.constant 0 : i32
      %cond3A_372 = arith.cmpi ne, %convert_element_type3A_370, %cond3A_371 : i32
      scf.if %cond3A_372 {
        %gt3A = arith.constant 0 : i32
        %gt3A_388 = arith.cmpi sgt, %add3A_362, %gt3A : i32
        %convert_element_type3A_389 = arith.extui %gt3A_388 : i1 to i32
        %cond3A_390 = arith.constant 0 : i32
        %cond3A_391 = arith.cmpi ne, %convert_element_type3A_389, %cond3A_390 : i32
        scf.if %cond3A_391 {
          %dma_wait3A_458 = arith.constant 0 : i32
          %dma_wait3A_459 = arith.constant 0 : i32
          %dma_wait3A_460 = tpu.memref_slice %arg26[%dma_wait3A_458, %dma_wait3A_459] : memref<10000x128xf32, #tpu.memory_space<vmem_shared>> -> memref<10000x128xf32, #tpu.memory_space<vmem_shared>>
          tpu.wait_indirect_dma semaphore(%arg29 : memref<!tpu.dma_semaphore, #tpu.memory_space<semaphore_mem>>) src(%arg10 : memref<112x128xf32, #tpu.memory_space<vmem>>) dst(%dma_wait3A_460 : memref<10000x128xf32, #tpu.memory_space<vmem_shared>>)
        } else {
        }
        %dma_wait3A_392 = arith.constant 0 : i32
        %dma_wait3A_393 = arith.constant 0 : i32
        %dma_wait3A_394 = tpu.memref_slice %arg5[%add3A_146, %dma_wait3A_392, %dma_wait3A_393] : memref<32x180x112xi32, #tpu.memory_space<hbm>> -> memref<1x1x112xi32, #tpu.memory_space<hbm>>
        %dma_wait3A_395 = tpu.memref_squeeze %dma_wait3A_394 : memref<1x1x112xi32, #tpu.memory_space<hbm>> -> memref<112xi32, #tpu.memory_space<hbm>>
        %dma_wait3A_396 = arith.constant 0 : i32
        %dma_wait3A_397 = tpu.memref_slice %arg5[%add3A_146, %dma_wait3A_392, %dma_wait3A_396] : memref<32x180x112xi32, #tpu.memory_space<hbm>> -> memref<1x1x112xi32, #tpu.memory_space<hbm>>
        %dma_wait3A_398 = tpu.memref_squeeze %dma_wait3A_397 : memref<1x1x112xi32, #tpu.memory_space<hbm>> -> memref<112xi32, #tpu.memory_space<hbm>>
        tpu.wait_dma2 semaphore(%arg31 : memref<!tpu.dma_semaphore, #tpu.memory_space<semaphore_mem>>) src(%dma_wait3A_398 : memref<112xi32, #tpu.memory_space<hbm>>) dst(%arg14 : memref<112xi32, #tpu.memory_space<vmem>>)
        %dma_wait3A_399 = arith.constant 0 : i32
        %dma_wait3A_400 = arith.constant 0 : i32
        %dma_wait3A_401 = tpu.memref_slice %arg3[%arg1, %dma_wait3A_399, %dma_wait3A_400] : memref<16x180x112xi32, #tpu.memory_space<hbm>> -> memref<1x1x112xi32, #tpu.memory_space<hbm>>
        %dma_wait3A_402 = tpu.memref_squeeze %dma_wait3A_401 : memref<1x1x112xi32, #tpu.memory_space<hbm>> -> memref<112xi32, #tpu.memory_space<hbm>>
        %dma_wait3A_403 = arith.constant 0 : i32
        %dma_wait3A_404 = tpu.memref_slice %arg3[%arg1, %dma_wait3A_399, %dma_wait3A_403] : memref<16x180x112xi32, #tpu.memory_space<hbm>> -> memref<1x1x112xi32, #tpu.memory_space<hbm>>
        %dma_wait3A_405 = tpu.memref_squeeze %dma_wait3A_404 : memref<1x1x112xi32, #tpu.memory_space<hbm>> -> memref<112xi32, #tpu.memory_space<hbm>>
        tpu.wait_dma2 semaphore(%arg31 : memref<!tpu.dma_semaphore, #tpu.memory_space<semaphore_mem>>) src(%dma_wait3A_405 : memref<112xi32, #tpu.memory_space<hbm>>) dst(%arg18 : memref<112xi32, #tpu.memory_space<vmem>>)
        %dma_wait3A_406 = arith.constant 0 : i32
        %dma_wait3A_407 = arith.constant 0 : i32
        %dma_wait3A_408 = tpu.memref_slice %arg4[%arg1, %dma_wait3A_406, %dma_wait3A_407] : memref<16x180x112xf32, #tpu.memory_space<hbm>> -> memref<1x1x112xf32, #tpu.memory_space<hbm>>
        %dma_wait3A_409 = tpu.memref_squeeze %dma_wait3A_408 : memref<1x1x112xf32, #tpu.memory_space<hbm>> -> memref<112xf32, #tpu.memory_space<hbm>>
        %dma_wait3A_410 = arith.constant 0 : i32
        %dma_wait3A_411 = tpu.memref_slice %arg4[%arg1, %dma_wait3A_406, %dma_wait3A_410] : memref<16x180x112xf32, #tpu.memory_space<hbm>> -> memref<1x1x112xf32, #tpu.memory_space<hbm>>
        %dma_wait3A_412 = tpu.memref_squeeze %dma_wait3A_411 : memref<1x1x112xf32, #tpu.memory_space<hbm>> -> memref<112xf32, #tpu.memory_space<hbm>>
        tpu.wait_dma2 semaphore(%arg31 : memref<!tpu.dma_semaphore, #tpu.memory_space<semaphore_mem>>) src(%dma_wait3A_412 : memref<112xf32, #tpu.memory_space<hbm>>) dst(%arg22 : memref<112xf32, #tpu.memory_space<vmem>>)
        %get3A_413 = arith.constant 0 : index
        %get3A_414 = tpu.vector_load %arg14[%get3A_413] {strides = array<i32>} : memref<112xi32, #tpu.memory_space<vmem>>, vector<16xi32>,
        %add3A_415 = vector.broadcast %mul3A_0 : i32 to vector<16xi32>
        %add3A_416 = arith.addi %get3A_414, %add3A_415 : vector<16xi32>
        %swap3A_417 = arith.constant 0 : index
        %swap3A_418 = tpu.vector_load %arg14[%swap3A_417] {strides = array<i32>} : memref<112xi32, #tpu.memory_space<vmem>>, vector<16xi32>,
        tpu.vector_store %arg14[%swap3A_417], %add3A_416 {strides = array<i32>} : memref<112xi32, #tpu.memory_space<vmem>>, vector<16xi32>,
        %get3A_419 = arith.constant 16 : index
        %get3A_420 = tpu.vector_load %arg14[%get3A_419] {strides = array<i32>} : memref<112xi32, #tpu.memory_space<vmem>>, vector<16xi32>,
        %add3A_421 = vector.broadcast %mul3A_0 : i32 to vector<16xi32>
        %add3A_422 = arith.addi %get3A_420, %add3A_421 : vector<16xi32>
        %swap3A_423 = arith.constant 16 : index
        %swap3A_424 = tpu.vector_load %arg14[%swap3A_423] {strides = array<i32>} : memref<112xi32, #tpu.memory_space<vmem>>, vector<16xi32>,
        tpu.vector_store %arg14[%swap3A_423], %add3A_422 {strides = array<i32>} : memref<112xi32, #tpu.memory_space<vmem>>, vector<16xi32>,
        %get3A_425 = arith.constant 32 : index
        %get3A_426 = tpu.vector_load %arg14[%get3A_425] {strides = array<i32>} : memref<112xi32, #tpu.memory_space<vmem>>, vector<16xi32>,
        %add3A_427 = vector.broadcast %mul3A_0 : i32 to vector<16xi32>
        %add3A_428 = arith.addi %get3A_426, %add3A_427 : vector<16xi32>
        %swap3A_429 = arith.constant 32 : index
        %swap3A_430 = tpu.vector_load %arg14[%swap3A_429] {strides = array<i32>} : memref<112xi32, #tpu.memory_space<vmem>>, vector<16xi32>,
        tpu.vector_store %arg14[%swap3A_429], %add3A_428 {strides = array<i32>} : memref<112xi32, #tpu.memory_space<vmem>>, vector<16xi32>,
        %get3A_431 = arith.constant 48 : index
        %get3A_432 = tpu.vector_load %arg14[%get3A_431] {strides = array<i32>} : memref<112xi32, #tpu.memory_space<vmem>>, vector<16xi32>,
        %add3A_433 = vector.broadcast %mul3A_0 : i32 to vector<16xi32>
        %add3A_434 = arith.addi %get3A_432, %add3A_433 : vector<16xi32>
        %swap3A_435 = arith.constant 48 : index
        %swap3A_436 = tpu.vector_load %arg14[%swap3A_435] {strides = array<i32>} : memref<112xi32, #tpu.memory_space<vmem>>, vector<16xi32>,
        tpu.vector_store %arg14[%swap3A_435], %add3A_434 {strides = array<i32>} : memref<112xi32, #tpu.memory_space<vmem>>, vector<16xi32>,
        %get3A_437 = arith.constant 64 : index
        %get3A_438 = tpu.vector_load %arg14[%get3A_437] {strides = array<i32>} : memref<112xi32, #tpu.memory_space<vmem>>, vector<16xi32>,
        %add3A_439 = vector.broadcast %mul3A_0 : i32 to vector<16xi32>
        %add3A_440 = arith.addi %get3A_438, %add3A_439 : vector<16xi32>
        %swap3A_441 = arith.constant 64 : index
        %swap3A_442 = tpu.vector_load %arg14[%swap3A_441] {strides = array<i32>} : memref<112xi32, #tpu.memory_space<vmem>>, vector<16xi32>,
        tpu.vector_store %arg14[%swap3A_441], %add3A_440 {strides = array<i32>} : memref<112xi32, #tpu.memory_space<vmem>>, vector<16xi32>,
        %get3A_443 = arith.constant 80 : index
        %get3A_444 = tpu.vector_load %arg14[%get3A_443] {strides = array<i32>} : memref<112xi32, #tpu.memory_space<vmem>>, vector<16xi32>,
        %add3A_445 = vector.broadcast %mul3A_0 : i32 to vector<16xi32>
        %add3A_446 = arith.addi %get3A_444, %add3A_445 : vector<16xi32>
        %swap3A_447 = arith.constant 80 : index
        %swap3A_448 = tpu.vector_load %arg14[%swap3A_447] {strides = array<i32>} : memref<112xi32, #tpu.memory_space<vmem>>, vector<16xi32>,
        tpu.vector_store %arg14[%swap3A_447], %add3A_446 {strides = array<i32>} : memref<112xi32, #tpu.memory_space<vmem>>, vector<16xi32>,
        %get3A_449 = arith.constant 96 : index
        %get3A_450 = tpu.vector_load %arg14[%get3A_449] {strides = array<i32>} : memref<112xi32, #tpu.memory_space<vmem>>, vector<16xi32>,
        %add3A_451 = vector.broadcast %mul3A_0 : i32 to vector<16xi32>
        %add3A_452 = arith.addi %get3A_450, %add3A_451 : vector<16xi32>
        %swap3A_453 = arith.constant 96 : index
        %swap3A_454 = tpu.vector_load %arg14[%swap3A_453] {strides = array<i32>} : memref<112xi32, #tpu.memory_space<vmem>>, vector<16xi32>,
        tpu.vector_store %arg14[%swap3A_453], %add3A_452 {strides = array<i32>} : memref<112xi32, #tpu.memory_space<vmem>>, vector<16xi32>,
        %dma_start3A_455 = arith.constant 0 : i32
        %dma_start3A_456 = arith.constant 0 : i32
        %dma_start3A_457 = tpu.memref_slice %arg6[%dma_start3A_455, %dma_start3A_456] : memref<20000x64xi32, #tpu.memory_space<hbm>> -> memref<20000x64xi32, #tpu.memory_space<hbm>>
        tpu.enqueue_indirect_dma source(%dma_start3A_457 : memref<20000x64xi32, #tpu.memory_space<hbm>>) target(%arg12 : memref<112x64xi32, #tpu.memory_space<vmem>>) offsets(%arg14 : memref<112xi32, #tpu.memory_space<vmem>>) semaphore(%arg27 : memref<!tpu.dma_semaphore, #tpu.memory_space<semaphore_mem>>)
      } else {
      }
      %add3A_373 = arith.constant 2 : i32
      %add3A_374 = arith.addi %add3A_362, %add3A_373 : i32
      %lt3A_375 = arith.constant 180 : i32
      %lt3A_376 = arith.cmpi slt, %add3A_374, %lt3A_375 : i32
      %convert_element_type3A_377 = arith.extui %lt3A_376 : i1 to i32
      %cond3A_378 = arith.constant 0 : i32
      %cond3A_379 = arith.cmpi ne, %convert_element_type3A_377, %cond3A_378 : i32
      scf.if %cond3A_379 {
        %add3A_388 = arith.constant 2 : i32
        %add3A_389 = arith.addi %add3A_362, %add3A_388 : i32
        %dma_start3A_390 = arith.constant 0 : i32
        %dma_start3A_391 = tpu.memref_slice %arg5[%add3A_146, %add3A_389, %dma_start3A_390] : memref<32x180x112xi32, #tpu.memory_space<hbm>> -> memref<1x1x112xi32, #tpu.memory_space<hbm>>
        %dma_start3A_392 = tpu.memref_squeeze %dma_start3A_391 : memref<1x1x112xi32, #tpu.memory_space<hbm>> -> memref<112xi32, #tpu.memory_space<hbm>>
        %dma_start3A_393 = arith.constant 0 : i32
        %dma_start3A_394 = tpu.memref_slice %arg5[%add3A_146, %add3A_389, %dma_start3A_393] : memref<32x180x112xi32, #tpu.memory_space<hbm>> -> memref<1x1x112xi32, #tpu.memory_space<hbm>>
        %dma_start3A_395 = tpu.memref_squeeze %dma_start3A_394 : memref<1x1x112xi32, #tpu.memory_space<hbm>> -> memref<112xi32, #tpu.memory_space<hbm>>
        tpu.enqueue_dma source(%dma_start3A_395 : memref<112xi32, #tpu.memory_space<hbm>>) target(%arg15 : memref<112xi32, #tpu.memory_space<vmem>>) target_semaphore(%arg32 : memref<!tpu.dma_semaphore, #tpu.memory_space<semaphore_mem>>)
        %dma_start3A_396 = arith.constant 0 : i32
        %dma_start3A_397 = tpu.memref_slice %arg3[%arg1, %add3A_389, %dma_start3A_396] : memref<16x180x112xi32, #tpu.memory_space<hbm>> -> memref<1x1x112xi32, #tpu.memory_space<hbm>>
        %dma_start3A_398 = tpu.memref_squeeze %dma_start3A_397 : memref<1x1x112xi32, #tpu.memory_space<hbm>> -> memref<112xi32, #tpu.memory_space<hbm>>
        %dma_start3A_399 = arith.constant 0 : i32
        %dma_start3A_400 = tpu.memref_slice %arg3[%arg1, %add3A_389, %dma_start3A_399] : memref<16x180x112xi32, #tpu.memory_space<hbm>> -> memref<1x1x112xi32, #tpu.memory_space<hbm>>
        %dma_start3A_401 = tpu.memref_squeeze %dma_start3A_400 : memref<1x1x112xi32, #tpu.memory_space<hbm>> -> memref<112xi32, #tpu.memory_space<hbm>>
        tpu.enqueue_dma source(%dma_start3A_401 : memref<112xi32, #tpu.memory_space<hbm>>) target(%arg19 : memref<112xi32, #tpu.memory_space<vmem>>) target_semaphore(%arg32 : memref<!tpu.dma_semaphore, #tpu.memory_space<semaphore_mem>>)
        %dma_start3A_402 = arith.constant 0 : i32
        %dma_start3A_403 = tpu.memref_slice %arg4[%arg1, %add3A_389, %dma_start3A_402] : memref<16x180x112xf32, #tpu.memory_space<hbm>> -> memref<1x1x112xf32, #tpu.memory_space<hbm>>
        %dma_start3A_404 = tpu.memref_squeeze %dma_start3A_403 : memref<1x1x112xf32, #tpu.memory_space<hbm>> -> memref<112xf32, #tpu.memory_space<hbm>>
        %dma_start3A_405 = arith.constant 0 : i32
        %dma_start3A_406 = tpu.memref_slice %arg4[%arg1, %add3A_389, %dma_start3A_405] : memref<16x180x112xf32, #tpu.memory_space<hbm>> -> memref<1x1x112xf32, #tpu.memory_space<hbm>>
        %dma_start3A_407 = tpu.memref_squeeze %dma_start3A_406 : memref<1x1x112xf32, #tpu.memory_space<hbm>> -> memref<112xf32, #tpu.memory_space<hbm>>
        tpu.enqueue_dma source(%dma_start3A_407 : memref<112xf32, #tpu.memory_space<hbm>>) target(%arg23 : memref<112xf32, #tpu.memory_space<vmem>>) target_semaphore(%arg32 : memref<!tpu.dma_semaphore, #tpu.memory_space<semaphore_mem>>)
      } else {
      }
      %scan3A_380 = arith.constant 0 : i32
      %scan3A_381 = arith.constant 112 : i32
      %scan3A_382 = arith.addi %scan3A_380, %scan3A_381 : i32
      %scan3A_383 = arith.constant 1 : i32
      scf.for %scan3A_388 = %scan3A_380 to %scan3A_382 step %scan3A_383  : i32 {
        %mul3A_389 = arith.constant 1 : i32
        %mul3A_390 = arith.muli %scan3A_388, %mul3A_389 : i32
        %add3A_391 = arith.constant 0 : i32
        %add3A_392 = arith.addi %add3A_391, %mul3A_390 : i32
        %broadcast_in_dim3A_393 = vector.broadcast %add3A_392 : i32 to vector<16xi32>
        %gather3A = tpu.vector_load_idx %arg25[%broadcast_in_dim3A_393] : memref<112xf32, #tpu.memory_space<vmem>>[vector<16xi32>], vector<16xf32>,
        %get3A_394 = arith.index_cast %add3A_392 : i32 to index
        %get3A_395 = arith.constant 0 : index
        %get3A_396 = tpu.vector_load %arg13[%get3A_394, %get3A_395] {strides = array<i32>} : memref<112x64xi32, #tpu.memory_space<vmem>>, vector<16xi32>,
        %shift_left3A = arith.constant 16 : i32
        %shift_left3A_397 = vector.broadcast %shift_left3A : i32 to vector<16xi32>
        %shift_left3A_398 = arith.shli %get3A_396, %shift_left3A_397 : vector<16xi32>
        %bitcast3A = vector.bitcast %shift_left3A_398 : vector<16xi32> to vector<16xf32>
        %mul3A_399 = arith.mulf %bitcast3A, %gather3A : vector<16xf32>
        %and3A = arith.andi %get3A_396, %broadcast_in_dim3A_4 : vector<16xi32>
        %bitcast3A_400 = vector.bitcast %and3A : vector<16xi32> to vector<16xf32>
        %mul3A_401 = arith.mulf %bitcast3A_400, %gather3A : vector<16xf32>
        %add3A_402 = arith.constant 0 : i32
        %add3A_403 = vector.broadcast %add3A_402 : i32 to vector<16xi32>
        %add3A_404 = arith.addi %mul3A_3, %add3A_403 : vector<16xi32>
        tpu.vector_store_idx %arg11[%broadcast_in_dim3A_393, %add3A_404], %mul3A_399 : memref<112x128xf32, #tpu.memory_space<vmem>>[vector<16xi32>, vector<16xi32>], vector<16xf32>,
        %add3A_405 = arith.constant 1 : i32
        %add3A_406 = vector.broadcast %add3A_405 : i32 to vector<16xi32>
        %add3A_407 = arith.addi %add3A_404, %add3A_406 : vector<16xi32>
        tpu.vector_store_idx %arg11[%broadcast_in_dim3A_393, %add3A_407], %mul3A_401 : memref<112x128xf32, #tpu.memory_space<vmem>>[vector<16xi32>, vector<16xi32>], vector<16xf32>,
        %get3A_408 = arith.index_cast %add3A_392 : i32 to index
        %get3A_409 = arith.constant 16 : index
        %get3A_410 = tpu.vector_load %arg13[%get3A_408, %get3A_409] {strides = array<i32>} : memref<112x64xi32, #tpu.memory_space<vmem>>, vector<16xi32>,
        %shift_left3A_411 = arith.constant 16 : i32
        %shift_left3A_412 = vector.broadcast %shift_left3A_411 : i32 to vector<16xi32>
        %shift_left3A_413 = arith.shli %get3A_410, %shift_left3A_412 : vector<16xi32>
        %bitcast3A_414 = vector.bitcast %shift_left3A_413 : vector<16xi32> to vector<16xf32>
        %mul3A_415 = arith.mulf %bitcast3A_414, %gather3A : vector<16xf32>
        %and3A_416 = arith.andi %get3A_410, %broadcast_in_dim3A_4 : vector<16xi32>
        %bitcast3A_417 = vector.bitcast %and3A_416 : vector<16xi32> to vector<16xf32>
        %mul3A_418 = arith.mulf %bitcast3A_417, %gather3A : vector<16xf32>
        %add3A_419 = arith.constant 32 : i32
        %add3A_420 = vector.broadcast %add3A_419 : i32 to vector<16xi32>
        %add3A_421 = arith.addi %mul3A_3, %add3A_420 : vector<16xi32>
        tpu.vector_store_idx %arg11[%broadcast_in_dim3A_393, %add3A_421], %mul3A_415 : memref<112x128xf32, #tpu.memory_space<vmem>>[vector<16xi32>, vector<16xi32>], vector<16xf32>,
        %add3A_422 = arith.constant 1 : i32
        %add3A_423 = vector.broadcast %add3A_422 : i32 to vector<16xi32>
        %add3A_424 = arith.addi %add3A_421, %add3A_423 : vector<16xi32>
        tpu.vector_store_idx %arg11[%broadcast_in_dim3A_393, %add3A_424], %mul3A_418 : memref<112x128xf32, #tpu.memory_space<vmem>>[vector<16xi32>, vector<16xi32>], vector<16xf32>,
        %get3A_425 = arith.index_cast %add3A_392 : i32 to index
        %get3A_426 = arith.constant 32 : index
        %get3A_427 = tpu.vector_load %arg13[%get3A_425, %get3A_426] {strides = array<i32>} : memref<112x64xi32, #tpu.memory_space<vmem>>, vector<16xi32>,
        %shift_left3A_428 = arith.constant 16 : i32
        %shift_left3A_429 = vector.broadcast %shift_left3A_428 : i32 to vector<16xi32>
        %shift_left3A_430 = arith.shli %get3A_427, %shift_left3A_429 : vector<16xi32>
        %bitcast3A_431 = vector.bitcast %shift_left3A_430 : vector<16xi32> to vector<16xf32>
        %mul3A_432 = arith.mulf %bitcast3A_431, %gather3A : vector<16xf32>
        %and3A_433 = arith.andi %get3A_427, %broadcast_in_dim3A_4 : vector<16xi32>
        %bitcast3A_434 = vector.bitcast %and3A_433 : vector<16xi32> to vector<16xf32>
        %mul3A_435 = arith.mulf %bitcast3A_434, %gather3A : vector<16xf32>
        %add3A_436 = arith.constant 64 : i32
        %add3A_437 = vector.broadcast %add3A_436 : i32 to vector<16xi32>
        %add3A_438 = arith.addi %mul3A_3, %add3A_437 : vector<16xi32>
        tpu.vector_store_idx %arg11[%broadcast_in_dim3A_393, %add3A_438], %mul3A_432 : memref<112x128xf32, #tpu.memory_space<vmem>>[vector<16xi32>, vector<16xi32>], vector<16xf32>,
        %add3A_439 = arith.constant 1 : i32
        %add3A_440 = vector.broadcast %add3A_439 : i32 to vector<16xi32>
        %add3A_441 = arith.addi %add3A_438, %add3A_440 : vector<16xi32>
        tpu.vector_store_idx %arg11[%broadcast_in_dim3A_393, %add3A_441], %mul3A_435 : memref<112x128xf32, #tpu.memory_space<vmem>>[vector<16xi32>, vector<16xi32>], vector<16xf32>,
        %get3A_442 = arith.index_cast %add3A_392 : i32 to index
        %get3A_443 = arith.constant 48 : index
        %get3A_444 = tpu.vector_load %arg13[%get3A_442, %get3A_443] {strides = array<i32>} : memref<112x64xi32, #tpu.memory_space<vmem>>, vector<16xi32>,
        %shift_left3A_445 = arith.constant 16 : i32
        %shift_left3A_446 = vector.broadcast %shift_left3A_445 : i32 to vector<16xi32>
        %shift_left3A_447 = arith.shli %get3A_444, %shift_left3A_446 : vector<16xi32>
        %bitcast3A_448 = vector.bitcast %shift_left3A_447 : vector<16xi32> to vector<16xf32>
        %mul3A_449 = arith.mulf %bitcast3A_448, %gather3A : vector<16xf32>
        %and3A_450 = arith.andi %get3A_444, %broadcast_in_dim3A_4 : vector<16xi32>
        %bitcast3A_451 = vector.bitcast %and3A_450 : vector<16xi32> to vector<16xf32>
        %mul3A_452 = arith.mulf %bitcast3A_451, %gather3A : vector<16xf32>
        %add3A_453 = arith.constant 96 : i32
        %add3A_454 = vector.broadcast %add3A_453 : i32 to vector<16xi32>
        %add3A_455 = arith.addi %mul3A_3, %add3A_454 : vector<16xi32>
        tpu.vector_store_idx %arg11[%broadcast_in_dim3A_393, %add3A_455], %mul3A_449 : memref<112x128xf32, #tpu.memory_space<vmem>>[vector<16xi32>, vector<16xi32>], vector<16xf32>,
        %add3A_456 = arith.constant 1 : i32
        %add3A_457 = vector.broadcast %add3A_456 : i32 to vector<16xi32>
        %add3A_458 = arith.addi %add3A_455, %add3A_457 : vector<16xi32>
        tpu.vector_store_idx %arg11[%broadcast_in_dim3A_393, %add3A_458], %mul3A_452 : memref<112x128xf32, #tpu.memory_space<vmem>>[vector<16xi32>, vector<16xi32>], vector<16xf32>,
      }
      %scan3A_384 = arith.constant 112 : i32
      %dma_start3A_385 = arith.constant 0 : i32
      %dma_start3A_386 = arith.constant 0 : i32
      %dma_start3A_387 = tpu.memref_slice %arg26[%dma_start3A_385, %dma_start3A_386] : memref<10000x128xf32, #tpu.memory_space<vmem_shared>> -> memref<10000x128xf32, #tpu.memory_space<vmem_shared>>
      tpu.enqueue_indirect_dma source(%arg11 : memref<112x128xf32, #tpu.memory_space<vmem>>) target(%dma_start3A_387 : memref<10000x128xf32, #tpu.memory_space<vmem_shared>>) offsets(%arg21 : memref<112xi32, #tpu.memory_space<vmem>>) semaphore(%arg30 : memref<!tpu.dma_semaphore, #tpu.memory_space<semaphore_mem>>) {add = true}
    }
    %scan3A_259 = arith.constant 45 : i32
    %dma_wait3A_260 = arith.constant 0 : i32
    %dma_wait3A_261 = arith.constant 0 : i32
    %dma_wait3A_262 = tpu.memref_slice %arg26[%dma_wait3A_260, %dma_wait3A_261] : memref<10000x128xf32, #tpu.memory_space<vmem_shared>> -> memref<10000x128xf32, #tpu.memory_space<vmem_shared>>
    tpu.wait_indirect_dma semaphore(%arg30 : memref<!tpu.dma_semaphore, #tpu.memory_space<semaphore_mem>>) src(%arg11 : memref<112x128xf32, #tpu.memory_space<vmem>>) dst(%dma_wait3A_262 : memref<10000x128xf32, #tpu.memory_space<vmem_shared>>)
    %barrier3A_263 = arith.constant 0 : index
    tpu.barrier barrier_id(%barrier3A_263)
    %mul3A_264 = arith.constant 624 : i32
    %mul3A_265 = arith.muli %arg1, %mul3A_264 : i32
    %mul3A_266 = arith.constant 10000 : i32
    %mul3A_267 = arith.muli %arg0, %mul3A_266 : i32
    %mul3A_268 = arith.constant 624 : i32
    %mul3A_269 = arith.muli %arg1, %mul3A_268 : i32
    %add3A_270 = arith.addi %mul3A_267, %mul3A_269 : i32
    "tpu.region"() ({
      %run_scoped3A = tpu.sem_alloc : memref<!tpu.dma_semaphore, #tpu.memory_space<semaphore_mem>>
      %dma_start3A_276 = arith.constant 0 : i32
      %dma_start3A_277 = tpu.memref_slice %arg9[%add3A_270, %dma_start3A_276] : memref<20000x128xf32, #tpu.memory_space<hbm>> -> memref<624x128xf32, #tpu.memory_space<hbm>>
      %dma_start3A_278 = arith.constant 0 : i32
      %dma_start3A_279 = tpu.memref_slice %arg26[%mul3A_265, %dma_start3A_278] : memref<10000x128xf32, #tpu.memory_space<vmem_shared>> -> memref<624x128xf32, #tpu.memory_space<vmem_shared>>
      tpu.enqueue_dma source(%dma_start3A_279 : memref<624x128xf32, #tpu.memory_space<vmem_shared>>) target(%dma_start3A_277 : memref<624x128xf32, #tpu.memory_space<hbm>>) target_semaphore(%run_scoped3A : memref<!tpu.dma_semaphore, #tpu.memory_space<semaphore_mem>>)
      %dma_wait3A_280 = arith.constant 0 : i32
      %dma_wait3A_281 = tpu.memref_slice %arg9[%add3A_270, %dma_wait3A_280] : memref<20000x128xf32, #tpu.memory_space<hbm>> -> memref<624x128xf32, #tpu.memory_space<hbm>>
      %dma_wait3A_282 = arith.constant 0 : i32
      %dma_wait3A_283 = tpu.memref_slice %arg26[%mul3A_265, %dma_wait3A_282] : memref<10000x128xf32, #tpu.memory_space<vmem_shared>> -> memref<624x128xf32, #tpu.memory_space<vmem_shared>>
      tpu.wait_dma2 semaphore(%run_scoped3A : memref<!tpu.dma_semaphore, #tpu.memory_space<semaphore_mem>>) src(%dma_wait3A_283 : memref<624x128xf32, #tpu.memory_space<vmem_shared>>) dst(%dma_wait3A_281 : memref<624x128xf32, #tpu.memory_space<hbm>>)
      tpu.yield
    }) : () -> ()
    %eq3A_271 = arith.constant 15 : i32
    %eq3A_272 = arith.cmpi eq, %arg1, %eq3A_271 : i32
    %convert_element_type3A_273 = arith.extui %eq3A_272 : i1 to i32
    %cond3A_274 = arith.constant 0 : i32
    %cond3A_275 = arith.cmpi ne, %convert_element_type3A_273, %cond3A_274 : i32
    scf.if %cond3A_275 {
      %mul3A_276 = arith.constant 10000 : i32
      %mul3A_277 = arith.muli %arg0, %mul3A_276 : i32
      %add3A_278 = arith.constant 9984 : i32
      %add3A_279 = arith.addi %mul3A_277, %add3A_278 : i32
      "tpu.region"() ({
        %run_scoped3A = tpu.sem_alloc : memref<!tpu.dma_semaphore, #tpu.memory_space<semaphore_mem>>
        %dma_start3A_280 = arith.constant 0 : i32
        %dma_start3A_281 = tpu.memref_slice %arg9[%add3A_279, %dma_start3A_280] : memref<20000x128xf32, #tpu.memory_space<hbm>> -> memref<16x128xf32, #tpu.memory_space<hbm>>
        %dma_start3A_282 = arith.constant 9984 : i32
        %dma_start3A_283 = arith.constant 0 : i32
        %dma_start3A_284 = tpu.memref_slice %arg26[%dma_start3A_282, %dma_start3A_283] : memref<10000x128xf32, #tpu.memory_space<vmem_shared>> -> memref<16x128xf32, #tpu.memory_space<vmem_shared>>
        tpu.enqueue_dma source(%dma_start3A_284 : memref<16x128xf32, #tpu.memory_space<vmem_shared>>) target(%dma_start3A_281 : memref<16x128xf32, #tpu.memory_space<hbm>>) target_semaphore(%run_scoped3A : memref<!tpu.dma_semaphore, #tpu.memory_space<semaphore_mem>>)
        %dma_wait3A_285 = arith.constant 0 : i32
        %dma_wait3A_286 = tpu.memref_slice %arg9[%add3A_279, %dma_wait3A_285] : memref<20000x128xf32, #tpu.memory_space<hbm>> -> memref<16x128xf32, #tpu.memory_space<hbm>>
        %dma_wait3A_287 = arith.constant 9984 : i32
        %dma_wait3A_288 = arith.constant 0 : i32
        %dma_wait3A_289 = tpu.memref_slice %arg26[%dma_wait3A_287, %dma_wait3A_288] : memref<10000x128xf32, #tpu.memory_space<vmem_shared>> -> memref<16x128xf32, #tpu.memory_space<vmem_shared>>
        tpu.wait_dma2 semaphore(%run_scoped3A : memref<!tpu.dma_semaphore, #tpu.memory_space<semaphore_mem>>) src(%dma_wait3A_289 : memref<16x128xf32, #tpu.memory_space<vmem_shared>>) dst(%dma_wait3A_286 : memref<16x128xf32, #tpu.memory_space<hbm>>)
        tpu.yield
      }) : () -> ()
    } else {
    }
    return
  }
}

#map = affine_map<(d0, d1) -> (0, 0, 0)>
#map1 = affine_map<(d0, d1) -> (0)>
#map2 = affine_map<(d0, d1) -> (0, 0)>
module attributes {stable_mosaic.version = 14 : i64} {
  func.func @_norm_body(%arg0: i32, %arg1: i32, %arg2: memref<32x90x112xi32, #tpu.memory_space<hbm>>, %arg3: memref<32x90x112xi32, #tpu.memory_space<hbm>>, %arg4: memref<32x90x112xf32, #tpu.memory_space<hbm>>, %arg5: memref<10000xf32, #tpu.memory_space<hbm>>, %arg6: memref<2x10000xi32, #tpu.memory_space<hbm>>, %arg7: memref<32x90x112xf32, #tpu.memory_space<hbm>>, %arg8: memref<64x90x112xi32, #tpu.memory_space<hbm>>, %arg9: memref<90x112xi32, #tpu.memory_space<vmem>>, %arg10: memref<90x112xi32, #tpu.memory_space<vmem>>, %arg11: memref<90x112xf32, #tpu.memory_space<vmem>>, %arg12: memref<90x112xi32, #tpu.memory_space<vmem>>, %arg13: memref<90x112xi32, #tpu.memory_space<vmem>>, %arg14: memref<10000xf32, #tpu.memory_space<vmem>>, %arg15: memref<10000xi32, #tpu.memory_space<vmem>>, %arg16: memref<10000xi32, #tpu.memory_space<vmem>>) attributes {dimension_semantics = [#tpu.dimension_semantics<core_parallel>, #tpu.dimension_semantics<subcore_parallel>], iteration_bounds = array<i64: 2, 16>, scalar_prefetch = 0 : i64, scratch_operands = 8 : i64, tpu.core_type = #tpu.core_type<sc_vector_subcore>, window_params = [{transform_indices = #map}, {transform_indices = #map}, {transform_indices = #map}, {transform_indices = #map1}, {transform_indices = #map2}, {transform_indices = #map}, {transform_indices = #map}]} {
    %mul3A = arith.constant 2 : i32
    %mul3A_0 = arith.muli %arg1, %mul3A : i32
    %add3A = arith.addi %mul3A_0, %arg0 : i32
    "tpu.region"() ({
      %run_scoped3A_8 = tpu.sem_alloc : memref<!tpu.dma_semaphore, #tpu.memory_space<semaphore_mem>>
      %dma_start3A = arith.constant 0 : i32
      %dma_start3A_9 = arith.constant 0 : i32
      %dma_start3A_10 = tpu.memref_slice %arg2[%add3A, %dma_start3A, %dma_start3A_9] : memref<32x90x112xi32, #tpu.memory_space<hbm>> -> memref<1x90x112xi32, #tpu.memory_space<hbm>>
      %dma_start3A_11 = tpu.memref_squeeze %dma_start3A_10 : memref<1x90x112xi32, #tpu.memory_space<hbm>> -> memref<90x112xi32, #tpu.memory_space<hbm>>
      %dma_start3A_12 = arith.constant 0 : i32
      %dma_start3A_13 = arith.constant 0 : i32
      %dma_start3A_14 = tpu.memref_slice %arg2[%add3A, %dma_start3A_12, %dma_start3A_13] : memref<32x90x112xi32, #tpu.memory_space<hbm>> -> memref<1x90x112xi32, #tpu.memory_space<hbm>>
      %dma_start3A_15 = tpu.memref_squeeze %dma_start3A_14 : memref<1x90x112xi32, #tpu.memory_space<hbm>> -> memref<90x112xi32, #tpu.memory_space<hbm>>
      tpu.enqueue_dma source(%dma_start3A_15 : memref<90x112xi32, #tpu.memory_space<hbm>>) target(%arg9 : memref<90x112xi32, #tpu.memory_space<vmem>>) target_semaphore(%run_scoped3A_8 : memref<!tpu.dma_semaphore, #tpu.memory_space<semaphore_mem>>)
      %dma_wait3A = arith.constant 0 : i32
      %dma_wait3A_16 = arith.constant 0 : i32
      %dma_wait3A_17 = tpu.memref_slice %arg2[%add3A, %dma_wait3A, %dma_wait3A_16] : memref<32x90x112xi32, #tpu.memory_space<hbm>> -> memref<1x90x112xi32, #tpu.memory_space<hbm>>
      %dma_wait3A_18 = tpu.memref_squeeze %dma_wait3A_17 : memref<1x90x112xi32, #tpu.memory_space<hbm>> -> memref<90x112xi32, #tpu.memory_space<hbm>>
      %dma_wait3A_19 = arith.constant 0 : i32
      %dma_wait3A_20 = arith.constant 0 : i32
      %dma_wait3A_21 = tpu.memref_slice %arg2[%add3A, %dma_wait3A_19, %dma_wait3A_20] : memref<32x90x112xi32, #tpu.memory_space<hbm>> -> memref<1x90x112xi32, #tpu.memory_space<hbm>>
      %dma_wait3A_22 = tpu.memref_squeeze %dma_wait3A_21 : memref<1x90x112xi32, #tpu.memory_space<hbm>> -> memref<90x112xi32, #tpu.memory_space<hbm>>
      tpu.wait_dma2 semaphore(%run_scoped3A_8 : memref<!tpu.dma_semaphore, #tpu.memory_space<semaphore_mem>>) src(%dma_wait3A_22 : memref<90x112xi32, #tpu.memory_space<hbm>>) dst(%arg9 : memref<90x112xi32, #tpu.memory_space<vmem>>)
      tpu.yield
    }) : () -> ()
    "tpu.region"() ({
      %run_scoped3A_8 = tpu.sem_alloc : memref<!tpu.dma_semaphore, #tpu.memory_space<semaphore_mem>>
      %dma_start3A = arith.constant 0 : i32
      %dma_start3A_9 = arith.constant 0 : i32
      %dma_start3A_10 = tpu.memref_slice %arg3[%add3A, %dma_start3A, %dma_start3A_9] : memref<32x90x112xi32, #tpu.memory_space<hbm>> -> memref<1x90x112xi32, #tpu.memory_space<hbm>>
      %dma_start3A_11 = tpu.memref_squeeze %dma_start3A_10 : memref<1x90x112xi32, #tpu.memory_space<hbm>> -> memref<90x112xi32, #tpu.memory_space<hbm>>
      %dma_start3A_12 = arith.constant 0 : i32
      %dma_start3A_13 = arith.constant 0 : i32
      %dma_start3A_14 = tpu.memref_slice %arg3[%add3A, %dma_start3A_12, %dma_start3A_13] : memref<32x90x112xi32, #tpu.memory_space<hbm>> -> memref<1x90x112xi32, #tpu.memory_space<hbm>>
      %dma_start3A_15 = tpu.memref_squeeze %dma_start3A_14 : memref<1x90x112xi32, #tpu.memory_space<hbm>> -> memref<90x112xi32, #tpu.memory_space<hbm>>
      tpu.enqueue_dma source(%dma_start3A_15 : memref<90x112xi32, #tpu.memory_space<hbm>>) target(%arg10 : memref<90x112xi32, #tpu.memory_space<vmem>>) target_semaphore(%run_scoped3A_8 : memref<!tpu.dma_semaphore, #tpu.memory_space<semaphore_mem>>)
      %dma_wait3A = arith.constant 0 : i32
      %dma_wait3A_16 = arith.constant 0 : i32
      %dma_wait3A_17 = tpu.memref_slice %arg3[%add3A, %dma_wait3A, %dma_wait3A_16] : memref<32x90x112xi32, #tpu.memory_space<hbm>> -> memref<1x90x112xi32, #tpu.memory_space<hbm>>
      %dma_wait3A_18 = tpu.memref_squeeze %dma_wait3A_17 : memref<1x90x112xi32, #tpu.memory_space<hbm>> -> memref<90x112xi32, #tpu.memory_space<hbm>>
      %dma_wait3A_19 = arith.constant 0 : i32
      %dma_wait3A_20 = arith.constant 0 : i32
      %dma_wait3A_21 = tpu.memref_slice %arg3[%add3A, %dma_wait3A_19, %dma_wait3A_20] : memref<32x90x112xi32, #tpu.memory_space<hbm>> -> memref<1x90x112xi32, #tpu.memory_space<hbm>>
      %dma_wait3A_22 = tpu.memref_squeeze %dma_wait3A_21 : memref<1x90x112xi32, #tpu.memory_space<hbm>> -> memref<90x112xi32, #tpu.memory_space<hbm>>
      tpu.wait_dma2 semaphore(%run_scoped3A_8 : memref<!tpu.dma_semaphore, #tpu.memory_space<semaphore_mem>>) src(%dma_wait3A_22 : memref<90x112xi32, #tpu.memory_space<hbm>>) dst(%arg10 : memref<90x112xi32, #tpu.memory_space<vmem>>)
      tpu.yield
    }) : () -> ()
    "tpu.region"() ({
      %run_scoped3A_8 = tpu.sem_alloc : memref<!tpu.dma_semaphore, #tpu.memory_space<semaphore_mem>>
      %dma_start3A = arith.constant 0 : i32
      %dma_start3A_9 = arith.constant 0 : i32
      %dma_start3A_10 = tpu.memref_slice %arg4[%add3A, %dma_start3A, %dma_start3A_9] : memref<32x90x112xf32, #tpu.memory_space<hbm>> -> memref<1x90x112xf32, #tpu.memory_space<hbm>>
      %dma_start3A_11 = tpu.memref_squeeze %dma_start3A_10 : memref<1x90x112xf32, #tpu.memory_space<hbm>> -> memref<90x112xf32, #tpu.memory_space<hbm>>
      %dma_start3A_12 = arith.constant 0 : i32
      %dma_start3A_13 = arith.constant 0 : i32
      %dma_start3A_14 = tpu.memref_slice %arg4[%add3A, %dma_start3A_12, %dma_start3A_13] : memref<32x90x112xf32, #tpu.memory_space<hbm>> -> memref<1x90x112xf32, #tpu.memory_space<hbm>>
      %dma_start3A_15 = tpu.memref_squeeze %dma_start3A_14 : memref<1x90x112xf32, #tpu.memory_space<hbm>> -> memref<90x112xf32, #tpu.memory_space<hbm>>
      tpu.enqueue_dma source(%dma_start3A_15 : memref<90x112xf32, #tpu.memory_space<hbm>>) target(%arg11 : memref<90x112xf32, #tpu.memory_space<vmem>>) target_semaphore(%run_scoped3A_8 : memref<!tpu.dma_semaphore, #tpu.memory_space<semaphore_mem>>)
      %dma_wait3A = arith.constant 0 : i32
      %dma_wait3A_16 = arith.constant 0 : i32
      %dma_wait3A_17 = tpu.memref_slice %arg4[%add3A, %dma_wait3A, %dma_wait3A_16] : memref<32x90x112xf32, #tpu.memory_space<hbm>> -> memref<1x90x112xf32, #tpu.memory_space<hbm>>
      %dma_wait3A_18 = tpu.memref_squeeze %dma_wait3A_17 : memref<1x90x112xf32, #tpu.memory_space<hbm>> -> memref<90x112xf32, #tpu.memory_space<hbm>>
      %dma_wait3A_19 = arith.constant 0 : i32
      %dma_wait3A_20 = arith.constant 0 : i32
      %dma_wait3A_21 = tpu.memref_slice %arg4[%add3A, %dma_wait3A_19, %dma_wait3A_20] : memref<32x90x112xf32, #tpu.memory_space<hbm>> -> memref<1x90x112xf32, #tpu.memory_space<hbm>>
      %dma_wait3A_22 = tpu.memref_squeeze %dma_wait3A_21 : memref<1x90x112xf32, #tpu.memory_space<hbm>> -> memref<90x112xf32, #tpu.memory_space<hbm>>
      tpu.wait_dma2 semaphore(%run_scoped3A_8 : memref<!tpu.dma_semaphore, #tpu.memory_space<semaphore_mem>>) src(%dma_wait3A_22 : memref<90x112xf32, #tpu.memory_space<hbm>>) dst(%arg11 : memref<90x112xf32, #tpu.memory_space<vmem>>)
      tpu.yield
    }) : () -> ()
    "tpu.region"() ({
      %run_scoped3A_8 = tpu.sem_alloc : memref<!tpu.dma_semaphore, #tpu.memory_space<semaphore_mem>>
      tpu.enqueue_dma source(%arg5 : memref<10000xf32, #tpu.memory_space<hbm>>) target(%arg14 : memref<10000xf32, #tpu.memory_space<vmem>>) target_semaphore(%run_scoped3A_8 : memref<!tpu.dma_semaphore, #tpu.memory_space<semaphore_mem>>)
      tpu.wait_dma2 semaphore(%run_scoped3A_8 : memref<!tpu.dma_semaphore, #tpu.memory_space<semaphore_mem>>) src(%arg5 : memref<10000xf32, #tpu.memory_space<hbm>>) dst(%arg14 : memref<10000xf32, #tpu.memory_space<vmem>>)
      tpu.yield
    }) : () -> ()
    %run_scoped3A = arith.constant 0 : i32
    "tpu.region"() ({
      %run_scoped3A_8 = tpu.sem_alloc : memref<!tpu.dma_semaphore, #tpu.memory_space<semaphore_mem>>
      %dma_start3A = arith.constant 0 : i32
      %dma_start3A_9 = tpu.memref_slice %arg6[%run_scoped3A, %dma_start3A] : memref<2x10000xi32, #tpu.memory_space<hbm>> -> memref<1x10000xi32, #tpu.memory_space<hbm>>
      %dma_start3A_10 = tpu.memref_squeeze %dma_start3A_9 : memref<1x10000xi32, #tpu.memory_space<hbm>> -> memref<10000xi32, #tpu.memory_space<hbm>>
      %dma_start3A_11 = arith.constant 0 : i32
      %dma_start3A_12 = tpu.memref_slice %arg6[%run_scoped3A, %dma_start3A_11] : memref<2x10000xi32, #tpu.memory_space<hbm>> -> memref<1x10000xi32, #tpu.memory_space<hbm>>
      %dma_start3A_13 = tpu.memref_squeeze %dma_start3A_12 : memref<1x10000xi32, #tpu.memory_space<hbm>> -> memref<10000xi32, #tpu.memory_space<hbm>>
      tpu.enqueue_dma source(%dma_start3A_13 : memref<10000xi32, #tpu.memory_space<hbm>>) target(%arg15 : memref<10000xi32, #tpu.memory_space<vmem>>) target_semaphore(%run_scoped3A_8 : memref<!tpu.dma_semaphore, #tpu.memory_space<semaphore_mem>>)
      %dma_wait3A = arith.constant 0 : i32
      %dma_wait3A_14 = tpu.memref_slice %arg6[%run_scoped3A, %dma_wait3A] : memref<2x10000xi32, #tpu.memory_space<hbm>> -> memref<1x10000xi32, #tpu.memory_space<hbm>>
      %dma_wait3A_15 = tpu.memref_squeeze %dma_wait3A_14 : memref<1x10000xi32, #tpu.memory_space<hbm>> -> memref<10000xi32, #tpu.memory_space<hbm>>
      %dma_wait3A_16 = arith.constant 0 : i32
      %dma_wait3A_17 = tpu.memref_slice %arg6[%run_scoped3A, %dma_wait3A_16] : memref<2x10000xi32, #tpu.memory_space<hbm>> -> memref<1x10000xi32, #tpu.memory_space<hbm>>
      %dma_wait3A_18 = tpu.memref_squeeze %dma_wait3A_17 : memref<1x10000xi32, #tpu.memory_space<hbm>> -> memref<10000xi32, #tpu.memory_space<hbm>>
      tpu.wait_dma2 semaphore(%run_scoped3A_8 : memref<!tpu.dma_semaphore, #tpu.memory_space<semaphore_mem>>) src(%dma_wait3A_18 : memref<10000xi32, #tpu.memory_space<hbm>>) dst(%arg15 : memref<10000xi32, #tpu.memory_space<vmem>>)
      tpu.yield
    }) : () -> ()
    %run_scoped3A_1 = arith.constant 1 : i32
    "tpu.region"() ({
      %run_scoped3A_8 = tpu.sem_alloc : memref<!tpu.dma_semaphore, #tpu.memory_space<semaphore_mem>>
      %dma_start3A = arith.constant 0 : i32
      %dma_start3A_9 = tpu.memref_slice %arg6[%run_scoped3A_1, %dma_start3A] : memref<2x10000xi32, #tpu.memory_space<hbm>> -> memref<1x10000xi32, #tpu.memory_space<hbm>>
      %dma_start3A_10 = tpu.memref_squeeze %dma_start3A_9 : memref<1x10000xi32, #tpu.memory_space<hbm>> -> memref<10000xi32, #tpu.memory_space<hbm>>
      %dma_start3A_11 = arith.constant 0 : i32
      %dma_start3A_12 = tpu.memref_slice %arg6[%run_scoped3A_1, %dma_start3A_11] : memref<2x10000xi32, #tpu.memory_space<hbm>> -> memref<1x10000xi32, #tpu.memory_space<hbm>>
      %dma_start3A_13 = tpu.memref_squeeze %dma_start3A_12 : memref<1x10000xi32, #tpu.memory_space<hbm>> -> memref<10000xi32, #tpu.memory_space<hbm>>
      tpu.enqueue_dma source(%dma_start3A_13 : memref<10000xi32, #tpu.memory_space<hbm>>) target(%arg16 : memref<10000xi32, #tpu.memory_space<vmem>>) target_semaphore(%run_scoped3A_8 : memref<!tpu.dma_semaphore, #tpu.memory_space<semaphore_mem>>)
      %dma_wait3A = arith.constant 0 : i32
      %dma_wait3A_14 = tpu.memref_slice %arg6[%run_scoped3A_1, %dma_wait3A] : memref<2x10000xi32, #tpu.memory_space<hbm>> -> memref<1x10000xi32, #tpu.memory_space<hbm>>
      %dma_wait3A_15 = tpu.memref_squeeze %dma_wait3A_14 : memref<1x10000xi32, #tpu.memory_space<hbm>> -> memref<10000xi32, #tpu.memory_space<hbm>>
      %dma_wait3A_16 = arith.constant 0 : i32
      %dma_wait3A_17 = tpu.memref_slice %arg6[%run_scoped3A_1, %dma_wait3A_16] : memref<2x10000xi32, #tpu.memory_space<hbm>> -> memref<1x10000xi32, #tpu.memory_space<hbm>>
      %dma_wait3A_18 = tpu.memref_squeeze %dma_wait3A_17 : memref<1x10000xi32, #tpu.memory_space<hbm>> -> memref<10000xi32, #tpu.memory_space<hbm>>
      tpu.wait_dma2 semaphore(%run_scoped3A_8 : memref<!tpu.dma_semaphore, #tpu.memory_space<semaphore_mem>>) src(%dma_wait3A_18 : memref<10000xi32, #tpu.memory_space<hbm>>) dst(%arg16 : memref<10000xi32, #tpu.memory_space<vmem>>)
      tpu.yield
    }) : () -> ()
    %scan3A = arith.constant 0 : i32
    %scan3A_2 = arith.constant 90 : i32
    %scan3A_3 = arith.addi %scan3A, %scan3A_2 : i32
    %scan3A_4 = arith.constant 1 : i32
    scf.for %scan3A_8 = %scan3A to %scan3A_3 step %scan3A_4  : i32 {
      %mul3A_9 = arith.constant 1 : i32
      %mul3A_10 = arith.muli %scan3A_8, %mul3A_9 : i32
      %add3A_11 = arith.constant 0 : i32
      %add3A_12 = arith.addi %add3A_11, %mul3A_10 : i32
      %get3A = arith.index_cast %add3A_12 : i32 to index
      %get3A_13 = arith.constant 0 : index
      %get3A_14 = tpu.vector_load %arg9[%get3A, %get3A_13] {strides = array<i32>} : memref<90x112xi32, #tpu.memory_space<vmem>>, vector<16xi32>,
      %get3A_15 = arith.index_cast %add3A_12 : i32 to index
      %get3A_16 = arith.constant 0 : index
      %get3A_17 = tpu.vector_load %arg10[%get3A_15, %get3A_16] {strides = array<i32>} : memref<90x112xi32, #tpu.memory_space<vmem>>, vector<16xi32>,
      %get3A_18 = arith.index_cast %add3A_12 : i32 to index
      %get3A_19 = arith.constant 0 : index
      %get3A_20 = tpu.vector_load %arg11[%get3A_18, %get3A_19] {strides = array<i32>} : memref<90x112xf32, #tpu.memory_space<vmem>>, vector<16xf32>,
      %gather3A = tpu.vector_load_idx %arg14[%get3A_14] : memref<10000xf32, #tpu.memory_space<vmem>>[vector<16xi32>], vector<16xf32>,
      %mul3A_21 = arith.mulf %get3A_20, %gather3A : vector<16xf32>
      %gather3A_22 = tpu.vector_load_idx %arg14[%get3A_17] : memref<10000xf32, #tpu.memory_space<vmem>>[vector<16xi32>], vector<16xf32>,
      %mul3A_23 = arith.mulf %mul3A_21, %gather3A_22 : vector<16xf32>
      %swap3A = arith.index_cast %add3A_12 : i32 to index
      %swap3A_24 = arith.constant 0 : index
      %swap3A_25 = tpu.vector_load %arg11[%swap3A, %swap3A_24] {strides = array<i32>} : memref<90x112xf32, #tpu.memory_space<vmem>>, vector<16xf32>,
      tpu.vector_store %arg11[%swap3A, %swap3A_24], %mul3A_23 {strides = array<i32>} : memref<90x112xf32, #tpu.memory_space<vmem>>, vector<16xf32>,
      %gather3A_26 = tpu.vector_load_idx %arg15[%get3A_14] : memref<10000xi32, #tpu.memory_space<vmem>>[vector<16xi32>], vector<16xi32>,
      %swap3A_27 = arith.index_cast %add3A_12 : i32 to index
      %swap3A_28 = arith.constant 0 : index
      %swap3A_29 = tpu.vector_load %arg12[%swap3A_27, %swap3A_28] {strides = array<i32>} : memref<90x112xi32, #tpu.memory_space<vmem>>, vector<16xi32>,
      tpu.vector_store %arg12[%swap3A_27, %swap3A_28], %gather3A_26 {strides = array<i32>} : memref<90x112xi32, #tpu.memory_space<vmem>>, vector<16xi32>,
      %gather3A_30 = tpu.vector_load_idx %arg16[%get3A_14] : memref<10000xi32, #tpu.memory_space<vmem>>[vector<16xi32>], vector<16xi32>,
      %swap3A_31 = arith.index_cast %add3A_12 : i32 to index
      %swap3A_32 = arith.constant 0 : index
      %swap3A_33 = tpu.vector_load %arg13[%swap3A_31, %swap3A_32] {strides = array<i32>} : memref<90x112xi32, #tpu.memory_space<vmem>>, vector<16xi32>,
      tpu.vector_store %arg13[%swap3A_31, %swap3A_32], %gather3A_30 {strides = array<i32>} : memref<90x112xi32, #tpu.memory_space<vmem>>, vector<16xi32>,
      %get3A_34 = arith.index_cast %add3A_12 : i32 to index
      %get3A_35 = arith.constant 16 : index
      %get3A_36 = tpu.vector_load %arg9[%get3A_34, %get3A_35] {strides = array<i32>} : memref<90x112xi32, #tpu.memory_space<vmem>>, vector<16xi32>,
      %get3A_37 = arith.index_cast %add3A_12 : i32 to index
      %get3A_38 = arith.constant 16 : index
      %get3A_39 = tpu.vector_load %arg10[%get3A_37, %get3A_38] {strides = array<i32>} : memref<90x112xi32, #tpu.memory_space<vmem>>, vector<16xi32>,
      %get3A_40 = arith.index_cast %add3A_12 : i32 to index
      %get3A_41 = arith.constant 16 : index
      %get3A_42 = tpu.vector_load %arg11[%get3A_40, %get3A_41] {strides = array<i32>} : memref<90x112xf32, #tpu.memory_space<vmem>>, vector<16xf32>,
      %gather3A_43 = tpu.vector_load_idx %arg14[%get3A_36] : memref<10000xf32, #tpu.memory_space<vmem>>[vector<16xi32>], vector<16xf32>,
      %mul3A_44 = arith.mulf %get3A_42, %gather3A_43 : vector<16xf32>
      %gather3A_45 = tpu.vector_load_idx %arg14[%get3A_39] : memref<10000xf32, #tpu.memory_space<vmem>>[vector<16xi32>], vector<16xf32>,
      %mul3A_46 = arith.mulf %mul3A_44, %gather3A_45 : vector<16xf32>
      %swap3A_47 = arith.index_cast %add3A_12 : i32 to index
      %swap3A_48 = arith.constant 16 : index
      %swap3A_49 = tpu.vector_load %arg11[%swap3A_47, %swap3A_48] {strides = array<i32>} : memref<90x112xf32, #tpu.memory_space<vmem>>, vector<16xf32>,
      tpu.vector_store %arg11[%swap3A_47, %swap3A_48], %mul3A_46 {strides = array<i32>} : memref<90x112xf32, #tpu.memory_space<vmem>>, vector<16xf32>,
      %gather3A_50 = tpu.vector_load_idx %arg15[%get3A_36] : memref<10000xi32, #tpu.memory_space<vmem>>[vector<16xi32>], vector<16xi32>,
      %swap3A_51 = arith.index_cast %add3A_12 : i32 to index
      %swap3A_52 = arith.constant 16 : index
      %swap3A_53 = tpu.vector_load %arg12[%swap3A_51, %swap3A_52] {strides = array<i32>} : memref<90x112xi32, #tpu.memory_space<vmem>>, vector<16xi32>,
      tpu.vector_store %arg12[%swap3A_51, %swap3A_52], %gather3A_50 {strides = array<i32>} : memref<90x112xi32, #tpu.memory_space<vmem>>, vector<16xi32>,
      %gather3A_54 = tpu.vector_load_idx %arg16[%get3A_36] : memref<10000xi32, #tpu.memory_space<vmem>>[vector<16xi32>], vector<16xi32>,
      %swap3A_55 = arith.index_cast %add3A_12 : i32 to index
      %swap3A_56 = arith.constant 16 : index
      %swap3A_57 = tpu.vector_load %arg13[%swap3A_55, %swap3A_56] {strides = array<i32>} : memref<90x112xi32, #tpu.memory_space<vmem>>, vector<16xi32>,
      tpu.vector_store %arg13[%swap3A_55, %swap3A_56], %gather3A_54 {strides = array<i32>} : memref<90x112xi32, #tpu.memory_space<vmem>>, vector<16xi32>,
      %get3A_58 = arith.index_cast %add3A_12 : i32 to index
      %get3A_59 = arith.constant 32 : index
      %get3A_60 = tpu.vector_load %arg9[%get3A_58, %get3A_59] {strides = array<i32>} : memref<90x112xi32, #tpu.memory_space<vmem>>, vector<16xi32>,
      %get3A_61 = arith.index_cast %add3A_12 : i32 to index
      %get3A_62 = arith.constant 32 : index
      %get3A_63 = tpu.vector_load %arg10[%get3A_61, %get3A_62] {strides = array<i32>} : memref<90x112xi32, #tpu.memory_space<vmem>>, vector<16xi32>,
      %get3A_64 = arith.index_cast %add3A_12 : i32 to index
      %get3A_65 = arith.constant 32 : index
      %get3A_66 = tpu.vector_load %arg11[%get3A_64, %get3A_65] {strides = array<i32>} : memref<90x112xf32, #tpu.memory_space<vmem>>, vector<16xf32>,
      %gather3A_67 = tpu.vector_load_idx %arg14[%get3A_60] : memref<10000xf32, #tpu.memory_space<vmem>>[vector<16xi32>], vector<16xf32>,
      %mul3A_68 = arith.mulf %get3A_66, %gather3A_67 : vector<16xf32>
      %gather3A_69 = tpu.vector_load_idx %arg14[%get3A_63] : memref<10000xf32, #tpu.memory_space<vmem>>[vector<16xi32>], vector<16xf32>,
      %mul3A_70 = arith.mulf %mul3A_68, %gather3A_69 : vector<16xf32>
      %swap3A_71 = arith.index_cast %add3A_12 : i32 to index
      %swap3A_72 = arith.constant 32 : index
      %swap3A_73 = tpu.vector_load %arg11[%swap3A_71, %swap3A_72] {strides = array<i32>} : memref<90x112xf32, #tpu.memory_space<vmem>>, vector<16xf32>,
      tpu.vector_store %arg11[%swap3A_71, %swap3A_72], %mul3A_70 {strides = array<i32>} : memref<90x112xf32, #tpu.memory_space<vmem>>, vector<16xf32>,
      %gather3A_74 = tpu.vector_load_idx %arg15[%get3A_60] : memref<10000xi32, #tpu.memory_space<vmem>>[vector<16xi32>], vector<16xi32>,
      %swap3A_75 = arith.index_cast %add3A_12 : i32 to index
      %swap3A_76 = arith.constant 32 : index
      %swap3A_77 = tpu.vector_load %arg12[%swap3A_75, %swap3A_76] {strides = array<i32>} : memref<90x112xi32, #tpu.memory_space<vmem>>, vector<16xi32>,
      tpu.vector_store %arg12[%swap3A_75, %swap3A_76], %gather3A_74 {strides = array<i32>} : memref<90x112xi32, #tpu.memory_space<vmem>>, vector<16xi32>,
      %gather3A_78 = tpu.vector_load_idx %arg16[%get3A_60] : memref<10000xi32, #tpu.memory_space<vmem>>[vector<16xi32>], vector<16xi32>,
      %swap3A_79 = arith.index_cast %add3A_12 : i32 to index
      %swap3A_80 = arith.constant 32 : index
      %swap3A_81 = tpu.vector_load %arg13[%swap3A_79, %swap3A_80] {strides = array<i32>} : memref<90x112xi32, #tpu.memory_space<vmem>>, vector<16xi32>,
      tpu.vector_store %arg13[%swap3A_79, %swap3A_80], %gather3A_78 {strides = array<i32>} : memref<90x112xi32, #tpu.memory_space<vmem>>, vector<16xi32>,
      %get3A_82 = arith.index_cast %add3A_12 : i32 to index
      %get3A_83 = arith.constant 48 : index
      %get3A_84 = tpu.vector_load %arg9[%get3A_82, %get3A_83] {strides = array<i32>} : memref<90x112xi32, #tpu.memory_space<vmem>>, vector<16xi32>,
      %get3A_85 = arith.index_cast %add3A_12 : i32 to index
      %get3A_86 = arith.constant 48 : index
      %get3A_87 = tpu.vector_load %arg10[%get3A_85, %get3A_86] {strides = array<i32>} : memref<90x112xi32, #tpu.memory_space<vmem>>, vector<16xi32>,
      %get3A_88 = arith.index_cast %add3A_12 : i32 to index
      %get3A_89 = arith.constant 48 : index
      %get3A_90 = tpu.vector_load %arg11[%get3A_88, %get3A_89] {strides = array<i32>} : memref<90x112xf32, #tpu.memory_space<vmem>>, vector<16xf32>,
      %gather3A_91 = tpu.vector_load_idx %arg14[%get3A_84] : memref<10000xf32, #tpu.memory_space<vmem>>[vector<16xi32>], vector<16xf32>,
      %mul3A_92 = arith.mulf %get3A_90, %gather3A_91 : vector<16xf32>
      %gather3A_93 = tpu.vector_load_idx %arg14[%get3A_87] : memref<10000xf32, #tpu.memory_space<vmem>>[vector<16xi32>], vector<16xf32>,
      %mul3A_94 = arith.mulf %mul3A_92, %gather3A_93 : vector<16xf32>
      %swap3A_95 = arith.index_cast %add3A_12 : i32 to index
      %swap3A_96 = arith.constant 48 : index
      %swap3A_97 = tpu.vector_load %arg11[%swap3A_95, %swap3A_96] {strides = array<i32>} : memref<90x112xf32, #tpu.memory_space<vmem>>, vector<16xf32>,
      tpu.vector_store %arg11[%swap3A_95, %swap3A_96], %mul3A_94 {strides = array<i32>} : memref<90x112xf32, #tpu.memory_space<vmem>>, vector<16xf32>,
      %gather3A_98 = tpu.vector_load_idx %arg15[%get3A_84] : memref<10000xi32, #tpu.memory_space<vmem>>[vector<16xi32>], vector<16xi32>,
      %swap3A_99 = arith.index_cast %add3A_12 : i32 to index
      %swap3A_100 = arith.constant 48 : index
      %swap3A_101 = tpu.vector_load %arg12[%swap3A_99, %swap3A_100] {strides = array<i32>} : memref<90x112xi32, #tpu.memory_space<vmem>>, vector<16xi32>,
      tpu.vector_store %arg12[%swap3A_99, %swap3A_100], %gather3A_98 {strides = array<i32>} : memref<90x112xi32, #tpu.memory_space<vmem>>, vector<16xi32>,
      %gather3A_102 = tpu.vector_load_idx %arg16[%get3A_84] : memref<10000xi32, #tpu.memory_space<vmem>>[vector<16xi32>], vector<16xi32>,
      %swap3A_103 = arith.index_cast %add3A_12 : i32 to index
      %swap3A_104 = arith.constant 48 : index
      %swap3A_105 = tpu.vector_load %arg13[%swap3A_103, %swap3A_104] {strides = array<i32>} : memref<90x112xi32, #tpu.memory_space<vmem>>, vector<16xi32>,
      tpu.vector_store %arg13[%swap3A_103, %swap3A_104], %gather3A_102 {strides = array<i32>} : memref<90x112xi32, #tpu.memory_space<vmem>>, vector<16xi32>,
      %get3A_106 = arith.index_cast %add3A_12 : i32 to index
      %get3A_107 = arith.constant 64 : index
      %get3A_108 = tpu.vector_load %arg9[%get3A_106, %get3A_107] {strides = array<i32>} : memref<90x112xi32, #tpu.memory_space<vmem>>, vector<16xi32>,
      %get3A_109 = arith.index_cast %add3A_12 : i32 to index
      %get3A_110 = arith.constant 64 : index
      %get3A_111 = tpu.vector_load %arg10[%get3A_109, %get3A_110] {strides = array<i32>} : memref<90x112xi32, #tpu.memory_space<vmem>>, vector<16xi32>,
      %get3A_112 = arith.index_cast %add3A_12 : i32 to index
      %get3A_113 = arith.constant 64 : index
      %get3A_114 = tpu.vector_load %arg11[%get3A_112, %get3A_113] {strides = array<i32>} : memref<90x112xf32, #tpu.memory_space<vmem>>, vector<16xf32>,
      %gather3A_115 = tpu.vector_load_idx %arg14[%get3A_108] : memref<10000xf32, #tpu.memory_space<vmem>>[vector<16xi32>], vector<16xf32>,
      %mul3A_116 = arith.mulf %get3A_114, %gather3A_115 : vector<16xf32>
      %gather3A_117 = tpu.vector_load_idx %arg14[%get3A_111] : memref<10000xf32, #tpu.memory_space<vmem>>[vector<16xi32>], vector<16xf32>,
      %mul3A_118 = arith.mulf %mul3A_116, %gather3A_117 : vector<16xf32>
      %swap3A_119 = arith.index_cast %add3A_12 : i32 to index
      %swap3A_120 = arith.constant 64 : index
      %swap3A_121 = tpu.vector_load %arg11[%swap3A_119, %swap3A_120] {strides = array<i32>} : memref<90x112xf32, #tpu.memory_space<vmem>>, vector<16xf32>,
      tpu.vector_store %arg11[%swap3A_119, %swap3A_120], %mul3A_118 {strides = array<i32>} : memref<90x112xf32, #tpu.memory_space<vmem>>, vector<16xf32>,
      %gather3A_122 = tpu.vector_load_idx %arg15[%get3A_108] : memref<10000xi32, #tpu.memory_space<vmem>>[vector<16xi32>], vector<16xi32>,
      %swap3A_123 = arith.index_cast %add3A_12 : i32 to index
      %swap3A_124 = arith.constant 64 : index
      %swap3A_125 = tpu.vector_load %arg12[%swap3A_123, %swap3A_124] {strides = array<i32>} : memref<90x112xi32, #tpu.memory_space<vmem>>, vector<16xi32>,
      tpu.vector_store %arg12[%swap3A_123, %swap3A_124], %gather3A_122 {strides = array<i32>} : memref<90x112xi32, #tpu.memory_space<vmem>>, vector<16xi32>,
      %gather3A_126 = tpu.vector_load_idx %arg16[%get3A_108] : memref<10000xi32, #tpu.memory_space<vmem>>[vector<16xi32>], vector<16xi32>,
      %swap3A_127 = arith.index_cast %add3A_12 : i32 to index
      %swap3A_128 = arith.constant 64 : index
      %swap3A_129 = tpu.vector_load %arg13[%swap3A_127, %swap3A_128] {strides = array<i32>} : memref<90x112xi32, #tpu.memory_space<vmem>>, vector<16xi32>,
      tpu.vector_store %arg13[%swap3A_127, %swap3A_128], %gather3A_126 {strides = array<i32>} : memref<90x112xi32, #tpu.memory_space<vmem>>, vector<16xi32>,
      %get3A_130 = arith.index_cast %add3A_12 : i32 to index
      %get3A_131 = arith.constant 80 : index
      %get3A_132 = tpu.vector_load %arg9[%get3A_130, %get3A_131] {strides = array<i32>} : memref<90x112xi32, #tpu.memory_space<vmem>>, vector<16xi32>,
      %get3A_133 = arith.index_cast %add3A_12 : i32 to index
      %get3A_134 = arith.constant 80 : index
      %get3A_135 = tpu.vector_load %arg10[%get3A_133, %get3A_134] {strides = array<i32>} : memref<90x112xi32, #tpu.memory_space<vmem>>, vector<16xi32>,
      %get3A_136 = arith.index_cast %add3A_12 : i32 to index
      %get3A_137 = arith.constant 80 : index
      %get3A_138 = tpu.vector_load %arg11[%get3A_136, %get3A_137] {strides = array<i32>} : memref<90x112xf32, #tpu.memory_space<vmem>>, vector<16xf32>,
      %gather3A_139 = tpu.vector_load_idx %arg14[%get3A_132] : memref<10000xf32, #tpu.memory_space<vmem>>[vector<16xi32>], vector<16xf32>,
      %mul3A_140 = arith.mulf %get3A_138, %gather3A_139 : vector<16xf32>
      %gather3A_141 = tpu.vector_load_idx %arg14[%get3A_135] : memref<10000xf32, #tpu.memory_space<vmem>>[vector<16xi32>], vector<16xf32>,
      %mul3A_142 = arith.mulf %mul3A_140, %gather3A_141 : vector<16xf32>
      %swap3A_143 = arith.index_cast %add3A_12 : i32 to index
      %swap3A_144 = arith.constant 80 : index
      %swap3A_145 = tpu.vector_load %arg11[%swap3A_143, %swap3A_144] {strides = array<i32>} : memref<90x112xf32, #tpu.memory_space<vmem>>, vector<16xf32>,
      tpu.vector_store %arg11[%swap3A_143, %swap3A_144], %mul3A_142 {strides = array<i32>} : memref<90x112xf32, #tpu.memory_space<vmem>>, vector<16xf32>,
      %gather3A_146 = tpu.vector_load_idx %arg15[%get3A_132] : memref<10000xi32, #tpu.memory_space<vmem>>[vector<16xi32>], vector<16xi32>,
      %swap3A_147 = arith.index_cast %add3A_12 : i32 to index
      %swap3A_148 = arith.constant 80 : index
      %swap3A_149 = tpu.vector_load %arg12[%swap3A_147, %swap3A_148] {strides = array<i32>} : memref<90x112xi32, #tpu.memory_space<vmem>>, vector<16xi32>,
      tpu.vector_store %arg12[%swap3A_147, %swap3A_148], %gather3A_146 {strides = array<i32>} : memref<90x112xi32, #tpu.memory_space<vmem>>, vector<16xi32>,
      %gather3A_150 = tpu.vector_load_idx %arg16[%get3A_132] : memref<10000xi32, #tpu.memory_space<vmem>>[vector<16xi32>], vector<16xi32>,
      %swap3A_151 = arith.index_cast %add3A_12 : i32 to index
      %swap3A_152 = arith.constant 80 : index
      %swap3A_153 = tpu.vector_load %arg13[%swap3A_151, %swap3A_152] {strides = array<i32>} : memref<90x112xi32, #tpu.memory_space<vmem>>, vector<16xi32>,
      tpu.vector_store %arg13[%swap3A_151, %swap3A_152], %gather3A_150 {strides = array<i32>} : memref<90x112xi32, #tpu.memory_space<vmem>>, vector<16xi32>,
      %get3A_154 = arith.index_cast %add3A_12 : i32 to index
      %get3A_155 = arith.constant 96 : index
      %get3A_156 = tpu.vector_load %arg9[%get3A_154, %get3A_155] {strides = array<i32>} : memref<90x112xi32, #tpu.memory_space<vmem>>, vector<16xi32>,
      %get3A_157 = arith.index_cast %add3A_12 : i32 to index
      %get3A_158 = arith.constant 96 : index
      %get3A_159 = tpu.vector_load %arg10[%get3A_157, %get3A_158] {strides = array<i32>} : memref<90x112xi32, #tpu.memory_space<vmem>>, vector<16xi32>,
      %get3A_160 = arith.index_cast %add3A_12 : i32 to index
      %get3A_161 = arith.constant 96 : index
      %get3A_162 = tpu.vector_load %arg11[%get3A_160, %get3A_161] {strides = array<i32>} : memref<90x112xf32, #tpu.memory_space<vmem>>, vector<16xf32>,
      %gather3A_163 = tpu.vector_load_idx %arg14[%get3A_156] : memref<10000xf32, #tpu.memory_space<vmem>>[vector<16xi32>], vector<16xf32>,
      %mul3A_164 = arith.mulf %get3A_162, %gather3A_163 : vector<16xf32>
      %gather3A_165 = tpu.vector_load_idx %arg14[%get3A_159] : memref<10000xf32, #tpu.memory_space<vmem>>[vector<16xi32>], vector<16xf32>,
      %mul3A_166 = arith.mulf %mul3A_164, %gather3A_165 : vector<16xf32>
      %swap3A_167 = arith.index_cast %add3A_12 : i32 to index
      %swap3A_168 = arith.constant 96 : index
      %swap3A_169 = tpu.vector_load %arg11[%swap3A_167, %swap3A_168] {strides = array<i32>} : memref<90x112xf32, #tpu.memory_space<vmem>>, vector<16xf32>,
      tpu.vector_store %arg11[%swap3A_167, %swap3A_168], %mul3A_166 {strides = array<i32>} : memref<90x112xf32, #tpu.memory_space<vmem>>, vector<16xf32>,
      %gather3A_170 = tpu.vector_load_idx %arg15[%get3A_156] : memref<10000xi32, #tpu.memory_space<vmem>>[vector<16xi32>], vector<16xi32>,
      %swap3A_171 = arith.index_cast %add3A_12 : i32 to index
      %swap3A_172 = arith.constant 96 : index
      %swap3A_173 = tpu.vector_load %arg12[%swap3A_171, %swap3A_172] {strides = array<i32>} : memref<90x112xi32, #tpu.memory_space<vmem>>, vector<16xi32>,
      tpu.vector_store %arg12[%swap3A_171, %swap3A_172], %gather3A_170 {strides = array<i32>} : memref<90x112xi32, #tpu.memory_space<vmem>>, vector<16xi32>,
      %gather3A_174 = tpu.vector_load_idx %arg16[%get3A_156] : memref<10000xi32, #tpu.memory_space<vmem>>[vector<16xi32>], vector<16xi32>,
      %swap3A_175 = arith.index_cast %add3A_12 : i32 to index
      %swap3A_176 = arith.constant 96 : index
      %swap3A_177 = tpu.vector_load %arg13[%swap3A_175, %swap3A_176] {strides = array<i32>} : memref<90x112xi32, #tpu.memory_space<vmem>>, vector<16xi32>,
      tpu.vector_store %arg13[%swap3A_175, %swap3A_176], %gather3A_174 {strides = array<i32>} : memref<90x112xi32, #tpu.memory_space<vmem>>, vector<16xi32>,
    }
    %scan3A_5 = arith.constant 90 : i32
    "tpu.region"() ({
      %run_scoped3A_8 = tpu.sem_alloc : memref<!tpu.dma_semaphore, #tpu.memory_space<semaphore_mem>>
      %dma_start3A = arith.constant 0 : i32
      %dma_start3A_9 = arith.constant 0 : i32
      %dma_start3A_10 = tpu.memref_slice %arg7[%add3A, %dma_start3A, %dma_start3A_9] : memref<32x90x112xf32, #tpu.memory_space<hbm>> -> memref<1x90x112xf32, #tpu.memory_space<hbm>>
      %dma_start3A_11 = tpu.memref_squeeze %dma_start3A_10 : memref<1x90x112xf32, #tpu.memory_space<hbm>> -> memref<90x112xf32, #tpu.memory_space<hbm>>
      %dma_start3A_12 = arith.constant 0 : i32
      %dma_start3A_13 = arith.constant 0 : i32
      %dma_start3A_14 = tpu.memref_slice %arg7[%add3A, %dma_start3A_12, %dma_start3A_13] : memref<32x90x112xf32, #tpu.memory_space<hbm>> -> memref<1x90x112xf32, #tpu.memory_space<hbm>>
      %dma_start3A_15 = tpu.memref_squeeze %dma_start3A_14 : memref<1x90x112xf32, #tpu.memory_space<hbm>> -> memref<90x112xf32, #tpu.memory_space<hbm>>
      tpu.enqueue_dma source(%arg11 : memref<90x112xf32, #tpu.memory_space<vmem>>) target(%dma_start3A_15 : memref<90x112xf32, #tpu.memory_space<hbm>>) target_semaphore(%run_scoped3A_8 : memref<!tpu.dma_semaphore, #tpu.memory_space<semaphore_mem>>)
      %dma_wait3A = arith.constant 0 : i32
      %dma_wait3A_16 = arith.constant 0 : i32
      %dma_wait3A_17 = tpu.memref_slice %arg7[%add3A, %dma_wait3A, %dma_wait3A_16] : memref<32x90x112xf32, #tpu.memory_space<hbm>> -> memref<1x90x112xf32, #tpu.memory_space<hbm>>
      %dma_wait3A_18 = tpu.memref_squeeze %dma_wait3A_17 : memref<1x90x112xf32, #tpu.memory_space<hbm>> -> memref<90x112xf32, #tpu.memory_space<hbm>>
      %dma_wait3A_19 = arith.constant 0 : i32
      %dma_wait3A_20 = arith.constant 0 : i32
      %dma_wait3A_21 = tpu.memref_slice %arg7[%add3A, %dma_wait3A_19, %dma_wait3A_20] : memref<32x90x112xf32, #tpu.memory_space<hbm>> -> memref<1x90x112xf32, #tpu.memory_space<hbm>>
      %dma_wait3A_22 = tpu.memref_squeeze %dma_wait3A_21 : memref<1x90x112xf32, #tpu.memory_space<hbm>> -> memref<90x112xf32, #tpu.memory_space<hbm>>
      tpu.wait_dma2 semaphore(%run_scoped3A_8 : memref<!tpu.dma_semaphore, #tpu.memory_space<semaphore_mem>>) src(%arg11 : memref<90x112xf32, #tpu.memory_space<vmem>>) dst(%dma_wait3A_22 : memref<90x112xf32, #tpu.memory_space<hbm>>)
      tpu.yield
    }) : () -> ()
    "tpu.region"() ({
      %run_scoped3A_8 = tpu.sem_alloc : memref<!tpu.dma_semaphore, #tpu.memory_space<semaphore_mem>>
      %dma_start3A = arith.constant 0 : i32
      %dma_start3A_9 = arith.constant 0 : i32
      %dma_start3A_10 = tpu.memref_slice %arg8[%add3A, %dma_start3A, %dma_start3A_9] : memref<64x90x112xi32, #tpu.memory_space<hbm>> -> memref<1x90x112xi32, #tpu.memory_space<hbm>>
      %dma_start3A_11 = tpu.memref_squeeze %dma_start3A_10 : memref<1x90x112xi32, #tpu.memory_space<hbm>> -> memref<90x112xi32, #tpu.memory_space<hbm>>
      %dma_start3A_12 = arith.constant 0 : i32
      %dma_start3A_13 = arith.constant 0 : i32
      %dma_start3A_14 = tpu.memref_slice %arg8[%add3A, %dma_start3A_12, %dma_start3A_13] : memref<64x90x112xi32, #tpu.memory_space<hbm>> -> memref<1x90x112xi32, #tpu.memory_space<hbm>>
      %dma_start3A_15 = tpu.memref_squeeze %dma_start3A_14 : memref<1x90x112xi32, #tpu.memory_space<hbm>> -> memref<90x112xi32, #tpu.memory_space<hbm>>
      tpu.enqueue_dma source(%arg12 : memref<90x112xi32, #tpu.memory_space<vmem>>) target(%dma_start3A_15 : memref<90x112xi32, #tpu.memory_space<hbm>>) target_semaphore(%run_scoped3A_8 : memref<!tpu.dma_semaphore, #tpu.memory_space<semaphore_mem>>)
      %dma_wait3A = arith.constant 0 : i32
      %dma_wait3A_16 = arith.constant 0 : i32
      %dma_wait3A_17 = tpu.memref_slice %arg8[%add3A, %dma_wait3A, %dma_wait3A_16] : memref<64x90x112xi32, #tpu.memory_space<hbm>> -> memref<1x90x112xi32, #tpu.memory_space<hbm>>
      %dma_wait3A_18 = tpu.memref_squeeze %dma_wait3A_17 : memref<1x90x112xi32, #tpu.memory_space<hbm>> -> memref<90x112xi32, #tpu.memory_space<hbm>>
      %dma_wait3A_19 = arith.constant 0 : i32
      %dma_wait3A_20 = arith.constant 0 : i32
      %dma_wait3A_21 = tpu.memref_slice %arg8[%add3A, %dma_wait3A_19, %dma_wait3A_20] : memref<64x90x112xi32, #tpu.memory_space<hbm>> -> memref<1x90x112xi32, #tpu.memory_space<hbm>>
      %dma_wait3A_22 = tpu.memref_squeeze %dma_wait3A_21 : memref<1x90x112xi32, #tpu.memory_space<hbm>> -> memref<90x112xi32, #tpu.memory_space<hbm>>
      tpu.wait_dma2 semaphore(%run_scoped3A_8 : memref<!tpu.dma_semaphore, #tpu.memory_space<semaphore_mem>>) src(%arg12 : memref<90x112xi32, #tpu.memory_space<vmem>>) dst(%dma_wait3A_22 : memref<90x112xi32, #tpu.memory_space<hbm>>)
      tpu.yield
    }) : () -> ()
    %add3A_6 = arith.constant 32 : i32
    %add3A_7 = arith.addi %add3A_6, %add3A : i32
    "tpu.region"() ({
      %run_scoped3A_8 = tpu.sem_alloc : memref<!tpu.dma_semaphore, #tpu.memory_space<semaphore_mem>>
      %dma_start3A = arith.constant 0 : i32
      %dma_start3A_9 = arith.constant 0 : i32
      %dma_start3A_10 = tpu.memref_slice %arg8[%add3A_7, %dma_start3A, %dma_start3A_9] : memref<64x90x112xi32, #tpu.memory_space<hbm>> -> memref<1x90x112xi32, #tpu.memory_space<hbm>>
      %dma_start3A_11 = tpu.memref_squeeze %dma_start3A_10 : memref<1x90x112xi32, #tpu.memory_space<hbm>> -> memref<90x112xi32, #tpu.memory_space<hbm>>
      %dma_start3A_12 = arith.constant 0 : i32
      %dma_start3A_13 = arith.constant 0 : i32
      %dma_start3A_14 = tpu.memref_slice %arg8[%add3A_7, %dma_start3A_12, %dma_start3A_13] : memref<64x90x112xi32, #tpu.memory_space<hbm>> -> memref<1x90x112xi32, #tpu.memory_space<hbm>>
      %dma_start3A_15 = tpu.memref_squeeze %dma_start3A_14 : memref<1x90x112xi32, #tpu.memory_space<hbm>> -> memref<90x112xi32, #tpu.memory_space<hbm>>
      tpu.enqueue_dma source(%arg13 : memref<90x112xi32, #tpu.memory_space<vmem>>) target(%dma_start3A_15 : memref<90x112xi32, #tpu.memory_space<hbm>>) target_semaphore(%run_scoped3A_8 : memref<!tpu.dma_semaphore, #tpu.memory_space<semaphore_mem>>)
      %dma_wait3A = arith.constant 0 : i32
      %dma_wait3A_16 = arith.constant 0 : i32
      %dma_wait3A_17 = tpu.memref_slice %arg8[%add3A_7, %dma_wait3A, %dma_wait3A_16] : memref<64x90x112xi32, #tpu.memory_space<hbm>> -> memref<1x90x112xi32, #tpu.memory_space<hbm>>
      %dma_wait3A_18 = tpu.memref_squeeze %dma_wait3A_17 : memref<1x90x112xi32, #tpu.memory_space<hbm>> -> memref<90x112xi32, #tpu.memory_space<hbm>>
      %dma_wait3A_19 = arith.constant 0 : i32
      %dma_wait3A_20 = arith.constant 0 : i32
      %dma_wait3A_21 = tpu.memref_slice %arg8[%add3A_7, %dma_wait3A_19, %dma_wait3A_20] : memref<64x90x112xi32, #tpu.memory_space<hbm>> -> memref<1x90x112xi32, #tpu.memory_space<hbm>>
      %dma_wait3A_22 = tpu.memref_squeeze %dma_wait3A_21 : memref<1x90x112xi32, #tpu.memory_space<hbm>> -> memref<90x112xi32, #tpu.memory_space<hbm>>
      tpu.wait_dma2 semaphore(%run_scoped3A_8 : memref<!tpu.dma_semaphore, #tpu.memory_space<semaphore_mem>>) src(%arg13 : memref<90x112xi32, #tpu.memory_space<vmem>>) dst(%dma_wait3A_22 : memref<90x112xi32, #tpu.memory_space<hbm>>)
      tpu.yield
    }) : () -> ()
    return
  }
}

module attributes {stable_mosaic.version = 14 : i64} {
  func.func @_dinv_body(%arg0: i32, %arg1: memref<2x10000xf32, #tpu.memory_space<vmem>>, %arg2: memref<1x10000xf32, #tpu.memory_space<vmem>>) attributes {dimension_semantics = [#tpu.dimension_semantics<arbitrary>], iteration_bounds = array<i64: 1>, scalar_prefetch = 0 : i64, scratch_operands = 0 : i64, tpu.core_type = #tpu.core_type<tc>, window_params = [{pipeline_mode = #tpu.pipeline_mode<synchronous>, transform_indices = @transform_0, window_bounds = array<i64: 2, 10000>}, {pipeline_mode = #tpu.pipeline_mode<synchronous>, transform_indices = @transform_1, window_bounds = array<i64: 1, 10000>}]} {
    %get3A = arith.constant 0 : index
    %get3A_0 = arith.constant 0 : index
    %get3A_1 = vector.load %arg1[%get3A, %get3A_0] : memref<2x10000xf32, #tpu.memory_space<vmem>>, vector<1x10000xf32>
    %get3A_2 = vector.shape_cast %get3A_1 : vector<1x10000xf32> to vector<10000xf32>
    %get3A_3 = arith.constant 1 : index
    %get3A_4 = arith.constant 0 : index
    %get3A_5 = vector.load %arg1[%get3A_3, %get3A_4] : memref<2x10000xf32, #tpu.memory_space<vmem>>, vector<1x10000xf32>
    %get3A_6 = vector.shape_cast %get3A_5 : vector<1x10000xf32> to vector<10000xf32>
    %add3A = arith.addf %get3A_2, %get3A_6 : vector<10000xf32>
    %jit3A = arith.constant 9.99999997E-7 : f32
    %max3A = vector.broadcast %jit3A : f32 to vector<10000xf32>
    %max3A_7 = arith.maximumf %max3A, %add3A : vector<10000xf32>
    %rsqrt3A = math.rsqrt %max3A_7 : vector<10000xf32>
    %reshape3A = vector.shape_cast %rsqrt3A : vector<10000xf32> to vector<1x10000xf32>
    %swap3A = arith.constant 0 : index
    %swap3A_8 = arith.constant 0 : index
    %swap3A_9 = vector.load %arg2[%swap3A, %swap3A_8] : memref<1x10000xf32, #tpu.memory_space<vmem>>, vector<1x10000xf32>
    tpu.vector_store %arg2[%swap3A, %swap3A_8], %reshape3A {strides = array<i32>} : memref<1x10000xf32, #tpu.memory_space<vmem>>, vector<1x10000xf32>,
    return
  }
  func.func @transform_0(%arg0: i32) -> (i32, i32) {
    %c0_i32 = arith.constant 0 : i32
    %c0_i32_0 = arith.constant 0 : i32
    %c0_i32_1 = arith.constant 0 : i32
    return %c0_i32, %c0_i32_0 : i32, i32
  }
  func.func @transform_1(%arg0: i32) -> (i32, i32) {
    %c0_i32 = arith.constant 0 : i32
    %c0_i32_0 = arith.constant 0 : i32
    %c0_i32_1 = arith.constant 0 : i32
    return %c0_i32, %c0_i32_0 : i32, i32
  }
}

module attributes {stable_mosaic.version = 14 : i64} {
  func.func @_mm_body(%arg0: i32, %arg1: i32, %arg2: memref<2000x128xf32, #tpu.memory_space<vmem>>, %arg3: memref<1x128x128xf32, #tpu.memory_space<vmem>>, %arg4: memref<2000x128xbf16, #tpu.memory_space<vmem>>) attributes {dimension_semantics = [#tpu.dimension_semantics<arbitrary>, #tpu.dimension_semantics<arbitrary>], iteration_bounds = array<i64: 2, 5>, scalar_prefetch = 0 : i64, scratch_operands = 0 : i64, tpu.core_type = #tpu.core_type<tc>, window_params = [{transform_indices = @transform_0, window_bounds = array<i64: 2000, 128>}, {transform_indices = @transform_1, window_bounds = array<i64: 1, 128, 128>}, {transform_indices = @transform_2, window_bounds = array<i64: 2000, 128>}]} {
    %get3A = arith.constant 0 : index
    %get3A_0 = arith.constant 0 : index
    %get3A_1 = vector.load %arg2[%get3A, %get3A_0] : memref<2000x128xf32, #tpu.memory_space<vmem>>, vector<2000x128xf32>
    %get3A_2 = arith.constant 0 : index
    %get3A_3 = arith.constant 0 : index
    %get3A_4 = arith.constant 0 : index
    %get3A_5 = vector.load %arg3[%get3A_2, %get3A_3, %get3A_4] : memref<1x128x128xf32, #tpu.memory_space<vmem>>, vector<1x128x128xf32>
    %get3A_6 = vector.shape_cast %get3A_5 : vector<1x128x128xf32> to vector<128x128xf32>
    %dot_general3A = arith.constant dense<0.000000e+00> : vector<2000x128xf32>
    %dot_general3A_7 = tpu.matmul %get3A_1, %get3A_6, %dot_general3A {dimension_numbers = #tpu.dot_dimension_numbers<[1], [0], [0], [1], [0, 0, 1, 1], [], []>, transpose_lhs_hint = false} : vector<2000x128xf32>, vector<128x128xf32>, vector<2000x128xf32> -> vector<2000x128xf32>
    %convert_element_type3A = arith.truncf %dot_general3A_7 : vector<2000x128xf32> to vector<2000x128xbf16>
    %swap3A = arith.constant 0 : index
    %swap3A_8 = arith.constant 0 : index
    %swap3A_9 = vector.load %arg4[%swap3A, %swap3A_8] : memref<2000x128xbf16, #tpu.memory_space<vmem>>, vector<2000x128xbf16>
    tpu.vector_store %arg4[%swap3A, %swap3A_8], %convert_element_type3A {strides = array<i32>} : memref<2000x128xbf16, #tpu.memory_space<vmem>>, vector<2000x128xbf16>,
    return
  }
  func.func @transform_0(%arg0: i32, %arg1: i32) -> (i32, i32) {
    %c0_i32 = arith.constant 0 : i32
    %c0_i32_0 = arith.constant 0 : i32
    return %arg1, %c0_i32 : i32, i32
  }
  func.func @transform_1(%arg0: i32, %arg1: i32) -> (i32, i32, i32) {
    %c0_i32 = arith.constant 0 : i32
    %c0_i32_0 = arith.constant 0 : i32
    %c0_i32_1 = arith.constant 0 : i32
    return %arg0, %c0_i32, %c0_i32_0 : i32, i32, i32
  }
  func.func @transform_2(%arg0: i32, %arg1: i32) -> (i32, i32) {
    %mul3A = arith.constant 5 : i32
    %mul3A_0 = arith.muli %arg0, %mul3A : i32
    %add3A = arith.addi %mul3A_0, %arg1 : i32
    %c0_i32 = arith.constant 0 : i32
    %c0_i32_1 = arith.constant 0 : i32
    return %add3A, %c0_i32 : i32, i32
  }
}

module attributes {stable_mosaic.version = 14 : i64} {
  func.func @_fin_body(%arg0: i32, %arg1: memref<2x2000x128xf32, #tpu.memory_space<vmem>>, %arg2: memref<2x2000x128xf32, #tpu.memory_space<vmem>>, %arg3: memref<128x128xf32, #tpu.memory_space<vmem>>, %arg4: memref<1x128xf32, #tpu.memory_space<vmem>>, %arg5: memref<2000x128xf32, #tpu.memory_space<vmem>>, %arg6: memref<2000x128xf32, #tpu.memory_space<vmem>>, %arg7: memref<1x128xf32, #tpu.memory_space<vmem>>, %arg8: memref<1x128xf32, #tpu.memory_space<vmem>>, %arg9: memref<2000x128xf32, #tpu.memory_space<vmem>>, %arg10: memref<2000x128xf32, #tpu.memory_space<vmem>>, %arg11: memref<1x128xf32, #tpu.memory_space<vmem>>, %arg12: memref<1x128xf32, #tpu.memory_space<vmem>>) attributes {dimension_semantics = [#tpu.dimension_semantics<arbitrary>], iteration_bounds = array<i64: 5>, scalar_prefetch = 0 : i64, scratch_operands = 2 : i64, tpu.core_type = #tpu.core_type<tc>, window_params = [{transform_indices = @transform_0, window_bounds = array<i64: 2, 2000, 128>}, {transform_indices = @transform_1, window_bounds = array<i64: 2, 2000, 128>}, {pipeline_mode = #tpu.pipeline_mode<synchronous>, transform_indices = @transform_2, window_bounds = array<i64: 128, 128>}, {pipeline_mode = #tpu.pipeline_mode<synchronous>, transform_indices = @transform_3, window_bounds = array<i64: 1, 128>}, {transform_indices = @transform_4, window_bounds = array<i64: 2000, 128>}, {transform_indices = @transform_5, window_bounds = array<i64: 2000, 128>}, {pipeline_mode = #tpu.pipeline_mode<synchronous>, transform_indices = @transform_6, window_bounds = array<i64: 1, 128>}, {pipeline_mode = #tpu.pipeline_mode<synchronous>, transform_indices = @transform_7, window_bounds = array<i64: 1, 128>}, {transform_indices = @transform_8, window_bounds = array<i64: 2000, 128>}, {transform_indices = @transform_9, window_bounds = array<i64: 2000, 128>}]} {
    %get3A = arith.constant 0 : index
    %get3A_0 = arith.constant 0 : index
    %get3A_1 = arith.constant 0 : index
    %get3A_2 = vector.load %arg1[%get3A, %get3A_0, %get3A_1] : memref<2x2000x128xf32, #tpu.memory_space<vmem>>, vector<2x2000x128xf32>
    %get3A_3 = arith.constant 0 : index
    %get3A_4 = arith.constant 0 : index
    %get3A_5 = arith.constant 0 : index
    %get3A_6 = vector.load %arg2[%get3A_3, %get3A_4, %get3A_5] : memref<2x2000x128xf32, #tpu.memory_space<vmem>>, vector<2x2000x128xf32>
    %slice3A = vector.extract_strided_slice %get3A_2 {offsets = [0, 0, 0], sizes = [1, 2000, 128], strides = [1, 1, 1]} : vector<2x2000x128xf32> to vector<1x2000x128xf32>
    %squeeze3A = vector.shape_cast %slice3A : vector<1x2000x128xf32> to vector<2000x128xf32>
    %max3A = arith.constant 0.000000e+00 : f32
    %max3A_7 = vector.broadcast %max3A : f32 to vector<2000x128xf32>
    %max3A_8 = arith.maximumf %squeeze3A, %max3A_7 : vector<2000x128xf32>
    %slice3A_9 = vector.extract_strided_slice %get3A_2 {offsets = [1, 0, 0], sizes = [1, 2000, 128], strides = [1, 1, 1]} : vector<2x2000x128xf32> to vector<1x2000x128xf32>
    %squeeze3A_10 = vector.shape_cast %slice3A_9 : vector<1x2000x128xf32> to vector<2000x128xf32>
    %max3A_11 = arith.constant 0.000000e+00 : f32
    %max3A_12 = vector.broadcast %max3A_11 : f32 to vector<2000x128xf32>
    %max3A_13 = arith.maximumf %squeeze3A_10, %max3A_12 : vector<2000x128xf32>
    %swap3A = arith.constant 0 : index
    %swap3A_14 = arith.constant 0 : index
    %swap3A_15 = vector.load %arg5[%swap3A, %swap3A_14] : memref<2000x128xf32, #tpu.memory_space<vmem>>, vector<2000x128xf32>
    tpu.vector_store %arg5[%swap3A, %swap3A_14], %max3A_8 {strides = array<i32>} : memref<2000x128xf32, #tpu.memory_space<vmem>>, vector<2000x128xf32>,
    %swap3A_16 = arith.constant 0 : index
    %swap3A_17 = arith.constant 0 : index
    %swap3A_18 = vector.load %arg6[%swap3A_16, %swap3A_17] : memref<2000x128xf32, #tpu.memory_space<vmem>>, vector<2000x128xf32>
    tpu.vector_store %arg6[%swap3A_16, %swap3A_17], %max3A_13 {strides = array<i32>} : memref<2000x128xf32, #tpu.memory_space<vmem>>, vector<2000x128xf32>,
    %slice3A_19 = vector.extract_strided_slice %get3A_6 {offsets = [0, 0, 0], sizes = [1, 2000, 128], strides = [1, 1, 1]} : vector<2x2000x128xf32> to vector<1x2000x128xf32>
    %squeeze3A_20 = vector.shape_cast %slice3A_19 : vector<1x2000x128xf32> to vector<2000x128xf32>
    %max3A_21 = arith.constant 0.000000e+00 : f32
    %max3A_22 = vector.broadcast %max3A_21 : f32 to vector<2000x128xf32>
    %max3A_23 = arith.maximumf %squeeze3A_20, %max3A_22 : vector<2000x128xf32>
    %swap3A_24 = arith.constant 0 : index
    %swap3A_25 = arith.constant 0 : index
    %swap3A_26 = vector.load %arg9[%swap3A_24, %swap3A_25] : memref<2000x128xf32, #tpu.memory_space<vmem>>, vector<2000x128xf32>
    tpu.vector_store %arg9[%swap3A_24, %swap3A_25], %max3A_23 {strides = array<i32>} : memref<2000x128xf32, #tpu.memory_space<vmem>>, vector<2000x128xf32>,
    %slice3A_27 = vector.extract_strided_slice %get3A_6 {offsets = [1, 0, 0], sizes = [1, 2000, 128], strides = [1, 1, 1]} : vector<2x2000x128xf32> to vector<1x2000x128xf32>
    %squeeze3A_28 = vector.shape_cast %slice3A_27 : vector<1x2000x128xf32> to vector<2000x128xf32>
    %max3A_29 = arith.constant 0.000000e+00 : f32
    %max3A_30 = vector.broadcast %max3A_29 : f32 to vector<2000x128xf32>
    %max3A_31 = arith.maximumf %squeeze3A_28, %max3A_30 : vector<2000x128xf32>
    %swap3A_32 = arith.constant 0 : index
    %swap3A_33 = arith.constant 0 : index
    %swap3A_34 = vector.load %arg10[%swap3A_32, %swap3A_33] : memref<2000x128xf32, #tpu.memory_space<vmem>>, vector<2000x128xf32>
    tpu.vector_store %arg10[%swap3A_32, %swap3A_33], %max3A_31 {strides = array<i32>} : memref<2000x128xf32, #tpu.memory_space<vmem>>, vector<2000x128xf32>,
    %eq3A = arith.constant 0 : i32
    %eq3A_35 = arith.cmpi eq, %arg0, %eq3A : i32
    %broadcast_in_dim3A = arith.constant 0.000000e+00 : f32
    %broadcast_in_dim3A_36 = vector.broadcast %broadcast_in_dim3A : f32 to vector<1x128xf32>
    %get3A_37 = arith.constant 0 : index
    %get3A_38 = arith.constant 0 : index
    %get3A_39 = vector.load %arg11[%get3A_37, %get3A_38] : memref<1x128xf32, #tpu.memory_space<vmem>>, vector<1x128xf32>
    %select_n3A = arith.select %eq3A_35, %broadcast_in_dim3A_36, %get3A_39 : vector<1x128xf32>
    %eq3A_40 = arith.constant 0 : i32
    %eq3A_41 = arith.cmpi eq, %arg0, %eq3A_40 : i32
    %broadcast_in_dim3A_42 = arith.constant 0.000000e+00 : f32
    %broadcast_in_dim3A_43 = vector.broadcast %broadcast_in_dim3A_42 : f32 to vector<1x128xf32>
    %get3A_44 = arith.constant 0 : index
    %get3A_45 = arith.constant 0 : index
    %get3A_46 = vector.load %arg12[%get3A_44, %get3A_45] : memref<1x128xf32, #tpu.memory_space<vmem>>, vector<1x128xf32>
    %select_n3A_47 = arith.select %eq3A_41, %broadcast_in_dim3A_43, %get3A_46 : vector<1x128xf32>
    %reduce_sum3A = arith.constant dense<0.000000e+00> : vector<128xf32>
    %reduce_sum3A_48 = vector.multi_reduction <add>, %max3A_8, %reduce_sum3A [0] : vector<2000x128xf32> to vector<128xf32>
    %broadcast_in_dim3A_49 = vector.shape_cast %reduce_sum3A_48 : vector<128xf32> to vector<1x128xf32>
    %add3A = arith.addf %select_n3A, %broadcast_in_dim3A_49 : vector<1x128xf32>
    %swap3A_50 = arith.constant 0 : index
    %swap3A_51 = arith.constant 0 : index
    %swap3A_52 = vector.load %arg11[%swap3A_50, %swap3A_51] : memref<1x128xf32, #tpu.memory_space<vmem>>, vector<1x128xf32>
    tpu.vector_store %arg11[%swap3A_50, %swap3A_51], %add3A {strides = array<i32>} : memref<1x128xf32, #tpu.memory_space<vmem>>, vector<1x128xf32>,
    %reduce_sum3A_53 = arith.constant dense<0.000000e+00> : vector<128xf32>
    %reduce_sum3A_54 = vector.multi_reduction <add>, %max3A_13, %reduce_sum3A_53 [0] : vector<2000x128xf32> to vector<128xf32>
    %broadcast_in_dim3A_55 = vector.shape_cast %reduce_sum3A_54 : vector<128xf32> to vector<1x128xf32>
    %add3A_56 = arith.addf %select_n3A_47, %broadcast_in_dim3A_55 : vector<1x128xf32>
    %swap3A_57 = arith.constant 0 : index
    %swap3A_58 = arith.constant 0 : index
    %swap3A_59 = vector.load %arg12[%swap3A_57, %swap3A_58] : memref<1x128xf32, #tpu.memory_space<vmem>>, vector<1x128xf32>
    tpu.vector_store %arg12[%swap3A_57, %swap3A_58], %add3A_56 {strides = array<i32>} : memref<1x128xf32, #tpu.memory_space<vmem>>, vector<1x128xf32>,
    %eq3A_60 = arith.constant 4 : i32
    %eq3A_61 = arith.cmpi eq, %arg0, %eq3A_60 : i32
    %convert_element_type3A = arith.extui %eq3A_61 : i1 to i32
    %cond3A = arith.constant 0 : i32
    %cond3A_62 = arith.cmpi ne, %convert_element_type3A, %cond3A : i32
    scf.if %cond3A_62 {
      %get3A_63 = arith.constant 0 : index
      %get3A_64 = arith.constant 0 : index
      %get3A_65 = vector.load %arg3[%get3A_63, %get3A_64] : memref<128x128xf32, #tpu.memory_space<vmem>>, vector<128x128xf32>
      %transpose3A = tpu.transpose %get3A_65, [1, 0] : vector<128x128xf32> -> vector<128x128xf32>
      %get3A_66 = arith.constant 0 : index
      %get3A_67 = arith.constant 0 : index
      %get3A_68 = vector.load %arg11[%get3A_66, %get3A_67] : memref<1x128xf32, #tpu.memory_space<vmem>>, vector<1x128xf32>
      %div3A = arith.constant 1.000000e+04 : f32
      %div3A_69 = vector.broadcast %div3A : f32 to vector<1x128xf32>
      %div3A_70 = arith.divf %get3A_68, %div3A_69 : vector<1x128xf32>
      %logistic3A = arith.negf %div3A_70 : vector<1x128xf32>
      %logistic3A_71 = math.exp %logistic3A : vector<1x128xf32>
      %logistic3A_72 = arith.constant 1.000000e+00 : f32
      %logistic3A_73 = vector.broadcast %logistic3A_72 : f32 to vector<1x128xf32>
      %logistic3A_74 = arith.addf %logistic3A_73, %logistic3A_71 : vector<1x128xf32>
      %logistic3A_75 = arith.divf %logistic3A_73, %logistic3A_74 : vector<1x128xf32>
      %dot_general3A = arith.constant dense<0.000000e+00> : vector<1x128xf32>
      %dot_general3A_76 = tpu.matmul %logistic3A_75, %transpose3A, %dot_general3A {dimension_numbers = #tpu.dot_dimension_numbers<[1], [0], [0], [1], [0, 0, 1, 1], [], []>, transpose_lhs_hint = false} : vector<1x128xf32>, vector<128x128xf32>, vector<1x128xf32> -> vector<1x128xf32>
      %get3A_77 = arith.constant 0 : index
      %get3A_78 = arith.constant 0 : index
      %get3A_79 = vector.load %arg4[%get3A_77, %get3A_78] : memref<1x128xf32, #tpu.memory_space<vmem>>, vector<1x128xf32>
      %add3A_80 = arith.addf %dot_general3A_76, %get3A_79 : vector<1x128xf32>
      %swap3A_81 = arith.constant 0 : index
      %swap3A_82 = arith.constant 0 : index
      %swap3A_83 = vector.load %arg7[%swap3A_81, %swap3A_82] : memref<1x128xf32, #tpu.memory_space<vmem>>, vector<1x128xf32>
      tpu.vector_store %arg7[%swap3A_81, %swap3A_82], %add3A_80 {strides = array<i32>} : memref<1x128xf32, #tpu.memory_space<vmem>>, vector<1x128xf32>,
      %get3A_84 = arith.constant 0 : index
      %get3A_85 = arith.constant 0 : index
      %get3A_86 = vector.load %arg12[%get3A_84, %get3A_85] : memref<1x128xf32, #tpu.memory_space<vmem>>, vector<1x128xf32>
      %div3A_87 = arith.constant 1.000000e+04 : f32
      %div3A_88 = vector.broadcast %div3A_87 : f32 to vector<1x128xf32>
      %div3A_89 = arith.divf %get3A_86, %div3A_88 : vector<1x128xf32>
      %logistic3A_90 = arith.negf %div3A_89 : vector<1x128xf32>
      %logistic3A_91 = math.exp %logistic3A_90 : vector<1x128xf32>
      %logistic3A_92 = arith.constant 1.000000e+00 : f32
      %logistic3A_93 = vector.broadcast %logistic3A_92 : f32 to vector<1x128xf32>
      %logistic3A_94 = arith.addf %logistic3A_93, %logistic3A_91 : vector<1x128xf32>
      %logistic3A_95 = arith.divf %logistic3A_93, %logistic3A_94 : vector<1x128xf32>
      %dot_general3A_96 = arith.constant dense<0.000000e+00> : vector<1x128xf32>
      %dot_general3A_97 = tpu.matmul %logistic3A_95, %transpose3A, %dot_general3A_96 {dimension_numbers = #tpu.dot_dimension_numbers<[1], [0], [0], [1], [0, 0, 1, 1], [], []>, transpose_lhs_hint = false} : vector<1x128xf32>, vector<128x128xf32>, vector<1x128xf32> -> vector<1x128xf32>
      %get3A_98 = arith.constant 0 : index
      %get3A_99 = arith.constant 0 : index
      %get3A_100 = vector.load %arg4[%get3A_98, %get3A_99] : memref<1x128xf32, #tpu.memory_space<vmem>>, vector<1x128xf32>
      %add3A_101 = arith.addf %dot_general3A_97, %get3A_100 : vector<1x128xf32>
      %swap3A_102 = arith.constant 0 : index
      %swap3A_103 = arith.constant 0 : index
      %swap3A_104 = vector.load %arg8[%swap3A_102, %swap3A_103] : memref<1x128xf32, #tpu.memory_space<vmem>>, vector<1x128xf32>
      tpu.vector_store %arg8[%swap3A_102, %swap3A_103], %add3A_101 {strides = array<i32>} : memref<1x128xf32, #tpu.memory_space<vmem>>, vector<1x128xf32>,
    } else {
    }
    return
  }
  func.func @transform_0(%arg0: i32) -> (i32, i32, i32) {
    %c0_i32 = arith.constant 0 : i32
    %c0_i32_0 = arith.constant 0 : i32
    %c0_i32_1 = arith.constant 0 : i32
    return %c0_i32, %arg0, %c0_i32_0 : i32, i32, i32
  }
  func.func @transform_1(%arg0: i32) -> (i32, i32, i32) {
    %c0_i32 = arith.constant 0 : i32
    %c0_i32_0 = arith.constant 0 : i32
    %c0_i32_1 = arith.constant 0 : i32
    return %c0_i32, %arg0, %c0_i32_0 : i32, i32, i32
  }
  func.func @transform_2(%arg0: i32) -> (i32, i32) {
    %c0_i32 = arith.constant 0 : i32
    %c0_i32_0 = arith.constant 0 : i32
    %c0_i32_1 = arith.constant 0 : i32
    return %c0_i32, %c0_i32_0 : i32, i32
  }
  func.func @transform_3(%arg0: i32) -> (i32, i32) {
    %c0_i32 = arith.constant 0 : i32
    %c0_i32_0 = arith.constant 0 : i32
    %c0_i32_1 = arith.constant 0 : i32
    return %c0_i32, %c0_i32_0 : i32, i32
  }
  func.func @transform_4(%arg0: i32) -> (i32, i32) {
    %c0_i32 = arith.constant 0 : i32
    %c0_i32_0 = arith.constant 0 : i32
    return %arg0, %c0_i32 : i32, i32
  }
  func.func @transform_5(%arg0: i32) -> (i32, i32) {
    %c0_i32 = arith.constant 0 : i32
    %c0_i32_0 = arith.constant 0 : i32
    return %arg0, %c0_i32 : i32, i32
  }
  func.func @transform_6(%arg0: i32) -> (i32, i32) {
    %c0_i32 = arith.constant 0 : i32
    %c0_i32_0 = arith.constant 0 : i32
    %c0_i32_1 = arith.constant 0 : i32
    return %c0_i32, %c0_i32_0 : i32, i32
  }
  func.func @transform_7(%arg0: i32) -> (i32, i32) {
    %c0_i32 = arith.constant 0 : i32
    %c0_i32_0 = arith.constant 0 : i32
    %c0_i32_1 = arith.constant 0 : i32
    return %c0_i32, %c0_i32_0 : i32, i32
  }
  func.func @transform_8(%arg0: i32) -> (i32, i32) {
    %c0_i32 = arith.constant 0 : i32
    %c0_i32_0 = arith.constant 0 : i32
    return %arg0, %c0_i32 : i32, i32
  }
  func.func @transform_9(%arg0: i32) -> (i32, i32) {
    %c0_i32 = arith.constant 0 : i32
    %c0_i32_0 = arith.constant 0 : i32
    return %arg0, %c0_i32 : i32, i32
  }
}

</mosaic_0001>

<sc_bundles>
// kernel: kernel.11.cloned.1.call-start
scs
__scs_entry_jumppad:
0x0: {  	(pc) =	sbr.rel $0x88, $3  }
0x1: {  	(tag) =	ssettag $0x0;
	lr =	simm.s32 $0x1  }
0x2: {  	[smem:$0x3F98] =	sst lr;
	_ =	strace $0xD0000000  }
0x3: {  	_ = 	snop  }
0x4: {  	_ = 	snop  }
0x5: {  	_ = 	snop  }
0x6: {  	_ = 	snop  }
0x7: {  	_ = 	snop  }
__scs_overlays_trampoline_lowered:
0x8: {  	[smem:$0x3FA7] =	sst s0  }
0x9: {  	[smem:$0x3FA8] =	sst s1  }
0xa: {  	[smem:$0x3FA9] =	sst s2  }
0xb: {  	[smem:$0x3FAA] =	sst s3  }
0xc: {  	[smem:$0x3FAB] =	sst s4  }
0xd: {  	[smem:$0x3FAC] =	sst s5  }
0xe: {  	[smem:$0x3FAD] =	sst s6  }
0xf: {  	[smem:$0x3FAE] =	sst s7  }
0x10: {  	[smem:$0x3FAF] =	sst s8  }
0x11: {  	[smem:$0x3FB0] =	sst s9;
	s0 =	simm.s32 @!p0 $0x0  }
0x12: {  	s1 =	sld [smem:$0x3F96];
	s0 =	simm.s32 @p0 $0x1  }
0x13: {  	[smem:$0x3FB1] =	sst s0;
	s0 =	simm.s32 @!p1 $0x0  }
0x14: {  	s2 =	sld [smem:$0x3F95];
	s0 =	simm.s32 @p1 $0x1  }
0x15: {  	[smem:$0x3FB2] =	sst s0;
	s0 =	simm.s32 @!p2 $0x0  }
0x16: {  	s3 =	sld [smem:$0x3FDB];
	s0 =	simm.s32 @p2 $0x1  }
0x17: {  	s4 =	simm.s32 $0x1BF5;
	[smem:$0x3FB4] =	sst s0  }
0x18: {  	s0 =	sld [smem:$0x3F97];
	_ =	swait.ge [sflag:s4], $0x0  }
0x19: {  	s7 =	sld [smem:$0x3F98]  }
0x1a: {  	s8 =	sadd.s32 $0xFFFFE003, lr  }
0x1b: {  	s9 =	sadd.s32 $0xFFFFFEF7, lr;
	s5 =	simm.s32 $0xFFFFFFFF;
	p2 =	slt.u32 s8, $0xFFFFF086  }
0x1c: {  	p1 =	slt.u32 s9, $0xF7A;
	s5 =	simm.s32 @!p2 $0x0  }
0x1d: {  	s5 =	simm.s32 @p1 $0x1;
	p0 =	seq.s32 s7, s2  }
0x1e: {  	s7 =	smul.u32 @!p0 $0xF7A, s2;
	p2 =	seq.s32 @!p0 s5, $0x0  }
0x1f: {  	s9 =	smul.u32 $0xF7A, s1;
	s8 =	simm.s32 @!p0 $0x1BF5;
	p2 =	por !p2, p0  }
0x20: {  	[sflag:s8] =	ssyncset.s32 @!p0 $0xFFFFF086;
	s6 =	sadd.s32 @!p0 s3, s7;
	s7 =	simm.s32 @!p0 $0x108  }
0x21: {  	s3 =	sadd.s32 s3, s9;
	s6 =	sadd.s32 @!p0 $0x88, s6;
	s7 =	simm.s32 @p2 $0x1082  }
0x22: {  	[simem:s7], [sflag:s8] =	dma.local @!p0 [hbm:s6], $0xF7A  }
0x23: {  	s9 =	sor.u32 $0xD0000000, s2;
	s6 =	simm.s32 $0x108;
	_ =	swait.ge @!p0 [sflag:s8], $0x0  }
0x24: {  	s3 =	sadd.s32 $0x88, s3;
	s6 =	simm.s32 @!p1 $0x1082;
	[sflag:s4] =	ssyncset.s32 $0xFFFFF086  }
0x25: {  	[simem:s6], [sflag:s4] =	dma.local [hbm:s3], $0xF7A  }
0x26: {  	[smem:$0x3F98] =	sst s1;
	(tag) =	ssettag s2;
	_ =	strace s9  }
0x27: {  	s1 =	sld [smem:$0x3FA8]  }
0x28: {  	s2 =	sld [smem:$0x3FA9]  }
0x29: {  	s4 =	sld [smem:$0x3FAB]  }
0x2a: {  	p0 =	seq.s32 s5, $0x0;
	s5 =	sld [smem:$0x3FAC]  }
0x2b: {  	s6 =	sld [smem:$0x3FAD]  }
0x2c: {  	s7 =	sld [smem:$0x3FAE]  }
0x2d: {  	s3 =	simm.s32 $0x108;
	s8 =	sld [smem:$0x3FAF]  }
0x2e: {  	s3 =	simm.s32 @!p0 $0x1082;
	s9 =	sld [smem:$0x3FB0]  }
0x2f: {  	lr =	sadd.s32 s0, s3;
	s0 =	sld [smem:$0x3FA7]  }
0x30: {  	s3 =	sld [smem:$0x3FAA]  }
0x31: {  	[smem:$0x3FB3] =	sst s10  }
0x32: {  	s10 =	sld [smem:$0x3FB1];
	_ =	sdelay $0x3  }
0x33: {  	p0 =	seq.s32 s10, $0x1;
	s10 =	sld [smem:$0x3FB3];
	_ =	sdelay $0x3  }
0x34: {  	[smem:$0x3FB3] =	sst s10  }
0x35: {  	s10 =	sld [smem:$0x3FB2];
	_ =	sdelay $0x3  }
0x36: {  	p1 =	seq.s32 s10, $0x1;
	s10 =	sld [smem:$0x3FB3];
	_ =	sdelay $0x3  }
0x37: {  	[smem:$0x3FB3] =	sst s10  }
0x38: {  	s10 =	sld [smem:$0x3FB4]  }
0x39: {  	_ = 	snop;
	(pc) =	sbr.ind lr, $3  }
0x3a: {  	_ = 	snop  }
0x3b: {  	_ = 	snop  }
0x3c: {  	p2 =	seq.s32 s10, $0x1;
	s10 =	sld [smem:$0x3FB3]  }
0x3d: {  	_ =	shalt  }
0x3e: {  	_ =	shalt  }
0x3f: {  	_ =	shalt  }
0x40: {  	_ =	shalt  }
0x41: {  	_ =	shalt  }
0x42: {  	_ =	shalt  }
0x43: {  	_ =	shalt  }
0x44: {  	_ =	shalt  }
0x45: {  	_ =	shalt  }
0x46: {  	_ =	shalt  }
0x47: {  	_ =	shalt  }
0x48: {  	_ =	shalt  }
0x49: {  	_ =	shalt  }
0x4a: {  	_ =	shalt  }
0x4b: {  	_ =	shalt  }
0x4c: {  	_ =	shalt  }
0x4d: {  	_ =	shalt  }
0x4e: {  	_ =	shalt  }
0x4f: {  	_ =	shalt  }
0x50: {  	_ =	shalt  }
0x51: {  	_ =	shalt  }
0x52: {  	_ =	shalt  }
0x53: {  	_ =	shalt  }
0x54: {  	_ =	shalt  }
0x55: {  	_ =	shalt  }
0x56: {  	_ =	shalt  }
0x57: {  	_ =	shalt  }
0x58: {  	_ =	shalt  }
0x59: {  	_ =	shalt  }
0x5a: {  	_ =	shalt  }
0x5b: {  	_ =	shalt  }
0x5c: {  	_ =	shalt  }
0x5d: {  	_ =	shalt  }
0x5e: {  	_ =	shalt  }
0x5f: {  	_ =	shalt  }
0x60: {  	_ =	shalt  }
0x61: {  	_ =	shalt  }
0x62: {  	_ =	shalt  }
0x63: {  	_ =	shalt  }
0x64: {  	_ =	shalt  }
0x65: {  	_ =	shalt  }
0x66: {  	_ =	shalt  }
0x67: {  	_ =	shalt  }
0x68: {  	_ =	shalt  }
0x69: {  	_ =	shalt  }
0x6a: {  	_ =	shalt  }
0x6b: {  	_ =	shalt  }
0x6c: {  	_ =	shalt  }
0x6d: {  	_ =	shalt  }
0x6e: {  	_ =	shalt  }
0x6f: {  	_ =	shalt  }
0x70: {  	_ =	shalt  }
0x71: {  	_ =	shalt  }
0x72: {  	_ =	shalt  }
0x73: {  	_ =	shalt  }
0x74: {  	_ =	shalt  }
0x75: {  	_ =	shalt  }
0x76: {  	_ =	shalt  }
0x77: {  	_ =	shalt  }
0x78: {  	_ =	shalt  }
0x79: {  	_ =	shalt  }
0x7a: {  	_ =	shalt  }
0x7b: {  	_ =	shalt  }
0x7c: {  	_ =	shalt  }
0x7d: {  	_ =	shalt  }
0x7e: {  	_ =	shalt  }
0x7f: {  	_ =	shalt  }
0x80: {  	_ =	shalt  }
0x81: {  	_ =	shalt  }
0x82: {  	_ =	shalt  }
0x83: {  	_ =	shalt  }
0x84: {  	_ =	shalt  }
0x85: {  	_ =	shalt  }
0x86: {  	_ =	shalt  }
0x87: {  	_ =	shalt  }
.Lfunc_end0:
.L_simem_size_0:
called_computation.1_lowered:
.L_overlay_start_0:
0x88: {  	s2 =	sld [smem:$0x3FD9]  }
0x89: {  	s3 =	sld [smem:$0x3FFE];
	_ =	sdelay $0x1  }
0x8a: {  	s1 =	srdreg.scid  }
0x8b: {  	s0 =	sand.u32 $0x1, s1  }
0x8c: {  	s14 =	sshll.u32 s0, $0xA;
	s2 =	sadd.s32 s3, s2  }
0x8d: {  	s2 =	sadd.s32 s2, s14  }
0x8e: {  	[smem:$0x3FBF] =	sst s2  }
0x8f: {  	_ = 	snop  }
0x90: {  	s2 =	sld [smem:$0x3FD0];
	_ =	sdelay $0x2  }
0x91: {  	s15 =	simm.s32 $0xA;
	s4 =	simm.s32 $0x10  }
0x92: {  	[smem:s4], [sflag:s15] =	dma.local [hbm:s2], $0x1  }
0x93: {  	_ =	swait.eq [sflag:s15], $0x1  }
0x94: {  	s16 =	sld [smem:$0x10];
	[sflag:s15] =	ssyncset.done $0x0  }
0x95: {  	s17 =	sld [smem:$0x11];
	[sflag:s15] =	ssyncadd.s32 $0xFFFFFFFF  }
0x96: {  	s18 =	sld [smem:$0x14];
	(tm) =	ssettm $0x1  }
0x97: {  	s5 =	sld [smem:$0x3FFB];
	_ =	sdelay $0x3  }
0x98: {  	_ =	strace s5  }
0x99: {  	s5 =	sld [smem:$0x3FFC];
	_ =	sdelay $0x3  }
0x9a: {  	_ =	strace s5  }
0x9b: {  	s5 =	sld [smem:$0x3FFD];
	_ =	sdelay $0x3  }
0x9c: {  	_ =	strace s5  }
0x9d: {  	_ =	strace $0x8FFFFFFF  }
0x9e: {  	s19 =	sld [smem:$0x3FDB];
	_ =	sdelay $0x1  }
0x9f: {  	s6 =	simm.s32 $_scs_section_size  }
0xa0: {  	s7 =	simm.s32 $_size__tile_overlayer_lowered;
	s8 =	simm.s32 $_tile_overlayer_lowered  }
0xa1: {  	s22 =	simm.s32 $0x1BFF;
	s21 =	sshll.u32 s8, $0x1;
	s5 =	sadd.s32 s6, s19  }
0xa2: {  	s9 =	simm.s32 $0x0;
	s20 =	sshll.u32 s7, $0x1;
	s7 =	sadd.s32 s21, s5  }
0xa3: {  	[timem:s9], [sflag:s22] =	dma.local [hbm:s7], s20  }
0xa4: {  	_ =	swait.ge [sflag:s22], s20  }
0xa5: {  	s6 =	ssub.s32 $0x0, s20;
	[sflag:s22] =	ssyncset.done $0x0  }
0xa6: {  	[sflag:s22] =	ssyncadd.s32 s6;
	_ =	sdelay $0x1  }
0xa7: {  	s23 =	simm.s32 $0x1B8B  }
0xa8: {  	_ =	swait.ge [sflag:s23], $0x1  }
0xa9: {  	[sflag:s23] =	ssyncset.done $0x0  }
0xaa: {  	s25 =	simm.s32 $0x1B8E;
	s24 =	sld [smem:$0x3FFE];
	[sflag:s23] =	ssyncadd.s32 $0xFFFFFFFF  }
0xab: {  	s26 =	simm.s32 $execute0_lowered;
	[smem:$0x3FD2] =	sst s25  }
0xac: {  	s7 =	sshll.u32 s26, $0x1;
	_ =	strace $0x80000049;
	[dreg:$0x1] =	wrdreg $0xFFFFFFFF  }
0xad: {  	s28 =	simm.s32 $_size_execute0_lowered;
	s5 =	sadd.s32 s5, s7;
	[dreg:$0x0] =	wrdreg $0x0  }
0xae: {  	s7 =	sshll.u32 s28, $0x1;
	[dreg:$0x2] =	wrdreg s5  }
0xaf: {  	[dreg:$0x3] =	wrdreg s7  }
0xb0: {  	[dreg:$0x4] =	wrdreg $0xC0  }
0xb1: {  	_ =	task [dreg:s9], $0x5FFFF  }
0xb2: {  	[dreg:$0x1] =	wrdreg $0xFFFFFFFF  }
0xb3: {  	[dreg:$0x0] =	wrdreg $0x60  }
0xb4: {  	[dreg:$0x2] =	wrdreg s24  }
0xb5: {  	[dreg:$0x3] =	wrdreg s16  }
0xb6: {  	[dreg:$0x4] =	wrdreg s18  }
0xb7: {  	[dreg:$0x5] =	wrdreg s17  }
0xb8: {  	[dreg:$0x6] =	wrdreg $0x9  }
0xb9: {  	_ =	task.clear_ibuf [dreg:s9], $0x7FFFF;
	_ =	strace $0x90000049  }
0xba: {  	s29 =	simm.s32 $0x9;
	_ =	strace $0x8000004B  }
0xbb: {  	_ =	swait.ge [sflag:s29], $0x1  }
0xbc: {  	[sflag:s29] =	ssyncadd.s32 $0xFFFFFFFF  }
0xbd: {  	_ =	strace $0x9000004B  }
0xbe: {  	_ =	sfence  }
0xbf: {  	s30 =	sld [smem:$0x0];
	_ =	sdelay $0x2  }
0xc0: {  	s31 =	sshll.u32 s1, $0xD;
	s1 =	sshrl.u32 s1, $0x2  }
0xc1: {  	s3 =	sand.u32 $0x4000, s31;
	s1 =	sadd.s32 s1, s30  }
0xc2: {  	s0 =	sor.u32 s3, s0;
	s1 =	sshll.u32 s1, $0x11  }
0xc3: {  	s0 =	sor.u32 s1, s0  }
0xc4: {  	s0 =	sadd.s32 $0x8F2B, s0  }
0xc5: {  	[sflag:s0] =	ssyncadd.remote.s32 $0x1  }
0xc6: {  	_ =	sfence.sel $0xFFFF  }
0xc7: {  	[dreg:$0x0] =	wrdreg $0xFFFFFFFF;
	(pc) =	sbr.abs _section_cstart, $3  }
0xc8: {  	[dreg:$0x1] =	wrdreg $0xFFFFFFFF  }
0xc9: {  	_ =	task.clear_ibuf [dreg:s9], $0x2FFFF;
	_ =	strace $0x9FFFFFFF  }
0xca: {  	(tm) =	ssettm $0x7FFFFFFF  }
0xcb: {  	_ =	shalt  }
tec
execute0_lowered:
.L_overlay_start_1:
0x0: {  	(tag) =	ssettag $0x1  }
0x1: {  	s8 =	rddreg [dreg:$0x0]  }
0x2: {  	s6 =	rddreg [dreg:$0x1]  }
0x3: {  	s7 =	rddreg [dreg:$0x2];
	s1 =	srdreg.scid  }
0x4: {  	s0 =	stileid.u32;
	s10 =	rddreg [dreg:$0x3];
	s2 =	simm.s32 $0x0  }
0x5: {  	s15 =	simm.s32 $0x4EC0;
	s16 =	simm.s32 $0xC4E0;
	s17 =	simm.s32 $0xEBF0  }
0x6: {  	s18 =	simm.s32 $0x11300;
	s19 =	simm.s32 $0x7620;
	s20 =	simm.s32 $0x9D80  }
0x7: {  	s4 =	sand.u32 $0x1, s1;
	s3 =	sshll.u32 s0, $0x1;
	s1 =	rddreg [dreg:$0x4]  }
0x8: {  	s21 =	simm.s32 $0x0;
	[smem:$0x7FF] =	sst s2;
	s5 =	sor.u32 s4, s3  }
0x9: {  	_ =	strace $0x8000004A;
	s9 =	ssub.s32 $0x2, s4;
	s11 =	smul.u32 $0x4EC, s5  }
0xa: {  	s3 =	sadd.s32 $0xC400, s8;
	s13 =	sshrl.u32 s9, $0x1;
	s14 =	smul.u32 $0x2760, s5  }
0xb: {  	s4 =	sadd.s32 $0xBA00, s8;
	s13 =	ssub.s32 s9, s13;
	s12 =	sadd.s32 s11, s8  }
0xc: {  	s6 =	sadd.s32 s6, s11;
	s7 =	sadd.s32 s7, s11;
	s14 =	sshrl.u32 s14, $0x3  }
0xd: {  	s8 =	sadd.s32 $0xBEE2, s8;
	s5 =	sadd.s32 $0x1C00, s12;
	s9 =	sadd.s32 $0xCA00, s12  }
0xe: {  	s31 =	sadd.s32 s10, s14;
	s10 =	sadd.s32 s10, s11;
	s12 =	smax.u32 s13, $0x1  }
0xf: {  	s13 =	simm.s32 $0x1;
	s14 =	simm.s32 $0x2760;
	s11 =	sadd.s32 $0x9D80, s31  }
.LBB2_1:
0x10: {  	[tilespmem:s2], [sflag:$0x1] =	stream.linear.gather [hbm4b:s5+s2], $0x2760, $0x38;
	[tilespmem:$0x13A10] =	vst v63  }
0x11: {  	_ =	swait.ge [sflag:s13], $0x2760  }
0x12: {  	[sflag:s13] =	ssyncset.done $0x0  }
0x13: {  	[sflag:s13] =	ssyncadd.s32 $0xFFFFD8A0  }
0x14: {  	[tilespmem:s14], [sflag:$0x1] =	stream.linear.gather [hbm4b:s6+s2], $0x2760, $0x38;
	[tilespmem:$0x13A10] =	vst v63  }
0x15: {  	_ =	swait.ge [sflag:s13], $0x2760  }
0x16: {  	[sflag:s13] =	ssyncset.done $0x0  }
0x17: {  	[sflag:s13] =	ssyncadd.s32 $0xFFFFD8A0  }
0x18: {  	[tilespmem:s15], [sflag:$0x1] =	stream.linear.gather [hbm4b:s7+s2], $0x2760, $0x38;
	[tilespmem:$0x13A10] =	vst v63  }
0x19: {  	_ =	swait.ge [sflag:s13], $0x2760  }
0x1a: {  	[sflag:s13] =	ssyncset.done $0x0  }
0x1b: {  	[sflag:s13] =	ssyncadd.s32 $0xFFFFD8A0  }
0x1c: {  	[tilespmem:s16], [sflag:$0x1] =	stream.linear.gather [hbm4b:s3+s2], $0x2710, $0x38;
	[tilespmem:$0x13A10] =	vst v63  }
0x1d: {  	_ =	swait.ge [sflag:s13], $0x2710  }
0x1e: {  	[sflag:s13] =	ssyncset.done $0x0  }
0x1f: {  	[sflag:s13] =	ssyncadd.s32 $0xFFFFD8F0  }
0x20: {  	[tilespmem:s17], [sflag:$0x1] =	stream.linear.gather [hbm4b:s4+s2], $0x2710, $0x38;
	[tilespmem:$0x13A10] =	vst v63  }
0x21: {  	_ =	swait.ge [sflag:s13], $0x2710  }
0x22: {  	[sflag:s13] =	ssyncset.done $0x0  }
0x23: {  	[sflag:s13] =	ssyncadd.s32 $0xFFFFD8F0  }
0x24: {  	[tilespmem:s18], [sflag:$0x1] =	stream.linear.gather [hbm4b:s8+s2], $0x2710, $0x38;
	[tilespmem:$0x13A10] =	vst v63  }
0x25: {  	_ =	swait.ge [sflag:s13], $0x2710  }
0x26: {  	[sflag:s13] =	ssyncset.done $0x0  }
0x27: {  	s22 =	simm.s32 $0x0;
	[sflag:s13] =	ssyncadd.s32 $0xFFFFD8F0  }
0x28: {  	v0 =	vld [tilespmem:s22+$0x0];
	_ =	sdelay $0x1  }
0x29: {  	v1 =	vld [tilespmem:s22+$0x2760];
	_ =	sdelay $0x4  }
0x2a: {  	v3 =	vld [tilespmem:s22+$0x4EC0]  }
0x2b: {  	v2 =	vld.idx.msk [tilespmem:v0+s16+$0x0], $0xffff;
	_ =	sdelay $0x1  }
0x2c: {  	v1 =	vld.idx.msk [tilespmem:v1+s16+$0x0], $0xffff;
	_ =	sdelay $0x2  }
0x2d: {  	v2 =	vmul.f32 v2, v3;
	_ =	sdelay $0x1  }
0x2e: {  	v1 =	vmul.f32 v1, v2;
	_ =	sdelay $0x1  }
0x2f: {  	[tilespmem:s22+$0x4EC0] =	vst v1  }
0x30: {  	v1 =	vld.idx.msk [tilespmem:v0+s17+$0x0], $0xffff;
	_ =	sdelay $0x4  }
0x31: {  	[tilespmem:s22+$0x7620] =	vst v1;
	v1 =	vld [tilespmem:s22+$0x10]  }
0x32: {  	v2 =	vld [tilespmem:s22+$0x2770]  }
0x33: {  	v0 =	vld.idx.msk [tilespmem:v0+s18+$0x0], $0xffff;
	_ =	sdelay $0x4  }
0x34: {  	v3 =	vld [tilespmem:s22+$0x4ED0];
	[tilespmem:s22+$0x9D80] =	vst v0  }
0x35: {  	v0 =	vld.idx.msk [tilespmem:v1+s16+$0x0], $0xffff;
	_ =	sdelay $0x1  }
0x36: {  	v2 =	vld.idx.msk [tilespmem:v2+s16+$0x0], $0xffff;
	_ =	sdelay $0x2  }
0x37: {  	v0 =	vmul.f32 v0, v3;
	_ =	sdelay $0x1  }
0x38: {  	v0 =	vmul.f32 v2, v0;
	_ =	sdelay $0x1  }
0x39: {  	[tilespmem:s22+$0x4ED0] =	vst v0  }
0x3a: {  	v0 =	vld.idx.msk [tilespmem:v1+s17+$0x0], $0xffff;
	_ =	sdelay $0x4  }
0x3b: {  	[tilespmem:s22+$0x7630] =	vst v0;
	v0 =	vld [tilespmem:s22+$0x20]  }
0x3c: {  	v2 =	vld [tilespmem:s22+$0x2780]  }
0x3d: {  	v1 =	vld.idx.msk [tilespmem:v1+s18+$0x0], $0xffff;
	_ =	sdelay $0x4  }
0x3e: {  	v3 =	vld [tilespmem:s22+$0x4EE0];
	[tilespmem:s22+$0x9D90] =	vst v1  }
0x3f: {  	v1 =	vld.idx.msk [tilespmem:v0+s16+$0x0], $0xffff;
	_ =	sdelay $0x1  }
0x40: {  	v2 =	vld.idx.msk [tilespmem:v2+s16+$0x0], $0xffff;
	_ =	sdelay $0x2  }
0x41: {  	v1 =	vmul.f32 v1, v3;
	_ =	sdelay $0x1  }
0x42: {  	v1 =	vmul.f32 v2, v1;
	_ =	sdelay $0x1  }
0x43: {  	[tilespmem:s22+$0x4EE0] =	vst v1  }
0x44: {  	v1 =	vld.idx.msk [tilespmem:v0+s17+$0x0], $0xffff;
	_ =	sdelay $0x4  }
0x45: {  	[tilespmem:s22+$0x7640] =	vst v1;
	v1 =	vld [tilespmem:s22+$0x30]  }
0x46: {  	v2 =	vld [tilespmem:s22+$0x2790]  }
0x47: {  	v0 =	vld.idx.msk [tilespmem:v0+s18+$0x0], $0xffff;
	_ =	sdelay $0x4  }
0x48: {  	v3 =	vld [tilespmem:s22+$0x4EF0];
	[tilespmem:s22+$0x9DA0] =	vst v0  }
0x49: {  	v0 =	vld.idx.msk [tilespmem:v1+s16+$0x0], $0xffff;
	_ =	sdelay $0x1  }
0x4a: {  	v2 =	vld.idx.msk [tilespmem:v2+s16+$0x0], $0xffff;
	_ =	sdelay $0x2  }
0x4b: {  	v0 =	vmul.f32 v0, v3;
	_ =	sdelay $0x1  }
0x4c: {  	v0 =	vmul.f32 v2, v0;
	_ =	sdelay $0x1  }
0x4d: {  	[tilespmem:s22+$0x4EF0] =	vst v0  }
0x4e: {  	v0 =	vld.idx.msk [tilespmem:v1+s17+$0x0], $0xffff;
	_ =	sdelay $0x4  }
0x4f: {  	[tilespmem:s22+$0x7650] =	vst v0;
	v0 =	vld [tilespmem:s22+$0x40]  }
0x50: {  	v2 =	vld [tilespmem:s22+$0x27A0]  }
0x51: {  	v1 =	vld.idx.msk [tilespmem:v1+s18+$0x0], $0xffff;
	_ =	sdelay $0x4  }
0x52: {  	v3 =	vld [tilespmem:s22+$0x4F00];
	[tilespmem:s22+$0x9DB0] =	vst v1  }
0x53: {  	v1 =	vld.idx.msk [tilespmem:v0+s16+$0x0], $0xffff;
	_ =	sdelay $0x1  }
0x54: {  	v2 =	vld.idx.msk [tilespmem:v2+s16+$0x0], $0xffff;
	_ =	sdelay $0x2  }
0x55: {  	v1 =	vmul.f32 v1, v3;
	_ =	sdelay $0x1  }
0x56: {  	v1 =	vmul.f32 v2, v1;
	_ =	sdelay $0x1  }
0x57: {  	[tilespmem:s22+$0x4F00] =	vst v1  }
0x58: {  	v1 =	vld.idx.msk [tilespmem:v0+s17+$0x0], $0xffff;
	_ =	sdelay $0x4  }
0x59: {  	[tilespmem:s22+$0x7660] =	vst v1;
	v1 =	vld [tilespmem:s22+$0x50]  }
0x5a: {  	v2 =	vld [tilespmem:s22+$0x27B0]  }
0x5b: {  	v0 =	vld.idx.msk [tilespmem:v0+s18+$0x0], $0xffff;
	_ =	sdelay $0x4  }
0x5c: {  	v3 =	vld [tilespmem:s22+$0x4F10];
	[tilespmem:s22+$0x9DC0] =	vst v0  }
0x5d: {  	v0 =	vld.idx.msk [tilespmem:v1+s16+$0x0], $0xffff;
	_ =	sdelay $0x1  }
0x5e: {  	v2 =	vld.idx.msk [tilespmem:v2+s16+$0x0], $0xffff;
	_ =	sdelay $0x2  }
0x5f: {  	v0 =	vmul.f32 v0, v3;
	_ =	sdelay $0x1  }
0x60: {  	v0 =	vmul.f32 v2, v0;
	_ =	sdelay $0x1  }
0x61: {  	[tilespmem:s22+$0x4F10] =	vst v0  }
0x62: {  	v0 =	vld.idx.msk [tilespmem:v1+s17+$0x0], $0xffff;
	_ =	sdelay $0x4  }
0x63: {  	[tilespmem:s22+$0x7670] =	vst v0;
	v0 =	vld [tilespmem:s22+$0x60]  }
0x64: {  	v2 =	vld [tilespmem:s22+$0x27C0]  }
0x65: {  	v1 =	vld.idx.msk [tilespmem:v1+s18+$0x0], $0xffff;
	_ =	sdelay $0x4  }
0x66: {  	v3 =	vld [tilespmem:s22+$0x4F20];
	[tilespmem:s22+$0x9DD0] =	vst v1  }
0x67: {  	v1 =	vld.idx.msk [tilespmem:v0+s16+$0x0], $0xffff;
	_ =	sdelay $0x1  }
0x68: {  	v2 =	vld.idx.msk [tilespmem:v2+s16+$0x0], $0xffff;
	_ =	sdelay $0x2  }
0x69: {  	v1 =	vmul.f32 v1, v3;
	_ =	sdelay $0x1  }
0x6a: {  	v1 =	vmul.f32 v2, v1;
	_ =	sdelay $0x1  }
0x6b: {  	[tilespmem:s22+$0x4F20] =	vst v1  }
0x6c: {  	v1 =	vld.idx.msk [tilespmem:v0+s17+$0x0], $0xffff;
	_ =	sdelay $0x3  }
0x6d: {  	s24 =	simm.s32 $0x70;
	s23 =	simm.s32 $0x380  }
.LBB2_2:
0x6e: {  	p0 =	sne.s32 s23, $0x9BC0;
	v2 =	vld [tilespmem:s24+$0x0];
	[tilespmem:s22+$0x7680] =	vst v1  }
0x6f: {  	v0 =	vld.idx.msk [tilespmem:v0+s18+$0x0], $0xffff  }
0x70: {  	v1 =	vld [tilespmem:s24+$0x2760];
	_ =	sdelay $0x4  }
0x71: {  	[tilespmem:s22+$0x9DE0] =	vst v0;
	s22 =	smov.u32 s24  }
0x72: {  	v0 =	vld.idx.msk [tilespmem:v2+s16+$0x0], $0xffff  }
0x73: {  	v3 =	vld [tilespmem:s22+$0x4EC0]  }
0x74: {  	v1 =	vld.idx.msk [tilespmem:v1+s16+$0x0], $0xffff;
	_ =	sdelay $0x3  }
0x75: {  	v0 =	vmul.f32 v0, v3;
	_ =	sdelay $0x1  }
0x76: {  	v0 =	vmul.f32 v1, v0;
	_ =	sdelay $0x1  }
0x77: {  	[tilespmem:s22+$0x4EC0] =	vst v0  }
0x78: {  	v0 =	vld.idx.msk [tilespmem:v2+s17+$0x0], $0xffff;
	_ =	sdelay $0x5  }
0x79: {  	[tilespmem:s22+$0x7620] =	vst v0;
	v0 =	vld [tilespmem:s22+$0x10]  }
0x7a: {  	v1 =	vld.idx.msk [tilespmem:v2+s18+$0x0], $0xffff  }
0x7b: {  	v2 =	vld [tilespmem:s22+$0x2770];
	_ =	sdelay $0x4  }
0x7c: {  	[tilespmem:s22+$0x9D80] =	vst v1  }
0x7d: {  	v1 =	vld.idx.msk [tilespmem:v0+s16+$0x0], $0xffff  }
0x7e: {  	v3 =	vld [tilespmem:s22+$0x4ED0]  }
0x7f: {  	v2 =	vld.idx.msk [tilespmem:v2+s16+$0x0], $0xffff;
	_ =	sdelay $0x3  }
0x80: {  	v1 =	vmul.f32 v1, v3;
	_ =	sdelay $0x1  }
0x81: {  	v1 =	vmul.f32 v2, v1;
	_ =	sdelay $0x1  }
0x82: {  	[tilespmem:s22+$0x4ED0] =	vst v1  }
0x83: {  	v1 =	vld.idx.msk [tilespmem:v0+s17+$0x0], $0xffff;
	_ =	sdelay $0x5  }
0x84: {  	[tilespmem:s22+$0x7630] =	vst v1;
	v1 =	vld [tilespmem:s22+$0x20]  }
0x85: {  	v0 =	vld.idx.msk [tilespmem:v0+s18+$0x0], $0xffff  }
0x86: {  	v2 =	vld [tilespmem:s22+$0x2780];
	_ =	sdelay $0x4  }
0x87: {  	[tilespmem:s22+$0x9D90] =	vst v0  }
0x88: {  	v0 =	vld.idx.msk [tilespmem:v1+s16+$0x0], $0xffff  }
0x89: {  	v3 =	vld [tilespmem:s22+$0x4EE0]  }
0x8a: {  	v2 =	vld.idx.msk [tilespmem:v2+s16+$0x0], $0xffff;
	_ =	sdelay $0x3  }
0x8b: {  	v0 =	vmul.f32 v0, v3;
	_ =	sdelay $0x1  }
0x8c: {  	v0 =	vmul.f32 v2, v0;
	_ =	sdelay $0x1  }
0x8d: {  	[tilespmem:s22+$0x4EE0] =	vst v0  }
0x8e: {  	v0 =	vld.idx.msk [tilespmem:v1+s17+$0x0], $0xffff;
	_ =	sdelay $0x5  }
0x8f: {  	[tilespmem:s22+$0x7640] =	vst v0;
	v0 =	vld [tilespmem:s22+$0x30]  }
0x90: {  	v1 =	vld.idx.msk [tilespmem:v1+s18+$0x0], $0xffff  }
0x91: {  	v2 =	vld [tilespmem:s22+$0x2790];
	_ =	sdelay $0x4  }
0x92: {  	[tilespmem:s22+$0x9DA0] =	vst v1  }
0x93: {  	v1 =	vld.idx.msk [tilespmem:v0+s16+$0x0], $0xffff  }
0x94: {  	v3 =	vld [tilespmem:s22+$0x4EF0]  }
0x95: {  	v2 =	vld.idx.msk [tilespmem:v2+s16+$0x0], $0xffff;
	_ =	sdelay $0x3  }
0x96: {  	v1 =	vmul.f32 v1, v3;
	_ =	sdelay $0x1  }
0x97: {  	v1 =	vmul.f32 v2, v1;
	_ =	sdelay $0x1  }
0x98: {  	[tilespmem:s22+$0x4EF0] =	vst v1  }
0x99: {  	v1 =	vld.idx.msk [tilespmem:v0+s17+$0x0], $0xffff;
	_ =	sdelay $0x5  }
0x9a: {  	[tilespmem:s22+$0x7650] =	vst v1;
	v1 =	vld [tilespmem:s22+$0x40]  }
0x9b: {  	v0 =	vld.idx.msk [tilespmem:v0+s18+$0x0], $0xffff  }
0x9c: {  	v2 =	vld [tilespmem:s22+$0x27A0];
	_ =	sdelay $0x4  }
0x9d: {  	[tilespmem:s22+$0x9DB0] =	vst v0  }
0x9e: {  	v0 =	vld.idx.msk [tilespmem:v1+s16+$0x0], $0xffff  }
0x9f: {  	v3 =	vld [tilespmem:s22+$0x4F00]  }
0xa0: {  	v2 =	vld.idx.msk [tilespmem:v2+s16+$0x0], $0xffff;
	_ =	sdelay $0x3  }
0xa1: {  	v0 =	vmul.f32 v0, v3;
	_ =	sdelay $0x1  }
0xa2: {  	v0 =	vmul.f32 v2, v0;
	_ =	sdelay $0x1  }
0xa3: {  	[tilespmem:s22+$0x4F00] =	vst v0  }
0xa4: {  	v0 =	vld.idx.msk [tilespmem:v1+s17+$0x0], $0xffff;
	_ =	sdelay $0x5  }
0xa5: {  	[tilespmem:s22+$0x7660] =	vst v0;
	v2 =	vld [tilespmem:s22+$0x50]  }
0xa6: {  	v0 =	vld.idx.msk [tilespmem:v1+s18+$0x0], $0xffff  }
0xa7: {  	v1 =	vld [tilespmem:s22+$0x27B0];
	_ =	sdelay $0x4  }
0xa8: {  	[tilespmem:s22+$0x9DC0] =	vst v0  }
0xa9: {  	v0 =	vld.idx.msk [tilespmem:v2+s16+$0x0], $0xffff  }
0xaa: {  	v3 =	vld [tilespmem:s22+$0x4F10]  }
0xab: {  	v1 =	vld.idx.msk [tilespmem:v1+s16+$0x0], $0xffff;
	_ =	sdelay $0x3  }
0xac: {  	v0 =	vmul.f32 v0, v3;
	_ =	sdelay $0x1  }
0xad: {  	v0 =	vmul.f32 v1, v0;
	_ =	sdelay $0x1  }
0xae: {  	[tilespmem:s22+$0x4F10] =	vst v0  }
0xaf: {  	v0 =	vld.idx.msk [tilespmem:v2+s17+$0x0], $0xffff;
	_ =	sdelay $0x5  }
0xb0: {  	[tilespmem:s22+$0x7670] =	vst v0;
	v0 =	vld [tilespmem:s22+$0x60]  }
0xb1: {  	v1 =	vld.idx.msk [tilespmem:v2+s18+$0x0], $0xffff  }
0xb2: {  	v2 =	vld [tilespmem:s22+$0x27C0];
	_ =	sdelay $0x4  }
0xb3: {  	[tilespmem:s22+$0x9DD0] =	vst v1  }
0xb4: {  	v1 =	vld.idx.msk [tilespmem:v0+s16+$0x0], $0xffff  }
0xb5: {  	v3 =	vld [tilespmem:s22+$0x4F20]  }
0xb6: {  	v2 =	vld.idx.msk [tilespmem:v2+s16+$0x0], $0xffff;
	_ =	sdelay $0x3  }
0xb7: {  	v1 =	vmul.f32 v1, v3;
	_ =	sdelay $0x1  }
0xb8: {  	v1 =	vmul.f32 v2, v1;
	_ =	sdelay $0x1  }
0xb9: {  	[tilespmem:s22+$0x4F20] =	vst v1  }
0xba: {  	v1 =	vld.idx.msk [tilespmem:v0+s17+$0x0], $0xffff  }
.Ltmp0:
0xbb: {  	(pc) =	sbr.rel @p0 .LBB2_2-.Ltmp0, $2  }
0xbc: {  	_ =	sdelay $0x2  }
0xbd: {  	s24 =	sshra.s32 s23, $0x2;
	s23 =	sadd.s32 $0x1C0, s23  }
0xbe: {  	_ =	sdelay $0x2  }
0xbf: {  	v2 =	vld [tilespmem:s24+$0x0];
	[tilespmem:s22+$0x7680] =	vst v1  }
0xc0: {  	v0 =	vld.idx.msk [tilespmem:v0+s18+$0x0], $0xffff  }
0xc1: {  	v1 =	vld [tilespmem:s24+$0x2760];
	_ =	sdelay $0x3  }
0xc2: {  	[tilespmem:s22+$0x9DE0] =	vst v0  }
0xc3: {  	v3 =	vld [tilespmem:s24+$0x4EC0]  }
0xc4: {  	v0 =	vld.idx.msk [tilespmem:v2+s16+$0x0], $0xffff;
	_ =	sdelay $0x1  }
0xc5: {  	v1 =	vld.idx.msk [tilespmem:v1+s16+$0x0], $0xffff;
	_ =	sdelay $0x2  }
0xc6: {  	v0 =	vmul.f32 v0, v3;
	_ =	sdelay $0x1  }
0xc7: {  	v0 =	vmul.f32 v1, v0;
	_ =	sdelay $0x1  }
0xc8: {  	[tilespmem:s24+$0x4EC0] =	vst v0  }
0xc9: {  	v0 =	vld.idx.msk [tilespmem:v2+s17+$0x0], $0xffff;
	_ =	sdelay $0x3  }
0xca: {  	v45 =	vld [tilespmem:s24+$0x10]  }
0xcb: {  	v47 =	vld [tilespmem:s24+$0x2770];
	[tilespmem:s24+$0x7620] =	vst v0  }
0xcc: {  	v46 =	vld.idx.msk [tilespmem:v2+s18+$0x0], $0xffff;
	_ =	sdelay $0x4  }
0xcd: {  	v48 =	vld [tilespmem:s24+$0x4ED0];
	[tilespmem:s24+$0x9D80] =	vst v46  }
0xce: {  	v1 =	vld.idx.msk [tilespmem:v45+s16+$0x0], $0xffff;
	_ =	sdelay $0x1  }
0xcf: {  	v2 =	vld.idx.msk [tilespmem:v47+s16+$0x0], $0xffff;
	_ =	sdelay $0x2  }
0xd0: {  	v1 =	vmul.f32 v1, v48;
	_ =	sdelay $0x1  }
0xd1: {  	v1 =	vmul.f32 v2, v1;
	_ =	sdelay $0x1  }
0xd2: {  	[tilespmem:s24+$0x4ED0] =	vst v1  }
0xd3: {  	v1 =	vld.idx.msk [tilespmem:v45+s17+$0x0], $0xffff;
	_ =	sdelay $0x3  }
0xd4: {  	v49 =	vld [tilespmem:s24+$0x20]  }
0xd5: {  	v50 =	vld [tilespmem:s24+$0x2780];
	[tilespmem:s24+$0x7630] =	vst v1  }
0xd6: {  	v0 =	vld.idx.msk [tilespmem:v45+s18+$0x0], $0xffff;
	_ =	sdelay $0x4  }
0xd7: {  	v51 =	vld [tilespmem:s24+$0x4EE0];
	[tilespmem:s24+$0x9D90] =	vst v0  }
0xd8: {  	v0 =	vld.idx.msk [tilespmem:v49+s16+$0x0], $0xffff;
	_ =	sdelay $0x1  }
0xd9: {  	v2 =	vld.idx.msk [tilespmem:v50+s16+$0x0], $0xffff;
	_ =	sdelay $0x2  }
0xda: {  	v0 =	vmul.f32 v0, v51;
	_ =	sdelay $0x1  }
0xdb: {  	v0 =	vmul.f32 v2, v0;
	_ =	sdelay $0x1  }
0xdc: {  	[tilespmem:s24+$0x4EE0] =	vst v0  }
0xdd: {  	v0 =	vld.idx.msk [tilespmem:v49+s17+$0x0], $0xffff;
	_ =	sdelay $0x3  }
0xde: {  	v52 =	vld [tilespmem:s24+$0x30]  }
0xdf: {  	v53 =	vld [tilespmem:s24+$0x2790];
	[tilespmem:s24+$0x7640] =	vst v0  }
0xe0: {  	v1 =	vld.idx.msk [tilespmem:v49+s18+$0x0], $0xffff;
	_ =	sdelay $0x4  }
0xe1: {  	v54 =	vld [tilespmem:s24+$0x4EF0];
	[tilespmem:s24+$0x9DA0] =	vst v1  }
0xe2: {  	v1 =	vld.idx.msk [tilespmem:v52+s16+$0x0], $0xffff;
	_ =	sdelay $0x1  }
0xe3: {  	v2 =	vld.idx.msk [tilespmem:v53+s16+$0x0], $0xffff;
	_ =	sdelay $0x2  }
0xe4: {  	v1 =	vmul.f32 v1, v54;
	_ =	sdelay $0x1  }
0xe5: {  	v1 =	vmul.f32 v2, v1;
	_ =	sdelay $0x1  }
0xe6: {  	[tilespmem:s24+$0x4EF0] =	vst v1  }
0xe7: {  	v1 =	vld.idx.msk [tilespmem:v52+s17+$0x0], $0xffff;
	_ =	sdelay $0x3  }
0xe8: {  	v55 =	vld [tilespmem:s24+$0x40]  }
0xe9: {  	v56 =	vld [tilespmem:s24+$0x27A0];
	[tilespmem:s24+$0x7650] =	vst v1  }
0xea: {  	v0 =	vld.idx.msk [tilespmem:v52+s18+$0x0], $0xffff;
	_ =	sdelay $0x4  }
0xeb: {  	v57 =	vld [tilespmem:s24+$0x4F00];
	[tilespmem:s24+$0x9DB0] =	vst v0  }
0xec: {  	v0 =	vld.idx.msk [tilespmem:v55+s16+$0x0], $0xffff;
	_ =	sdelay $0x1  }
0xed: {  	v2 =	vld.idx.msk [tilespmem:v56+s16+$0x0], $0xffff;
	_ =	sdelay $0x2  }
0xee: {  	v0 =	vmul.f32 v0, v57;
	_ =	sdelay $0x1  }
0xef: {  	v0 =	vmul.f32 v2, v0;
	_ =	sdelay $0x1  }
0xf0: {  	[tilespmem:s24+$0x4F00] =	vst v0  }
0xf1: {  	v0 =	vld.idx.msk [tilespmem:v55+s17+$0x0], $0xffff;
	_ =	sdelay $0x3  }
0xf2: {  	v58 =	vld [tilespmem:s24+$0x50]  }
0xf3: {  	v59 =	vld [tilespmem:s24+$0x27B0];
	[tilespmem:s24+$0x7660] =	vst v0  }
0xf4: {  	v1 =	vld.idx.msk [tilespmem:v55+s18+$0x0], $0xffff;
	_ =	sdelay $0x4  }
0xf5: {  	v60 =	vld [tilespmem:s24+$0x4F10];
	[tilespmem:s24+$0x9DC0] =	vst v1  }
0xf6: {  	v1 =	vld.idx.msk [tilespmem:v58+s16+$0x0], $0xffff;
	_ =	sdelay $0x1  }
0xf7: {  	v2 =	vld.idx.msk [tilespmem:v59+s16+$0x0], $0xffff;
	_ =	sdelay $0x2  }
0xf8: {  	v1 =	vmul.f32 v1, v60;
	_ =	sdelay $0x1  }
0xf9: {  	v1 =	vmul.f32 v2, v1;
	_ =	sdelay $0x1  }
0xfa: {  	[tilespmem:s24+$0x4F10] =	vst v1  }
0xfb: {  	v1 =	vld.idx.msk [tilespmem:v58+s17+$0x0], $0xffff;
	_ =	sdelay $0x3  }
0xfc: {  	v61 =	vld [tilespmem:s24+$0x60]  }
0xfd: {  	v62 =	vld [tilespmem:s24+$0x27C0];
	[tilespmem:s24+$0x7670] =	vst v1  }
0xfe: {  	v0 =	vld.idx.msk [tilespmem:v58+s18+$0x0], $0xffff;
	_ =	sdelay $0x4  }
0xff: {  	v63 =	vld [tilespmem:s24+$0x4F20];
	[tilespmem:s24+$0x9DD0] =	vst v0  }
0x100: {  	v0 =	vld.idx.msk [tilespmem:v61+s16+$0x0], $0xffff;
	_ =	sdelay $0x1  }
0x101: {  	v2 =	vld.idx.msk [tilespmem:v62+s16+$0x0], $0xffff;
	_ =	sdelay $0x2  }
0x102: {  	v0 =	vmul.f32 v0, v63;
	_ =	sdelay $0x1  }
0x103: {  	v0 =	vmul.f32 v2, v0;
	_ =	sdelay $0x1  }
0x104: {  	[tilespmem:s24+$0x4F20] =	vst v0  }
0x105: {  	v0 =	vld.idx.msk [tilespmem:v61+s17+$0x0], $0xffff;
	_ =	sdelay $0x4  }
0x106: {  	[tilespmem:s24+$0x7680] =	vst v0  }
0x107: {  	v0 =	vld.idx.msk [tilespmem:v61+s18+$0x0], $0xffff;
	_ =	sdelay $0x4  }
0x108: {  	[tilespmem:s24+$0x9DE0] =	vst v0  }
0x109: {  	[hbm4b:s9+s2] =	stream.linear.scatter [tilespmem:s15], [sflag:$0x1], $0x2760, $0x38;
	[tilespmem:$0x13A10] =	vst v63  }
0x10a: {  	_ =	swait.ge [sflag:s13], $0x2760  }
0x10b: {  	[sflag:s13] =	ssyncset.done $0x0  }
0x10c: {  	[sflag:s13] =	ssyncadd.s32 $0xFFFFD8A0  }
0x10d: {  	[hbm4b:s10+s2] =	stream.linear.scatter [tilespmem:s19], [sflag:$0x1], $0x2760, $0x38;
	[tilespmem:$0x13A10] =	vst v63  }
0x10e: {  	s21 =	sadd.s32 $0x1, s21;
	_ =	swait.ge [sflag:s13], $0x2760  }
0x10f: {  	p0 =	sne.s32 s21, s12;
	[sflag:s13] =	ssyncset.done $0x0  }
.Ltmp1:
0x110: {  	[sflag:s13] =	ssyncadd.s32 $0xFFFFD8A0;
	(pc) =	sbr.rel @p0 .LBB2_1-.Ltmp1, $4  }
0x111: {  	[hbm4b:s11+s2] =	stream.linear.scatter [tilespmem:s20], [sflag:$0x1], $0x2760, $0x38;
	[tilespmem:$0x13A10] =	vst v63  }
0x112: {  	_ =	swait.ge [sflag:s13], $0x2760  }
0x113: {  	[sflag:s13] =	ssyncset.done $0x0  }
0x114: {  	[sflag:s13] =	ssyncadd.s32 $0xFFFFD8A0  }
0x115: {  	_ =	sfence.sel $0x180000  }
0x116: {  	[bflag:$0x0] =	sbarrier.arrive $0xFFFF  }
0x117: {  	p0 =	sne.s32 s0, $0x0;
	_ =	strace $0x9000004A  }
0x118: {  	s0 =	sadd.s32 @!p0 $0x100000, s1;
	[bflag:$0x2] =	sbarrier.arrive $0xFFFF  }
0x119: {  	[sflag:s0] =	ssyncadd.tile.s32 @!p0 $0x1;
	_ =	shalt  }
.Lfunc_end2:
_tile_overlayer_lowered:
.L_overlay_start_2:
0x11a: {  	(tag) =	ssettag $0x2  }
0x11b: {  	s0 =	rddreg [dreg:$0x0];
	s2 =	stileid.u32  }
0x11c: {  	s1 =	rddreg [dreg:$0x1];
	p0 =	sne.s32 s2, $0x0  }
0x11d: {  	s3 =	rddreg [dreg:$0x2];
	[bflag:$0x3] =	sbarrier.arrive $0xFFFF;
	s2 =	simm.s32 @!p0 $0x1C01  }
0x11e: {  	[timem:s3], [sflag:s2] =	dma.local @!p0 [hbm:s0], s1  }
0x11f: {  	s0 =	simm.s32 @!p0 $0x1  }
0x120: {  	_ =	swait.ge @!p0 [sflag:s0], s1  }
0x121: {  	s1 =	ssub.s32 @!p0 $0x0, s1;
	[sflag:s0] =	ssyncset.done @!p0 $0x0  }
0x122: {  	[sflag:s0] =	ssyncadd.s32 @!p0 s1  }
0x123: {  	[bflag:$0x3] =	sbarrier.arrive $0xFFFF  }
0x124: {  	_ =	shalt  }

// kernel: kernel.14.cloned.1.call-start
scs
__scs_entry_jumppad:
0x0: {  	(pc) =	sbr.rel $0x88, $3  }
0x1: {  	(tag) =	ssettag $0x0;
	lr =	simm.s32 $0x1  }
0x2: {  	[smem:$0x3F98] =	sst lr;
	_ =	strace $0xD0000000  }
0x3: {  	_ = 	snop  }
0x4: {  	_ = 	snop  }
0x5: {  	_ = 	snop  }
0x6: {  	_ = 	snop  }
0x7: {  	_ = 	snop  }
__scs_overlays_trampoline_lowered:
0x8: {  	[smem:$0x3FA7] =	sst s0  }
0x9: {  	[smem:$0x3FA8] =	sst s1  }
0xa: {  	[smem:$0x3FA9] =	sst s2  }
0xb: {  	[smem:$0x3FAA] =	sst s3  }
0xc: {  	[smem:$0x3FAB] =	sst s4  }
0xd: {  	[smem:$0x3FAC] =	sst s5  }
0xe: {  	[smem:$0x3FAD] =	sst s6  }
0xf: {  	[smem:$0x3FAE] =	sst s7  }
0x10: {  	[smem:$0x3FAF] =	sst s8  }
0x11: {  	[smem:$0x3FB0] =	sst s9;
	s0 =	simm.s32 @!p0 $0x0  }
0x12: {  	s1 =	sld [smem:$0x3F96];
	s0 =	simm.s32 @p0 $0x1  }
0x13: {  	[smem:$0x3FB1] =	sst s0;
	s0 =	simm.s32 @!p1 $0x0  }
0x14: {  	s2 =	sld [smem:$0x3F95];
	s0 =	simm.s32 @p1 $0x1  }
0x15: {  	[smem:$0x3FB2] =	sst s0;
	s0 =	simm.s32 @!p2 $0x0  }
0x16: {  	s3 =	sld [smem:$0x3FDB];
	s0 =	simm.s32 @p2 $0x1  }
0x17: {  	s4 =	simm.s32 $0x1BF5;
	[smem:$0x3FB4] =	sst s0  }
0x18: {  	s0 =	sld [smem:$0x3F97];
	_ =	swait.ge [sflag:s4], $0x0  }
0x19: {  	s7 =	sld [smem:$0x3F98]  }
0x1a: {  	s8 =	sadd.s32 $0xFFFFE003, lr  }
0x1b: {  	s9 =	sadd.s32 $0xFFFFFEF7, lr;
	s5 =	simm.s32 $0xFFFFFFFF;
	p2 =	slt.u32 s8, $0xFFFFF086  }
0x1c: {  	p1 =	slt.u32 s9, $0xF7A;
	s5 =	simm.s32 @!p2 $0x0  }
0x1d: {  	s5 =	simm.s32 @p1 $0x1;
	p0 =	seq.s32 s7, s2  }
0x1e: {  	s7 =	smul.u32 @!p0 $0xF7A, s2;
	p2 =	seq.s32 @!p0 s5, $0x0  }
0x1f: {  	s9 =	smul.u32 $0xF7A, s1;
	s8 =	simm.s32 @!p0 $0x1BF5;
	p2 =	por !p2, p0  }
0x20: {  	[sflag:s8] =	ssyncset.s32 @!p0 $0xFFFFF086;
	s6 =	sadd.s32 @!p0 s3, s7;
	s7 =	simm.s32 @!p0 $0x108  }
0x21: {  	s3 =	sadd.s32 s3, s9;
	s6 =	sadd.s32 @!p0 $0x88, s6;
	s7 =	simm.s32 @p2 $0x1082  }
0x22: {  	[simem:s7], [sflag:s8] =	dma.local @!p0 [hbm:s6], $0xF7A  }
0x23: {  	s9 =	sor.u32 $0xD0000000, s2;
	s6 =	simm.s32 $0x108;
	_ =	swait.ge @!p0 [sflag:s8], $0x0  }
0x24: {  	s3 =	sadd.s32 $0x88, s3;
	s6 =	simm.s32 @!p1 $0x1082;
	[sflag:s4] =	ssyncset.s32 $0xFFFFF086  }
0x25: {  	[simem:s6], [sflag:s4] =	dma.local [hbm:s3], $0xF7A  }
0x26: {  	[smem:$0x3F98] =	sst s1;
	(tag) =	ssettag s2;
	_ =	strace s9  }
0x27: {  	s1 =	sld [smem:$0x3FA8]  }
0x28: {  	s2 =	sld [smem:$0x3FA9]  }
0x29: {  	s4 =	sld [smem:$0x3FAB]  }
0x2a: {  	p0 =	seq.s32 s5, $0x0;
	s5 =	sld [smem:$0x3FAC]  }
0x2b: {  	s6 =	sld [smem:$0x3FAD]  }
0x2c: {  	s7 =	sld [smem:$0x3FAE]  }
0x2d: {  	s3 =	simm.s32 $0x108;
	s8 =	sld [smem:$0x3FAF]  }
0x2e: {  	s3 =	simm.s32 @!p0 $0x1082;
	s9 =	sld [smem:$0x3FB0]  }
0x2f: {  	lr =	sadd.s32 s0, s3;
	s0 =	sld [smem:$0x3FA7]  }
0x30: {  	s3 =	sld [smem:$0x3FAA]  }
0x31: {  	[smem:$0x3FB3] =	sst s10  }
0x32: {  	s10 =	sld [smem:$0x3FB1];
	_ =	sdelay $0x3  }
0x33: {  	p0 =	seq.s32 s10, $0x1;
	s10 =	sld [smem:$0x3FB3];
	_ =	sdelay $0x3  }
0x34: {  	[smem:$0x3FB3] =	sst s10  }
0x35: {  	s10 =	sld [smem:$0x3FB2];
	_ =	sdelay $0x3  }
0x36: {  	p1 =	seq.s32 s10, $0x1;
	s10 =	sld [smem:$0x3FB3];
	_ =	sdelay $0x3  }
0x37: {  	[smem:$0x3FB3] =	sst s10  }
0x38: {  	s10 =	sld [smem:$0x3FB4]  }
0x39: {  	_ = 	snop;
	(pc) =	sbr.ind lr, $3  }
0x3a: {  	_ = 	snop  }
0x3b: {  	_ = 	snop  }
0x3c: {  	p2 =	seq.s32 s10, $0x1;
	s10 =	sld [smem:$0x3FB3]  }
0x3d: {  	_ =	shalt  }
0x3e: {  	_ =	shalt  }
0x3f: {  	_ =	shalt  }
0x40: {  	_ =	shalt  }
0x41: {  	_ =	shalt  }
0x42: {  	_ =	shalt  }
0x43: {  	_ =	shalt  }
0x44: {  	_ =	shalt  }
0x45: {  	_ =	shalt  }
0x46: {  	_ =	shalt  }
0x47: {  	_ =	shalt  }
0x48: {  	_ =	shalt  }
0x49: {  	_ =	shalt  }
0x4a: {  	_ =	shalt  }
0x4b: {  	_ =	shalt  }
0x4c: {  	_ =	shalt  }
0x4d: {  	_ =	shalt  }
0x4e: {  	_ =	shalt  }
0x4f: {  	_ =	shalt  }
0x50: {  	_ =	shalt  }
0x51: {  	_ =	shalt  }
0x52: {  	_ =	shalt  }
0x53: {  	_ =	shalt  }
0x54: {  	_ =	shalt  }
0x55: {  	_ =	shalt  }
0x56: {  	_ =	shalt  }
0x57: {  	_ =	shalt  }
0x58: {  	_ =	shalt  }
0x59: {  	_ =	shalt  }
0x5a: {  	_ =	shalt  }
0x5b: {  	_ =	shalt  }
0x5c: {  	_ =	shalt  }
0x5d: {  	_ =	shalt  }
0x5e: {  	_ =	shalt  }
0x5f: {  	_ =	shalt  }
0x60: {  	_ =	shalt  }
0x61: {  	_ =	shalt  }
0x62: {  	_ =	shalt  }
0x63: {  	_ =	shalt  }
0x64: {  	_ =	shalt  }
0x65: {  	_ =	shalt  }
0x66: {  	_ =	shalt  }
0x67: {  	_ =	shalt  }
0x68: {  	_ =	shalt  }
0x69: {  	_ =	shalt  }
0x6a: {  	_ =	shalt  }
0x6b: {  	_ =	shalt  }
0x6c: {  	_ =	shalt  }
0x6d: {  	_ =	shalt  }
0x6e: {  	_ =	shalt  }
0x6f: {  	_ =	shalt  }
0x70: {  	_ =	shalt  }
0x71: {  	_ =	shalt  }
0x72: {  	_ =	shalt  }
0x73: {  	_ =	shalt  }
0x74: {  	_ =	shalt  }
0x75: {  	_ =	shalt  }
0x76: {  	_ =	shalt  }
0x77: {  	_ =	shalt  }
0x78: {  	_ =	shalt  }
0x79: {  	_ =	shalt  }
0x7a: {  	_ =	shalt  }
0x7b: {  	_ =	shalt  }
0x7c: {  	_ =	shalt  }
0x7d: {  	_ =	shalt  }
0x7e: {  	_ =	shalt  }
0x7f: {  	_ =	shalt  }
0x80: {  	_ =	shalt  }
0x81: {  	_ =	shalt  }
0x82: {  	_ =	shalt  }
0x83: {  	_ =	shalt  }
0x84: {  	_ =	shalt  }
0x85: {  	_ =	shalt  }
0x86: {  	_ =	shalt  }
0x87: {  	_ =	shalt  }
.Lfunc_end0:
.L_simem_size_0:
called_computation.2_lowered:
.L_overlay_start_0:
0x88: {  	s2 =	sld [smem:$0x3FD9]  }
0x89: {  	s3 =	sld [smem:$0x3FFE];
	_ =	sdelay $0x1  }
0x8a: {  	s1 =	srdreg.scid  }
0x8b: {  	s0 =	sand.u32 $0x1, s1  }
0x8c: {  	s14 =	sshll.u32 s0, $0xA;
	s2 =	sadd.s32 s3, s2  }
0x8d: {  	s2 =	sadd.s32 s2, s14  }
0x8e: {  	[smem:$0x3FBF] =	sst s2  }
0x8f: {  	_ = 	snop  }
0x90: {  	s2 =	sld [smem:$0x3FD0];
	_ =	sdelay $0x2  }
0x91: {  	s15 =	simm.s32 $0xA;
	s4 =	simm.s32 $0x10  }
0x92: {  	[smem:s4], [sflag:s15] =	dma.local [hbm:s2], $0x1  }
0x93: {  	_ =	swait.eq [sflag:s15], $0x1  }
0x94: {  	s16 =	sld [smem:$0x10]  }
0x95: {  	s17 =	sld [smem:$0x11];
	[sflag:s15] =	ssyncset.done $0x0  }
0x96: {  	s5 =	sld [smem:$0x14];
	[sflag:s15] =	ssyncadd.s32 $0xFFFFFFFF  }
0x97: {  	s18 =	sld [smem:$0x15];
	(tm) =	ssettm $0x1  }
0x98: {  	s6 =	sld [smem:$0x3FFB];
	_ =	sdelay $0x3  }
0x99: {  	_ =	strace s6  }
0x9a: {  	s6 =	sld [smem:$0x3FFC];
	_ =	sdelay $0x3  }
0x9b: {  	_ =	strace s6  }
0x9c: {  	s6 =	sld [smem:$0x3FFD];
	_ =	sdelay $0x3  }
0x9d: {  	_ =	strace s6  }
0x9e: {  	_ =	strace $0x8FFFFFFF  }
0x9f: {  	s19 =	sld [smem:$0x3FDB];
	_ =	sdelay $0x1  }
0xa0: {  	s7 =	simm.s32 $_scs_section_size  }
0xa1: {  	s8 =	simm.s32 $_size__tile_overlayer_lowered;
	s9 =	simm.s32 $_tile_overlayer_lowered  }
0xa2: {  	s22 =	simm.s32 $0x1BFF;
	s21 =	sshll.u32 s9, $0x1;
	s6 =	sadd.s32 s7, s19  }
0xa3: {  	s10 =	simm.s32 $0x0;
	s20 =	sshll.u32 s8, $0x1;
	s8 =	sadd.s32 s21, s6  }
0xa4: {  	[timem:s10], [sflag:s22] =	dma.local [hbm:s8], s20  }
0xa5: {  	_ =	swait.ge [sflag:s22], s20  }
0xa6: {  	s7 =	ssub.s32 $0x0, s20;
	[sflag:s22] =	ssyncset.done $0x0  }
0xa7: {  	[sflag:s22] =	ssyncadd.s32 s7;
	_ =	sdelay $0x1  }
0xa8: {  	s23 =	simm.s32 $0x1B8B  }
0xa9: {  	_ =	swait.ge [sflag:s23], $0x1  }
0xaa: {  	[sflag:s23] =	ssyncset.done $0x0  }
0xab: {  	s25 =	simm.s32 $0x1B8E;
	s24 =	sld [smem:$0x3FFE];
	[sflag:s23] =	ssyncadd.s32 $0xFFFFFFFF  }
0xac: {  	s26 =	simm.s32 $execute0_lowered;
	[smem:$0x3FD2] =	sst s25  }
0xad: {  	s8 =	sshll.u32 s26, $0x1;
	_ =	strace $0x8000004C;
	[dreg:$0x1] =	wrdreg $0xFFFFFFFF  }
0xae: {  	s28 =	simm.s32 $_size_execute0_lowered;
	s6 =	sadd.s32 s6, s8;
	[dreg:$0x0] =	wrdreg $0x0  }
0xaf: {  	s8 =	sshll.u32 s28, $0x1;
	[dreg:$0x2] =	wrdreg s6  }
0xb0: {  	[dreg:$0x3] =	wrdreg s8  }
0xb1: {  	[dreg:$0x4] =	wrdreg $0xC0  }
0xb2: {  	_ =	task [dreg:s10], $0x5FFFF  }
0xb3: {  	[dreg:$0x1] =	wrdreg $0xFFFFFFFF  }
0xb4: {  	[dreg:$0x0] =	wrdreg $0x60  }
0xb5: {  	[dreg:$0x2] =	wrdreg s24  }
0xb6: {  	[dreg:$0x3] =	wrdreg s16  }
0xb7: {  	[dreg:$0x4] =	wrdreg s17  }
0xb8: {  	[dreg:$0x5] =	wrdreg s18  }
0xb9: {  	[dreg:$0x6] =	wrdreg s5  }
0xba: {  	[dreg:$0x7] =	wrdreg $0xAD400  }
0xbb: {  	[dreg:$0x8] =	wrdreg $0x9  }
0xbc: {  	_ =	task.clear_ibuf [dreg:s10], $0x9FFFF;
	_ =	strace $0x9000004C  }
0xbd: {  	s29 =	simm.s32 $0x9;
	_ =	strace $0x8000004E  }
0xbe: {  	_ =	swait.ge [sflag:s29], $0x1  }
0xbf: {  	[sflag:s29] =	ssyncadd.s32 $0xFFFFFFFF  }
0xc0: {  	_ =	strace $0x9000004E  }
0xc1: {  	_ =	sfence  }
0xc2: {  	s30 =	sld [smem:$0x0];
	_ =	sdelay $0x2  }
0xc3: {  	s31 =	sshll.u32 s1, $0xD;
	s1 =	sshrl.u32 s1, $0x2  }
0xc4: {  	s3 =	sand.u32 $0x4000, s31;
	s1 =	sadd.s32 s1, s30  }
0xc5: {  	s0 =	sor.u32 s3, s0;
	s1 =	sshll.u32 s1, $0x11  }
0xc6: {  	s0 =	sor.u32 s1, s0  }
0xc7: {  	s0 =	sadd.s32 $0x8F2B, s0  }
0xc8: {  	[sflag:s0] =	ssyncadd.remote.s32 $0x1  }
0xc9: {  	_ =	sfence.sel $0xFFFF  }
0xca: {  	[dreg:$0x0] =	wrdreg $0xFFFFFFFF;
	(pc) =	sbr.abs _section_cstart, $3  }
0xcb: {  	[dreg:$0x1] =	wrdreg $0xFFFFFFFF  }
0xcc: {  	_ =	task.clear_ibuf [dreg:s10], $0x2FFFF;
	_ =	strace $0x9FFFFFFF  }
0xcd: {  	(tm) =	ssettm $0x7FFFFFFF  }
tec
execute0_lowered:
.L_overlay_start_1:
0x0: {  	(tag) =	ssettag $0x1  }
0x1: {  	s2 =	rddreg [dreg:$0x0]  }
0x2: {  	s1 =	rddreg [dreg:$0x1]  }
0x3: {  	s23 =	rddreg [dreg:$0x2]  }
0x4: {  	s3 =	rddreg [dreg:$0x3]  }
0x5: {  	s6 =	rddreg [dreg:$0x4]  }
0x6: {  	s4 =	rddreg [dreg:$0x5];
	s5 =	simm.s32 $0x0;
	s0 =	srdreg.scid  }
0x7: {  	s16 =	stileid.u32;
	s28 =	simm.s32 $0xAB10;
	s29 =	simm.s32 $0xACD0  }
0x8: {  	s30 =	simm.s32 $0x3800;
	s31 =	simm.s32 $0x4;
	[smem:$0x7FF] =	sst s5  }
0x9: {  	s7 =	sadd.s32 $0x1C00, s2;
	s8 =	sadd.s32 $0xCA00, s2;
	s10 =	sand.u32 $0x1, s0  }
0xa: {  	s11 =	sadd.s32 $0x16800, s2;
	s13 =	smul.u32 $0x13800, s16;
	s2 =	sadd.s32 $0x64A00, s2  }
0xb: {  	s14 =	smul.u32 $0x270, s16;
	s17 =	sshll.u32 s16, $0x6;
	p0 =	sne.s32 s16, $0xF  }
0xc: {  	_ =	strace $0x8000004D;
	s9 =	ssub.s32 $0x2, s10;
	s0 =	smul.u32 $0x2710, s10  }
0xd: {  	s17 =	sor.u32 $0x1C09, s17;
	s22 =	smul.u32 $0x138800, s10;
	s10 =	sshll.u32 s10, $0x4  }
0xe: {  	s15 =	sadd.s32 s13, s4;
	s13 =	sshrl.u32 s13, $0x3;
	[dreg:$0x9] =	wrdreg s17  }
0xf: {  	s12 =	sshrl.u32 s9, $0x1;
	[dreg:$0x7] =	wrdreg s15;
	s13 =	sadd.s32 s6, s13  }
0x10: {  	s12 =	ssub.s32 s9, s12;
	s6 =	sadd.s32 $0x27000, s6;
	[dreg:$0x8] =	wrdreg s13  }
0x11: {  	s9 =	smul.u32 $0x4EC0, s16;
	s14 =	sadd.s32 s14, s0;
	[dreg:$0xa] =	wrdreg s6  }
0x12: {  	s14 =	sshll.u32 s14, $0x4;
	s6 =	sshrl.u32 s22, $0x3;
	s22 =	sadd.s32 $0x138000, s4  }
0x13: {  	s18 =	sshrl.u32 s9, $0x3;
	s25 =	sadd.s32 s11, s14;
	[dreg:$0x17] =	wrdreg s22  }
0x14: {  	s10 =	sor.u32 s16, s10;
	s19 =	sadd.s32 s7, s18;
	[dreg:$0xe] =	wrdreg s25  }
0x15: {  	s16 =	simm.s32 $0x9;
	s20 =	sadd.s32 s1, s18;
	[dreg:$0xb] =	wrdreg s19  }
0x16: {  	s6 =	sadd.s32 $0x27000, s6;
	s21 =	sadd.s32 s8, s18;
	[dreg:$0xc] =	wrdreg s20  }
0x17: {  	v1 =	vmov s0;
	s0 =	simm.s32 $0x8;
	s26 =	sadd.s32 s11, s6;
	[dreg:$0xd] =	wrdreg s21  }
0x18: {  	s13 =	simm.s32 $0x1;
	s11 =	sadd.s32 s2, s14;
	[dreg:$0xf] =	wrdreg s26  }
0x19: {  	s24 =	sadd.s32 $0xE, s18;
	s2 =	sadd.s32 s2, s6;
	[dreg:$0x10] =	wrdreg s11  }
0x1a: {  	s18 =	smul.u32 $0x4EC0, s10;
	s25 =	sadd.s32 $0x1C0, s9;
	[dreg:$0x11] =	wrdreg s2  }
0x1b: {  	s6 =	simm.s32 $0x70;
	s14 =	sadd.s32 s7, s24;
	[dreg:$0x1a] =	wrdreg s25  }
0x1c: {  	s10 =	simm.s32 $0x2;
	s15 =	sadd.s32 s1, s24;
	[dreg:$0x12] =	wrdreg s14  }
0x1d: {  	s20 =	sadd.s32 s8, s24;
	s21 =	smax.u32 s12, $0x1;
	[dreg:$0x13] =	wrdreg s15  }
0x1e: {  	s12 =	sadd.s32 $0xE0, s9;
	s24 =	sadd.s32 $0x150, s9;
	[dreg:$0x14] =	wrdreg s20  }
0x1f: {  	v0 =	vlaneseq.u32;
	s26 =	sadd.s32 $0x230, s9;
	s25 =	simm.s32 $0xAAA0;
	[dreg:$0x16] =	wrdreg s21  }
0x20: {  	v0 =	vmul.u32 $0x2, v0;
	s11 =	simm.s32 $0x3;
	s19 =	sshrl.u32 s18, $0x3;
	[dreg:$0x19] =	wrdreg s24  }
0x21: {  	[dreg:$0x1b] =	wrdreg s26;
	s20 =	simm.s32 $0xAB80;
	s26 =	simm.s32 $0xABF0  }
0x22: {  	v2 =	vor.u32 $0x1, v0;
	s15 =	simm.s32 $0x6;
	[dreg:$0x18] =	wrdreg s12;
	s2 =	sadd.s32 s23, s19  }
0x23: {  	v3 =	vor.u32 $0x20, v0;
	v4 =	vor.u32 $0x21, v0;
	v5 =	vor.u32 $0x40, v0;
	s24 =	simm.s32 $0xAC60;
	[dreg:$0x15] =	wrdreg s2;
	s2 =	sadd.s32 $0xE, s2  }
0x24: {  	v6 =	vor.u32 $0x41, v0;
	v7 =	vor.u32 $0x60, v0;
	v8 =	vor.u32 $0x61, v0;
	s14 =	simm.s32 $0x7;
	s19 =	simm.s32 $0x0;
	[dreg:$0x1c] =	wrdreg s2  }
.LBB2_1:
0x25: {  	[dreg:$0x1d] =	wrdreg s19  }
0x26: {  	s2 =	rddreg [dreg:$0x7]  }
0x27: {  	s22 =	rddreg [dreg:$0x8];
	s21 =	sshrl.u32 s2, $0x3  }
0x28: {  	[dreg:$0x1e] =	wrdreg s21  }
0x29: {  	[spmem:s21], [sflag:s17] =	dma.local [hbm:s22], $0x2700  }
0x2a: {  	_ =	swait.ge [sflag:s16], $0x2700  }
0x2b: {  	[sflag:s16] =	ssyncset.done $0x0;
	s2 =	rddreg [dreg:$0x17]  }
0x2c: {  	[sflag:s16] =	ssyncadd.s32 $0xFFFFD900;
	s16 =	sshrl.u32 @!p0 s2, $0x3;
	s2 =	rddreg [dreg:$0xa]  }
0x2d: {  	[dreg:$0x1f] =	wrdreg s16  }
0x2e: {  	[spmem:s16], [sflag:s17] =	dma.local @!p0 [hbm:s2], $0x100  }
0x2f: {  	s2 =	simm.s32 @!p0 $0x9  }
0x30: {  	_ =	swait.ge @!p0 [sflag:s2], $0x100  }
0x31: {  	[sflag:s2] =	ssyncset.done @!p0 $0x0  }
0x32: {  	[sflag:s2] =	ssyncadd.s32 @!p0 $0xFFFFFF00  }
0x33: {  	[bflag:$0x0] =	sbarrier.arrive $0xFFFF  }
0x34: {  	s16 =	simm.s32 $0xA800;
	s17 =	rddreg [dreg:$0xb]  }
0x35: {  	[tilespmem:s16], [sflag:$0x5] =	stream.linear.gather [hbm4b:s17+s5], $0x70, $0x38;
	[tilespmem:$0x1E5C0] =	vst v63  }
0x36: {  	s21 =	simm.s32 $0xA9C0;
	s19 =	rddreg [dreg:$0xc]  }
0x37: {  	[tilespmem:s21], [sflag:$0x5] =	stream.linear.gather [hbm4b:s19+s5], $0x70, $0x38;
	[tilespmem:$0x1E5C0] =	vst v63  }
0x38: {  	s22 =	rddreg [dreg:$0xd]  }
0x39: {  	[tilespmem:s20], [sflag:$0x5] =	stream.linear.gather [hbm4b:s22+s5], $0x70, $0x38;
	[tilespmem:$0x1E5C0] =	vst v63  }
0x3a: {  	s17 =	rddreg [dreg:$0x12];
	s19 =	simm.s32 $0xA870  }
0x3b: {  	[tilespmem:s19], [sflag:$0x6] =	stream.linear.gather [hbm4b:s17+s5], $0x70, $0x38;
	[tilespmem:$0x1E5C0] =	vst v63  }
0x3c: {  	s21 =	rddreg [dreg:$0x13];
	s22 =	simm.s32 $0xAA30  }
0x3d: {  	[tilespmem:s22], [sflag:$0x6] =	stream.linear.gather [hbm4b:s21+s5], $0x70, $0x38;
	[tilespmem:$0x1E5C0] =	vst v63  }
0x3e: {  	s19 =	rddreg [dreg:$0x14];
	s21 =	simm.s32 $0x5  }
0x3f: {  	[tilespmem:s26], [sflag:$0x6] =	stream.linear.gather [hbm4b:s19+s5], $0x70, $0x38;
	[tilespmem:$0x1E5C0] =	vst v63  }
0x40: {  	_ =	swait.ge [sflag:s21], $0x70  }
0x41: {  	[sflag:s21] =	ssyncset.done $0x0  }
0x42: {  	[sflag:s21] =	ssyncadd.s32 $0xFFFFFF90  }
0x43: {  	_ =	swait.ge [sflag:s21], $0x70  }
0x44: {  	[sflag:s21] =	ssyncset.done $0x0  }
0x45: {  	[sflag:s21] =	ssyncadd.s32 $0xFFFFFF90  }
0x46: {  	_ =	swait.ge [sflag:s21], $0x70  }
0x47: {  	[sflag:s21] =	ssyncset.done $0x0  }
0x48: {  	[sflag:s21] =	ssyncadd.s32 $0xFFFFFF90  }
0x49: {  	v9 =	vld [tilespmem:$0xA800]  }
0x4a: {  	v10 =	vld [tilespmem:$0xA810]  }
0x4b: {  	v11 =	vld [tilespmem:$0xA820]  }
0x4c: {  	v12 =	vld [tilespmem:$0xA830]  }
0x4d: {  	v13 =	vld [tilespmem:$0xA840]  }
0x4e: {  	v14 =	vld [tilespmem:$0xA850];
	v9 =	vadd.s32 v1, v9  }
0x4f: {  	[tilespmem:$0xA800] =	vst v9;
	v9 =	vadd.s32 v1, v10;
	v10 =	vld [tilespmem:$0xA860]  }
0x50: {  	[tilespmem:$0xA810] =	vst v9;
	v9 =	vadd.s32 v1, v11  }
0x51: {  	[tilespmem:$0xA820] =	vst v9;
	v9 =	vadd.s32 v1, v12  }
0x52: {  	[tilespmem:$0xA830] =	vst v9;
	v9 =	vadd.s32 v1, v13  }
0x53: {  	[tilespmem:$0xA840] =	vst v9;
	v9 =	vadd.s32 v1, v14  }
0x54: {  	[tilespmem:$0xA850] =	vst v9;
	v9 =	vadd.s32 v1, v10  }
0x55: {  	s22 =	simm.s32 $0x7000;
	s19 =	simm.s32 $0x0;
	[tilespmem:$0xA860] =	vst v9  }
0x56: {  	[tilespmem:s22], [sflag:$0x1] =	stream.indirect.gather [hbm4b:s3+s6], $0x40, s16, s6, $0xb8;
	[tilespmem:$0x1E5C0] =	vst v63  }
.LBB2_2:
0x57: {  	_ =	swait.ge [sflag:s13], $0x1C00  }
0x58: {  	p1 =	seq.s32 s19, $0x0;
	[sflag:s13] =	ssyncset.done $0x0  }
0x59: {  	s2 =	simm.s32 @!p1 $0x4;
	[sflag:s13] =	ssyncadd.s32 $0xFFFFE400  }
0x5a: {  	_ =	swait.ge @!p1 [sflag:s2], $0x3800  }
0x5b: {  	[sflag:s2] =	ssyncset.done @!p1 $0x0  }
0x5c: {  	[sflag:s2] =	ssyncadd.s32 @!p1 $0xFFFFC800  }
0x5d: {  	_ =	swait.ge [sflag:s15], $0x70  }
0x5e: {  	[sflag:s15] =	ssyncset.done $0x0  }
0x5f: {  	[sflag:s15] =	ssyncadd.s32 $0xFFFFFF90  }
0x60: {  	_ =	swait.ge [sflag:s15], $0x70  }
0x61: {  	[sflag:s15] =	ssyncset.done $0x0  }
0x62: {  	[sflag:s15] =	ssyncadd.s32 $0xFFFFFF90  }
0x63: {  	_ =	swait.ge [sflag:s15], $0x70  }
0x64: {  	[sflag:s15] =	ssyncset.done $0x0  }
0x65: {  	[sflag:s15] =	ssyncadd.s32 $0xFFFFFF90  }
0x66: {  	v9 =	vld [tilespmem:$0xA870]  }
0x67: {  	v10 =	vld [tilespmem:$0xA880]  }
0x68: {  	v11 =	vld [tilespmem:$0xA890]  }
0x69: {  	v12 =	vld [tilespmem:$0xA8A0]  }
0x6a: {  	v13 =	vld [tilespmem:$0xA8B0]  }
0x6b: {  	v14 =	vld [tilespmem:$0xA8C0];
	v9 =	vadd.s32 v1, v9  }
0x6c: {  	[tilespmem:$0xA870] =	vst v9;
	v9 =	vadd.s32 v1, v10;
	v10 =	vld [tilespmem:$0xA8D0]  }
0x6d: {  	[tilespmem:$0xA880] =	vst v9;
	v9 =	vadd.s32 v1, v11  }
0x6e: {  	[tilespmem:$0xA890] =	vst v9;
	v9 =	vadd.s32 v1, v12  }
0x6f: {  	[tilespmem:$0xA8A0] =	vst v9;
	v9 =	vadd.s32 v1, v13  }
0x70: {  	[tilespmem:$0xA8B0] =	vst v9;
	v9 =	vadd.s32 v1, v14  }
0x71: {  	[tilespmem:$0xA8C0] =	vst v9;
	v9 =	vadd.s32 v1, v10  }
0x72: {  	s21 =	smul.u32 $0x1C0, s19;
	s22 =	simm.s32 $0xA870;
	s16 =	simm.s32 $0x8C00;
	[tilespmem:$0xA8D0] =	vst v9  }
0x73: {  	[tilespmem:s16], [sflag:$0x2] =	stream.indirect.gather [hbm4b:s3+s6], $0x40, s22, s6, $0xb8;
	[tilespmem:$0x1E5C0] =	vst v63  }
0x74: {  	s16 =	sadd.s32 s21, s12  }
0x75: {  	s2 =	sshrl.u32 s16, $0x3  }
0x76: {  	s17 =	simm.s32 $0xA8E0;
	s22 =	simm.s32 $0x0;
	s16 =	sadd.s32 s7, s2  }
0x77: {  	[tilespmem:s17], [sflag:$0x7] =	stream.linear.gather [hbm4b:s16+s22], $0x70, $0x38;
	[tilespmem:$0x1E5C0] =	vst v63  }
0x78: {  	s17 =	sadd.s32 s1, s2  }
0x79: {  	v9 =	vmov s22;
	[tilespmem:s25], [sflag:$0x7] =	stream.linear.gather [hbm4b:s17+s22], $0x70, $0x38;
	[tilespmem:$0x1E5C0] =	vst v63  }
0x7a: {  	s2 =	sadd.s32 s8, s2  }
0x7b: {  	[tilespmem:s24], [sflag:$0x7] =	stream.linear.gather [hbm4b:s2+s22], $0x70, $0x38;
	[tilespmem:$0x1E5C0] =	vst v63  }
0x7c: {  	s22 =	simm.s32 $0x7020  }
0x7d: {  	v10 =	vld [tilespmem:s22+$0xFFFFFFE0]  }
0x7e: {  	v12 =	vld.idx.msk [tilespmem:v9+s20+$0x0], $0xffff  }
0x7f: {  	v9 =	vshll.u32 v9, $0x7  }
0x80: {  	v11 =	vor.u32 v0, v9  }
0x81: {  	v13 =	vor.u32 v2, v9  }
0x82: {  	v14 =	vshll.u32 v10, $0x10  }
0x83: {  	v10 =	vand.u32 $0xFFFF0000, v10;
	v14 =	vmul.f32 v14, v12  }
0x84: {  	v10 =	vmul.f32 v10, v12  }
0x85: {  	[tilespmem:v11+s5+$0x0] =	vst.idx.msk $0xffff, v14  }
0x86: {  	[tilespmem:v13+s5+$0x0] =	vst.idx.msk $0xffff, v10  }
0x87: {  	v10 =	vld [tilespmem:s22+$0xFFFFFFF0];
	_ =	sdelay $0x2  }
0x88: {  	v11 =	vor.u32 v3, v9  }
0x89: {  	v13 =	vor.u32 v4, v9  }
0x8a: {  	v14 =	vshll.u32 v10, $0x10  }
0x8b: {  	v10 =	vand.u32 $0xFFFF0000, v10;
	v14 =	vmul.f32 v14, v12  }
0x8c: {  	v10 =	vmul.f32 v10, v12  }
0x8d: {  	[tilespmem:v11+s5+$0x0] =	vst.idx.msk $0xffff, v14  }
0x8e: {  	[tilespmem:v13+s5+$0x0] =	vst.idx.msk $0xffff, v10  }
0x8f: {  	v10 =	vld [tilespmem:s22+$0x0];
	_ =	sdelay $0x2  }
0x90: {  	v11 =	vor.u32 v5, v9  }
0x91: {  	v13 =	vor.u32 v6, v9  }
0x92: {  	v14 =	vshll.u32 v10, $0x10  }
0x93: {  	v10 =	vand.u32 $0xFFFF0000, v10;
	v14 =	vmul.f32 v14, v12  }
0x94: {  	v10 =	vmul.f32 v10, v12  }
0x95: {  	[tilespmem:v11+s5+$0x0] =	vst.idx.msk $0xffff, v14  }
0x96: {  	[tilespmem:v13+s5+$0x0] =	vst.idx.msk $0xffff, v10  }
0x97: {  	v10 =	vld [tilespmem:s22+$0x10];
	_ =	sdelay $0x3  }
0x98: {  	v13 =	vor.u32 v7, v9  }
0x99: {  	v11 =	vshll.u32 v10, $0x10  }
0x9a: {  	v14 =	vmul.f32 v11, v12;
	v11 =	vor.u32 v8, v9  }
0x9b: {  	s25 =	simm.s32 $0x1  }
0x9c: {  	v15 =	vand.u32 $0xFFFF0000, v10;
	v10 =	vmov s25  }
0x9d: {  	s25 =	simm.s32 $0x2;
	v12 =	vmul.f32 v15, v12;
	v9 =	vshll.u32 v10, $0x7;
	[tilespmem:v13+s5+$0x0] =	vst.idx.msk $0xffff, v14  }
.LBB2_3:
0x9e: {  	p1 =	sne.s32 s25, $0x6F  }
0x9f: {  	[tilespmem:v11+s5+$0x0] =	vst.idx.msk $0xffff, v12;
	s22 =	sadd.s32 $0x40, s22;
	s2 =	smov.u32 s25;
	s25 =	sadd.s32 $0x1, s25  }
0xa0: {  	v11 =	vld [tilespmem:s22+$0xFFFFFFE0]  }
0xa1: {  	v12 =	vld.idx.msk [tilespmem:v10+s20+$0x0], $0xffff;
	_ =	sdelay $0x2  }
0xa2: {  	v10 =	vor.u32 v0, v9  }
0xa3: {  	v13 =	vor.u32 v2, v9  }
0xa4: {  	v14 =	vshll.u32 v11, $0x10  }
0xa5: {  	v11 =	vand.u32 $0xFFFF0000, v11;
	v14 =	vmul.f32 v14, v12  }
0xa6: {  	v11 =	vmul.f32 v11, v12  }
0xa7: {  	[tilespmem:v10+s5+$0x0] =	vst.idx.msk $0xffff, v14  }
0xa8: {  	[tilespmem:v13+s5+$0x0] =	vst.idx.msk $0xffff, v11  }
0xa9: {  	v10 =	vld [tilespmem:s22+$0xFFFFFFF0];
	_ =	sdelay $0x2  }
0xaa: {  	v11 =	vor.u32 v3, v9  }
0xab: {  	v13 =	vor.u32 v4, v9  }
0xac: {  	v14 =	vshll.u32 v10, $0x10;
	v10 =	vand.u32 $0xFFFF0000, v10  }
0xad: {  	v14 =	vmul.f32 v14, v12;
	v10 =	vmul.f32 v10, v12;
	_ =	sdelay $0x1  }
0xae: {  	[tilespmem:v11+s5+$0x0] =	vst.idx.msk $0xffff, v14  }
0xaf: {  	[tilespmem:v13+s5+$0x0] =	vst.idx.msk $0xffff, v10  }
0xb0: {  	v10 =	vld [tilespmem:s22+$0x0];
	_ =	sdelay $0x2  }
0xb1: {  	v11 =	vor.u32 v5, v9  }
0xb2: {  	v13 =	vor.u32 v6, v9  }
0xb3: {  	v14 =	vshll.u32 v10, $0x10;
	v10 =	vand.u32 $0xFFFF0000, v10  }
0xb4: {  	v14 =	vmul.f32 v14, v12;
	v10 =	vmul.f32 v10, v12;
	_ =	sdelay $0x1  }
0xb5: {  	[tilespmem:v11+s5+$0x0] =	vst.idx.msk $0xffff, v14  }
0xb6: {  	[tilespmem:v13+s5+$0x0] =	vst.idx.msk $0xffff, v10  }
0xb7: {  	v10 =	vld [tilespmem:s22+$0x10];
	_ =	sdelay $0x2  }
0xb8: {  	v13 =	vor.u32 v7, v9  }
.Ltmp0:
0xb9: {  	v11 =	vor.u32 v8, v9;
	(pc) =	sbr.rel @p1 .LBB2_3-.Ltmp0, $4  }
0xba: {  	v9 =	vshll.u32 v10, $0x10;
	v14 =	vand.u32 $0xFFFF0000, v10  }
0xbb: {  	v10 =	vmov s2;
	v15 =	vmul.f32 v9, v12;
	v12 =	vmul.f32 v14, v12  }
0xbc: {  	v9 =	vshll.u32 v10, $0x7  }
0xbd: {  	[tilespmem:v13+s5+$0x0] =	vst.idx.msk $0xffff, v15  }
0xbe: {  	_ =	sdelay $0x3  }
0xbf: {  	[tilespmem:v11+s5+$0x0] =	vst.idx.msk $0xffff, v12;
	s2 =	sadd.s32 $0x40, s22  }
0xc0: {  	v11 =	vld [tilespmem:s2+$0xFFFFFFE0]  }
0xc1: {  	v10 =	vld.idx.msk [tilespmem:v10+s20+$0x0], $0xffff;
	_ =	sdelay $0x1  }
0xc2: {  	v12 =	vor.u32 v0, v9  }
0xc3: {  	v13 =	vor.u32 v2, v9  }
0xc4: {  	v14 =	vshll.u32 v11, $0x10  }
0xc5: {  	v11 =	vand.u32 $0xFFFF0000, v11;
	v14 =	vmul.f32 v14, v10  }
0xc6: {  	v11 =	vmul.f32 v11, v10  }
0xc7: {  	[tilespmem:v12+s5+$0x0] =	vst.idx.msk $0xffff, v14  }
0xc8: {  	[tilespmem:v13+s5+$0x0] =	vst.idx.msk $0xffff, v11  }
0xc9: {  	v11 =	vld [tilespmem:s2+$0xFFFFFFF0];
	_ =	sdelay $0x2  }
0xca: {  	v12 =	vor.u32 v3, v9  }
0xcb: {  	v13 =	vor.u32 v4, v9  }
0xcc: {  	v14 =	vshll.u32 v11, $0x10  }
0xcd: {  	v11 =	vand.u32 $0xFFFF0000, v11;
	v14 =	vmul.f32 v14, v10  }
0xce: {  	v11 =	vmul.f32 v11, v10  }
0xcf: {  	[tilespmem:v12+s5+$0x0] =	vst.idx.msk $0xffff, v14  }
0xd0: {  	[tilespmem:v13+s5+$0x0] =	vst.idx.msk $0xffff, v11  }
0xd1: {  	v11 =	vld [tilespmem:s2+$0x0];
	_ =	sdelay $0x2  }
0xd2: {  	v12 =	vor.u32 v5, v9  }
0xd3: {  	v13 =	vor.u32 v6, v9  }
0xd4: {  	v14 =	vshll.u32 v11, $0x10  }
0xd5: {  	v11 =	vand.u32 $0xFFFF0000, v11;
	v14 =	vmul.f32 v14, v10  }
0xd6: {  	v11 =	vmul.f32 v11, v10  }
0xd7: {  	[tilespmem:v12+s5+$0x0] =	vst.idx.msk $0xffff, v14  }
0xd8: {  	[tilespmem:v13+s5+$0x0] =	vst.idx.msk $0xffff, v11  }
0xd9: {  	v11 =	vld [tilespmem:s2+$0x10];
	_ =	sdelay $0x2  }
0xda: {  	v12 =	vor.u32 v7, v9  }
0xdb: {  	v9 =	vor.u32 v8, v9  }
0xdc: {  	v13 =	vshll.u32 v11, $0x10  }
0xdd: {  	v11 =	vand.u32 $0xFFFF0000, v11;
	v13 =	vmul.f32 v13, v10  }
0xde: {  	v10 =	vmul.f32 v11, v10  }
0xdf: {  	[tilespmem:v12+s5+$0x0] =	vst.idx.msk $0xffff, v13  }
0xe0: {  	s16 =	simm.s32 $0xA9C0;
	s2 =	simm.s32 $0x0;
	[tilespmem:v9+s5+$0x0] =	vst.idx.msk $0xffff, v10  }
0xe1: {  	[spmem:s4] =	stream.indirect.scatter.add.f32 [tilespmem:s2], [sflag:$0x3], $0x80, s16, s6, $0xb8;
	[tilespmem:$0x1E5C0] =	vst v63  }
0xe2: {  	_ =	swait.ge [sflag:s10], $0x1C00  }
0xe3: {  	[sflag:s10] =	ssyncset.done $0x0  }
0xe4: {  	[sflag:s10] =	ssyncadd.s32 $0xFFFFE400  }
0xe5: {  	_ =	swait.ge [sflag:s11], $0x3800  }
0xe6: {  	[sflag:s11] =	ssyncset.done $0x0  }
0xe7: {  	[sflag:s11] =	ssyncadd.s32 $0xFFFFC800  }
0xe8: {  	_ =	swait.ge [sflag:s14], $0x70  }
0xe9: {  	[sflag:s14] =	ssyncset.done $0x0  }
0xea: {  	[sflag:s14] =	ssyncadd.s32 $0xFFFFFF90  }
0xeb: {  	_ =	swait.ge [sflag:s14], $0x70  }
0xec: {  	[sflag:s14] =	ssyncset.done $0x0  }
0xed: {  	[sflag:s14] =	ssyncadd.s32 $0xFFFFFF90  }
0xee: {  	_ =	swait.ge [sflag:s14], $0x70  }
0xef: {  	[sflag:s14] =	ssyncset.done $0x0  }
0xf0: {  	[sflag:s14] =	ssyncadd.s32 $0xFFFFFF90  }
0xf1: {  	v9 =	vld [tilespmem:$0xA8E0]  }
0xf2: {  	v10 =	vld [tilespmem:$0xA8F0]  }
0xf3: {  	v11 =	vld [tilespmem:$0xA900]  }
0xf4: {  	v12 =	vld [tilespmem:$0xA910]  }
0xf5: {  	v13 =	vld [tilespmem:$0xA920]  }
0xf6: {  	v14 =	vld [tilespmem:$0xA930];
	v9 =	vadd.s32 v1, v9  }
0xf7: {  	[tilespmem:$0xA8E0] =	vst v9;
	v9 =	vadd.s32 v1, v10;
	v10 =	vld [tilespmem:$0xA940]  }
0xf8: {  	[tilespmem:$0xA8F0] =	vst v9;
	v9 =	vadd.s32 v1, v11  }
0xf9: {  	[tilespmem:$0xA900] =	vst v9;
	v9 =	vadd.s32 v1, v12  }
0xfa: {  	[tilespmem:$0xA910] =	vst v9;
	v9 =	vadd.s32 v1, v13  }
0xfb: {  	s25 =	rddreg [dreg:$0x19];
	[tilespmem:$0xA920] =	vst v9;
	v9 =	vadd.s32 v1, v14  }
0xfc: {  	s16 =	sadd.s32 s21, s25;
	[tilespmem:$0xA930] =	vst v9;
	v9 =	vadd.s32 v1, v10  }
0xfd: {  	s22 =	simm.s32 $0x7000;
	s17 =	simm.s32 $0xA8E0;
	s16 =	sshrl.u32 s16, $0x3;
	[tilespmem:$0xA940] =	vst v9  }
0xfe: {  	[tilespmem:s22], [sflag:$0x1] =	stream.indirect.gather [hbm4b:s3+s6], $0x40, s17, s6, $0xb8;
	[tilespmem:$0x1E5C0] =	vst v63  }
0xff: {  	s25 =	simm.s32 $0xA950;
	s17 =	sadd.s32 s7, s16  }
0x100: {  	[tilespmem:s25], [sflag:$0x8] =	stream.linear.gather [hbm4b:s17+s2], $0x70, $0x38;
	[tilespmem:$0x1E5C0] =	vst v63  }
0x101: {  	v9 =	vmov s2;
	s17 =	sadd.s32 s1, s16  }
0x102: {  	[tilespmem:s28], [sflag:$0x8] =	stream.linear.gather [hbm4b:s17+s2], $0x70, $0x38;
	[tilespmem:$0x1E5C0] =	vst v63  }
0x103: {  	s22 =	simm.s32 $0x8C20;
	s16 =	sadd.s32 s8, s16  }
0x104: {  	[tilespmem:s29], [sflag:$0x8] =	stream.linear.gather [hbm4b:s16+s2], $0x70, $0x38;
	[tilespmem:$0x1E5C0] =	vst v63  }
0x105: {  	v10 =	vld [tilespmem:s22+$0xFFFFFFE0]  }
0x106: {  	v12 =	vld.idx.msk [tilespmem:v9+s26+$0x0], $0xffff  }
0x107: {  	v9 =	vshll.u32 v9, $0x7  }
0x108: {  	v11 =	vor.u32 v0, v9  }
0x109: {  	v13 =	vor.u32 v2, v9  }
0x10a: {  	v14 =	vshll.u32 v10, $0x10  }
0x10b: {  	v10 =	vand.u32 $0xFFFF0000, v10;
	v14 =	vmul.f32 v14, v12  }
0x10c: {  	v10 =	vmul.f32 v10, v12  }
0x10d: {  	[tilespmem:v11+s30+$0x0] =	vst.idx.msk $0xffff, v14  }
0x10e: {  	[tilespmem:v13+s30+$0x0] =	vst.idx.msk $0xffff, v10  }
0x10f: {  	v10 =	vld [tilespmem:s22+$0xFFFFFFF0];
	_ =	sdelay $0x2  }
0x110: {  	v11 =	vor.u32 v3, v9  }
0x111: {  	v13 =	vor.u32 v4, v9  }
0x112: {  	v14 =	vshll.u32 v10, $0x10  }
0x113: {  	v10 =	vand.u32 $0xFFFF0000, v10;
	v14 =	vmul.f32 v14, v12  }
0x114: {  	v10 =	vmul.f32 v10, v12  }
0x115: {  	[tilespmem:v11+s30+$0x0] =	vst.idx.msk $0xffff, v14  }
0x116: {  	[tilespmem:v13+s30+$0x0] =	vst.idx.msk $0xffff, v10  }
0x117: {  	v10 =	vld [tilespmem:s22+$0x0];
	_ =	sdelay $0x2  }
0x118: {  	v11 =	vor.u32 v5, v9  }
0x119: {  	v13 =	vor.u32 v6, v9  }
0x11a: {  	v14 =	vshll.u32 v10, $0x10  }
0x11b: {  	v10 =	vand.u32 $0xFFFF0000, v10;
	v14 =	vmul.f32 v14, v12  }
0x11c: {  	v10 =	vmul.f32 v10, v12  }
0x11d: {  	[tilespmem:v11+s30+$0x0] =	vst.idx.msk $0xffff, v14  }
0x11e: {  	[tilespmem:v13+s30+$0x0] =	vst.idx.msk $0xffff, v10  }
0x11f: {  	v10 =	vld [tilespmem:s22+$0x10];
	_ =	sdelay $0x3  }
0x120: {  	v13 =	vor.u32 v7, v9  }
0x121: {  	v11 =	vshll.u32 v10, $0x10  }
0x122: {  	v14 =	vmul.f32 v11, v12;
	v11 =	vor.u32 v8, v9  }
0x123: {  	s25 =	simm.s32 $0x1  }
0x124: {  	v15 =	vand.u32 $0xFFFF0000, v10;
	v10 =	vmov s25  }
0x125: {  	s25 =	simm.s32 $0x2;
	v12 =	vmul.f32 v15, v12;
	v9 =	vshll.u32 v10, $0x7;
	[tilespmem:v13+s30+$0x0] =	vst.idx.msk $0xffff, v14  }
.LBB2_5:
0x126: {  	p1 =	sne.s32 s25, $0x6F  }
0x127: {  	[tilespmem:v11+s30+$0x0] =	vst.idx.msk $0xffff, v12;
	s22 =	sadd.s32 $0x40, s22;
	s2 =	smov.u32 s25;
	s25 =	sadd.s32 $0x1, s25  }
0x128: {  	v11 =	vld [tilespmem:s22+$0xFFFFFFE0]  }
0x129: {  	v12 =	vld.idx.msk [tilespmem:v10+s26+$0x0], $0xffff;
	_ =	sdelay $0x2  }
0x12a: {  	v10 =	vor.u32 v0, v9  }
0x12b: {  	v13 =	vor.u32 v2, v9  }
0x12c: {  	v14 =	vshll.u32 v11, $0x10  }
0x12d: {  	v11 =	vand.u32 $0xFFFF0000, v11;
	v14 =	vmul.f32 v14, v12  }
0x12e: {  	v11 =	vmul.f32 v11, v12  }
0x12f: {  	[tilespmem:v10+s30+$0x0] =	vst.idx.msk $0xffff, v14  }
0x130: {  	[tilespmem:v13+s30+$0x0] =	vst.idx.msk $0xffff, v11  }
0x131: {  	v10 =	vld [tilespmem:s22+$0xFFFFFFF0];
	_ =	sdelay $0x2  }
0x132: {  	v11 =	vor.u32 v3, v9  }
0x133: {  	v13 =	vor.u32 v4, v9  }
0x134: {  	v14 =	vshll.u32 v10, $0x10;
	v10 =	vand.u32 $0xFFFF0000, v10  }
0x135: {  	v14 =	vmul.f32 v14, v12;
	v10 =	vmul.f32 v10, v12;
	_ =	sdelay $0x1  }
0x136: {  	[tilespmem:v11+s30+$0x0] =	vst.idx.msk $0xffff, v14  }
0x137: {  	[tilespmem:v13+s30+$0x0] =	vst.idx.msk $0xffff, v10  }
0x138: {  	v10 =	vld [tilespmem:s22+$0x0];
	_ =	sdelay $0x2  }
0x139: {  	v11 =	vor.u32 v5, v9  }
0x13a: {  	v13 =	vor.u32 v6, v9  }
0x13b: {  	v14 =	vshll.u32 v10, $0x10;
	v10 =	vand.u32 $0xFFFF0000, v10  }
0x13c: {  	v14 =	vmul.f32 v14, v12;
	v10 =	vmul.f32 v10, v12;
	_ =	sdelay $0x1  }
0x13d: {  	[tilespmem:v11+s30+$0x0] =	vst.idx.msk $0xffff, v14  }
0x13e: {  	[tilespmem:v13+s30+$0x0] =	vst.idx.msk $0xffff, v10  }
0x13f: {  	v10 =	vld [tilespmem:s22+$0x10];
	_ =	sdelay $0x2  }
0x140: {  	v13 =	vor.u32 v7, v9  }
.Ltmp1:
0x141: {  	v11 =	vor.u32 v8, v9;
	(pc) =	sbr.rel @p1 .LBB2_5-.Ltmp1, $4  }
0x142: {  	v9 =	vshll.u32 v10, $0x10;
	v14 =	vand.u32 $0xFFFF0000, v10  }
0x143: {  	v10 =	vmov s2;
	v15 =	vmul.f32 v9, v12;
	v12 =	vmul.f32 v14, v12  }
0x144: {  	v9 =	vshll.u32 v10, $0x7  }
0x145: {  	[tilespmem:v13+s30+$0x0] =	vst.idx.msk $0xffff, v15  }
0x146: {  	_ =	sdelay $0x3  }
0x147: {  	[tilespmem:v11+s30+$0x0] =	vst.idx.msk $0xffff, v12;
	s2 =	sadd.s32 $0x40, s22  }
0x148: {  	v11 =	vld [tilespmem:s2+$0xFFFFFFE0]  }
0x149: {  	v10 =	vld.idx.msk [tilespmem:v10+s26+$0x0], $0xffff;
	_ =	sdelay $0x1  }
0x14a: {  	v12 =	vor.u32 v0, v9  }
0x14b: {  	v13 =	vor.u32 v2, v9  }
0x14c: {  	v14 =	vshll.u32 v11, $0x10  }
0x14d: {  	v11 =	vand.u32 $0xFFFF0000, v11;
	v14 =	vmul.f32 v14, v10  }
0x14e: {  	v11 =	vmul.f32 v11, v10  }
0x14f: {  	[tilespmem:v12+s30+$0x0] =	vst.idx.msk $0xffff, v14  }
0x150: {  	[tilespmem:v13+s30+$0x0] =	vst.idx.msk $0xffff, v11  }
0x151: {  	v11 =	vld [tilespmem:s2+$0xFFFFFFF0];
	_ =	sdelay $0x2  }
0x152: {  	v12 =	vor.u32 v3, v9  }
0x153: {  	v13 =	vor.u32 v4, v9  }
0x154: {  	v14 =	vshll.u32 v11, $0x10  }
0x155: {  	v11 =	vand.u32 $0xFFFF0000, v11;
	v14 =	vmul.f32 v14, v10  }
0x156: {  	v11 =	vmul.f32 v11, v10  }
0x157: {  	[tilespmem:v12+s30+$0x0] =	vst.idx.msk $0xffff, v14  }
0x158: {  	[tilespmem:v13+s30+$0x0] =	vst.idx.msk $0xffff, v11  }
0x159: {  	v11 =	vld [tilespmem:s2+$0x0];
	_ =	sdelay $0x2  }
0x15a: {  	v12 =	vor.u32 v5, v9  }
0x15b: {  	v13 =	vor.u32 v6, v9  }
0x15c: {  	v14 =	vshll.u32 v11, $0x10  }
0x15d: {  	v11 =	vand.u32 $0xFFFF0000, v11;
	v14 =	vmul.f32 v14, v10  }
0x15e: {  	v11 =	vmul.f32 v11, v10  }
0x15f: {  	[tilespmem:v12+s30+$0x0] =	vst.idx.msk $0xffff, v14  }
0x160: {  	[tilespmem:v13+s30+$0x0] =	vst.idx.msk $0xffff, v11  }
0x161: {  	v11 =	vld [tilespmem:s2+$0x10];
	_ =	sdelay $0x2  }
0x162: {  	v12 =	vor.u32 v7, v9  }
0x163: {  	v9 =	vor.u32 v8, v9  }
0x164: {  	v13 =	vshll.u32 v11, $0x10  }
0x165: {  	v11 =	vand.u32 $0xFFFF0000, v11;
	v13 =	vmul.f32 v13, v10  }
0x166: {  	v10 =	vmul.f32 v11, v10  }
0x167: {  	[tilespmem:v12+s30+$0x0] =	vst.idx.msk $0xffff, v13  }
0x168: {  	s17 =	simm.s32 $0xAA30;
	[tilespmem:v9+s30+$0x0] =	vst.idx.msk $0xffff, v10  }
0x169: {  	[spmem:s4] =	stream.indirect.scatter.add.f32 [tilespmem:s30], [sflag:$0x4], $0x80, s17, s6, $0xb8;
	[tilespmem:$0x1E5C0] =	vst v63  }
0x16a: {  	_ =	swait.ge [sflag:s13], $0x1C00  }
0x16b: {  	[sflag:s13] =	ssyncset.done $0x0  }
0x16c: {  	[sflag:s13] =	ssyncadd.s32 $0xFFFFE400  }
0x16d: {  	_ =	swait.ge [sflag:s31], $0x3800  }
0x16e: {  	[sflag:s31] =	ssyncset.done $0x0  }
0x16f: {  	[sflag:s31] =	ssyncadd.s32 $0xFFFFC800  }
0x170: {  	_ =	swait.ge [sflag:s0], $0x70  }
0x171: {  	[sflag:s0] =	ssyncset.done $0x0  }
0x172: {  	[sflag:s0] =	ssyncadd.s32 $0xFFFFFF90  }
0x173: {  	_ =	swait.ge [sflag:s0], $0x70  }
0x174: {  	[sflag:s0] =	ssyncset.done $0x0  }
0x175: {  	[sflag:s0] =	ssyncadd.s32 $0xFFFFFF90  }
0x176: {  	_ =	swait.ge [sflag:s0], $0x70  }
0x177: {  	[sflag:s0] =	ssyncset.done $0x0  }
0x178: {  	[sflag:s0] =	ssyncadd.s32 $0xFFFFFF90  }
0x179: {  	v9 =	vld [tilespmem:$0xA950]  }
0x17a: {  	v10 =	vld [tilespmem:$0xA960]  }
0x17b: {  	v11 =	vld [tilespmem:$0xA970]  }
0x17c: {  	v12 =	vld [tilespmem:$0xA980]  }
0x17d: {  	v13 =	vld [tilespmem:$0xA990]  }
0x17e: {  	v14 =	vld [tilespmem:$0xA9A0];
	v9 =	vadd.s32 v1, v9  }
0x17f: {  	[tilespmem:$0xA950] =	vst v9;
	v9 =	vadd.s32 v1, v10;
	v10 =	vld [tilespmem:$0xA9B0]  }
0x180: {  	[tilespmem:$0xA960] =	vst v9;
	v9 =	vadd.s32 v1, v11  }
0x181: {  	[tilespmem:$0xA970] =	vst v9;
	v9 =	vadd.s32 v1, v12  }
0x182: {  	[tilespmem:$0xA980] =	vst v9;
	v9 =	vadd.s32 v1, v13  }
0x183: {  	p1 =	seq.s32 s19, $0x2C;
	s2 =	rddreg [dreg:$0x1a];
	[tilespmem:$0xA990] =	vst v9;
	v9 =	vadd.s32 v1, v14  }
0x184: {  	s2 =	sadd.s32 @!p1 s21, s2;
	[tilespmem:$0xA9A0] =	vst v9;
	v9 =	vadd.s32 v1, v10  }
0x185: {  	s22 =	simm.s32 $0x8C00;
	s16 =	simm.s32 $0xA950;
	s2 =	sshrl.u32 @!p1 s2, $0x3;
	[tilespmem:$0xA9B0] =	vst v9  }
0x186: {  	[tilespmem:s22], [sflag:$0x2] =	stream.indirect.gather [hbm4b:s3+s6], $0x40, s16, s6, $0xb8;
	[tilespmem:$0x1E5C0] =	vst v63  }
0x187: {  	s25 =	simm.s32 @!p1 $0xA800;
	s16 =	sadd.s32 @!p1 s7, s2;
	s22 =	simm.s32 @!p1 $0x0  }
0x188: {  	[tilespmem:s25], [sflag:$0x5] =	stream.linear.gather @!p1 [hbm4b:s16+s22], $0x70, $0x38;
	[tilespmem:$0x1E5C0] =	vst v63  }
0x189: {  	s17 =	simm.s32 $0x0;
	s16 =	sadd.s32 @!p1 s1, s2;
	s25 =	simm.s32 @!p1 $0xA9C0  }
0x18a: {  	v9 =	vmov s17;
	[tilespmem:s25], [sflag:$0x5] =	stream.linear.gather @!p1 [hbm4b:s16+s22], $0x70, $0x38;
	[tilespmem:$0x1E5C0] =	vst v63  }
0x18b: {  	s2 =	sadd.s32 @!p1 s8, s2;
	s16 =	simm.s32 @!p1 $0xAB80  }
0x18c: {  	[tilespmem:s16], [sflag:$0x5] =	stream.linear.gather @!p1 [hbm4b:s2+s22], $0x70, $0x38;
	[tilespmem:$0x1E5C0] =	vst v63  }
0x18d: {  	s22 =	simm.s32 $0x7020  }
0x18e: {  	v10 =	vld [tilespmem:s22+$0xFFFFFFE0]  }
0x18f: {  	v12 =	vld.idx.msk [tilespmem:v9+s24+$0x0], $0xffff  }
0x190: {  	v9 =	vshll.u32 v9, $0x7  }
0x191: {  	v11 =	vor.u32 v0, v9  }
0x192: {  	v13 =	vor.u32 v2, v9  }
0x193: {  	v14 =	vshll.u32 v10, $0x10  }
0x194: {  	v10 =	vand.u32 $0xFFFF0000, v10;
	v14 =	vmul.f32 v14, v12  }
0x195: {  	v10 =	vmul.f32 v10, v12  }
0x196: {  	[tilespmem:v11+s5+$0x0] =	vst.idx.msk $0xffff, v14  }
0x197: {  	[tilespmem:v13+s5+$0x0] =	vst.idx.msk $0xffff, v10  }
0x198: {  	v10 =	vld [tilespmem:s22+$0xFFFFFFF0];
	_ =	sdelay $0x2  }
0x199: {  	v11 =	vor.u32 v3, v9  }
0x19a: {  	v13 =	vor.u32 v4, v9  }
0x19b: {  	v14 =	vshll.u32 v10, $0x10  }
0x19c: {  	v10 =	vand.u32 $0xFFFF0000, v10;
	v14 =	vmul.f32 v14, v12  }
0x19d: {  	v10 =	vmul.f32 v10, v12  }
0x19e: {  	[tilespmem:v11+s5+$0x0] =	vst.idx.msk $0xffff, v14  }
0x19f: {  	[tilespmem:v13+s5+$0x0] =	vst.idx.msk $0xffff, v10  }
0x1a0: {  	v10 =	vld [tilespmem:s22+$0x0];
	_ =	sdelay $0x2  }
0x1a1: {  	v11 =	vor.u32 v5, v9  }
0x1a2: {  	v13 =	vor.u32 v6, v9  }
0x1a3: {  	v14 =	vshll.u32 v10, $0x10  }
0x1a4: {  	v10 =	vand.u32 $0xFFFF0000, v10;
	v14 =	vmul.f32 v14, v12  }
0x1a5: {  	v10 =	vmul.f32 v10, v12  }
0x1a6: {  	[tilespmem:v11+s5+$0x0] =	vst.idx.msk $0xffff, v14  }
0x1a7: {  	[tilespmem:v13+s5+$0x0] =	vst.idx.msk $0xffff, v10  }
0x1a8: {  	v10 =	vld [tilespmem:s22+$0x10];
	_ =	sdelay $0x3  }
0x1a9: {  	v13 =	vor.u32 v7, v9  }
0x1aa: {  	v11 =	vshll.u32 v10, $0x10  }
0x1ab: {  	v14 =	vmul.f32 v11, v12;
	v11 =	vor.u32 v8, v9  }
0x1ac: {  	s25 =	simm.s32 $0x1  }
0x1ad: {  	v15 =	vand.u32 $0xFFFF0000, v10;
	v10 =	vmov s25  }
0x1ae: {  	s25 =	simm.s32 $0x2;
	v12 =	vmul.f32 v15, v12;
	v9 =	vshll.u32 v10, $0x7;
	[tilespmem:v13+s5+$0x0] =	vst.idx.msk $0xffff, v14  }
.LBB2_7:
0x1af: {  	p2 =	sne.s32 s25, $0x6F  }
0x1b0: {  	[tilespmem:v11+s5+$0x0] =	vst.idx.msk $0xffff, v12;
	s22 =	sadd.s32 $0x40, s22;
	s2 =	smov.u32 s25;
	s25 =	sadd.s32 $0x1, s25  }
0x1b1: {  	v11 =	vld [tilespmem:s22+$0xFFFFFFE0]  }
0x1b2: {  	v12 =	vld.idx.msk [tilespmem:v10+s24+$0x0], $0xffff;
	_ =	sdelay $0x2  }
0x1b3: {  	v10 =	vor.u32 v0, v9  }
0x1b4: {  	v13 =	vor.u32 v2, v9  }
0x1b5: {  	v14 =	vshll.u32 v11, $0x10  }
0x1b6: {  	v11 =	vand.u32 $0xFFFF0000, v11;
	v14 =	vmul.f32 v14, v12  }
0x1b7: {  	v11 =	vmul.f32 v11, v12  }
0x1b8: {  	[tilespmem:v10+s5+$0x0] =	vst.idx.msk $0xffff, v14  }
0x1b9: {  	[tilespmem:v13+s5+$0x0] =	vst.idx.msk $0xffff, v11  }
0x1ba: {  	v10 =	vld [tilespmem:s22+$0xFFFFFFF0];
	_ =	sdelay $0x2  }
0x1bb: {  	v11 =	vor.u32 v3, v9  }
0x1bc: {  	v13 =	vor.u32 v4, v9  }
0x1bd: {  	v14 =	vshll.u32 v10, $0x10;
	v10 =	vand.u32 $0xFFFF0000, v10  }
0x1be: {  	v14 =	vmul.f32 v14, v12;
	v10 =	vmul.f32 v10, v12;
	_ =	sdelay $0x1  }
0x1bf: {  	[tilespmem:v11+s5+$0x0] =	vst.idx.msk $0xffff, v14  }
0x1c0: {  	[tilespmem:v13+s5+$0x0] =	vst.idx.msk $0xffff, v10  }
0x1c1: {  	v10 =	vld [tilespmem:s22+$0x0];
	_ =	sdelay $0x2  }
0x1c2: {  	v11 =	vor.u32 v5, v9  }
0x1c3: {  	v13 =	vor.u32 v6, v9  }
0x1c4: {  	v14 =	vshll.u32 v10, $0x10;
	v10 =	vand.u32 $0xFFFF0000, v10  }
0x1c5: {  	v14 =	vmul.f32 v14, v12;
	v10 =	vmul.f32 v10, v12;
	_ =	sdelay $0x1  }
0x1c6: {  	[tilespmem:v11+s5+$0x0] =	vst.idx.msk $0xffff, v14  }
0x1c7: {  	[tilespmem:v13+s5+$0x0] =	vst.idx.msk $0xffff, v10  }
0x1c8: {  	v10 =	vld [tilespmem:s22+$0x10];
	_ =	sdelay $0x2  }
0x1c9: {  	v13 =	vor.u32 v7, v9  }
.Ltmp2:
0x1ca: {  	v11 =	vor.u32 v8, v9;
	(pc) =	sbr.rel @p2 .LBB2_7-.Ltmp2, $4  }
0x1cb: {  	v9 =	vshll.u32 v10, $0x10;
	v14 =	vand.u32 $0xFFFF0000, v10  }
0x1cc: {  	v10 =	vmov s2;
	v15 =	vmul.f32 v9, v12;
	v12 =	vmul.f32 v14, v12  }
0x1cd: {  	v9 =	vshll.u32 v10, $0x7  }
0x1ce: {  	[tilespmem:v13+s5+$0x0] =	vst.idx.msk $0xffff, v15  }
0x1cf: {  	_ =	sdelay $0x3  }
0x1d0: {  	[tilespmem:v11+s5+$0x0] =	vst.idx.msk $0xffff, v12;
	s2 =	sadd.s32 $0x40, s22  }
0x1d1: {  	v11 =	vld [tilespmem:s2+$0xFFFFFFE0]  }
0x1d2: {  	v10 =	vld.idx.msk [tilespmem:v10+s24+$0x0], $0xffff;
	_ =	sdelay $0x1  }
0x1d3: {  	v12 =	vor.u32 v0, v9  }
0x1d4: {  	v13 =	vor.u32 v2, v9  }
0x1d5: {  	v14 =	vshll.u32 v11, $0x10  }
0x1d6: {  	v11 =	vand.u32 $0xFFFF0000, v11;
	v14 =	vmul.f32 v14, v10  }
0x1d7: {  	v11 =	vmul.f32 v11, v10  }
0x1d8: {  	[tilespmem:v12+s5+$0x0] =	vst.idx.msk $0xffff, v14  }
0x1d9: {  	[tilespmem:v13+s5+$0x0] =	vst.idx.msk $0xffff, v11  }
0x1da: {  	v11 =	vld [tilespmem:s2+$0xFFFFFFF0];
	_ =	sdelay $0x2  }
0x1db: {  	v12 =	vor.u32 v3, v9  }
0x1dc: {  	v13 =	vor.u32 v4, v9  }
0x1dd: {  	v14 =	vshll.u32 v11, $0x10  }
0x1de: {  	v11 =	vand.u32 $0xFFFF0000, v11;
	v14 =	vmul.f32 v14, v10  }
0x1df: {  	v11 =	vmul.f32 v11, v10  }
0x1e0: {  	[tilespmem:v12+s5+$0x0] =	vst.idx.msk $0xffff, v14  }
0x1e1: {  	[tilespmem:v13+s5+$0x0] =	vst.idx.msk $0xffff, v11  }
0x1e2: {  	v11 =	vld [tilespmem:s2+$0x0];
	_ =	sdelay $0x2  }
0x1e3: {  	v12 =	vor.u32 v5, v9  }
0x1e4: {  	v13 =	vor.u32 v6, v9  }
0x1e5: {  	v14 =	vshll.u32 v11, $0x10  }
0x1e6: {  	v11 =	vand.u32 $0xFFFF0000, v11;
	v14 =	vmul.f32 v14, v10  }
0x1e7: {  	v11 =	vmul.f32 v11, v10  }
0x1e8: {  	[tilespmem:v12+s5+$0x0] =	vst.idx.msk $0xffff, v14  }
0x1e9: {  	[tilespmem:v13+s5+$0x0] =	vst.idx.msk $0xffff, v11  }
0x1ea: {  	v11 =	vld [tilespmem:s2+$0x10];
	_ =	sdelay $0x2  }
0x1eb: {  	v12 =	vor.u32 v7, v9  }
0x1ec: {  	v9 =	vor.u32 v8, v9  }
0x1ed: {  	v13 =	vshll.u32 v11, $0x10  }
0x1ee: {  	v11 =	vand.u32 $0xFFFF0000, v11;
	v13 =	vmul.f32 v13, v10  }
0x1ef: {  	v10 =	vmul.f32 v11, v10  }
0x1f0: {  	[tilespmem:v12+s5+$0x0] =	vst.idx.msk $0xffff, v13  }
0x1f1: {  	s25 =	simm.s32 $0xAAA0;
	[tilespmem:v9+s5+$0x0] =	vst.idx.msk $0xffff, v10  }
0x1f2: {  	[spmem:s4] =	stream.indirect.scatter.add.f32 [tilespmem:s5], [sflag:$0x3], $0x80, s25, s6, $0xb8;
	[tilespmem:$0x1E5C0] =	vst v63  }
0x1f3: {  	_ =	swait.ge [sflag:s10], $0x1C00  }
0x1f4: {  	[sflag:s10] =	ssyncset.done $0x0  }
0x1f5: {  	s2 =	simm.s32 @!p1 $0x3;
	[sflag:s10] =	ssyncadd.s32 $0xFFFFE400  }
0x1f6: {  	_ =	swait.ge @!p1 [sflag:s2], $0x3800  }
0x1f7: {  	[sflag:s2] =	ssyncset.done @!p1 $0x0  }
0x1f8: {  	[sflag:s2] =	ssyncadd.s32 @!p1 $0xFFFFC800;
	s2 =	simm.s32 @!p1 $0x5  }
0x1f9: {  	_ =	swait.ge @!p1 [sflag:s2], $0x70  }
0x1fa: {  	[sflag:s2] =	ssyncset.done @!p1 $0x0  }
0x1fb: {  	[sflag:s2] =	ssyncadd.s32 @!p1 $0xFFFFFF90  }
0x1fc: {  	_ =	swait.ge @!p1 [sflag:s2], $0x70  }
0x1fd: {  	[sflag:s2] =	ssyncset.done @!p1 $0x0  }
0x1fe: {  	[sflag:s2] =	ssyncadd.s32 @!p1 $0xFFFFFF90  }
0x1ff: {  	_ =	swait.ge @!p1 [sflag:s2], $0x70  }
0x200: {  	[sflag:s2] =	ssyncset.done @!p1 $0x0  }
0x201: {  	[sflag:s2] =	ssyncadd.s32 @!p1 $0xFFFFFF90  }
0x202: {  	v9 =	vld @!p1 [tilespmem:$0xA800]  }
0x203: {  	v10 =	vld @!p1 [tilespmem:$0xA810]  }
0x204: {  	v11 =	vld @!p1 [tilespmem:$0xA820]  }
0x205: {  	v12 =	vld @!p1 [tilespmem:$0xA830]  }
0x206: {  	v13 =	vld @!p1 [tilespmem:$0xA840]  }
0x207: {  	v14 =	vld @!p1 [tilespmem:$0xA850];
	v9 =	vadd.s32 @!p1 v1, v9  }
0x208: {  	[tilespmem:$0xA800] =	vst @!p1 v9;
	v9 =	vadd.s32 @!p1 v1, v10;
	v10 =	vld @!p1 [tilespmem:$0xA860]  }
0x209: {  	[tilespmem:$0xA810] =	vst @!p1 v9;
	v9 =	vadd.s32 @!p1 v1, v11  }
0x20a: {  	[tilespmem:$0xA820] =	vst @!p1 v9;
	v9 =	vadd.s32 @!p1 v1, v12  }
0x20b: {  	[tilespmem:$0xA830] =	vst @!p1 v9;
	v9 =	vadd.s32 @!p1 v1, v13  }
0x20c: {  	[tilespmem:$0xA840] =	vst @!p1 v9;
	v9 =	vadd.s32 @!p1 v1, v14  }
0x20d: {  	[tilespmem:$0xA850] =	vst @!p1 v9;
	v9 =	vadd.s32 @!p1 v1, v10  }
0x20e: {  	s16 =	simm.s32 @!p1 $0xA800;
	s17 =	simm.s32 @!p1 $0x7000;
	s2 =	simm.s32 @!p1 $0x70;
	[tilespmem:$0xA860] =	vst @!p1 v9  }
0x20f: {  	[tilespmem:s17], [sflag:$0x1] =	stream.indirect.gather @!p1 [hbm4b:s3+s2], $0x40, s16, s2, $0xb8;
	[tilespmem:$0x1E5C0] =	vst v63  }
0x210: {  	s2 =	rddreg [dreg:$0x1b]  }
0x211: {  	s2 =	sadd.s32 @!p1 s21, s2  }
0x212: {  	s22 =	simm.s32 $0x0;
	s2 =	sshrl.u32 @!p1 s2, $0x3  }
0x213: {  	s17 =	simm.s32 @!p1 $0x0;
	s21 =	simm.s32 @!p1 $0xA870;
	s16 =	sadd.s32 @!p1 s7, s2  }
0x214: {  	[tilespmem:s21], [sflag:$0x6] =	stream.linear.gather @!p1 [hbm4b:s16+s17], $0x70, $0x38;
	[tilespmem:$0x1E5C0] =	vst v63  }
0x215: {  	v9 =	vmov s22;
	s16 =	sadd.s32 @!p1 s1, s2;
	s21 =	simm.s32 @!p1 $0xAA30  }
0x216: {  	[tilespmem:s21], [sflag:$0x6] =	stream.linear.gather @!p1 [hbm4b:s16+s17], $0x70, $0x38;
	[tilespmem:$0x1E5C0] =	vst v63  }
0x217: {  	s2 =	sadd.s32 @!p1 s8, s2;
	s16 =	simm.s32 @!p1 $0xABF0;
	s21 =	simm.s32 $0x8C20  }
0x218: {  	[tilespmem:s16], [sflag:$0x6] =	stream.linear.gather @!p1 [hbm4b:s2+s17], $0x70, $0x38;
	[tilespmem:$0x1E5C0] =	vst v63  }
0x219: {  	v10 =	vld [tilespmem:s21+$0xFFFFFFE0]  }
0x21a: {  	v12 =	vld.idx.msk [tilespmem:v9+s29+$0x0], $0xffff  }
0x21b: {  	v9 =	vshll.u32 v9, $0x7  }
0x21c: {  	v11 =	vor.u32 v0, v9  }
0x21d: {  	v13 =	vor.u32 v2, v9  }
0x21e: {  	v14 =	vshll.u32 v10, $0x10  }
0x21f: {  	v10 =	vand.u32 $0xFFFF0000, v10;
	v14 =	vmul.f32 v14, v12  }
0x220: {  	v10 =	vmul.f32 v10, v12  }
0x221: {  	[tilespmem:v11+s30+$0x0] =	vst.idx.msk $0xffff, v14  }
0x222: {  	[tilespmem:v13+s30+$0x0] =	vst.idx.msk $0xffff, v10  }
0x223: {  	v10 =	vld [tilespmem:s21+$0xFFFFFFF0];
	_ =	sdelay $0x2  }
0x224: {  	v11 =	vor.u32 v3, v9  }
0x225: {  	v13 =	vor.u32 v4, v9  }
0x226: {  	v14 =	vshll.u32 v10, $0x10  }
0x227: {  	v10 =	vand.u32 $0xFFFF0000, v10;
	v14 =	vmul.f32 v14, v12  }
0x228: {  	v10 =	vmul.f32 v10, v12  }
0x229: {  	[tilespmem:v11+s30+$0x0] =	vst.idx.msk $0xffff, v14  }
0x22a: {  	[tilespmem:v13+s30+$0x0] =	vst.idx.msk $0xffff, v10  }
0x22b: {  	v10 =	vld [tilespmem:s21+$0x0];
	_ =	sdelay $0x2  }
0x22c: {  	v11 =	vor.u32 v5, v9  }
0x22d: {  	v13 =	vor.u32 v6, v9  }
0x22e: {  	v14 =	vshll.u32 v10, $0x10  }
0x22f: {  	v10 =	vand.u32 $0xFFFF0000, v10;
	v14 =	vmul.f32 v14, v12  }
0x230: {  	v10 =	vmul.f32 v10, v12  }
0x231: {  	[tilespmem:v11+s30+$0x0] =	vst.idx.msk $0xffff, v14  }
0x232: {  	[tilespmem:v13+s30+$0x0] =	vst.idx.msk $0xffff, v10  }
0x233: {  	v10 =	vld [tilespmem:s21+$0x10];
	_ =	sdelay $0x3  }
0x234: {  	v13 =	vor.u32 v7, v9  }
0x235: {  	v11 =	vshll.u32 v10, $0x10  }
0x236: {  	v14 =	vmul.f32 v11, v12;
	v11 =	vor.u32 v8, v9  }
0x237: {  	s22 =	simm.s32 $0x1  }
0x238: {  	v15 =	vand.u32 $0xFFFF0000, v10;
	v10 =	vmov s22  }
0x239: {  	s22 =	simm.s32 $0x2;
	v12 =	vmul.f32 v15, v12;
	v9 =	vshll.u32 v10, $0x7;
	[tilespmem:v13+s30+$0x0] =	vst.idx.msk $0xffff, v14  }
.LBB2_9:
0x23a: {  	p1 =	sne.s32 s22, $0x6F  }
0x23b: {  	[tilespmem:v11+s30+$0x0] =	vst.idx.msk $0xffff, v12;
	s21 =	sadd.s32 $0x40, s21;
	s2 =	smov.u32 s22;
	s22 =	sadd.s32 $0x1, s22  }
0x23c: {  	v11 =	vld [tilespmem:s21+$0xFFFFFFE0]  }
0x23d: {  	v12 =	vld.idx.msk [tilespmem:v10+s29+$0x0], $0xffff;
	_ =	sdelay $0x2  }
0x23e: {  	v10 =	vor.u32 v0, v9  }
0x23f: {  	v13 =	vor.u32 v2, v9  }
0x240: {  	v14 =	vshll.u32 v11, $0x10  }
0x241: {  	v11 =	vand.u32 $0xFFFF0000, v11;
	v14 =	vmul.f32 v14, v12  }
0x242: {  	v11 =	vmul.f32 v11, v12  }
0x243: {  	[tilespmem:v10+s30+$0x0] =	vst.idx.msk $0xffff, v14  }
0x244: {  	[tilespmem:v13+s30+$0x0] =	vst.idx.msk $0xffff, v11  }
0x245: {  	v10 =	vld [tilespmem:s21+$0xFFFFFFF0];
	_ =	sdelay $0x2  }
0x246: {  	v11 =	vor.u32 v3, v9  }
0x247: {  	v13 =	vor.u32 v4, v9  }
0x248: {  	v14 =	vshll.u32 v10, $0x10;
	v10 =	vand.u32 $0xFFFF0000, v10  }
0x249: {  	v14 =	vmul.f32 v14, v12;
	v10 =	vmul.f32 v10, v12;
	_ =	sdelay $0x1  }
0x24a: {  	[tilespmem:v11+s30+$0x0] =	vst.idx.msk $0xffff, v14  }
0x24b: {  	[tilespmem:v13+s30+$0x0] =	vst.idx.msk $0xffff, v10  }
0x24c: {  	v10 =	vld [tilespmem:s21+$0x0];
	_ =	sdelay $0x2  }
0x24d: {  	v11 =	vor.u32 v5, v9  }
0x24e: {  	v13 =	vor.u32 v6, v9  }
0x24f: {  	v14 =	vshll.u32 v10, $0x10;
	v10 =	vand.u32 $0xFFFF0000, v10  }
0x250: {  	v14 =	vmul.f32 v14, v12;
	v10 =	vmul.f32 v10, v12;
	_ =	sdelay $0x1  }
0x251: {  	[tilespmem:v11+s30+$0x0] =	vst.idx.msk $0xffff, v14  }
0x252: {  	[tilespmem:v13+s30+$0x0] =	vst.idx.msk $0xffff, v10  }
0x253: {  	v10 =	vld [tilespmem:s21+$0x10];
	_ =	sdelay $0x2  }
0x254: {  	v13 =	vor.u32 v7, v9  }
.Ltmp3:
0x255: {  	v11 =	vor.u32 v8, v9;
	(pc) =	sbr.rel @p1 .LBB2_9-.Ltmp3, $4  }
0x256: {  	v9 =	vshll.u32 v10, $0x10;
	v14 =	vand.u32 $0xFFFF0000, v10  }
0x257: {  	v10 =	vmov s2;
	v15 =	vmul.f32 v9, v12;
	v12 =	vmul.f32 v14, v12  }
0x258: {  	v9 =	vshll.u32 v10, $0x7  }
0x259: {  	[tilespmem:v13+s30+$0x0] =	vst.idx.msk $0xffff, v15  }
0x25a: {  	_ =	sdelay $0x3  }
0x25b: {  	[tilespmem:v11+s30+$0x0] =	vst.idx.msk $0xffff, v12;
	s2 =	sadd.s32 $0x40, s21  }
0x25c: {  	v11 =	vld [tilespmem:s2+$0xFFFFFFE0]  }
0x25d: {  	v10 =	vld.idx.msk [tilespmem:v10+s29+$0x0], $0xffff;
	_ =	sdelay $0x1  }
0x25e: {  	v55 =	vor.u32 v0, v9  }
0x25f: {  	v13 =	vor.u32 v2, v9  }
0x260: {  	v14 =	vshll.u32 v11, $0x10  }
0x261: {  	v11 =	vand.u32 $0xFFFF0000, v11;
	v14 =	vmul.f32 v14, v10  }
0x262: {  	v11 =	vmul.f32 v11, v10  }
0x263: {  	[tilespmem:v55+s30+$0x0] =	vst.idx.msk $0xffff, v14  }
0x264: {  	[tilespmem:v13+s30+$0x0] =	vst.idx.msk $0xffff, v11  }
0x265: {  	v11 =	vld [tilespmem:s2+$0xFFFFFFF0];
	_ =	sdelay $0x2  }
0x266: {  	v56 =	vor.u32 v3, v9  }
0x267: {  	v57 =	vor.u32 v4, v9  }
0x268: {  	v58 =	vshll.u32 v11, $0x10  }
0x269: {  	v11 =	vand.u32 $0xFFFF0000, v11;
	v14 =	vmul.f32 v58, v10  }
0x26a: {  	v11 =	vmul.f32 v11, v10  }
0x26b: {  	[tilespmem:v56+s30+$0x0] =	vst.idx.msk $0xffff, v14  }
0x26c: {  	[tilespmem:v57+s30+$0x0] =	vst.idx.msk $0xffff, v11  }
0x26d: {  	v11 =	vld [tilespmem:s2+$0x0];
	_ =	sdelay $0x2  }
0x26e: {  	v59 =	vor.u32 v5, v9  }
0x26f: {  	v60 =	vor.u32 v6, v9  }
0x270: {  	v61 =	vshll.u32 v11, $0x10  }
0x271: {  	v11 =	vand.u32 $0xFFFF0000, v11;
	v14 =	vmul.f32 v61, v10  }
0x272: {  	v11 =	vmul.f32 v11, v10  }
0x273: {  	[tilespmem:v59+s30+$0x0] =	vst.idx.msk $0xffff, v14  }
0x274: {  	[tilespmem:v60+s30+$0x0] =	vst.idx.msk $0xffff, v11  }
0x275: {  	v11 =	vld [tilespmem:s2+$0x10];
	_ =	sdelay $0x2  }
0x276: {  	v62 =	vor.u32 v7, v9  }
0x277: {  	v9 =	vor.u32 v8, v9;
	s19 =	sadd.s32 $0x1, s19  }
0x278: {  	p1 =	sne.s32 s19, $0x2D;
	v63 =	vshll.u32 v11, $0x10  }
.Ltmp4:
0x279: {  	v11 =	vand.u32 $0xFFFF0000, v11;
	v13 =	vmul.f32 v63, v10;
	(pc) =	sbr.rel @p1 .LBB2_2-.Ltmp4, $4  }
0x27a: {  	v10 =	vmul.f32 v11, v10  }
0x27b: {  	[tilespmem:v62+s30+$0x0] =	vst.idx.msk $0xffff, v13  }
0x27c: {  	[tilespmem:v9+s30+$0x0] =	vst.idx.msk $0xffff, v10  }
0x27d: {  	[spmem:s4] =	stream.indirect.scatter.add.f32 [tilespmem:s30], [sflag:$0x4], $0x80, s28, s6, $0xb8;
	[tilespmem:$0x1E5C0] =	vst v63  }
0x27e: {  	_ =	swait.ge [sflag:s31], $0x3800  }
0x27f: {  	[sflag:s31] =	ssyncset.done $0x0  }
0x280: {  	[sflag:s31] =	ssyncadd.s32 $0xFFFFC800  }
0x281: {  	[bflag:$0x0] =	sbarrier.arrive $0xFFFF  }
0x282: {  	s19 =	rddreg [dreg:$0x9]  }
0x283: {  	s2 =	rddreg [dreg:$0xe]  }
0x284: {  	s12 =	rddreg [dreg:$0x1e]  }
0x285: {  	[hbm:s2], [sflag:s19] =	dma.local [spmem:s12], $0x2700  }
0x286: {  	s12 =	simm.s32 $0x9  }
0x287: {  	_ =	swait.ge [sflag:s12], $0x2700  }
0x288: {  	[sflag:s12] =	ssyncset.done $0x0  }
0x289: {  	[sflag:s12] =	ssyncadd.s32 $0xFFFFD900;
	s12 =	rddreg [dreg:$0x7]  }
0x28a: {  	s17 =	rddreg [dreg:$0x8];
	s2 =	sshrl.u32 @p0 s12, $0x3  }
0x28b: {  	[spmem:s2], [sflag:s19] =	dma.local @p0 [hbm:s17], $0x2700  }
0x28c: {  	s2 =	simm.s32 @p0 $0x9  }
0x28d: {  	_ =	swait.ge @p0 [sflag:s2], $0x2700  }
0x28e: {  	[sflag:s2] =	ssyncset.done @p0 $0x0;
	s21 =	rddreg [dreg:$0x1f]  }
0x28f: {  	[sflag:s2] =	ssyncadd.s32 @p0 $0xFFFFD900;
	s2 =	rddreg [dreg:$0xf]  }
0x290: {  	[hbm:s2], [sflag:s19] =	dma.local @!p0 [spmem:s21], $0x100  }
0x291: {  	s2 =	simm.s32 @!p0 $0x9  }
0x292: {  	_ =	swait.ge @!p0 [sflag:s2], $0x100  }
0x293: {  	[sflag:s2] =	ssyncset.done @!p0 $0x0  }
0x294: {  	s16 =	sshrl.u32 @!p0 s12, $0x3;
	[sflag:s2] =	ssyncadd.s32 @!p0 $0xFFFFFF00  }
0x295: {  	[spmem:s16], [sflag:s19] =	dma.local @!p0 [hbm:s17], $0x2700  }
0x296: {  	_ =	swait.ge @!p0 [sflag:s2], $0x2700  }
0x297: {  	[sflag:s2] =	ssyncset.done @!p0 $0x0  }
0x298: {  	s12 =	rddreg [dreg:$0xa];
	[sflag:s2] =	ssyncadd.s32 @!p0 $0xFFFFD900  }
0x299: {  	[spmem:s21], [sflag:s19] =	dma.local @!p0 [hbm:s12], $0x100  }
0x29a: {  	_ =	swait.ge @!p0 [sflag:s2], $0x100  }
0x29b: {  	[sflag:s2] =	ssyncset.done @!p0 $0x0  }
0x29c: {  	[sflag:s2] =	ssyncadd.s32 @!p0 $0xFFFFFF00  }
0x29d: {  	[bflag:$0x0] =	sbarrier.arrive $0xFFFF  }
0x29e: {  	s19 =	simm.s32 $0x0;
	s12 =	simm.s32 $0xA800;
	s16 =	rddreg [dreg:$0x15]  }
0x29f: {  	[tilespmem:s12], [sflag:$0x5] =	stream.linear.gather [hbm4b:s16+s19], $0x70, $0x38;
	[tilespmem:$0x1E5C0] =	vst v63  }
0x2a0: {  	s21 =	simm.s32 $0xA9C0;
	s17 =	rddreg [dreg:$0xc]  }
0x2a1: {  	[tilespmem:s21], [sflag:$0x5] =	stream.linear.gather [hbm4b:s17+s19], $0x70, $0x38;
	[tilespmem:$0x1E5C0] =	vst v63  }
0x2a2: {  	s22 =	rddreg [dreg:$0xd]  }
0x2a3: {  	[tilespmem:s20], [sflag:$0x5] =	stream.linear.gather [hbm4b:s22+s19], $0x70, $0x38;
	[tilespmem:$0x1E5C0] =	vst v63  }
0x2a4: {  	s16 =	rddreg [dreg:$0x1c];
	s17 =	simm.s32 $0xA870  }
0x2a5: {  	[tilespmem:s17], [sflag:$0x6] =	stream.linear.gather [hbm4b:s16+s19], $0x70, $0x38;
	[tilespmem:$0x1E5C0] =	vst v63  }
0x2a6: {  	s21 =	rddreg [dreg:$0x13];
	s22 =	simm.s32 $0xAA30  }
0x2a7: {  	[tilespmem:s22], [sflag:$0x6] =	stream.linear.gather [hbm4b:s21+s19], $0x70, $0x38;
	[tilespmem:$0x1E5C0] =	vst v63  }
0x2a8: {  	s17 =	rddreg [dreg:$0x14];
	s21 =	simm.s32 $0x5  }
0x2a9: {  	[tilespmem:s26], [sflag:$0x6] =	stream.linear.gather [hbm4b:s17+s19], $0x70, $0x38;
	[tilespmem:$0x1E5C0] =	vst v63  }
0x2aa: {  	_ =	swait.ge [sflag:s21], $0x70  }
0x2ab: {  	[sflag:s21] =	ssyncset.done $0x0  }
0x2ac: {  	[sflag:s21] =	ssyncadd.s32 $0xFFFFFF90  }
0x2ad: {  	_ =	swait.ge [sflag:s21], $0x70  }
0x2ae: {  	[sflag:s21] =	ssyncset.done $0x0  }
0x2af: {  	[sflag:s21] =	ssyncadd.s32 $0xFFFFFF90  }
0x2b0: {  	_ =	swait.ge [sflag:s21], $0x70  }
0x2b1: {  	[sflag:s21] =	ssyncset.done $0x0  }
0x2b2: {  	[sflag:s21] =	ssyncadd.s32 $0xFFFFFF90  }
0x2b3: {  	v9 =	vld [tilespmem:$0xA800]  }
0x2b4: {  	v10 =	vld [tilespmem:$0xA810]  }
0x2b5: {  	v11 =	vld [tilespmem:$0xA820]  }
0x2b6: {  	v12 =	vld [tilespmem:$0xA830]  }
0x2b7: {  	v13 =	vld [tilespmem:$0xA840]  }
0x2b8: {  	v14 =	vld [tilespmem:$0xA850];
	v9 =	vadd.s32 v1, v9  }
0x2b9: {  	[tilespmem:$0xA800] =	vst v9;
	v9 =	vadd.s32 v1, v10;
	v10 =	vld [tilespmem:$0xA860]  }
0x2ba: {  	[tilespmem:$0xA810] =	vst v9;
	v9 =	vadd.s32 v1, v11  }
0x2bb: {  	[tilespmem:$0xA820] =	vst v9;
	v9 =	vadd.s32 v1, v12  }
0x2bc: {  	[tilespmem:$0xA830] =	vst v9;
	v9 =	vadd.s32 v1, v13  }
0x2bd: {  	[tilespmem:$0xA840] =	vst v9;
	v9 =	vadd.s32 v1, v14  }
0x2be: {  	[tilespmem:$0xA850] =	vst v9;
	v9 =	vadd.s32 v1, v10  }
0x2bf: {  	s22 =	simm.s32 $0x7000;
	s21 =	simm.s32 $0x0;
	[tilespmem:$0xA860] =	vst v9  }
0x2c0: {  	[tilespmem:s22], [sflag:$0x1] =	stream.indirect.gather [hbm4b:s3+s6], $0x40, s12, s6, $0xb8;
	[tilespmem:$0x1E5C0] =	vst v63  }
.LBB2_12:
0x2c1: {  	_ =	swait.ge [sflag:s13], $0x1C00  }
0x2c2: {  	p1 =	seq.s32 s21, $0x0;
	[sflag:s13] =	ssyncset.done $0x0  }
0x2c3: {  	s2 =	simm.s32 @!p1 $0x4;
	[sflag:s13] =	ssyncadd.s32 $0xFFFFE400  }
0x2c4: {  	_ =	swait.ge @!p1 [sflag:s2], $0x3800  }
0x2c5: {  	[sflag:s2] =	ssyncset.done @!p1 $0x0  }
0x2c6: {  	[sflag:s2] =	ssyncadd.s32 @!p1 $0xFFFFC800  }
0x2c7: {  	_ =	swait.ge [sflag:s15], $0x70  }
0x2c8: {  	[sflag:s15] =	ssyncset.done $0x0  }
0x2c9: {  	[sflag:s15] =	ssyncadd.s32 $0xFFFFFF90  }
0x2ca: {  	_ =	swait.ge [sflag:s15], $0x70  }
0x2cb: {  	[sflag:s15] =	ssyncset.done $0x0  }
0x2cc: {  	[sflag:s15] =	ssyncadd.s32 $0xFFFFFF90  }
0x2cd: {  	_ =	swait.ge [sflag:s15], $0x70  }
0x2ce: {  	[sflag:s15] =	ssyncset.done $0x0  }
0x2cf: {  	[sflag:s15] =	ssyncadd.s32 $0xFFFFFF90  }
0x2d0: {  	v9 =	vld [tilespmem:$0xA870]  }
0x2d1: {  	v10 =	vld [tilespmem:$0xA880]  }
0x2d2: {  	v11 =	vld [tilespmem:$0xA890]  }
0x2d3: {  	v12 =	vld [tilespmem:$0xA8A0]  }
0x2d4: {  	v13 =	vld [tilespmem:$0xA8B0]  }
0x2d5: {  	v14 =	vld [tilespmem:$0xA8C0];
	v9 =	vadd.s32 v1, v9  }
0x2d6: {  	[tilespmem:$0xA870] =	vst v9;
	v9 =	vadd.s32 v1, v10;
	v10 =	vld [tilespmem:$0xA8D0]  }
0x2d7: {  	[tilespmem:$0xA880] =	vst v9;
	v9 =	vadd.s32 v1, v11  }
0x2d8: {  	[tilespmem:$0xA890] =	vst v9;
	v9 =	vadd.s32 v1, v12  }
0x2d9: {  	[tilespmem:$0xA8A0] =	vst v9;
	v9 =	vadd.s32 v1, v13  }
0x2da: {  	s22 =	smul.u32 $0x1C0, s21;
	[tilespmem:$0xA8B0] =	vst v9;
	v9 =	vadd.s32 v1, v14  }
0x2db: {  	[tilespmem:$0xA8C0] =	vst v9;
	v9 =	vadd.s32 v1, v10  }
0x2dc: {  	s16 =	simm.s32 $0xA870;
	s12 =	simm.s32 $0x8C00;
	s2 =	sadd.s32 $0xE0, s22;
	[tilespmem:$0xA8D0] =	vst v9  }
0x2dd: {  	[tilespmem:s12], [sflag:$0x2] =	stream.indirect.gather [hbm4b:s3+s6], $0x40, s16, s6, $0xb8;
	[tilespmem:$0x1E5C0] =	vst v63  }
0x2de: {  	s16 =	sadd.s32 s18, s2  }
0x2df: {  	s2 =	sadd.s32 s9, s2;
	s16 =	sshrl.u32 s16, $0x3  }
0x2e0: {  	s17 =	simm.s32 $0xA8E0;
	s2 =	sshrl.u32 s2, $0x3;
	s16 =	sadd.s32 s23, s16  }
0x2e1: {  	[tilespmem:s17], [sflag:$0x7] =	stream.linear.gather [hbm4b:s16+s19], $0x70, $0x38;
	[tilespmem:$0x1E5C0] =	vst v63  }
0x2e2: {  	v9 =	vmov s19;
	s12 =	sadd.s32 s1, s2  }
0x2e3: {  	[tilespmem:s25], [sflag:$0x7] =	stream.linear.gather [hbm4b:s12+s19], $0x70, $0x38;
	[tilespmem:$0x1E5C0] =	vst v63  }
0x2e4: {  	s2 =	sadd.s32 s8, s2;
	s25 =	simm.s32 $0x7020  }
0x2e5: {  	[tilespmem:s24], [sflag:$0x7] =	stream.linear.gather [hbm4b:s2+s19], $0x70, $0x38;
	[tilespmem:$0x1E5C0] =	vst v63  }
0x2e6: {  	v10 =	vld [tilespmem:s25+$0xFFFFFFE0]  }
0x2e7: {  	v12 =	vld.idx.msk [tilespmem:v9+s20+$0x0], $0xffff  }
0x2e8: {  	v9 =	vshll.u32 v9, $0x7  }
0x2e9: {  	v11 =	vor.u32 v0, v9  }
0x2ea: {  	v13 =	vor.u32 v2, v9  }
0x2eb: {  	v14 =	vshll.u32 v10, $0x10  }
0x2ec: {  	v10 =	vand.u32 $0xFFFF0000, v10;
	v14 =	vmul.f32 v14, v12  }
0x2ed: {  	v10 =	vmul.f32 v10, v12  }
0x2ee: {  	[tilespmem:v11+s5+$0x0] =	vst.idx.msk $0xffff, v14  }
0x2ef: {  	[tilespmem:v13+s5+$0x0] =	vst.idx.msk $0xffff, v10  }
0x2f0: {  	v10 =	vld [tilespmem:s25+$0xFFFFFFF0];
	_ =	sdelay $0x2  }
0x2f1: {  	v11 =	vor.u32 v3, v9  }
0x2f2: {  	v13 =	vor.u32 v4, v9  }
0x2f3: {  	v14 =	vshll.u32 v10, $0x10  }
0x2f4: {  	v10 =	vand.u32 $0xFFFF0000, v10;
	v14 =	vmul.f32 v14, v12  }
0x2f5: {  	v10 =	vmul.f32 v10, v12  }
0x2f6: {  	[tilespmem:v11+s5+$0x0] =	vst.idx.msk $0xffff, v14  }
0x2f7: {  	[tilespmem:v13+s5+$0x0] =	vst.idx.msk $0xffff, v10  }
0x2f8: {  	v10 =	vld [tilespmem:s25+$0x0];
	_ =	sdelay $0x2  }
0x2f9: {  	v11 =	vor.u32 v5, v9  }
0x2fa: {  	v13 =	vor.u32 v6, v9  }
0x2fb: {  	v14 =	vshll.u32 v10, $0x10  }
0x2fc: {  	v10 =	vand.u32 $0xFFFF0000, v10;
	v14 =	vmul.f32 v14, v12  }
0x2fd: {  	v10 =	vmul.f32 v10, v12  }
0x2fe: {  	[tilespmem:v11+s5+$0x0] =	vst.idx.msk $0xffff, v14  }
0x2ff: {  	[tilespmem:v13+s5+$0x0] =	vst.idx.msk $0xffff, v10  }
0x300: {  	v10 =	vld [tilespmem:s25+$0x10];
	_ =	sdelay $0x3  }
0x301: {  	v13 =	vor.u32 v7, v9  }
0x302: {  	v11 =	vshll.u32 v10, $0x10  }
0x303: {  	v14 =	vmul.f32 v11, v12;
	v11 =	vor.u32 v8, v9  }
0x304: {  	s17 =	simm.s32 $0x1  }
0x305: {  	v15 =	vand.u32 $0xFFFF0000, v10;
	v10 =	vmov s17  }
0x306: {  	s2 =	simm.s32 $0x2;
	v12 =	vmul.f32 v15, v12;
	v9 =	vshll.u32 v10, $0x7;
	[tilespmem:v13+s5+$0x0] =	vst.idx.msk $0xffff, v14  }
.LBB2_13:
0x307: {  	p1 =	sne.s32 s2, $0x6F  }
0x308: {  	[tilespmem:v11+s5+$0x0] =	vst.idx.msk $0xffff, v12;
	s25 =	sadd.s32 $0x40, s25;
	s16 =	smov.u32 s2;
	s2 =	sadd.s32 $0x1, s2  }
0x309: {  	v11 =	vld [tilespmem:s25+$0xFFFFFFE0]  }
0x30a: {  	v12 =	vld.idx.msk [tilespmem:v10+s20+$0x0], $0xffff;
	_ =	sdelay $0x2  }
0x30b: {  	v10 =	vor.u32 v0, v9  }
0x30c: {  	v13 =	vor.u32 v2, v9  }
0x30d: {  	v14 =	vshll.u32 v11, $0x10  }
0x30e: {  	v11 =	vand.u32 $0xFFFF0000, v11;
	v14 =	vmul.f32 v14, v12  }
0x30f: {  	v11 =	vmul.f32 v11, v12  }
0x310: {  	[tilespmem:v10+s5+$0x0] =	vst.idx.msk $0xffff, v14  }
0x311: {  	[tilespmem:v13+s5+$0x0] =	vst.idx.msk $0xffff, v11  }
0x312: {  	v10 =	vld [tilespmem:s25+$0xFFFFFFF0];
	_ =	sdelay $0x2  }
0x313: {  	v11 =	vor.u32 v3, v9  }
0x314: {  	v13 =	vor.u32 v4, v9  }
0x315: {  	v14 =	vshll.u32 v10, $0x10;
	v10 =	vand.u32 $0xFFFF0000, v10  }
0x316: {  	v14 =	vmul.f32 v14, v12;
	v10 =	vmul.f32 v10, v12;
	_ =	sdelay $0x1  }
0x317: {  	[tilespmem:v11+s5+$0x0] =	vst.idx.msk $0xffff, v14  }
0x318: {  	[tilespmem:v13+s5+$0x0] =	vst.idx.msk $0xffff, v10  }
0x319: {  	v10 =	vld [tilespmem:s25+$0x0];
	_ =	sdelay $0x2  }
0x31a: {  	v11 =	vor.u32 v5, v9  }
0x31b: {  	v13 =	vor.u32 v6, v9  }
0x31c: {  	v14 =	vshll.u32 v10, $0x10;
	v10 =	vand.u32 $0xFFFF0000, v10  }
0x31d: {  	v14 =	vmul.f32 v14, v12;
	v10 =	vmul.f32 v10, v12;
	_ =	sdelay $0x1  }
0x31e: {  	[tilespmem:v11+s5+$0x0] =	vst.idx.msk $0xffff, v14  }
0x31f: {  	[tilespmem:v13+s5+$0x0] =	vst.idx.msk $0xffff, v10  }
0x320: {  	v10 =	vld [tilespmem:s25+$0x10];
	_ =	sdelay $0x2  }
0x321: {  	v13 =	vor.u32 v7, v9  }
.Ltmp5:
0x322: {  	v11 =	vor.u32 v8, v9;
	(pc) =	sbr.rel @p1 .LBB2_13-.Ltmp5, $4  }
0x323: {  	v9 =	vshll.u32 v10, $0x10;
	v14 =	vand.u32 $0xFFFF0000, v10  }
0x324: {  	v10 =	vmov s16;
	v15 =	vmul.f32 v9, v12;
	v12 =	vmul.f32 v14, v12  }
0x325: {  	v9 =	vshll.u32 v10, $0x7  }
0x326: {  	[tilespmem:v13+s5+$0x0] =	vst.idx.msk $0xffff, v15  }
0x327: {  	_ =	sdelay $0x3  }
0x328: {  	[tilespmem:v11+s5+$0x0] =	vst.idx.msk $0xffff, v12;
	s2 =	sadd.s32 $0x40, s25  }
0x329: {  	v11 =	vld [tilespmem:s2+$0xFFFFFFE0]  }
0x32a: {  	v10 =	vld.idx.msk [tilespmem:v10+s20+$0x0], $0xffff;
	_ =	sdelay $0x1  }
0x32b: {  	v12 =	vor.u32 v0, v9  }
0x32c: {  	v13 =	vor.u32 v2, v9  }
0x32d: {  	v14 =	vshll.u32 v11, $0x10  }
0x32e: {  	v11 =	vand.u32 $0xFFFF0000, v11;
	v14 =	vmul.f32 v14, v10  }
0x32f: {  	v11 =	vmul.f32 v11, v10  }
0x330: {  	[tilespmem:v12+s5+$0x0] =	vst.idx.msk $0xffff, v14  }
0x331: {  	[tilespmem:v13+s5+$0x0] =	vst.idx.msk $0xffff, v11  }
0x332: {  	v11 =	vld [tilespmem:s2+$0xFFFFFFF0];
	_ =	sdelay $0x2  }
0x333: {  	v12 =	vor.u32 v3, v9  }
0x334: {  	v13 =	vor.u32 v4, v9  }
0x335: {  	v14 =	vshll.u32 v11, $0x10  }
0x336: {  	v11 =	vand.u32 $0xFFFF0000, v11;
	v14 =	vmul.f32 v14, v10  }
0x337: {  	v11 =	vmul.f32 v11, v10  }
0x338: {  	[tilespmem:v12+s5+$0x0] =	vst.idx.msk $0xffff, v14  }
0x339: {  	[tilespmem:v13+s5+$0x0] =	vst.idx.msk $0xffff, v11  }
0x33a: {  	v11 =	vld [tilespmem:s2+$0x0];
	_ =	sdelay $0x2  }
0x33b: {  	v12 =	vor.u32 v5, v9  }
0x33c: {  	v13 =	vor.u32 v6, v9  }
0x33d: {  	v14 =	vshll.u32 v11, $0x10  }
0x33e: {  	v11 =	vand.u32 $0xFFFF0000, v11;
	v14 =	vmul.f32 v14, v10  }
0x33f: {  	v11 =	vmul.f32 v11, v10  }
0x340: {  	[tilespmem:v12+s5+$0x0] =	vst.idx.msk $0xffff, v14  }
0x341: {  	[tilespmem:v13+s5+$0x0] =	vst.idx.msk $0xffff, v11  }
0x342: {  	v11 =	vld [tilespmem:s2+$0x10];
	_ =	sdelay $0x2  }
0x343: {  	v12 =	vor.u32 v7, v9  }
0x344: {  	v9 =	vor.u32 v8, v9  }
0x345: {  	v13 =	vshll.u32 v11, $0x10  }
0x346: {  	v11 =	vand.u32 $0xFFFF0000, v11;
	v13 =	vmul.f32 v13, v10  }
0x347: {  	v10 =	vmul.f32 v11, v10  }
0x348: {  	[tilespmem:v12+s5+$0x0] =	vst.idx.msk $0xffff, v13  }
0x349: {  	s12 =	simm.s32 $0xA9C0;
	s2 =	simm.s32 $0x0;
	[tilespmem:v9+s5+$0x0] =	vst.idx.msk $0xffff, v10  }
0x34a: {  	[spmem:s4] =	stream.indirect.scatter.add.f32 [tilespmem:s2], [sflag:$0x3], $0x80, s12, s6, $0xb8;
	[tilespmem:$0x1E5C0] =	vst v63  }
0x34b: {  	_ =	swait.ge [sflag:s10], $0x1C00  }
0x34c: {  	[sflag:s10] =	ssyncset.done $0x0  }
0x34d: {  	[sflag:s10] =	ssyncadd.s32 $0xFFFFE400  }
0x34e: {  	_ =	swait.ge [sflag:s11], $0x3800  }
0x34f: {  	[sflag:s11] =	ssyncset.done $0x0  }
0x350: {  	[sflag:s11] =	ssyncadd.s32 $0xFFFFC800  }
0x351: {  	_ =	swait.ge [sflag:s14], $0x70  }
0x352: {  	[sflag:s14] =	ssyncset.done $0x0  }
0x353: {  	[sflag:s14] =	ssyncadd.s32 $0xFFFFFF90  }
0x354: {  	_ =	swait.ge [sflag:s14], $0x70  }
0x355: {  	[sflag:s14] =	ssyncset.done $0x0  }
0x356: {  	[sflag:s14] =	ssyncadd.s32 $0xFFFFFF90  }
0x357: {  	_ =	swait.ge [sflag:s14], $0x70  }
0x358: {  	[sflag:s14] =	ssyncset.done $0x0  }
0x359: {  	[sflag:s14] =	ssyncadd.s32 $0xFFFFFF90  }
0x35a: {  	v9 =	vld [tilespmem:$0xA8E0]  }
0x35b: {  	v10 =	vld [tilespmem:$0xA8F0]  }
0x35c: {  	v11 =	vld [tilespmem:$0xA900]  }
0x35d: {  	v12 =	vld [tilespmem:$0xA910]  }
0x35e: {  	v13 =	vld [tilespmem:$0xA920]  }
0x35f: {  	v14 =	vld [tilespmem:$0xA930];
	v9 =	vadd.s32 v1, v9  }
0x360: {  	[tilespmem:$0xA8E0] =	vst v9;
	v9 =	vadd.s32 v1, v10;
	v10 =	vld [tilespmem:$0xA940]  }
0x361: {  	[tilespmem:$0xA8F0] =	vst v9;
	v9 =	vadd.s32 v1, v11  }
0x362: {  	[tilespmem:$0xA900] =	vst v9;
	v9 =	vadd.s32 v1, v12  }
0x363: {  	[tilespmem:$0xA910] =	vst v9;
	v9 =	vadd.s32 v1, v13  }
0x364: {  	[tilespmem:$0xA920] =	vst v9;
	v9 =	vadd.s32 v1, v14  }
0x365: {  	[tilespmem:$0xA930] =	vst v9;
	v9 =	vadd.s32 v1, v10  }
0x366: {  	s17 =	simm.s32 $0x7000;
	s16 =	simm.s32 $0xA8E0;
	[tilespmem:$0xA940] =	vst v9  }
0x367: {  	[tilespmem:s17], [sflag:$0x1] =	stream.indirect.gather [hbm4b:s3+s6], $0x40, s16, s6, $0xb8;
	[tilespmem:$0x1E5C0] =	vst v63  }
0x368: {  	s16 =	sadd.s32 $0x150, s22  }
0x369: {  	s17 =	sadd.s32 s18, s16  }
0x36a: {  	s16 =	sadd.s32 s9, s16;
	s17 =	sshrl.u32 s17, $0x3  }
0x36b: {  	s25 =	simm.s32 $0xA950;
	s16 =	sshrl.u32 s16, $0x3;
	s17 =	sadd.s32 s23, s17  }
0x36c: {  	[tilespmem:s25], [sflag:$0x8] =	stream.linear.gather [hbm4b:s17+s2], $0x70, $0x38;
	[tilespmem:$0x1E5C0] =	vst v63  }
0x36d: {  	v9 =	vmov s2;
	s12 =	sadd.s32 s1, s16  }
0x36e: {  	[tilespmem:s28], [sflag:$0x8] =	stream.linear.gather [hbm4b:s12+s2], $0x70, $0x38;
	[tilespmem:$0x1E5C0] =	vst v63  }
0x36f: {  	s16 =	sadd.s32 s8, s16;
	s25 =	simm.s32 $0x8C20  }
0x370: {  	[tilespmem:s29], [sflag:$0x8] =	stream.linear.gather [hbm4b:s16+s2], $0x70, $0x38;
	[tilespmem:$0x1E5C0] =	vst v63  }
0x371: {  	v10 =	vld [tilespmem:s25+$0xFFFFFFE0]  }
0x372: {  	v12 =	vld.idx.msk [tilespmem:v9+s26+$0x0], $0xffff  }
0x373: {  	v9 =	vshll.u32 v9, $0x7  }
0x374: {  	v11 =	vor.u32 v0, v9  }
0x375: {  	v13 =	vor.u32 v2, v9  }
0x376: {  	v14 =	vshll.u32 v10, $0x10  }
0x377: {  	v10 =	vand.u32 $0xFFFF0000, v10;
	v14 =	vmul.f32 v14, v12  }
0x378: {  	v10 =	vmul.f32 v10, v12  }
0x379: {  	[tilespmem:v11+s30+$0x0] =	vst.idx.msk $0xffff, v14  }
0x37a: {  	[tilespmem:v13+s30+$0x0] =	vst.idx.msk $0xffff, v10  }
0x37b: {  	v10 =	vld [tilespmem:s25+$0xFFFFFFF0];
	_ =	sdelay $0x2  }
0x37c: {  	v11 =	vor.u32 v3, v9  }
0x37d: {  	v13 =	vor.u32 v4, v9  }
0x37e: {  	v14 =	vshll.u32 v10, $0x10  }
0x37f: {  	v10 =	vand.u32 $0xFFFF0000, v10;
	v14 =	vmul.f32 v14, v12  }
0x380: {  	v10 =	vmul.f32 v10, v12  }
0x381: {  	[tilespmem:v11+s30+$0x0] =	vst.idx.msk $0xffff, v14  }
0x382: {  	[tilespmem:v13+s30+$0x0] =	vst.idx.msk $0xffff, v10  }
0x383: {  	v10 =	vld [tilespmem:s25+$0x0];
	_ =	sdelay $0x2  }
0x384: {  	v11 =	vor.u32 v5, v9  }
0x385: {  	v13 =	vor.u32 v6, v9  }
0x386: {  	v14 =	vshll.u32 v10, $0x10  }
0x387: {  	v10 =	vand.u32 $0xFFFF0000, v10;
	v14 =	vmul.f32 v14, v12  }
0x388: {  	v10 =	vmul.f32 v10, v12  }
0x389: {  	[tilespmem:v11+s30+$0x0] =	vst.idx.msk $0xffff, v14  }
0x38a: {  	[tilespmem:v13+s30+$0x0] =	vst.idx.msk $0xffff, v10  }
0x38b: {  	v10 =	vld [tilespmem:s25+$0x10];
	_ =	sdelay $0x3  }
0x38c: {  	v13 =	vor.u32 v7, v9  }
0x38d: {  	v11 =	vshll.u32 v10, $0x10  }
0x38e: {  	v14 =	vmul.f32 v11, v12;
	v11 =	vor.u32 v8, v9  }
0x38f: {  	s17 =	simm.s32 $0x1  }
0x390: {  	v15 =	vand.u32 $0xFFFF0000, v10;
	v10 =	vmov s17  }
0x391: {  	s2 =	simm.s32 $0x2;
	v12 =	vmul.f32 v15, v12;
	v9 =	vshll.u32 v10, $0x7;
	[tilespmem:v13+s30+$0x0] =	vst.idx.msk $0xffff, v14  }
.LBB2_15:
0x392: {  	p1 =	sne.s32 s2, $0x6F  }
0x393: {  	[tilespmem:v11+s30+$0x0] =	vst.idx.msk $0xffff, v12;
	s25 =	sadd.s32 $0x40, s25;
	s16 =	smov.u32 s2;
	s2 =	sadd.s32 $0x1, s2  }
0x394: {  	v11 =	vld [tilespmem:s25+$0xFFFFFFE0]  }
0x395: {  	v12 =	vld.idx.msk [tilespmem:v10+s26+$0x0], $0xffff;
	_ =	sdelay $0x2  }
0x396: {  	v10 =	vor.u32 v0, v9  }
0x397: {  	v13 =	vor.u32 v2, v9  }
0x398: {  	v14 =	vshll.u32 v11, $0x10  }
0x399: {  	v11 =	vand.u32 $0xFFFF0000, v11;
	v14 =	vmul.f32 v14, v12  }
0x39a: {  	v11 =	vmul.f32 v11, v12  }
0x39b: {  	[tilespmem:v10+s30+$0x0] =	vst.idx.msk $0xffff, v14  }
0x39c: {  	[tilespmem:v13+s30+$0x0] =	vst.idx.msk $0xffff, v11  }
0x39d: {  	v10 =	vld [tilespmem:s25+$0xFFFFFFF0];
	_ =	sdelay $0x2  }
0x39e: {  	v11 =	vor.u32 v3, v9  }
0x39f: {  	v13 =	vor.u32 v4, v9  }
0x3a0: {  	v14 =	vshll.u32 v10, $0x10;
	v10 =	vand.u32 $0xFFFF0000, v10  }
0x3a1: {  	v14 =	vmul.f32 v14, v12;
	v10 =	vmul.f32 v10, v12;
	_ =	sdelay $0x1  }
0x3a2: {  	[tilespmem:v11+s30+$0x0] =	vst.idx.msk $0xffff, v14  }
0x3a3: {  	[tilespmem:v13+s30+$0x0] =	vst.idx.msk $0xffff, v10  }
0x3a4: {  	v10 =	vld [tilespmem:s25+$0x0];
	_ =	sdelay $0x2  }
0x3a5: {  	v11 =	vor.u32 v5, v9  }
0x3a6: {  	v13 =	vor.u32 v6, v9  }
0x3a7: {  	v14 =	vshll.u32 v10, $0x10;
	v10 =	vand.u32 $0xFFFF0000, v10  }
0x3a8: {  	v14 =	vmul.f32 v14, v12;
	v10 =	vmul.f32 v10, v12;
	_ =	sdelay $0x1  }
0x3a9: {  	[tilespmem:v11+s30+$0x0] =	vst.idx.msk $0xffff, v14  }
0x3aa: {  	[tilespmem:v13+s30+$0x0] =	vst.idx.msk $0xffff, v10  }
0x3ab: {  	v10 =	vld [tilespmem:s25+$0x10];
	_ =	sdelay $0x2  }
0x3ac: {  	v13 =	vor.u32 v7, v9  }
.Ltmp6:
0x3ad: {  	v11 =	vor.u32 v8, v9;
	(pc) =	sbr.rel @p1 .LBB2_15-.Ltmp6, $4  }
0x3ae: {  	v9 =	vshll.u32 v10, $0x10;
	v14 =	vand.u32 $0xFFFF0000, v10  }
0x3af: {  	v10 =	vmov s16;
	v15 =	vmul.f32 v9, v12;
	v12 =	vmul.f32 v14, v12  }
0x3b0: {  	v9 =	vshll.u32 v10, $0x7  }
0x3b1: {  	[tilespmem:v13+s30+$0x0] =	vst.idx.msk $0xffff, v15  }
0x3b2: {  	_ =	sdelay $0x3  }
0x3b3: {  	[tilespmem:v11+s30+$0x0] =	vst.idx.msk $0xffff, v12;
	s2 =	sadd.s32 $0x40, s25  }
0x3b4: {  	v11 =	vld [tilespmem:s2+$0xFFFFFFE0]  }
0x3b5: {  	v10 =	vld.idx.msk [tilespmem:v10+s26+$0x0], $0xffff;
	_ =	sdelay $0x1  }
0x3b6: {  	v12 =	vor.u32 v0, v9  }
0x3b7: {  	v13 =	vor.u32 v2, v9  }
0x3b8: {  	v14 =	vshll.u32 v11, $0x10  }
0x3b9: {  	v11 =	vand.u32 $0xFFFF0000, v11;
	v14 =	vmul.f32 v14, v10  }
0x3ba: {  	v11 =	vmul.f32 v11, v10  }
0x3bb: {  	[tilespmem:v12+s30+$0x0] =	vst.idx.msk $0xffff, v14  }
0x3bc: {  	[tilespmem:v13+s30+$0x0] =	vst.idx.msk $0xffff, v11  }
0x3bd: {  	v11 =	vld [tilespmem:s2+$0xFFFFFFF0];
	_ =	sdelay $0x2  }
0x3be: {  	v12 =	vor.u32 v3, v9  }
0x3bf: {  	v13 =	vor.u32 v4, v9  }
0x3c0: {  	v14 =	vshll.u32 v11, $0x10  }
0x3c1: {  	v11 =	vand.u32 $0xFFFF0000, v11;
	v14 =	vmul.f32 v14, v10  }
0x3c2: {  	v11 =	vmul.f32 v11, v10  }
0x3c3: {  	[tilespmem:v12+s30+$0x0] =	vst.idx.msk $0xffff, v14  }
0x3c4: {  	[tilespmem:v13+s30+$0x0] =	vst.idx.msk $0xffff, v11  }
0x3c5: {  	v11 =	vld [tilespmem:s2+$0x0];
	_ =	sdelay $0x2  }
0x3c6: {  	v12 =	vor.u32 v5, v9  }
0x3c7: {  	v13 =	vor.u32 v6, v9  }
0x3c8: {  	v14 =	vshll.u32 v11, $0x10  }
0x3c9: {  	v11 =	vand.u32 $0xFFFF0000, v11;
	v14 =	vmul.f32 v14, v10  }
0x3ca: {  	v11 =	vmul.f32 v11, v10  }
0x3cb: {  	[tilespmem:v12+s30+$0x0] =	vst.idx.msk $0xffff, v14  }
0x3cc: {  	[tilespmem:v13+s30+$0x0] =	vst.idx.msk $0xffff, v11  }
0x3cd: {  	v11 =	vld [tilespmem:s2+$0x10];
	_ =	sdelay $0x2  }
0x3ce: {  	v12 =	vor.u32 v7, v9  }
0x3cf: {  	v9 =	vor.u32 v8, v9  }
0x3d0: {  	v13 =	vshll.u32 v11, $0x10  }
0x3d1: {  	v11 =	vand.u32 $0xFFFF0000, v11;
	v13 =	vmul.f32 v13, v10  }
0x3d2: {  	v10 =	vmul.f32 v11, v10  }
0x3d3: {  	[tilespmem:v12+s30+$0x0] =	vst.idx.msk $0xffff, v13  }
0x3d4: {  	s16 =	simm.s32 $0xAA30;
	[tilespmem:v9+s30+$0x0] =	vst.idx.msk $0xffff, v10  }
0x3d5: {  	[spmem:s4] =	stream.indirect.scatter.add.f32 [tilespmem:s30], [sflag:$0x4], $0x80, s16, s6, $0xb8;
	[tilespmem:$0x1E5C0] =	vst v63  }
0x3d6: {  	_ =	swait.ge [sflag:s13], $0x1C00  }
0x3d7: {  	[sflag:s13] =	ssyncset.done $0x0  }
0x3d8: {  	[sflag:s13] =	ssyncadd.s32 $0xFFFFE400  }
0x3d9: {  	_ =	swait.ge [sflag:s31], $0x3800  }
0x3da: {  	[sflag:s31] =	ssyncset.done $0x0  }
0x3db: {  	[sflag:s31] =	ssyncadd.s32 $0xFFFFC800  }
0x3dc: {  	_ =	swait.ge [sflag:s0], $0x70  }
0x3dd: {  	[sflag:s0] =	ssyncset.done $0x0  }
0x3de: {  	[sflag:s0] =	ssyncadd.s32 $0xFFFFFF90  }
0x3df: {  	_ =	swait.ge [sflag:s0], $0x70  }
0x3e0: {  	[sflag:s0] =	ssyncset.done $0x0  }
0x3e1: {  	[sflag:s0] =	ssyncadd.s32 $0xFFFFFF90  }
0x3e2: {  	_ =	swait.ge [sflag:s0], $0x70  }
0x3e3: {  	[sflag:s0] =	ssyncset.done $0x0  }
0x3e4: {  	[sflag:s0] =	ssyncadd.s32 $0xFFFFFF90  }
0x3e5: {  	v9 =	vld [tilespmem:$0xA950]  }
0x3e6: {  	v10 =	vld [tilespmem:$0xA960]  }
0x3e7: {  	v11 =	vld [tilespmem:$0xA970]  }
0x3e8: {  	v12 =	vld [tilespmem:$0xA980]  }
0x3e9: {  	v13 =	vld [tilespmem:$0xA990]  }
0x3ea: {  	v14 =	vld [tilespmem:$0xA9A0];
	v9 =	vadd.s32 v1, v9  }
0x3eb: {  	[tilespmem:$0xA950] =	vst v9;
	v9 =	vadd.s32 v1, v10;
	v10 =	vld [tilespmem:$0xA9B0]  }
0x3ec: {  	[tilespmem:$0xA960] =	vst v9;
	v9 =	vadd.s32 v1, v11  }
0x3ed: {  	p1 =	seq.s32 s21, $0x2C;
	[tilespmem:$0xA970] =	vst v9;
	v9 =	vadd.s32 v1, v12  }
0x3ee: {  	s2 =	sadd.s32 @!p1 $0x1C0, s22;
	[tilespmem:$0xA980] =	vst v9;
	v9 =	vadd.s32 v1, v13  }
0x3ef: {  	s17 =	simm.s32 $0x8C00;
	s16 =	sadd.s32 @!p1 s18, s2;
	[tilespmem:$0xA990] =	vst v9;
	v9 =	vadd.s32 v1, v14  }
0x3f0: {  	s12 =	simm.s32 $0xA950;
	s2 =	sadd.s32 @!p1 s9, s2;
	s16 =	sshrl.u32 @!p1 s16, $0x3;
	[tilespmem:$0xA9A0] =	vst v9;
	v9 =	vadd.s32 v1, v10  }
0x3f1: {  	s25 =	simm.s32 @!p1 $0xA800;
	s2 =	sshrl.u32 @!p1 s2, $0x3;
	s16 =	sadd.s32 @!p1 s23, s16;
	[tilespmem:$0xA9B0] =	vst v9  }
0x3f2: {  	[tilespmem:s17], [sflag:$0x2] =	stream.indirect.gather [hbm4b:s3+s6], $0x40, s12, s6, $0xb8;
	[tilespmem:$0x1E5C0] =	vst v63  }
0x3f3: {  	s12 =	smov.u32 s23;
	s17 =	simm.s32 @!p1 $0x0;
	s23 =	simm.s32 $0x0  }
0x3f4: {  	[tilespmem:s25], [sflag:$0x5] =	stream.linear.gather @!p1 [hbm4b:s16+s17], $0x70, $0x38;
	[tilespmem:$0x1E5C0] =	vst v63  }
0x3f5: {  	v9 =	vmov s23;
	s16 =	sadd.s32 @!p1 s1, s2;
	s25 =	simm.s32 @!p1 $0xA9C0  }
0x3f6: {  	[tilespmem:s25], [sflag:$0x5] =	stream.linear.gather @!p1 [hbm4b:s16+s17], $0x70, $0x38;
	[tilespmem:$0x1E5C0] =	vst v63  }
0x3f7: {  	s2 =	sadd.s32 @!p1 s8, s2;
	s16 =	simm.s32 @!p1 $0xAB80;
	s25 =	simm.s32 $0x7020  }
0x3f8: {  	[tilespmem:s16], [sflag:$0x5] =	stream.linear.gather @!p1 [hbm4b:s2+s17], $0x70, $0x38;
	[tilespmem:$0x1E5C0] =	vst v63  }
0x3f9: {  	v10 =	vld [tilespmem:s25+$0xFFFFFFE0]  }
0x3fa: {  	v12 =	vld.idx.msk [tilespmem:v9+s24+$0x0], $0xffff  }
0x3fb: {  	v9 =	vshll.u32 v9, $0x7  }
0x3fc: {  	v11 =	vor.u32 v0, v9  }
0x3fd: {  	v13 =	vor.u32 v2, v9  }
0x3fe: {  	v14 =	vshll.u32 v10, $0x10  }
0x3ff: {  	v10 =	vand.u32 $0xFFFF0000, v10;
	v14 =	vmul.f32 v14, v12  }
0x400: {  	v10 =	vmul.f32 v10, v12  }
0x401: {  	[tilespmem:v11+s5+$0x0] =	vst.idx.msk $0xffff, v14  }
0x402: {  	[tilespmem:v13+s5+$0x0] =	vst.idx.msk $0xffff, v10  }
0x403: {  	v10 =	vld [tilespmem:s25+$0xFFFFFFF0];
	_ =	sdelay $0x2  }
0x404: {  	v11 =	vor.u32 v3, v9  }
0x405: {  	v13 =	vor.u32 v4, v9  }
0x406: {  	v14 =	vshll.u32 v10, $0x10  }
0x407: {  	v10 =	vand.u32 $0xFFFF0000, v10;
	v14 =	vmul.f32 v14, v12  }
0x408: {  	v10 =	vmul.f32 v10, v12  }
0x409: {  	[tilespmem:v11+s5+$0x0] =	vst.idx.msk $0xffff, v14  }
0x40a: {  	[tilespmem:v13+s5+$0x0] =	vst.idx.msk $0xffff, v10  }
0x40b: {  	v10 =	vld [tilespmem:s25+$0x0];
	_ =	sdelay $0x2  }
0x40c: {  	v11 =	vor.u32 v5, v9  }
0x40d: {  	v13 =	vor.u32 v6, v9  }
0x40e: {  	v14 =	vshll.u32 v10, $0x10  }
0x40f: {  	v10 =	vand.u32 $0xFFFF0000, v10;
	v14 =	vmul.f32 v14, v12  }
0x410: {  	v10 =	vmul.f32 v10, v12  }
0x411: {  	[tilespmem:v11+s5+$0x0] =	vst.idx.msk $0xffff, v14  }
0x412: {  	[tilespmem:v13+s5+$0x0] =	vst.idx.msk $0xffff, v10  }
0x413: {  	v10 =	vld [tilespmem:s25+$0x10];
	_ =	sdelay $0x3  }
0x414: {  	v13 =	vor.u32 v7, v9  }
0x415: {  	v11 =	vshll.u32 v10, $0x10  }
0x416: {  	v14 =	vmul.f32 v11, v12;
	v11 =	vor.u32 v8, v9  }
0x417: {  	s23 =	simm.s32 $0x1  }
0x418: {  	v15 =	vand.u32 $0xFFFF0000, v10;
	v10 =	vmov s23  }
0x419: {  	s2 =	simm.s32 $0x2;
	v12 =	vmul.f32 v15, v12;
	v9 =	vshll.u32 v10, $0x7;
	[tilespmem:v13+s5+$0x0] =	vst.idx.msk $0xffff, v14  }
.LBB2_17:
0x41a: {  	p2 =	sne.s32 s2, $0x6F  }
0x41b: {  	[tilespmem:v11+s5+$0x0] =	vst.idx.msk $0xffff, v12;
	s25 =	sadd.s32 $0x40, s25;
	s16 =	smov.u32 s2;
	s2 =	sadd.s32 $0x1, s2  }
0x41c: {  	v11 =	vld [tilespmem:s25+$0xFFFFFFE0]  }
0x41d: {  	v12 =	vld.idx.msk [tilespmem:v10+s24+$0x0], $0xffff;
	_ =	sdelay $0x2  }
0x41e: {  	v10 =	vor.u32 v0, v9  }
0x41f: {  	v13 =	vor.u32 v2, v9  }
0x420: {  	v14 =	vshll.u32 v11, $0x10  }
0x421: {  	v11 =	vand.u32 $0xFFFF0000, v11;
	v14 =	vmul.f32 v14, v12  }
0x422: {  	v11 =	vmul.f32 v11, v12  }
0x423: {  	[tilespmem:v10+s5+$0x0] =	vst.idx.msk $0xffff, v14  }
0x424: {  	[tilespmem:v13+s5+$0x0] =	vst.idx.msk $0xffff, v11  }
0x425: {  	v10 =	vld [tilespmem:s25+$0xFFFFFFF0];
	_ =	sdelay $0x2  }
0x426: {  	v11 =	vor.u32 v3, v9  }
0x427: {  	v13 =	vor.u32 v4, v9  }
0x428: {  	v14 =	vshll.u32 v10, $0x10;
	v10 =	vand.u32 $0xFFFF0000, v10  }
0x429: {  	v14 =	vmul.f32 v14, v12;
	v10 =	vmul.f32 v10, v12;
	_ =	sdelay $0x1  }
0x42a: {  	[tilespmem:v11+s5+$0x0] =	vst.idx.msk $0xffff, v14  }
0x42b: {  	[tilespmem:v13+s5+$0x0] =	vst.idx.msk $0xffff, v10  }
0x42c: {  	v10 =	vld [tilespmem:s25+$0x0];
	_ =	sdelay $0x2  }
0x42d: {  	v11 =	vor.u32 v5, v9  }
0x42e: {  	v13 =	vor.u32 v6, v9  }
0x42f: {  	v14 =	vshll.u32 v10, $0x10;
	v10 =	vand.u32 $0xFFFF0000, v10  }
0x430: {  	v14 =	vmul.f32 v14, v12;
	v10 =	vmul.f32 v10, v12;
	_ =	sdelay $0x1  }
0x431: {  	[tilespmem:v11+s5+$0x0] =	vst.idx.msk $0xffff, v14  }
0x432: {  	[tilespmem:v13+s5+$0x0] =	vst.idx.msk $0xffff, v10  }
0x433: {  	v10 =	vld [tilespmem:s25+$0x10];
	_ =	sdelay $0x2  }
0x434: {  	v13 =	vor.u32 v7, v9  }
.Ltmp7:
0x435: {  	v11 =	vor.u32 v8, v9;
	(pc) =	sbr.rel @p2 .LBB2_17-.Ltmp7, $4  }
0x436: {  	v9 =	vshll.u32 v10, $0x10;
	v14 =	vand.u32 $0xFFFF0000, v10  }
0x437: {  	v10 =	vmov s16;
	v15 =	vmul.f32 v9, v12;
	v12 =	vmul.f32 v14, v12  }
0x438: {  	v9 =	vshll.u32 v10, $0x7  }
0x439: {  	[tilespmem:v13+s5+$0x0] =	vst.idx.msk $0xffff, v15  }
0x43a: {  	_ =	sdelay $0x3  }
0x43b: {  	[tilespmem:v11+s5+$0x0] =	vst.idx.msk $0xffff, v12;
	s2 =	sadd.s32 $0x40, s25  }
0x43c: {  	v11 =	vld [tilespmem:s2+$0xFFFFFFE0]  }
0x43d: {  	v10 =	vld.idx.msk [tilespmem:v10+s24+$0x0], $0xffff;
	_ =	sdelay $0x1  }
0x43e: {  	v12 =	vor.u32 v0, v9  }
0x43f: {  	v13 =	vor.u32 v2, v9  }
0x440: {  	v14 =	vshll.u32 v11, $0x10  }
0x441: {  	v11 =	vand.u32 $0xFFFF0000, v11;
	v14 =	vmul.f32 v14, v10  }
0x442: {  	v11 =	vmul.f32 v11, v10  }
0x443: {  	[tilespmem:v12+s5+$0x0] =	vst.idx.msk $0xffff, v14  }
0x444: {  	[tilespmem:v13+s5+$0x0] =	vst.idx.msk $0xffff, v11  }
0x445: {  	v11 =	vld [tilespmem:s2+$0xFFFFFFF0];
	_ =	sdelay $0x2  }
0x446: {  	v12 =	vor.u32 v3, v9  }
0x447: {  	v13 =	vor.u32 v4, v9  }
0x448: {  	v14 =	vshll.u32 v11, $0x10  }
0x449: {  	v11 =	vand.u32 $0xFFFF0000, v11;
	v14 =	vmul.f32 v14, v10  }
0x44a: {  	v11 =	vmul.f32 v11, v10  }
0x44b: {  	[tilespmem:v12+s5+$0x0] =	vst.idx.msk $0xffff, v14  }
0x44c: {  	[tilespmem:v13+s5+$0x0] =	vst.idx.msk $0xffff, v11  }
0x44d: {  	v11 =	vld [tilespmem:s2+$0x0];
	_ =	sdelay $0x2  }
0x44e: {  	v12 =	vor.u32 v5, v9  }
0x44f: {  	v13 =	vor.u32 v6, v9  }
0x450: {  	v14 =	vshll.u32 v11, $0x10  }
0x451: {  	v11 =	vand.u32 $0xFFFF0000, v11;
	v14 =	vmul.f32 v14, v10  }
0x452: {  	v11 =	vmul.f32 v11, v10  }
0x453: {  	[tilespmem:v12+s5+$0x0] =	vst.idx.msk $0xffff, v14  }
0x454: {  	[tilespmem:v13+s5+$0x0] =	vst.idx.msk $0xffff, v11  }
0x455: {  	v11 =	vld [tilespmem:s2+$0x10];
	_ =	sdelay $0x2  }
0x456: {  	v12 =	vor.u32 v7, v9  }
0x457: {  	v9 =	vor.u32 v8, v9  }
0x458: {  	v13 =	vshll.u32 v11, $0x10  }
0x459: {  	v11 =	vand.u32 $0xFFFF0000, v11;
	v13 =	vmul.f32 v13, v10  }
0x45a: {  	v10 =	vmul.f32 v11, v10  }
0x45b: {  	[tilespmem:v12+s5+$0x0] =	vst.idx.msk $0xffff, v13  }
0x45c: {  	s25 =	simm.s32 $0xAAA0;
	[tilespmem:v9+s5+$0x0] =	vst.idx.msk $0xffff, v10  }
0x45d: {  	[spmem:s4] =	stream.indirect.scatter.add.f32 [tilespmem:s5], [sflag:$0x3], $0x80, s25, s6, $0xb8;
	[tilespmem:$0x1E5C0] =	vst v63  }
0x45e: {  	_ =	swait.ge [sflag:s10], $0x1C00  }
0x45f: {  	[sflag:s10] =	ssyncset.done $0x0  }
0x460: {  	s2 =	simm.s32 @!p1 $0x3;
	[sflag:s10] =	ssyncadd.s32 $0xFFFFE400  }
0x461: {  	_ =	swait.ge @!p1 [sflag:s2], $0x3800  }
0x462: {  	[sflag:s2] =	ssyncset.done @!p1 $0x0  }
0x463: {  	[sflag:s2] =	ssyncadd.s32 @!p1 $0xFFFFC800;
	s2 =	simm.s32 @!p1 $0x5  }
0x464: {  	_ =	swait.ge @!p1 [sflag:s2], $0x70  }
0x465: {  	[sflag:s2] =	ssyncset.done @!p1 $0x0  }
0x466: {  	[sflag:s2] =	ssyncadd.s32 @!p1 $0xFFFFFF90  }
0x467: {  	_ =	swait.ge @!p1 [sflag:s2], $0x70  }
0x468: {  	[sflag:s2] =	ssyncset.done @!p1 $0x0  }
0x469: {  	[sflag:s2] =	ssyncadd.s32 @!p1 $0xFFFFFF90  }
0x46a: {  	_ =	swait.ge @!p1 [sflag:s2], $0x70  }
0x46b: {  	[sflag:s2] =	ssyncset.done @!p1 $0x0  }
0x46c: {  	[sflag:s2] =	ssyncadd.s32 @!p1 $0xFFFFFF90  }
0x46d: {  	v9 =	vld @!p1 [tilespmem:$0xA800]  }
0x46e: {  	v10 =	vld @!p1 [tilespmem:$0xA810]  }
0x46f: {  	v11 =	vld @!p1 [tilespmem:$0xA820]  }
0x470: {  	v12 =	vld @!p1 [tilespmem:$0xA830]  }
0x471: {  	v13 =	vld @!p1 [tilespmem:$0xA840]  }
0x472: {  	v14 =	vld @!p1 [tilespmem:$0xA850];
	v9 =	vadd.s32 @!p1 v1, v9  }
0x473: {  	[tilespmem:$0xA800] =	vst @!p1 v9;
	v9 =	vadd.s32 @!p1 v1, v10;
	v10 =	vld @!p1 [tilespmem:$0xA860]  }
0x474: {  	[tilespmem:$0xA810] =	vst @!p1 v9;
	v9 =	vadd.s32 @!p1 v1, v11  }
0x475: {  	[tilespmem:$0xA820] =	vst @!p1 v9;
	v9 =	vadd.s32 @!p1 v1, v12  }
0x476: {  	[tilespmem:$0xA830] =	vst @!p1 v9;
	v9 =	vadd.s32 @!p1 v1, v13  }
0x477: {  	[tilespmem:$0xA840] =	vst @!p1 v9;
	v9 =	vadd.s32 @!p1 v1, v14  }
0x478: {  	[tilespmem:$0xA850] =	vst @!p1 v9;
	v9 =	vadd.s32 @!p1 v1, v10  }
0x479: {  	s16 =	simm.s32 @!p1 $0xA800;
	s17 =	simm.s32 @!p1 $0x7000;
	s2 =	simm.s32 @!p1 $0x70;
	[tilespmem:$0xA860] =	vst @!p1 v9  }
0x47a: {  	[tilespmem:s17], [sflag:$0x1] =	stream.indirect.gather @!p1 [hbm4b:s3+s2], $0x40, s16, s2, $0xb8;
	[tilespmem:$0x1E5C0] =	vst v63  }
0x47b: {  	s2 =	sadd.s32 @!p1 $0x230, s22  }
0x47c: {  	s23 =	simm.s32 $0x0;
	s16 =	sadd.s32 @!p1 s18, s2  }
0x47d: {  	s17 =	simm.s32 @!p1 $0x0;
	s2 =	sadd.s32 @!p1 s9, s2;
	s16 =	sshrl.u32 @!p1 s16, $0x3  }
0x47e: {  	s22 =	simm.s32 @!p1 $0xA870;
	s2 =	sshrl.u32 @!p1 s2, $0x3;
	s16 =	sadd.s32 @!p1 s12, s16  }
0x47f: {  	[tilespmem:s22], [sflag:$0x6] =	stream.linear.gather @!p1 [hbm4b:s16+s17], $0x70, $0x38;
	[tilespmem:$0x1E5C0] =	vst v63  }
0x480: {  	v9 =	vmov s23;
	s16 =	sadd.s32 @!p1 s1, s2;
	s22 =	simm.s32 @!p1 $0xAA30  }
0x481: {  	[tilespmem:s22], [sflag:$0x6] =	stream.linear.gather @!p1 [hbm4b:s16+s17], $0x70, $0x38;
	[tilespmem:$0x1E5C0] =	vst v63  }
0x482: {  	s2 =	sadd.s32 @!p1 s8, s2;
	s16 =	simm.s32 @!p1 $0xABF0;
	s22 =	simm.s32 $0x8C20  }
0x483: {  	[tilespmem:s16], [sflag:$0x6] =	stream.linear.gather @!p1 [hbm4b:s2+s17], $0x70, $0x38;
	[tilespmem:$0x1E5C0] =	vst v63  }
0x484: {  	v10 =	vld [tilespmem:s22+$0xFFFFFFE0]  }
0x485: {  	v12 =	vld.idx.msk [tilespmem:v9+s29+$0x0], $0xffff  }
0x486: {  	v9 =	vshll.u32 v9, $0x7  }
0x487: {  	v11 =	vor.u32 v0, v9  }
0x488: {  	v13 =	vor.u32 v2, v9  }
0x489: {  	v14 =	vshll.u32 v10, $0x10  }
0x48a: {  	v10 =	vand.u32 $0xFFFF0000, v10;
	v14 =	vmul.f32 v14, v12  }
0x48b: {  	v10 =	vmul.f32 v10, v12  }
0x48c: {  	[tilespmem:v11+s30+$0x0] =	vst.idx.msk $0xffff, v14  }
0x48d: {  	[tilespmem:v13+s30+$0x0] =	vst.idx.msk $0xffff, v10  }
0x48e: {  	v10 =	vld [tilespmem:s22+$0xFFFFFFF0];
	_ =	sdelay $0x2  }
0x48f: {  	v11 =	vor.u32 v3, v9  }
0x490: {  	v13 =	vor.u32 v4, v9  }
0x491: {  	v14 =	vshll.u32 v10, $0x10  }
0x492: {  	v10 =	vand.u32 $0xFFFF0000, v10;
	v14 =	vmul.f32 v14, v12  }
0x493: {  	v10 =	vmul.f32 v10, v12  }
0x494: {  	[tilespmem:v11+s30+$0x0] =	vst.idx.msk $0xffff, v14  }
0x495: {  	[tilespmem:v13+s30+$0x0] =	vst.idx.msk $0xffff, v10  }
0x496: {  	v10 =	vld [tilespmem:s22+$0x0];
	_ =	sdelay $0x2  }
0x497: {  	v11 =	vor.u32 v5, v9  }
0x498: {  	v13 =	vor.u32 v6, v9  }
0x499: {  	v14 =	vshll.u32 v10, $0x10  }
0x49a: {  	v10 =	vand.u32 $0xFFFF0000, v10;
	v14 =	vmul.f32 v14, v12  }
0x49b: {  	v10 =	vmul.f32 v10, v12  }
0x49c: {  	[tilespmem:v11+s30+$0x0] =	vst.idx.msk $0xffff, v14  }
0x49d: {  	[tilespmem:v13+s30+$0x0] =	vst.idx.msk $0xffff, v10  }
0x49e: {  	v10 =	vld [tilespmem:s22+$0x10];
	_ =	sdelay $0x3  }
0x49f: {  	v13 =	vor.u32 v7, v9  }
0x4a0: {  	v11 =	vshll.u32 v10, $0x10  }
0x4a1: {  	v14 =	vmul.f32 v11, v12;
	v11 =	vor.u32 v8, v9  }
0x4a2: {  	s23 =	simm.s32 $0x1  }
0x4a3: {  	v15 =	vand.u32 $0xFFFF0000, v10;
	v10 =	vmov s23  }
0x4a4: {  	s2 =	simm.s32 $0x2;
	v12 =	vmul.f32 v15, v12;
	v9 =	vshll.u32 v10, $0x7;
	[tilespmem:v13+s30+$0x0] =	vst.idx.msk $0xffff, v14  }
.LBB2_19:
0x4a5: {  	p1 =	sne.s32 s2, $0x6F  }
0x4a6: {  	[tilespmem:v11+s30+$0x0] =	vst.idx.msk $0xffff, v12;
	s22 =	sadd.s32 $0x40, s22;
	s16 =	smov.u32 s2;
	s2 =	sadd.s32 $0x1, s2  }
0x4a7: {  	v11 =	vld [tilespmem:s22+$0xFFFFFFE0]  }
0x4a8: {  	v12 =	vld.idx.msk [tilespmem:v10+s29+$0x0], $0xffff;
	_ =	sdelay $0x2  }
0x4a9: {  	v10 =	vor.u32 v0, v9  }
0x4aa: {  	v13 =	vor.u32 v2, v9  }
0x4ab: {  	v14 =	vshll.u32 v11, $0x10  }
0x4ac: {  	v11 =	vand.u32 $0xFFFF0000, v11;
	v14 =	vmul.f32 v14, v12  }
0x4ad: {  	v11 =	vmul.f32 v11, v12  }
0x4ae: {  	[tilespmem:v10+s30+$0x0] =	vst.idx.msk $0xffff, v14  }
0x4af: {  	[tilespmem:v13+s30+$0x0] =	vst.idx.msk $0xffff, v11  }
0x4b0: {  	v10 =	vld [tilespmem:s22+$0xFFFFFFF0];
	_ =	sdelay $0x2  }
0x4b1: {  	v11 =	vor.u32 v3, v9  }
0x4b2: {  	v13 =	vor.u32 v4, v9  }
0x4b3: {  	v14 =	vshll.u32 v10, $0x10;
	v10 =	vand.u32 $0xFFFF0000, v10  }
0x4b4: {  	v14 =	vmul.f32 v14, v12;
	v10 =	vmul.f32 v10, v12;
	_ =	sdelay $0x1  }
0x4b5: {  	[tilespmem:v11+s30+$0x0] =	vst.idx.msk $0xffff, v14  }
0x4b6: {  	[tilespmem:v13+s30+$0x0] =	vst.idx.msk $0xffff, v10  }
0x4b7: {  	v10 =	vld [tilespmem:s22+$0x0];
	_ =	sdelay $0x2  }
0x4b8: {  	v11 =	vor.u32 v5, v9  }
0x4b9: {  	v13 =	vor.u32 v6, v9  }
0x4ba: {  	v14 =	vshll.u32 v10, $0x10;
	v10 =	vand.u32 $0xFFFF0000, v10  }
0x4bb: {  	v14 =	vmul.f32 v14, v12;
	v10 =	vmul.f32 v10, v12;
	_ =	sdelay $0x1  }
0x4bc: {  	[tilespmem:v11+s30+$0x0] =	vst.idx.msk $0xffff, v14  }
0x4bd: {  	[tilespmem:v13+s30+$0x0] =	vst.idx.msk $0xffff, v10  }
0x4be: {  	v10 =	vld [tilespmem:s22+$0x10];
	_ =	sdelay $0x2  }
0x4bf: {  	v13 =	vor.u32 v7, v9  }
.Ltmp8:
0x4c0: {  	v11 =	vor.u32 v8, v9;
	(pc) =	sbr.rel @p1 .LBB2_19-.Ltmp8, $4  }
0x4c1: {  	v9 =	vshll.u32 v10, $0x10;
	v14 =	vand.u32 $0xFFFF0000, v10  }
0x4c2: {  	v10 =	vmov s16;
	v15 =	vmul.f32 v9, v12;
	v12 =	vmul.f32 v14, v12  }
0x4c3: {  	v9 =	vshll.u32 v10, $0x7  }
0x4c4: {  	[tilespmem:v13+s30+$0x0] =	vst.idx.msk $0xffff, v15  }
0x4c5: {  	_ =	sdelay $0x3  }
0x4c6: {  	[tilespmem:v11+s30+$0x0] =	vst.idx.msk $0xffff, v12;
	s2 =	sadd.s32 $0x40, s22  }
0x4c7: {  	v11 =	vld [tilespmem:s2+$0xFFFFFFE0]  }
0x4c8: {  	v10 =	vld.idx.msk [tilespmem:v10+s29+$0x0], $0xffff;
	_ =	sdelay $0x1  }
0x4c9: {  	v55 =	vor.u32 v0, v9  }
0x4ca: {  	v13 =	vor.u32 v2, v9  }
0x4cb: {  	v14 =	vshll.u32 v11, $0x10  }
0x4cc: {  	v11 =	vand.u32 $0xFFFF0000, v11;
	v14 =	vmul.f32 v14, v10  }
0x4cd: {  	v11 =	vmul.f32 v11, v10  }
0x4ce: {  	[tilespmem:v55+s30+$0x0] =	vst.idx.msk $0xffff, v14  }
0x4cf: {  	[tilespmem:v13+s30+$0x0] =	vst.idx.msk $0xffff, v11  }
0x4d0: {  	v11 =	vld [tilespmem:s2+$0xFFFFFFF0];
	_ =	sdelay $0x2  }
0x4d1: {  	v56 =	vor.u32 v3, v9  }
0x4d2: {  	v57 =	vor.u32 v4, v9  }
0x4d3: {  	v58 =	vshll.u32 v11, $0x10  }
0x4d4: {  	v11 =	vand.u32 $0xFFFF0000, v11;
	v14 =	vmul.f32 v58, v10  }
0x4d5: {  	v11 =	vmul.f32 v11, v10  }
0x4d6: {  	[tilespmem:v56+s30+$0x0] =	vst.idx.msk $0xffff, v14  }
0x4d7: {  	[tilespmem:v57+s30+$0x0] =	vst.idx.msk $0xffff, v11  }
0x4d8: {  	v11 =	vld [tilespmem:s2+$0x0];
	_ =	sdelay $0x2  }
0x4d9: {  	v59 =	vor.u32 v5, v9  }
0x4da: {  	v60 =	vor.u32 v6, v9  }
0x4db: {  	v61 =	vshll.u32 v11, $0x10  }
0x4dc: {  	v11 =	vand.u32 $0xFFFF0000, v11;
	v14 =	vmul.f32 v61, v10  }
0x4dd: {  	v11 =	vmul.f32 v11, v10  }
0x4de: {  	[tilespmem:v59+s30+$0x0] =	vst.idx.msk $0xffff, v14  }
0x4df: {  	[tilespmem:v60+s30+$0x0] =	vst.idx.msk $0xffff, v11  }
0x4e0: {  	v11 =	vld [tilespmem:s2+$0x10];
	_ =	sdelay $0x2  }
0x4e1: {  	v62 =	vor.u32 v7, v9  }
0x4e2: {  	v9 =	vor.u32 v8, v9;
	s21 =	sadd.s32 $0x1, s21  }
0x4e3: {  	p1 =	sne.s32 s21, $0x2D;
	v63 =	vshll.u32 v11, $0x10  }
.Ltmp9:
0x4e4: {  	v11 =	vand.u32 $0xFFFF0000, v11;
	v13 =	vmul.f32 v63, v10;
	(pc) =	sbr.rel @p1 .LBB2_12-.Ltmp9, $4  }
0x4e5: {  	v10 =	vmul.f32 v11, v10  }
0x4e6: {  	[tilespmem:v62+s30+$0x0] =	vst.idx.msk $0xffff, v13  }
0x4e7: {  	s23 =	smov.u32 s12;
	[tilespmem:v9+s30+$0x0] =	vst.idx.msk $0xffff, v10  }
0x4e8: {  	[spmem:s4] =	stream.indirect.scatter.add.f32 [tilespmem:s30], [sflag:$0x4], $0x80, s28, s6, $0xb8;
	[tilespmem:$0x1E5C0] =	vst v63  }
0x4e9: {  	_ =	swait.ge [sflag:s31], $0x3800  }
0x4ea: {  	[sflag:s31] =	ssyncset.done $0x0  }
0x4eb: {  	[sflag:s31] =	ssyncadd.s32 $0xFFFFC800  }
0x4ec: {  	[bflag:$0x0] =	sbarrier.arrive $0xFFFF  }
0x4ed: {  	s17 =	rddreg [dreg:$0x9]  }
0x4ee: {  	s2 =	rddreg [dreg:$0x10]  }
0x4ef: {  	s16 =	simm.s32 $0x9;
	s12 =	rddreg [dreg:$0x1e]  }
0x4f0: {  	[hbm:s2], [sflag:s17] =	dma.local [spmem:s12], $0x2700  }
0x4f1: {  	_ =	swait.ge [sflag:s16], $0x2700  }
0x4f2: {  	[sflag:s16] =	ssyncset.done $0x0;
	s2 =	rddreg [dreg:$0x11]  }
0x4f3: {  	s12 =	rddreg [dreg:$0x1f];
	[sflag:s16] =	ssyncadd.s32 $0xFFFFD900  }
0x4f4: {  	[hbm:s2], [sflag:s17] =	dma.local @!p0 [spmem:s12], $0x100  }
0x4f5: {  	s2 =	simm.s32 @!p0 $0x9  }
0x4f6: {  	_ =	swait.ge @!p0 [sflag:s2], $0x100  }
0x4f7: {  	s19 =	rddreg [dreg:$0x1d]  }
0x4f8: {  	s22 =	rddreg [dreg:$0x16];
	s19 =	sadd.s32 $0x1, s19  }
0x4f9: {  	p1 =	sne.s32 s19, s22  }
.Ltmp10:
0x4fa: {  	_ = 	snop;
	(pc) =	sbr.rel @p1 .LBB2_1-.Ltmp10, $3  }
0x4fb: {  	_ =	sdelay $0x1  }
0x4fc: {  	[sflag:s2] =	ssyncset.done @!p0 $0x0  }
0x4fd: {  	s12 =	rddreg [dreg:$0x18];
	[sflag:s2] =	ssyncadd.s32 @!p0 $0xFFFFFF00  }
0x4fe: {  	_ =	sfence.sel $0x180000  }
0x4ff: {  	[bflag:$0x0] =	sbarrier.arrive $0xFFFF  }
0x500: {  	_ =	strace $0x9000004D  }
0x501: {  	s0 =	stileid.u32;
	[bflag:$0x2] =	sbarrier.arrive $0xFFFF  }
0x502: {  	p0 =	sne.s32 s0, $0x0;
	s0 =	rddreg [dreg:$0x6]  }
0x503: {  	s0 =	sadd.s32 @!p0 $0x100000, s0  }
0x504: {  	[sflag:s0] =	ssyncadd.tile.s32 @!p0 $0x1;
	_ =	shalt  }
.Lfunc_end2:
_tile_overlayer_lowered:
.L_overlay_start_2:
0x505: {  	(tag) =	ssettag $0x2  }
0x506: {  	s0 =	rddreg [dreg:$0x0];
	s2 =	stileid.u32  }
0x507: {  	s1 =	rddreg [dreg:$0x1];
	p0 =	sne.s32 s2, $0x0  }
0x508: {  	s3 =	rddreg [dreg:$0x2];
	[bflag:$0x3] =	sbarrier.arrive $0xFFFF;
	s2 =	simm.s32 @!p0 $0x1C09  }
0x509: {  	[timem:s3], [sflag:s2] =	dma.local @!p0 [hbm:s0], s1  }
0x50a: {  	s0 =	simm.s32 @!p0 $0x9  }
0x50b: {  	_ =	swait.ge @!p0 [sflag:s0], s1  }
0x50c: {  	s1 =	ssub.s32 @!p0 $0x0, s1;
	[sflag:s0] =	ssyncset.done @!p0 $0x0  }
0x50d: {  	[sflag:s0] =	ssyncadd.s32 @!p0 s1  }
0x50e: {  	[bflag:$0x3] =	sbarrier.arrive $0xFFFF  }
0x50f: {  	_ =	shalt  }

// kernel: kernel.8.cloned.1.call-start
scs
__scs_entry_jumppad:
0x0: {  	(pc) =	sbr.rel $0x88, $3  }
0x1: {  	(tag) =	ssettag $0x0;
	lr =	simm.s32 $0x1  }
0x2: {  	[smem:$0x3F98] =	sst lr;
	_ =	strace $0xD0000000  }
0x3: {  	_ = 	snop  }
0x4: {  	_ = 	snop  }
0x5: {  	_ = 	snop  }
0x6: {  	_ = 	snop  }
0x7: {  	_ = 	snop  }
__scs_overlays_trampoline_lowered:
0x8: {  	[smem:$0x3FA7] =	sst s0  }
0x9: {  	[smem:$0x3FA8] =	sst s1  }
0xa: {  	[smem:$0x3FA9] =	sst s2  }
0xb: {  	[smem:$0x3FAA] =	sst s3  }
0xc: {  	[smem:$0x3FAB] =	sst s4  }
0xd: {  	[smem:$0x3FAC] =	sst s5  }
0xe: {  	[smem:$0x3FAD] =	sst s6  }
0xf: {  	[smem:$0x3FAE] =	sst s7  }
0x10: {  	[smem:$0x3FAF] =	sst s8  }
0x11: {  	[smem:$0x3FB0] =	sst s9;
	s0 =	simm.s32 @!p0 $0x0  }
0x12: {  	s1 =	sld [smem:$0x3F96];
	s0 =	simm.s32 @p0 $0x1  }
0x13: {  	[smem:$0x3FB1] =	sst s0;
	s0 =	simm.s32 @!p1 $0x0  }
0x14: {  	s2 =	sld [smem:$0x3F95];
	s0 =	simm.s32 @p1 $0x1  }
0x15: {  	[smem:$0x3FB2] =	sst s0;
	s0 =	simm.s32 @!p2 $0x0  }
0x16: {  	s3 =	sld [smem:$0x3FDB];
	s0 =	simm.s32 @p2 $0x1  }
0x17: {  	s4 =	simm.s32 $0x1BF5;
	[smem:$0x3FB4] =	sst s0  }
0x18: {  	s0 =	sld [smem:$0x3F97];
	_ =	swait.ge [sflag:s4], $0x0  }
0x19: {  	s7 =	sld [smem:$0x3F98]  }
0x1a: {  	s8 =	sadd.s32 $0xFFFFE003, lr  }
0x1b: {  	s9 =	sadd.s32 $0xFFFFFEF7, lr;
	s5 =	simm.s32 $0xFFFFFFFF;
	p2 =	slt.u32 s8, $0xFFFFF086  }
0x1c: {  	p1 =	slt.u32 s9, $0xF7A;
	s5 =	simm.s32 @!p2 $0x0  }
0x1d: {  	s5 =	simm.s32 @p1 $0x1;
	p0 =	seq.s32 s7, s2  }
0x1e: {  	s7 =	smul.u32 @!p0 $0xF7A, s2;
	p2 =	seq.s32 @!p0 s5, $0x0  }
0x1f: {  	s9 =	smul.u32 $0xF7A, s1;
	s8 =	simm.s32 @!p0 $0x1BF5;
	p2 =	por !p2, p0  }
0x20: {  	[sflag:s8] =	ssyncset.s32 @!p0 $0xFFFFF086;
	s6 =	sadd.s32 @!p0 s3, s7;
	s7 =	simm.s32 @!p0 $0x108  }
0x21: {  	s3 =	sadd.s32 s3, s9;
	s6 =	sadd.s32 @!p0 $0x88, s6;
	s7 =	simm.s32 @p2 $0x1082  }
0x22: {  	[simem:s7], [sflag:s8] =	dma.local @!p0 [hbm:s6], $0xF7A  }
0x23: {  	s9 =	sor.u32 $0xD0000000, s2;
	s6 =	simm.s32 $0x108;
	_ =	swait.ge @!p0 [sflag:s8], $0x0  }
0x24: {  	s3 =	sadd.s32 $0x88, s3;
	s6 =	simm.s32 @!p1 $0x1082;
	[sflag:s4] =	ssyncset.s32 $0xFFFFF086  }
0x25: {  	[simem:s6], [sflag:s4] =	dma.local [hbm:s3], $0xF7A  }
0x26: {  	[smem:$0x3F98] =	sst s1;
	(tag) =	ssettag s2;
	_ =	strace s9  }
0x27: {  	s1 =	sld [smem:$0x3FA8]  }
0x28: {  	s2 =	sld [smem:$0x3FA9]  }
0x29: {  	s4 =	sld [smem:$0x3FAB]  }
0x2a: {  	p0 =	seq.s32 s5, $0x0;
	s5 =	sld [smem:$0x3FAC]  }
0x2b: {  	s6 =	sld [smem:$0x3FAD]  }
0x2c: {  	s7 =	sld [smem:$0x3FAE]  }
0x2d: {  	s3 =	simm.s32 $0x108;
	s8 =	sld [smem:$0x3FAF]  }
0x2e: {  	s3 =	simm.s32 @!p0 $0x1082;
	s9 =	sld [smem:$0x3FB0]  }
0x2f: {  	lr =	sadd.s32 s0, s3;
	s0 =	sld [smem:$0x3FA7]  }
0x30: {  	s3 =	sld [smem:$0x3FAA]  }
0x31: {  	[smem:$0x3FB3] =	sst s10  }
0x32: {  	s10 =	sld [smem:$0x3FB1];
	_ =	sdelay $0x3  }
0x33: {  	p0 =	seq.s32 s10, $0x1;
	s10 =	sld [smem:$0x3FB3];
	_ =	sdelay $0x3  }
0x34: {  	[smem:$0x3FB3] =	sst s10  }
0x35: {  	s10 =	sld [smem:$0x3FB2];
	_ =	sdelay $0x3  }
0x36: {  	p1 =	seq.s32 s10, $0x1;
	s10 =	sld [smem:$0x3FB3];
	_ =	sdelay $0x3  }
0x37: {  	[smem:$0x3FB3] =	sst s10  }
0x38: {  	s10 =	sld [smem:$0x3FB4]  }
0x39: {  	_ = 	snop;
	(pc) =	sbr.ind lr, $3  }
0x3a: {  	_ = 	snop  }
0x3b: {  	_ = 	snop  }
0x3c: {  	p2 =	seq.s32 s10, $0x1;
	s10 =	sld [smem:$0x3FB3]  }
0x3d: {  	_ =	shalt  }
0x3e: {  	_ =	shalt  }
0x3f: {  	_ =	shalt  }
0x40: {  	_ =	shalt  }
0x41: {  	_ =	shalt  }
0x42: {  	_ =	shalt  }
0x43: {  	_ =	shalt  }
0x44: {  	_ =	shalt  }
0x45: {  	_ =	shalt  }
0x46: {  	_ =	shalt  }
0x47: {  	_ =	shalt  }
0x48: {  	_ =	shalt  }
0x49: {  	_ =	shalt  }
0x4a: {  	_ =	shalt  }
0x4b: {  	_ =	shalt  }
0x4c: {  	_ =	shalt  }
0x4d: {  	_ =	shalt  }
0x4e: {  	_ =	shalt  }
0x4f: {  	_ =	shalt  }
0x50: {  	_ =	shalt  }
0x51: {  	_ =	shalt  }
0x52: {  	_ =	shalt  }
0x53: {  	_ =	shalt  }
0x54: {  	_ =	shalt  }
0x55: {  	_ =	shalt  }
0x56: {  	_ =	shalt  }
0x57: {  	_ =	shalt  }
0x58: {  	_ =	shalt  }
0x59: {  	_ =	shalt  }
0x5a: {  	_ =	shalt  }
0x5b: {  	_ =	shalt  }
0x5c: {  	_ =	shalt  }
0x5d: {  	_ =	shalt  }
0x5e: {  	_ =	shalt  }
0x5f: {  	_ =	shalt  }
0x60: {  	_ =	shalt  }
0x61: {  	_ =	shalt  }
0x62: {  	_ =	shalt  }
0x63: {  	_ =	shalt  }
0x64: {  	_ =	shalt  }
0x65: {  	_ =	shalt  }
0x66: {  	_ =	shalt  }
0x67: {  	_ =	shalt  }
0x68: {  	_ =	shalt  }
0x69: {  	_ =	shalt  }
0x6a: {  	_ =	shalt  }
0x6b: {  	_ =	shalt  }
0x6c: {  	_ =	shalt  }
0x6d: {  	_ =	shalt  }
0x6e: {  	_ =	shalt  }
0x6f: {  	_ =	shalt  }
0x70: {  	_ =	shalt  }
0x71: {  	_ =	shalt  }
0x72: {  	_ =	shalt  }
0x73: {  	_ =	shalt  }
0x74: {  	_ =	shalt  }
0x75: {  	_ =	shalt  }
0x76: {  	_ =	shalt  }
0x77: {  	_ =	shalt  }
0x78: {  	_ =	shalt  }
0x79: {  	_ =	shalt  }
0x7a: {  	_ =	shalt  }
0x7b: {  	_ =	shalt  }
0x7c: {  	_ =	shalt  }
0x7d: {  	_ =	shalt  }
0x7e: {  	_ =	shalt  }
0x7f: {  	_ =	shalt  }
0x80: {  	_ =	shalt  }
0x81: {  	_ =	shalt  }
0x82: {  	_ =	shalt  }
0x83: {  	_ =	shalt  }
0x84: {  	_ =	shalt  }
0x85: {  	_ =	shalt  }
0x86: {  	_ =	shalt  }
0x87: {  	_ =	shalt  }
.Lfunc_end0:
.L_simem_size_0:
called_computation_lowered:
.L_overlay_start_0:
0x88: {  	s2 =	sld [smem:$0x3FD9]  }
0x89: {  	s3 =	sld [smem:$0x3FFE];
	_ =	sdelay $0x1  }
0x8a: {  	s1 =	srdreg.scid  }
0x8b: {  	s0 =	sand.u32 $0x1, s1  }
0x8c: {  	s15 =	sshll.u32 s0, $0xA;
	s2 =	sadd.s32 s3, s2  }
0x8d: {  	s2 =	sadd.s32 s2, s15  }
0x8e: {  	[smem:$0x3FBF] =	sst s2  }
0x8f: {  	_ = 	snop  }
0x90: {  	s2 =	sld [smem:$0x3FD0];
	_ =	sdelay $0x2  }
0x91: {  	s16 =	simm.s32 $0xA;
	s4 =	simm.s32 $0x10  }
0x92: {  	[smem:s4], [sflag:s16] =	dma.local [hbm:s2], $0x1  }
0x93: {  	_ =	swait.eq [sflag:s16], $0x1  }
0x94: {  	s17 =	sld [smem:$0x10]  }
0x95: {  	s18 =	sld [smem:$0x11];
	[sflag:s16] =	ssyncset.done $0x0  }
0x96: {  	s5 =	sld [smem:$0x14];
	[sflag:s16] =	ssyncadd.s32 $0xFFFFFFFF  }
0x97: {  	s19 =	sld [smem:$0x15];
	(tm) =	ssettm $0x1  }
0x98: {  	s6 =	sld [smem:$0x3FFB];
	_ =	sdelay $0x3  }
0x99: {  	_ =	strace s6  }
0x9a: {  	s6 =	sld [smem:$0x3FFC];
	_ =	sdelay $0x3  }
0x9b: {  	_ =	strace s6  }
0x9c: {  	s6 =	sld [smem:$0x3FFD];
	_ =	sdelay $0x3  }
0x9d: {  	_ =	strace s6  }
0x9e: {  	_ =	strace $0x8FFFFFFF  }
0x9f: {  	s20 =	sld [smem:$0x3FDB];
	_ =	sdelay $0x1  }
0xa0: {  	s7 =	simm.s32 $_scs_section_size  }
0xa1: {  	s8 =	simm.s32 $_size__tile_overlayer_lowered;
	s9 =	simm.s32 $_tile_overlayer_lowered  }
0xa2: {  	s23 =	simm.s32 $0x1BFF;
	s22 =	sshll.u32 s9, $0x1;
	s6 =	sadd.s32 s7, s20  }
0xa3: {  	s10 =	simm.s32 $0x0;
	s21 =	sshll.u32 s8, $0x1;
	s8 =	sadd.s32 s22, s6  }
0xa4: {  	[timem:s10], [sflag:s23] =	dma.local [hbm:s8], s21  }
0xa5: {  	_ =	swait.ge [sflag:s23], s21  }
0xa6: {  	s7 =	ssub.s32 $0x0, s21;
	[sflag:s23] =	ssyncset.done $0x0  }
0xa7: {  	[sflag:s23] =	ssyncadd.s32 s7;
	_ =	sdelay $0x1  }
0xa8: {  	s24 =	simm.s32 $0x1B8B  }
0xa9: {  	_ =	swait.ge [sflag:s24], $0x1  }
0xaa: {  	[sflag:s24] =	ssyncset.done $0x0  }
0xab: {  	s25 =	simm.s32 $0x1B8E;
	[sflag:s24] =	ssyncadd.s32 $0xFFFFFFFF  }
0xac: {  	s26 =	simm.s32 $execute0_lowered;
	[smem:$0x3FD2] =	sst s25  }
0xad: {  	s7 =	sshll.u32 s26, $0x1;
	_ =	strace $0x80000046;
	[dreg:$0x1] =	wrdreg $0xFFFFFFFF  }
0xae: {  	s28 =	simm.s32 $_size_execute0_lowered;
	s6 =	sadd.s32 s6, s7;
	[dreg:$0x0] =	wrdreg $0x0  }
0xaf: {  	s7 =	sshll.u32 s28, $0x1;
	[dreg:$0x2] =	wrdreg s6  }
0xb0: {  	[dreg:$0x3] =	wrdreg s7  }
0xb1: {  	[dreg:$0x4] =	wrdreg $0xC0  }
0xb2: {  	_ =	task [dreg:s10], $0x5FFFF  }
0xb3: {  	[dreg:$0x1] =	wrdreg $0xFFFFFFFF  }
0xb4: {  	[dreg:$0x0] =	wrdreg $0x60  }
0xb5: {  	[dreg:$0x2] =	wrdreg s17  }
0xb6: {  	[dreg:$0x3] =	wrdreg s5  }
0xb7: {  	[dreg:$0x4] =	wrdreg s18  }
0xb8: {  	[dreg:$0x5] =	wrdreg s19  }
0xb9: {  	[dreg:$0x6] =	wrdreg $0x75D00  }
0xba: {  	[dreg:$0x7] =	wrdreg $0x9  }
0xbb: {  	_ =	task.clear_ibuf [dreg:s10], $0x8FFFF;
	_ =	strace $0x90000046  }
0xbc: {  	s29 =	simm.s32 $0x9;
	_ =	strace $0x80000048  }
0xbd: {  	_ =	swait.ge [sflag:s29], $0x1  }
0xbe: {  	[sflag:s29] =	ssyncadd.s32 $0xFFFFFFFF  }
0xbf: {  	_ =	strace $0x90000048  }
0xc0: {  	_ =	sfence  }
0xc1: {  	s30 =	sld [smem:$0x0];
	_ =	sdelay $0x2  }
0xc2: {  	s31 =	sshll.u32 s1, $0xD;
	s1 =	sshrl.u32 s1, $0x2  }
0xc3: {  	s3 =	sand.u32 $0x4000, s31;
	s1 =	sadd.s32 s1, s30  }
0xc4: {  	s0 =	sor.u32 s3, s0;
	s1 =	sshll.u32 s1, $0x11  }
0xc5: {  	s0 =	sor.u32 s1, s0  }
0xc6: {  	s0 =	sadd.s32 $0x8F2B, s0  }
0xc7: {  	[sflag:s0] =	ssyncadd.remote.s32 $0x1  }
0xc8: {  	_ =	sfence.sel $0xFFFF  }
0xc9: {  	[dreg:$0x0] =	wrdreg $0xFFFFFFFF;
	(pc) =	sbr.abs _section_cstart, $3  }
0xca: {  	[dreg:$0x1] =	wrdreg $0xFFFFFFFF  }
0xcb: {  	_ =	task.clear_ibuf [dreg:s10], $0x2FFFF;
	_ =	strace $0x9FFFFFFF  }
0xcc: {  	(tm) =	ssettm $0x7FFFFFFF  }
0xcd: {  	_ =	shalt  }
tec
execute0_lowered:
.L_overlay_start_1:
0x0: {  	(tag) =	ssettag $0x1  }
0x1: {  	s4 =	rddreg [dreg:$0x0]  }
0x2: {  	s5 =	rddreg [dreg:$0x1]  }
0x3: {  	s0 =	rddreg [dreg:$0x2]  }
0x4: {  	s6 =	rddreg [dreg:$0x3];
	s1 =	srdreg.scid  }
0x5: {  	s8 =	stileid.u32;
	s2 =	rddreg [dreg:$0x4];
	s12 =	simm.s32 $0x0  }
0x6: {  	s7 =	sand.u32 $0x1, s1;
	s3 =	sshll.u32 s8, $0x1;
	s1 =	rddreg [dreg:$0x5]  }
0x7: {  	p0 =	sne.s32 s8, $0x0;
	s8 =	simm.s32 $0x2;
	s9 =	sor.u32 s7, s3  }
0x8: {  	s3 =	simm.s32 $0x0;
	s10 =	ssub.s32 $0x2, s7;
	s7 =	smul.u32 $0x4E2, s7  }
0x9: {  	s9 =	smul.u32 $0x4EC, s9;
	[smem:$0x7FF] =	sst s3;
	s11 =	sshrl.u32 s10, $0x1  }
0xa: {  	_ =	strace $0x80000047;
	s10 =	ssub.s32 s10, s11;
	s6 =	sadd.s32 s6, s7  }
0xb: {  	s11 =	simm.s32 $0x1;
	s4 =	sadd.s32 s4, s9;
	s5 =	sadd.s32 s5, s9  }
0xc: {  	s7 =	smax.u32 s10, $0x1;
	s9 =	simm.s32 $0x2760;
	s10 =	simm.s32 $0x70  }
.LBB2_1:
0xd: {  	[tilespmem:s3], [sflag:$0x2] =	stream.linear.gather [hbm4b:s4+s3], $0x2760, $0x38;
	[tilespmem:$0x7848] =	vst v63  }
0xe: {  	_ =	swait.ge [sflag:s8], $0x2760  }
0xf: {  	[sflag:s8] =	ssyncset.done $0x0  }
0x10: {  	[sflag:s8] =	ssyncadd.s32 $0xFFFFD8A0  }
0x11: {  	[tilespmem:s9], [sflag:$0x2] =	stream.linear.gather [hbm4b:s5+s3], $0x2760, $0x38;
	[tilespmem:$0x7848] =	vst v63  }
0x12: {  	_ =	swait.ge [sflag:s8], $0x2760  }
0x13: {  	[sflag:s8] =	ssyncset.done $0x0  }
0x14: {  	s13 =	simm.s32 @!p0 $0x0;
	s14 =	simm.s32 @!p0 $0x4EC0;
	[sflag:s8] =	ssyncadd.s32 $0xFFFFD8A0  }
0x15: {  	[tilespmem:s14], [sflag:$0x2] =	stream.linear.gather @!p0 [hbm4b:s0+s13], $0x2710, $0x38;
	[tilespmem:$0x7848] =	vst v63  }
0x16: {  	s13 =	simm.s32 @!p0 $0x2  }
0x17: {  	_ =	swait.ge @!p0 [sflag:s13], $0x2710  }
0x18: {  	[sflag:s13] =	ssyncset.done @!p0 $0x0  }
0x19: {  	[sflag:s13] =	ssyncadd.s32 @!p0 $0xFFFFD8F0  }
0x1a: {  	[spmem:s2] =	stream.linear.scatter @!p0 [tilespmem:s14], [sflag:$0x2], $0x2710, $0x38;
	[tilespmem:$0x7848] =	vst v63  }
0x1b: {  	_ =	swait.ge @!p0 [sflag:s13], $0x2710  }
0x1c: {  	[sflag:s13] =	ssyncset.done @!p0 $0x0  }
0x1d: {  	[sflag:s13] =	ssyncadd.s32 @!p0 $0xFFFFD8F0  }
0x1e: {  	s13 =	simm.s32 $0x0;
	[bflag:$0x0] =	sbarrier.arrive $0xFFFF  }
.LBB2_2:
0x1f: {  	p1 =	sne.s32 s13, $0x9BC0  }
.Ltmp0:
0x20: {  	_ = 	snop;
	(pc) =	sbr.rel @p1 .LBB2_2-.Ltmp0, $4  }
0x21: {  	_ = 	snop  }
0x22: {  	s14 =	sshra.s32 s13, $0x2  }
0x23: {  	s13 =	sadd.s32 $0x1C0, s13;
	s15 =	sadd.s32 $0x2760, s14  }
0x24: {  	[spmem:s2] =	stream.indirect.scatter.add.f32 [tilespmem:s15], [sflag:$0x1], $0x1, s14, s10, $0xb8;
	[tilespmem:$0x7848] =	vst v63  }
0x25: {  	_ =	swait.ge [sflag:s11], $0x70  }
0x26: {  	s13 =	simm.s32 $0x59;
	[sflag:s11] =	ssyncset.done $0x0  }
.LBB2_4:
0x27: {  	p1 =	sne.s32 s13, $0x1;
	s13 =	sadd.s32 $0xFFFFFFFF, s13;
	[sflag:s11] =	ssyncadd.s32 $0xFFFFFF90  }
.Ltmp1:
0x28: {  	(pc) =	sbr.rel @p1 .LBB2_4-.Ltmp1, $3  }
0x29: {  	_ =	sdelay $0x1  }
0x2a: {  	_ =	swait.ge [sflag:s11], $0x70  }
0x2b: {  	[sflag:s11] =	ssyncset.done $0x0  }
0x2c: {  	[sflag:s11] =	ssyncadd.s32 $0xFFFFFF90  }
0x2d: {  	s13 =	simm.s32 @!p0 $0x4EC0;
	s14 =	simm.s32 @!p0 $0x2;
	[bflag:$0x0] =	sbarrier.arrive $0xFFFF  }
0x2e: {  	[tilespmem:s13], [sflag:$0x2] =	stream.linear.gather @!p0 [spmem:s2], $0x2710, $0x38;
	[tilespmem:$0x7848] =	vst v63  }
0x2f: {  	s12 =	sadd.s32 $0x1, s12;
	_ =	swait.ge @!p0 [sflag:s14], $0x2710  }
0x30: {  	p1 =	sne.s32 s12, s7;
	[sflag:s14] =	ssyncset.done @!p0 $0x0  }
.Ltmp2:
0x31: {  	s15 =	simm.s32 @!p0 $0x0;
	[sflag:s14] =	ssyncadd.s32 @!p0 $0xFFFFD8F0;
	(pc) =	sbr.rel @p1 .LBB2_1-.Ltmp2, $4  }
0x32: {  	[hbm4b:s6+s15] =	stream.linear.scatter @!p0 [tilespmem:s13], [sflag:$0x2], $0x2710, $0x38;
	[tilespmem:$0x7848] =	vst v63  }
0x33: {  	_ =	swait.ge @!p0 [sflag:s14], $0x2710  }
0x34: {  	[sflag:s14] =	ssyncset.done @!p0 $0x0  }
0x35: {  	[sflag:s14] =	ssyncadd.s32 @!p0 $0xFFFFD8F0  }
0x36: {  	_ =	sfence.sel $0x180000  }
0x37: {  	[bflag:$0x0] =	sbarrier.arrive $0xFFFF  }
0x38: {  	_ =	strace $0x90000047  }
0x39: {  	s0 =	sadd.s32 @!p0 $0x100000, s1;
	[bflag:$0x2] =	sbarrier.arrive $0xFFFF  }
0x3a: {  	[sflag:s0] =	ssyncadd.tile.s32 @!p0 $0x1;
	_ =	shalt  }
.Lfunc_end2:
_tile_overlayer_lowered:
.L_overlay_start_2:
0x3b: {  	(tag) =	ssettag $0x2  }
0x3c: {  	s0 =	rddreg [dreg:$0x0];
	s2 =	stileid.u32  }
0x3d: {  	s1 =	rddreg [dreg:$0x1];
	p0 =	sne.s32 s2, $0x0  }
0x3e: {  	s3 =	rddreg [dreg:$0x2];
	[bflag:$0x3] =	sbarrier.arrive $0xFFFF;
	s2 =	simm.s32 @!p0 $0x1C02  }
0x3f: {  	[timem:s3], [sflag:s2] =	dma.local @!p0 [hbm:s0], s1  }
0x40: {  	s0 =	simm.s32 @!p0 $0x2  }
0x41: {  	_ =	swait.ge @!p0 [sflag:s0], s1  }
0x42: {  	s1 =	ssub.s32 @!p0 $0x0, s1;
	[sflag:s0] =	ssyncset.done @!p0 $0x0  }
0x43: {  	[sflag:s0] =	ssyncadd.s32 @!p0 s1  }
0x44: {  	[bflag:$0x3] =	sbarrier.arrive $0xFFFF  }
0x45: {  	_ =	shalt  }

</sc_bundles>
